<compile_context>
chip_gen: v7x
topology: tpu7x:2x2x1
jax: 0.10.2.dev20260603
libtpu: 0.0.44.dev20260713+nightly
codegen_flags: <defaults>
</compile_context>

<pallas_src>
import functools

import jax
import jax.numpy as jnp
from jax import lax
from jax.experimental import pallas as pl
from jax.experimental.pallas import tpu as pltpu
from jax.experimental.pallas import tpu_sc as plsc

N = 10000
E = 320000
D_IN = 128
D_EDGE = 16
D_OUT = 128
D_U = 2 * D_OUT

NC = 2
NS = 16
NW = NC * NS
EPW = E // NW

KS = 80
NCS = EPW // KS
KE = 80
NCE = EPW // KE

NPAD = 10240
RPT = NPAD // NS
RC = 80
NRC = RPT // RC

LANES = 16
CPR = D_OUT // LANES


def _mesh():
    return plsc.VectorSubcoreMesh(
        core_axis_name="c", subcore_axis_name="s", num_cores=NC, num_subcores=NS
    )




PBLK = N // 10
QBLK = E // 80


def _proj_body(x_ref, wn_ref, b_ref, ef_ref, we_ref, pn_ref, qn_ref):
    i = pl.program_id(0)

    @pl.when(i < 10)
    def _():
        pn_ref[...] = (
            jnp.dot(x_ref[...], wn_ref[...], preferred_element_type=jnp.float32)
            + b_ref[...]
        )

    @pl.when(i >= 10)
    def _():
        qn_ref[...] = jnp.dot(
            ef_ref[...], we_ref[...], preferred_element_type=jnp.float32
        )


def _projections(node_feats, wn_t, b2, edge_feats, we_t):
    return pl.pallas_call(
        _proj_body,
        grid=(90,),
        in_specs=[
            pl.BlockSpec((PBLK, D_IN), lambda i: (jnp.minimum(i, 9), 0)),
            pl.BlockSpec((D_IN, D_OUT), lambda i: (0, 0)),
            pl.BlockSpec((1, D_OUT), lambda i: (0, 0)),
            pl.BlockSpec((QBLK, D_EDGE), lambda i: (jnp.maximum(i - 10, 0), 0)),
            pl.BlockSpec((D_EDGE, D_OUT), lambda i: (0, 0)),
        ],
        out_specs=[
            pl.BlockSpec((PBLK, D_OUT), lambda i: (jnp.minimum(i, 9), 0)),
            pl.BlockSpec((QBLK, D_OUT), lambda i: (jnp.maximum(i - 10, 0), 0)),
        ],
        out_shape=[
            jax.ShapeDtypeStruct((N, D_OUT), jnp.float32),
            jax.ShapeDtypeStruct((E, D_OUT), jnp.float32),
        ],
    )(node_feats, wn_t, b2, edge_feats, we_t)


def _comb_body(t0_ref, t1_ref, pn_ref, nn_ref, u_ref):
    f = -(t0_ref[...] + t1_ref[...])
    nn_ref[...] = jnp.maximum(f, 0.0)
    u_ref[:, :D_OUT] = f
    u_ref[:, D_OUT:] = pn_ref[...]


def _combine(t01, pn):
    blk = 80
    return pl.pallas_call(
        _comb_body,
        grid=(N // blk,),
        in_specs=[
            pl.BlockSpec((blk, D_OUT), lambda i: (i, 0)),
            pl.BlockSpec((blk, D_OUT), lambda i: (i + NPAD // blk, 0)),
            pl.BlockSpec((blk, D_OUT), lambda i: (i, 0)),
        ],
        out_specs=[
            pl.BlockSpec((blk, D_OUT), lambda i: (i, 0)),
            pl.BlockSpec((blk, D_U), lambda i: (i, 0)),
        ],
        out_shape=[
            jax.ShapeDtypeStruct((N, D_OUT), jnp.float32),
            jax.ShapeDtypeStruct((N, D_U), jnp.float32),
        ],
    )(t01, t01, pn)




def _scatter_kernel(
    src2_hbm, dst_hbm, q_hbm, pn_hbm, t_out,
    tsh, sidx_v, dst_v0, dst_v1, st_v0, st_v1, qn_v, gsem0, gsem1, qsem,
):
    cid = lax.axis_index("c")
    sid = lax.axis_index("s")
    wid = sid * NC + cid
    dst_v = (dst_v0, dst_v1)
    st_v = (st_v0, st_v1)
    gsem = (gsem0, gsem1)

    pltpu.sync_copy(src2_hbm.at[wid], sidx_v)

    def zrow(r, carry):
        for cc in range(CPR):
            st_v0[r, pl.ds(cc * LANES, LANES)] = jnp.zeros((LANES,), jnp.float32)
        return carry

    lax.fori_loop(0, RC, zrow, 0)
    for j in range(NRC):
        r0 = sid * RPT + j * RC
        pltpu.sync_copy(st_v0, tsh.at[pl.ds(r0, RC)])
    plsc.subcore_barrier()

    def fire(i, s):
        base = wid * EPW + i * KS
        pltpu.async_copy(dst_hbm.at[pl.ds(base, KS)], dst_v[s], gsem[s])
        pltpu.async_copy(
            pn_hbm.at[sidx_v.at[pl.ds(i * KS, KS)]], st_v[s], gsem[s]
        )

    def fire_qn(i):
        base = wid * EPW + i * KS
        pltpu.async_copy(q_hbm.at[pl.ds(base, KS)], qn_v, qsem)

    def consume(i, s):
        pltpu.make_async_copy(dst_hbm.at[pl.ds(0, KS)], dst_v[s], gsem[s]).wait()
        pltpu.make_async_copy(
            pn_hbm.at[sidx_v.at[pl.ds(0, KS)]], st_v[s], gsem[s]
        ).wait()
        pltpu.make_async_copy(q_hbm.at[pl.ds(0, KS)], qn_v, qsem).wait()
        st = st_v[s]

        def row(r, carry):
            for c in range(CPR):
                sl = pl.ds(c * LANES, LANES)
                plsc.addupdate(st.at[r, sl], qn_v[r, sl])
            return carry

        lax.fori_loop(0, KS, row, 0)
        fire_qn(jnp.minimum(i + 1, NCS - 1))
        pltpu.sync_copy(st, tsh.at[dst_v[s]], add=True)

    fire(0, 0)
    fire_qn(0)
    fire(1, 1)

    def pair(g, carry):
        i0 = 2 * g
        consume(i0, 0)
        fire(i0 + 2, 0)
        consume(i0 + 1, 1)
        fire(i0 + 3, 1)
        return carry

    lax.fori_loop(0, (NCS - 3) // 2, pair, 0)
    consume(NCS - 3, 0)
    fire(NCS - 1, 0)
    consume(NCS - 2, 1)
    consume(NCS - 1, 0)
    plsc.subcore_barrier()

    for j in range(NRC):
        r0 = sid * RPT + j * RC
        pltpu.sync_copy(tsh.at[pl.ds(r0, RC)], st_v0)
        pltpu.sync_copy(st_v0, t_out.at[pl.ds(cid * NPAD + r0, RC)])


def _segment_sums(src2, dst, qn, pn):
    k = functools.partial(
        pl.kernel,
        out_type=jax.ShapeDtypeStruct((NC * NPAD, D_OUT), jnp.float32),
        mesh=_mesh(),
        scratch_types=[
            pltpu.VMEM_SHARED((NPAD, D_OUT), jnp.float32),
            pltpu.VMEM((EPW,), jnp.int32),
            pltpu.VMEM((KS,), jnp.int32),
            pltpu.VMEM((KS,), jnp.int32),
            pltpu.VMEM((KS, D_OUT), jnp.float32),
            pltpu.VMEM((KS, D_OUT), jnp.float32),
            pltpu.VMEM((KS, D_OUT), jnp.float32),
            pltpu.SemaphoreType.DMA,
            pltpu.SemaphoreType.DMA,
            pltpu.SemaphoreType.DMA,
        ],
    )(_scatter_kernel)
    return k(src2, dst, qn, pn)


def _edge_out_kernel(
    src2_hbm, dst2_hbm, q_hbm, u_hbm, nd_hbm, nb_hbm,
    sidx_v, didx_v, us_v0, us_v1, ud_v0, ud_v1, q_v0, q_v1,
    gsem0, gsem1, ssem0, ssem1,
):
    cid = lax.axis_index("c")
    sid = lax.axis_index("s")
    wid = sid * NC + cid
    us_v = (us_v0, us_v1)
    ud_v = (ud_v0, ud_v1)
    q_v = (q_v0, q_v1)
    gsem = (gsem0, gsem1)
    ssem = (ssem0, ssem1)

    pltpu.sync_copy(src2_hbm.at[wid], sidx_v)
    pltpu.sync_copy(dst2_hbm.at[wid], didx_v)

    def fire_gathers(i, s):
        base = wid * EPW + i * KE
        pltpu.async_copy(q_hbm.at[pl.ds(base, KE)], q_v[s], gsem[s])
        pltpu.async_copy(u_hbm.at[sidx_v.at[pl.ds(i * KE, KE)]], us_v[s], gsem[s])
        pltpu.async_copy(u_hbm.at[didx_v.at[pl.ds(i * KE, KE)]], ud_v[s], gsem[s])

    def wait_gathers(s):
        pltpu.make_async_copy(q_hbm.at[pl.ds(0, KE)], q_v[s], gsem[s]).wait()
        pltpu.make_async_copy(
            u_hbm.at[sidx_v.at[pl.ds(0, KE)]], us_v[s], gsem[s]
        ).wait()
        pltpu.make_async_copy(
            u_hbm.at[didx_v.at[pl.ds(0, KE)]], ud_v[s], gsem[s]
        ).wait()

    def compute(s):
        us, ud, qq = us_v[s], ud_v[s], q_v[s]

        def row(r, carry):
            for c in range(CPR):
                sl = pl.ds(c * LANES, LANES)
                sl2 = pl.ds(D_OUT + c * LANES, LANES)
                qn = qq[r, sl]
                plsc.addupdate(us.at[r, sl], qn + ud[r, sl2])
                plsc.addupdate(ud.at[r, sl], qn + us[r, sl2])
            return carry

        lax.fori_loop(0, KE, row, 0)

    def fire_stores(i, s):
        base = wid * EPW + i * KE
        pltpu.async_copy(
            us_v[s].at[:, pl.ds(0, D_OUT)], nd_hbm.at[pl.ds(base, KE)], ssem[s]
        )
        pltpu.async_copy(
            ud_v[s].at[:, pl.ds(0, D_OUT)], nb_hbm.at[pl.ds(base, KE)], ssem[s]
        )

    def wait_stores(s):
        pltpu.make_async_copy(
            us_v[s].at[:, pl.ds(0, D_OUT)], nd_hbm.at[pl.ds(0, KE)], ssem[s]
        ).wait()
        pltpu.make_async_copy(
            ud_v[s].at[:, pl.ds(0, D_OUT)], nb_hbm.at[pl.ds(0, KE)], ssem[s]
        ).wait()

    fire_gathers(0, 0)
    fire_gathers(1, 1)
    wait_gathers(0)
    compute(0)
    fire_stores(0, 0)
    wait_stores(0)
    fire_gathers(2, 0)
    wait_gathers(1)
    compute(1)
    fire_stores(1, 1)

    def pair(g, carry):
        i0 = 2 * g + 2
        wait_stores(1)
        fire_gathers(i0 + 1, 1)
        wait_gathers(0)
        compute(0)
        fire_stores(i0, 0)
        wait_stores(0)
        fire_gathers(i0 + 2, 0)
        wait_gathers(1)
        compute(1)
        fire_stores(i0 + 1, 1)
        return carry

    lax.fori_loop(0, (NCE - 3) // 2, pair, 0)
    wait_gathers(0)
    compute(0)
    fire_stores(NCE - 1, 0)
    wait_stores(0)
    wait_stores(1)


def _edge_outputs(src2, dst2, qn, u):
    k = functools.partial(
        pl.kernel,
        out_type=(
            jax.ShapeDtypeStruct((E, D_OUT), jnp.float32),
            jax.ShapeDtypeStruct((E, D_OUT), jnp.float32),
        ),
        mesh=_mesh(),
        scratch_types=[
            pltpu.VMEM((EPW,), jnp.int32),
            pltpu.VMEM((EPW,), jnp.int32),
            pltpu.VMEM((KE, D_U), jnp.float32),
            pltpu.VMEM((KE, D_U), jnp.float32),
            pltpu.VMEM((KE, D_U), jnp.float32),
            pltpu.VMEM((KE, D_U), jnp.float32),
            pltpu.VMEM((KE, D_OUT), jnp.float32),
            pltpu.VMEM((KE, D_OUT), jnp.float32),
            pltpu.SemaphoreType.DMA,
            pltpu.SemaphoreType.DMA,
            pltpu.SemaphoreType.DMA,
            pltpu.SemaphoreType.DMA,
        ],
    )(_edge_out_kernel)
    return k(src2, dst2, qn, u)




def kernel(node_feats, edge_index, edge_feats, W, b):
    src = edge_index[0]
    dst = edge_index[1]
    src2 = src.reshape(NW, EPW)
    dst2 = dst.reshape(NW, EPW)
    we_tn = -W[:, :D_EDGE].T
    wn_tn = -W[:, D_EDGE:].T
    bn2 = (-b).reshape(1, D_OUT)

    pn, qn = _projections(node_feats, wn_tn, bn2, edge_feats, we_tn)
    t01 = _segment_sums(src2, dst, qn, pn)
    new_node, u = _combine(t01, pn)
    new_direct, new_backward = _edge_outputs(src2, dst2, qn, u)
    return (new_node, new_direct, new_backward)

# --- scband reference (transcript-rebuilt; emitter-appended) ---
"""Pipeline reference for scband-dmpnnlayer-23295902613716 (READ-ONLY COPY).

The authoritative reference and input builder live on the scoring server;
editing this copy changes nothing except your own understanding.
"""

import jax, jax.numpy as jnp
import numpy as np

N = 10000
E = 320000
D_IN = 128
D_EDGE = 16
D_OUT = 128


def setup_inputs(seed: int = 0) -> dict:
    key = jax.random.key(seed)
    k1, k2, k3, k4, k5 = jax.random.split(key, 5)
    node_feats = jax.random.normal(k1, (N, D_IN), dtype=jnp.float32)
    # int32 used in jax (values < N fit); spec dtype is int64 on torch side
    edge_index = jax.random.randint(k2, (2, E), 0, N, dtype=jnp.int32)
    edge_feats = jax.random.normal(k3, (E, D_EDGE), dtype=jnp.float32)
    # nn.Linear(in_feats + edge_feats, out_feats): weight [out, in], bias [out]
    W = jax.random.normal(k4, (D_OUT, D_EDGE + D_IN), dtype=jnp.float32) * 0.05
    b = jax.random.normal(k5, (D_OUT,), dtype=jnp.float32) * 0.05
    return {"node_feats": node_feats, "edge_index": edge_index, "edge_feats": edge_feats, "W": W, "b": b}


def reference(node_feats, edge_index, edge_feats, W, b):
    # Initial-pass DMPNN layer (direct_feats/backward_feats are None).
    src = edge_index[0]
    dst = edge_index[1]
    # initial_message_func: W_m(cat([edge_feats, node_feats[src]]))
    direct_feats = jnp.concatenate([edge_feats, jnp.take(node_feats, src, axis=0)], axis=1) @ W.T + b
    # initial_backward_message_func: W_m(cat([edge_feats, node_feats[dst]]))
    backward_feats = jnp.concatenate([edge_feats, jnp.take(node_feats, dst, axis=0)], axis=1) @ W.T + b
    # update_all(just_message_func, reducer_sum): sum direct_feats into dst nodes
    full_feats = jax.ops.segment_sum(direct_feats, dst, num_segments=N)
    # edge_func
    new_direct_feats = jnp.take(full_feats, src, axis=0) - backward_feats
    new_backward_feats = jnp.take(full_feats, dst, axis=0) - direct_feats
    # activation + dropout (eval mode -> identity dropout)
    new_node_feats = jax.nn.relu(full_feats)
    return (new_node_feats, new_direct_feats, new_backward_feats)

if __name__ == "__main__":
    import jax
    _d = setup_inputs()
    print(jax.jit(kernel)(*tuple(_d.values())))

</pallas_src>

<mosaic_0001>
#map = affine_map<(d0, d1) -> (0, 0)>
module attributes {stable_mosaic.version = 14 : i64} {
  func.func @_edge_out_kernel(%arg0: i32, %arg1: i32, %arg2: memref<32x10000xi32, #tpu.memory_space<hbm>>, %arg3: memref<32x10000xi32, #tpu.memory_space<hbm>>, %arg4: memref<320000x128xf32, #tpu.memory_space<hbm>>, %arg5: memref<10000x256xf32, #tpu.memory_space<hbm>>, %arg6: memref<320000x128xf32, #tpu.memory_space<hbm>>, %arg7: memref<320000x128xf32, #tpu.memory_space<hbm>>, %arg8: memref<10000xi32, #tpu.memory_space<vmem>>, %arg9: memref<10000xi32, #tpu.memory_space<vmem>>, %arg10: memref<80x256xf32, #tpu.memory_space<vmem>>, %arg11: memref<80x256xf32, #tpu.memory_space<vmem>>, %arg12: memref<80x256xf32, #tpu.memory_space<vmem>>, %arg13: memref<80x256xf32, #tpu.memory_space<vmem>>, %arg14: memref<80x128xf32, #tpu.memory_space<vmem>>, %arg15: memref<80x128xf32, #tpu.memory_space<vmem>>, %arg16: memref<!tpu.dma_semaphore, #tpu.memory_space<semaphore_mem>>, %arg17: memref<!tpu.dma_semaphore, #tpu.memory_space<semaphore_mem>>, %arg18: memref<!tpu.dma_semaphore, #tpu.memory_space<semaphore_mem>>, %arg19: memref<!tpu.dma_semaphore, #tpu.memory_space<semaphore_mem>>) attributes {dimension_semantics = [#tpu.dimension_semantics<core_parallel>, #tpu.dimension_semantics<subcore_parallel>], iteration_bounds = array<i64: 2, 16>, scalar_prefetch = 0 : i64, scratch_operands = 12 : i64, tpu.core_type = #tpu.core_type<sc_vector_subcore>, window_params = [{transform_indices = #map}, {transform_indices = #map}, {transform_indices = #map}, {transform_indices = #map}, {transform_indices = #map}, {transform_indices = #map}]} {
    %mul3A = arith.constant 2 : i32
    %mul3A_0 = arith.muli %arg1, %mul3A : i32
    %add3A = arith.addi %mul3A_0, %arg0 : i32
    "tpu.region"() ({
      %run_scoped3A = tpu.sem_alloc : memref<!tpu.dma_semaphore, #tpu.memory_space<semaphore_mem>>
      %dma_start3A_268 = arith.constant 0 : i32
      %dma_start3A_269 = tpu.memref_slice %arg2[%add3A, %dma_start3A_268] : memref<32x10000xi32, #tpu.memory_space<hbm>> -> memref<1x10000xi32, #tpu.memory_space<hbm>>
      %dma_start3A_270 = tpu.memref_squeeze %dma_start3A_269 : memref<1x10000xi32, #tpu.memory_space<hbm>> -> memref<10000xi32, #tpu.memory_space<hbm>>
      %dma_start3A_271 = arith.constant 0 : i32
      %dma_start3A_272 = tpu.memref_slice %arg2[%add3A, %dma_start3A_271] : memref<32x10000xi32, #tpu.memory_space<hbm>> -> memref<1x10000xi32, #tpu.memory_space<hbm>>
      %dma_start3A_273 = tpu.memref_squeeze %dma_start3A_272 : memref<1x10000xi32, #tpu.memory_space<hbm>> -> memref<10000xi32, #tpu.memory_space<hbm>>
      tpu.enqueue_dma source(%dma_start3A_273 : memref<10000xi32, #tpu.memory_space<hbm>>) target(%arg8 : memref<10000xi32, #tpu.memory_space<vmem>>) target_semaphore(%run_scoped3A : memref<!tpu.dma_semaphore, #tpu.memory_space<semaphore_mem>>)
      %dma_wait3A_274 = arith.constant 0 : i32
      %dma_wait3A_275 = tpu.memref_slice %arg2[%add3A, %dma_wait3A_274] : memref<32x10000xi32, #tpu.memory_space<hbm>> -> memref<1x10000xi32, #tpu.memory_space<hbm>>
      %dma_wait3A_276 = tpu.memref_squeeze %dma_wait3A_275 : memref<1x10000xi32, #tpu.memory_space<hbm>> -> memref<10000xi32, #tpu.memory_space<hbm>>
      %dma_wait3A_277 = arith.constant 0 : i32
      %dma_wait3A_278 = tpu.memref_slice %arg2[%add3A, %dma_wait3A_277] : memref<32x10000xi32, #tpu.memory_space<hbm>> -> memref<1x10000xi32, #tpu.memory_space<hbm>>
      %dma_wait3A_279 = tpu.memref_squeeze %dma_wait3A_278 : memref<1x10000xi32, #tpu.memory_space<hbm>> -> memref<10000xi32, #tpu.memory_space<hbm>>
      tpu.wait_dma2 semaphore(%run_scoped3A : memref<!tpu.dma_semaphore, #tpu.memory_space<semaphore_mem>>) src(%dma_wait3A_279 : memref<10000xi32, #tpu.memory_space<hbm>>) dst(%arg8 : memref<10000xi32, #tpu.memory_space<vmem>>)
      tpu.yield
    }) : () -> ()
    "tpu.region"() ({
      %run_scoped3A = tpu.sem_alloc : memref<!tpu.dma_semaphore, #tpu.memory_space<semaphore_mem>>
      %dma_start3A_268 = arith.constant 0 : i32
      %dma_start3A_269 = tpu.memref_slice %arg3[%add3A, %dma_start3A_268] : memref<32x10000xi32, #tpu.memory_space<hbm>> -> memref<1x10000xi32, #tpu.memory_space<hbm>>
      %dma_start3A_270 = tpu.memref_squeeze %dma_start3A_269 : memref<1x10000xi32, #tpu.memory_space<hbm>> -> memref<10000xi32, #tpu.memory_space<hbm>>
      %dma_start3A_271 = arith.constant 0 : i32
      %dma_start3A_272 = tpu.memref_slice %arg3[%add3A, %dma_start3A_271] : memref<32x10000xi32, #tpu.memory_space<hbm>> -> memref<1x10000xi32, #tpu.memory_space<hbm>>
      %dma_start3A_273 = tpu.memref_squeeze %dma_start3A_272 : memref<1x10000xi32, #tpu.memory_space<hbm>> -> memref<10000xi32, #tpu.memory_space<hbm>>
      tpu.enqueue_dma source(%dma_start3A_273 : memref<10000xi32, #tpu.memory_space<hbm>>) target(%arg9 : memref<10000xi32, #tpu.memory_space<vmem>>) target_semaphore(%run_scoped3A : memref<!tpu.dma_semaphore, #tpu.memory_space<semaphore_mem>>)
      %dma_wait3A_274 = arith.constant 0 : i32
      %dma_wait3A_275 = tpu.memref_slice %arg3[%add3A, %dma_wait3A_274] : memref<32x10000xi32, #tpu.memory_space<hbm>> -> memref<1x10000xi32, #tpu.memory_space<hbm>>
      %dma_wait3A_276 = tpu.memref_squeeze %dma_wait3A_275 : memref<1x10000xi32, #tpu.memory_space<hbm>> -> memref<10000xi32, #tpu.memory_space<hbm>>
      %dma_wait3A_277 = arith.constant 0 : i32
      %dma_wait3A_278 = tpu.memref_slice %arg3[%add3A, %dma_wait3A_277] : memref<32x10000xi32, #tpu.memory_space<hbm>> -> memref<1x10000xi32, #tpu.memory_space<hbm>>
      %dma_wait3A_279 = tpu.memref_squeeze %dma_wait3A_278 : memref<1x10000xi32, #tpu.memory_space<hbm>> -> memref<10000xi32, #tpu.memory_space<hbm>>
      tpu.wait_dma2 semaphore(%run_scoped3A : memref<!tpu.dma_semaphore, #tpu.memory_space<semaphore_mem>>) src(%dma_wait3A_279 : memref<10000xi32, #tpu.memory_space<hbm>>) dst(%arg9 : memref<10000xi32, #tpu.memory_space<vmem>>)
      tpu.yield
    }) : () -> ()
    %mul3A_1 = arith.constant 10000 : i32
    %mul3A_2 = arith.muli %add3A, %mul3A_1 : i32
    %add3A_3 = arith.constant 0 : i32
    %add3A_4 = arith.addi %mul3A_2, %add3A_3 : i32
    %dma_start3A = arith.constant 0 : i32
    %dma_start3A_5 = tpu.memref_slice %arg4[%add3A_4, %dma_start3A] : memref<320000x128xf32, #tpu.memory_space<hbm>> -> memref<80x128xf32, #tpu.memory_space<hbm>>
    %dma_start3A_6 = arith.constant 0 : i32
    %dma_start3A_7 = tpu.memref_slice %arg4[%add3A_4, %dma_start3A_6] : memref<320000x128xf32, #tpu.memory_space<hbm>> -> memref<80x128xf32, #tpu.memory_space<hbm>>
    tpu.enqueue_dma source(%dma_start3A_7 : memref<80x128xf32, #tpu.memory_space<hbm>>) target(%arg14 : memref<80x128xf32, #tpu.memory_space<vmem>>) target_semaphore(%arg16 : memref<!tpu.dma_semaphore, #tpu.memory_space<semaphore_mem>>)
    %dma_start3A_8 = arith.constant 0 : i32
    %dma_start3A_9 = tpu.memref_slice %arg8[%dma_start3A_8] : memref<10000xi32, #tpu.memory_space<vmem>> -> memref<80xi32, #tpu.memory_space<vmem>>
    %dma_start3A_10 = arith.constant 0 : i32
    %dma_start3A_11 = arith.constant 0 : i32
    %dma_start3A_12 = tpu.memref_slice %arg5[%dma_start3A_10, %dma_start3A_11] : memref<10000x256xf32, #tpu.memory_space<hbm>> -> memref<10000x256xf32, #tpu.memory_space<hbm>>
    tpu.enqueue_indirect_dma source(%dma_start3A_12 : memref<10000x256xf32, #tpu.memory_space<hbm>>) target(%arg10 : memref<80x256xf32, #tpu.memory_space<vmem>>) offsets(%dma_start3A_9 : memref<80xi32, #tpu.memory_space<vmem>>) semaphore(%arg16 : memref<!tpu.dma_semaphore, #tpu.memory_space<semaphore_mem>>)
    %dma_start3A_13 = arith.constant 0 : i32
    %dma_start3A_14 = tpu.memref_slice %arg9[%dma_start3A_13] : memref<10000xi32, #tpu.memory_space<vmem>> -> memref<80xi32, #tpu.memory_space<vmem>>
    %dma_start3A_15 = arith.constant 0 : i32
    %dma_start3A_16 = arith.constant 0 : i32
    %dma_start3A_17 = tpu.memref_slice %arg5[%dma_start3A_15, %dma_start3A_16] : memref<10000x256xf32, #tpu.memory_space<hbm>> -> memref<10000x256xf32, #tpu.memory_space<hbm>>
    tpu.enqueue_indirect_dma source(%dma_start3A_17 : memref<10000x256xf32, #tpu.memory_space<hbm>>) target(%arg12 : memref<80x256xf32, #tpu.memory_space<vmem>>) offsets(%dma_start3A_14 : memref<80xi32, #tpu.memory_space<vmem>>) semaphore(%arg16 : memref<!tpu.dma_semaphore, #tpu.memory_space<semaphore_mem>>)
    %mul3A_18 = arith.constant 10000 : i32
    %mul3A_19 = arith.muli %add3A, %mul3A_18 : i32
    %add3A_20 = arith.constant 80 : i32
    %add3A_21 = arith.addi %mul3A_19, %add3A_20 : i32
    %dma_start3A_22 = arith.constant 0 : i32
    %dma_start3A_23 = tpu.memref_slice %arg4[%add3A_21, %dma_start3A_22] : memref<320000x128xf32, #tpu.memory_space<hbm>> -> memref<80x128xf32, #tpu.memory_space<hbm>>
    %dma_start3A_24 = arith.constant 0 : i32
    %dma_start3A_25 = tpu.memref_slice %arg4[%add3A_21, %dma_start3A_24] : memref<320000x128xf32, #tpu.memory_space<hbm>> -> memref<80x128xf32, #tpu.memory_space<hbm>>
    tpu.enqueue_dma source(%dma_start3A_25 : memref<80x128xf32, #tpu.memory_space<hbm>>) target(%arg15 : memref<80x128xf32, #tpu.memory_space<vmem>>) target_semaphore(%arg17 : memref<!tpu.dma_semaphore, #tpu.memory_space<semaphore_mem>>)
    %dma_start3A_26 = arith.constant 80 : i32
    %dma_start3A_27 = tpu.memref_slice %arg8[%dma_start3A_26] : memref<10000xi32, #tpu.memory_space<vmem>> -> memref<80xi32, #tpu.memory_space<vmem>>
    %dma_start3A_28 = arith.constant 0 : i32
    %dma_start3A_29 = arith.constant 0 : i32
    %dma_start3A_30 = tpu.memref_slice %arg5[%dma_start3A_28, %dma_start3A_29] : memref<10000x256xf32, #tpu.memory_space<hbm>> -> memref<10000x256xf32, #tpu.memory_space<hbm>>
    tpu.enqueue_indirect_dma source(%dma_start3A_30 : memref<10000x256xf32, #tpu.memory_space<hbm>>) target(%arg11 : memref<80x256xf32, #tpu.memory_space<vmem>>) offsets(%dma_start3A_27 : memref<80xi32, #tpu.memory_space<vmem>>) semaphore(%arg17 : memref<!tpu.dma_semaphore, #tpu.memory_space<semaphore_mem>>)
    %dma_start3A_31 = arith.constant 80 : i32
    %dma_start3A_32 = tpu.memref_slice %arg9[%dma_start3A_31] : memref<10000xi32, #tpu.memory_space<vmem>> -> memref<80xi32, #tpu.memory_space<vmem>>
    %dma_start3A_33 = arith.constant 0 : i32
    %dma_start3A_34 = arith.constant 0 : i32
    %dma_start3A_35 = tpu.memref_slice %arg5[%dma_start3A_33, %dma_start3A_34] : memref<10000x256xf32, #tpu.memory_space<hbm>> -> memref<10000x256xf32, #tpu.memory_space<hbm>>
    tpu.enqueue_indirect_dma source(%dma_start3A_35 : memref<10000x256xf32, #tpu.memory_space<hbm>>) target(%arg13 : memref<80x256xf32, #tpu.memory_space<vmem>>) offsets(%dma_start3A_32 : memref<80xi32, #tpu.memory_space<vmem>>) semaphore(%arg17 : memref<!tpu.dma_semaphore, #tpu.memory_space<semaphore_mem>>)
    %dma_wait3A = arith.constant 0 : i32
    %dma_wait3A_36 = arith.constant 0 : i32
    %dma_wait3A_37 = tpu.memref_slice %arg4[%dma_wait3A, %dma_wait3A_36] : memref<320000x128xf32, #tpu.memory_space<hbm>> -> memref<80x128xf32, #tpu.memory_space<hbm>>
    %dma_wait3A_38 = arith.constant 0 : i32
    %dma_wait3A_39 = arith.constant 0 : i32
    %dma_wait3A_40 = tpu.memref_slice %arg4[%dma_wait3A_38, %dma_wait3A_39] : memref<320000x128xf32, #tpu.memory_space<hbm>> -> memref<80x128xf32, #tpu.memory_space<hbm>>
    tpu.wait_dma2 semaphore(%arg16 : memref<!tpu.dma_semaphore, #tpu.memory_space<semaphore_mem>>) src(%dma_wait3A_40 : memref<80x128xf32, #tpu.memory_space<hbm>>) dst(%arg14 : memref<80x128xf32, #tpu.memory_space<vmem>>)
    %dma_wait3A_41 = arith.constant 0 : i32
    %dma_wait3A_42 = tpu.memref_slice %arg8[%dma_wait3A_41] : memref<10000xi32, #tpu.memory_space<vmem>> -> memref<80xi32, #tpu.memory_space<vmem>>
    %dma_wait3A_43 = arith.constant 0 : i32
    %dma_wait3A_44 = arith.constant 0 : i32
    %dma_wait3A_45 = tpu.memref_slice %arg5[%dma_wait3A_43, %dma_wait3A_44] : memref<10000x256xf32, #tpu.memory_space<hbm>> -> memref<10000x256xf32, #tpu.memory_space<hbm>>
    tpu.wait_indirect_dma semaphore(%arg16 : memref<!tpu.dma_semaphore, #tpu.memory_space<semaphore_mem>>) src(%dma_wait3A_45 : memref<10000x256xf32, #tpu.memory_space<hbm>>) dst(%arg10 : memref<80x256xf32, #tpu.memory_space<vmem>>)
    %dma_wait3A_46 = arith.constant 0 : i32
    %dma_wait3A_47 = tpu.memref_slice %arg9[%dma_wait3A_46] : memref<10000xi32, #tpu.memory_space<vmem>> -> memref<80xi32, #tpu.memory_space<vmem>>
    %dma_wait3A_48 = arith.constant 0 : i32
    %dma_wait3A_49 = arith.constant 0 : i32
    %dma_wait3A_50 = tpu.memref_slice %arg5[%dma_wait3A_48, %dma_wait3A_49] : memref<10000x256xf32, #tpu.memory_space<hbm>> -> memref<10000x256xf32, #tpu.memory_space<hbm>>
    tpu.wait_indirect_dma semaphore(%arg16 : memref<!tpu.dma_semaphore, #tpu.memory_space<semaphore_mem>>) src(%dma_wait3A_50 : memref<10000x256xf32, #tpu.memory_space<hbm>>) dst(%arg12 : memref<80x256xf32, #tpu.memory_space<vmem>>)
    %scan3A = arith.constant 0 : i32
    %scan3A_51 = arith.constant 0 : i32
    %scan3A_52 = arith.constant 80 : i32
    %scan3A_53 = arith.addi %scan3A_51, %scan3A_52 : i32
    %scan3A_54 = arith.constant 1 : i32
    scf.for %scan3A_268 = %scan3A_51 to %scan3A_53 step %scan3A_54  : i32 {
      %get3A = arith.index_cast %scan3A_268 : i32 to index
      %get3A_269 = arith.constant 0 : index
      %get3A_270 = tpu.vector_load %arg14[%get3A, %get3A_269] {strides = array<i32>} : memref<80x128xf32, #tpu.memory_space<vmem>>, vector<1x16xf32>,
      %get3A_271 = vector.shape_cast %get3A_270 : vector<1x16xf32> to vector<16xf32>
      %get3A_272 = arith.index_cast %scan3A_268 : i32 to index
      %get3A_273 = arith.constant 128 : index
      %get3A_274 = tpu.vector_load %arg12[%get3A_272, %get3A_273] {strides = array<i32>} : memref<80x256xf32, #tpu.memory_space<vmem>>, vector<1x16xf32>,
      %get3A_275 = vector.shape_cast %get3A_274 : vector<1x16xf32> to vector<16xf32>
      %add3A_276 = arith.addf %get3A_271, %get3A_275 : vector<16xf32>
      %swap3A = arith.index_cast %scan3A_268 : i32 to index
      %swap3A_277 = arith.constant 0 : index
      %swap3A_278 = tpu.vector_load %arg10[%swap3A, %swap3A_277] {strides = array<i32>} : memref<80x256xf32, #tpu.memory_space<vmem>>, vector<1x16xf32>,
      %swap3A_279 = vector.shape_cast %swap3A_278 : vector<1x16xf32> to vector<16xf32>
      %swap3A_280 = vector.shape_cast %add3A_276 : vector<16xf32> to vector<1x16xf32>
      tpu.vector_store %arg10[%swap3A, %swap3A_277], %swap3A_280 {add = true, strides = array<i32>} : memref<80x256xf32, #tpu.memory_space<vmem>>, vector<1x16xf32>,
      %get3A_281 = arith.index_cast %scan3A_268 : i32 to index
      %get3A_282 = arith.constant 128 : index
      %get3A_283 = tpu.vector_load %arg10[%get3A_281, %get3A_282] {strides = array<i32>} : memref<80x256xf32, #tpu.memory_space<vmem>>, vector<1x16xf32>,
      %get3A_284 = vector.shape_cast %get3A_283 : vector<1x16xf32> to vector<16xf32>
      %add3A_285 = arith.addf %get3A_271, %get3A_284 : vector<16xf32>
      %swap3A_286 = arith.index_cast %scan3A_268 : i32 to index
      %swap3A_287 = arith.constant 0 : index
      %swap3A_288 = tpu.vector_load %arg12[%swap3A_286, %swap3A_287] {strides = array<i32>} : memref<80x256xf32, #tpu.memory_space<vmem>>, vector<1x16xf32>,
      %swap3A_289 = vector.shape_cast %swap3A_288 : vector<1x16xf32> to vector<16xf32>
      %swap3A_290 = vector.shape_cast %add3A_285 : vector<16xf32> to vector<1x16xf32>
      tpu.vector_store %arg12[%swap3A_286, %swap3A_287], %swap3A_290 {add = true, strides = array<i32>} : memref<80x256xf32, #tpu.memory_space<vmem>>, vector<1x16xf32>,
      %get3A_291 = arith.index_cast %scan3A_268 : i32 to index
      %get3A_292 = arith.constant 16 : index
      %get3A_293 = tpu.vector_load %arg14[%get3A_291, %get3A_292] {strides = array<i32>} : memref<80x128xf32, #tpu.memory_space<vmem>>, vector<1x16xf32>,
      %get3A_294 = vector.shape_cast %get3A_293 : vector<1x16xf32> to vector<16xf32>
      %get3A_295 = arith.index_cast %scan3A_268 : i32 to index
      %get3A_296 = arith.constant 144 : index
      %get3A_297 = tpu.vector_load %arg12[%get3A_295, %get3A_296] {strides = array<i32>} : memref<80x256xf32, #tpu.memory_space<vmem>>, vector<1x16xf32>,
      %get3A_298 = vector.shape_cast %get3A_297 : vector<1x16xf32> to vector<16xf32>
      %add3A_299 = arith.addf %get3A_294, %get3A_298 : vector<16xf32>
      %swap3A_300 = arith.index_cast %scan3A_268 : i32 to index
      %swap3A_301 = arith.constant 16 : index
      %swap3A_302 = tpu.vector_load %arg10[%swap3A_300, %swap3A_301] {strides = array<i32>} : memref<80x256xf32, #tpu.memory_space<vmem>>, vector<1x16xf32>,
      %swap3A_303 = vector.shape_cast %swap3A_302 : vector<1x16xf32> to vector<16xf32>
      %swap3A_304 = vector.shape_cast %add3A_299 : vector<16xf32> to vector<1x16xf32>
      tpu.vector_store %arg10[%swap3A_300, %swap3A_301], %swap3A_304 {add = true, strides = array<i32>} : memref<80x256xf32, #tpu.memory_space<vmem>>, vector<1x16xf32>,
      %get3A_305 = arith.index_cast %scan3A_268 : i32 to index
      %get3A_306 = arith.constant 144 : index
      %get3A_307 = tpu.vector_load %arg10[%get3A_305, %get3A_306] {strides = array<i32>} : memref<80x256xf32, #tpu.memory_space<vmem>>, vector<1x16xf32>,
      %get3A_308 = vector.shape_cast %get3A_307 : vector<1x16xf32> to vector<16xf32>
      %add3A_309 = arith.addf %get3A_294, %get3A_308 : vector<16xf32>
      %swap3A_310 = arith.index_cast %scan3A_268 : i32 to index
      %swap3A_311 = arith.constant 16 : index
      %swap3A_312 = tpu.vector_load %arg12[%swap3A_310, %swap3A_311] {strides = array<i32>} : memref<80x256xf32, #tpu.memory_space<vmem>>, vector<1x16xf32>,
      %swap3A_313 = vector.shape_cast %swap3A_312 : vector<1x16xf32> to vector<16xf32>
      %swap3A_314 = vector.shape_cast %add3A_309 : vector<16xf32> to vector<1x16xf32>
      tpu.vector_store %arg12[%swap3A_310, %swap3A_311], %swap3A_314 {add = true, strides = array<i32>} : memref<80x256xf32, #tpu.memory_space<vmem>>, vector<1x16xf32>,
      %get3A_315 = arith.index_cast %scan3A_268 : i32 to index
      %get3A_316 = arith.constant 32 : index
      %get3A_317 = tpu.vector_load %arg14[%get3A_315, %get3A_316] {strides = array<i32>} : memref<80x128xf32, #tpu.memory_space<vmem>>, vector<1x16xf32>,
      %get3A_318 = vector.shape_cast %get3A_317 : vector<1x16xf32> to vector<16xf32>
      %get3A_319 = arith.index_cast %scan3A_268 : i32 to index
      %get3A_320 = arith.constant 160 : index
      %get3A_321 = tpu.vector_load %arg12[%get3A_319, %get3A_320] {strides = array<i32>} : memref<80x256xf32, #tpu.memory_space<vmem>>, vector<1x16xf32>,
      %get3A_322 = vector.shape_cast %get3A_321 : vector<1x16xf32> to vector<16xf32>
      %add3A_323 = arith.addf %get3A_318, %get3A_322 : vector<16xf32>
      %swap3A_324 = arith.index_cast %scan3A_268 : i32 to index
      %swap3A_325 = arith.constant 32 : index
      %swap3A_326 = tpu.vector_load %arg10[%swap3A_324, %swap3A_325] {strides = array<i32>} : memref<80x256xf32, #tpu.memory_space<vmem>>, vector<1x16xf32>,
      %swap3A_327 = vector.shape_cast %swap3A_326 : vector<1x16xf32> to vector<16xf32>
      %swap3A_328 = vector.shape_cast %add3A_323 : vector<16xf32> to vector<1x16xf32>
      tpu.vector_store %arg10[%swap3A_324, %swap3A_325], %swap3A_328 {add = true, strides = array<i32>} : memref<80x256xf32, #tpu.memory_space<vmem>>, vector<1x16xf32>,
      %get3A_329 = arith.index_cast %scan3A_268 : i32 to index
      %get3A_330 = arith.constant 160 : index
      %get3A_331 = tpu.vector_load %arg10[%get3A_329, %get3A_330] {strides = array<i32>} : memref<80x256xf32, #tpu.memory_space<vmem>>, vector<1x16xf32>,
      %get3A_332 = vector.shape_cast %get3A_331 : vector<1x16xf32> to vector<16xf32>
      %add3A_333 = arith.addf %get3A_318, %get3A_332 : vector<16xf32>
      %swap3A_334 = arith.index_cast %scan3A_268 : i32 to index
      %swap3A_335 = arith.constant 32 : index
      %swap3A_336 = tpu.vector_load %arg12[%swap3A_334, %swap3A_335] {strides = array<i32>} : memref<80x256xf32, #tpu.memory_space<vmem>>, vector<1x16xf32>,
      %swap3A_337 = vector.shape_cast %swap3A_336 : vector<1x16xf32> to vector<16xf32>
      %swap3A_338 = vector.shape_cast %add3A_333 : vector<16xf32> to vector<1x16xf32>
      tpu.vector_store %arg12[%swap3A_334, %swap3A_335], %swap3A_338 {add = true, strides = array<i32>} : memref<80x256xf32, #tpu.memory_space<vmem>>, vector<1x16xf32>,
      %get3A_339 = arith.index_cast %scan3A_268 : i32 to index
      %get3A_340 = arith.constant 48 : index
      %get3A_341 = tpu.vector_load %arg14[%get3A_339, %get3A_340] {strides = array<i32>} : memref<80x128xf32, #tpu.memory_space<vmem>>, vector<1x16xf32>,
      %get3A_342 = vector.shape_cast %get3A_341 : vector<1x16xf32> to vector<16xf32>
      %get3A_343 = arith.index_cast %scan3A_268 : i32 to index
      %get3A_344 = arith.constant 176 : index
      %get3A_345 = tpu.vector_load %arg12[%get3A_343, %get3A_344] {strides = array<i32>} : memref<80x256xf32, #tpu.memory_space<vmem>>, vector<1x16xf32>,
      %get3A_346 = vector.shape_cast %get3A_345 : vector<1x16xf32> to vector<16xf32>
      %add3A_347 = arith.addf %get3A_342, %get3A_346 : vector<16xf32>
      %swap3A_348 = arith.index_cast %scan3A_268 : i32 to index
      %swap3A_349 = arith.constant 48 : index
      %swap3A_350 = tpu.vector_load %arg10[%swap3A_348, %swap3A_349] {strides = array<i32>} : memref<80x256xf32, #tpu.memory_space<vmem>>, vector<1x16xf32>,
      %swap3A_351 = vector.shape_cast %swap3A_350 : vector<1x16xf32> to vector<16xf32>
      %swap3A_352 = vector.shape_cast %add3A_347 : vector<16xf32> to vector<1x16xf32>
      tpu.vector_store %arg10[%swap3A_348, %swap3A_349], %swap3A_352 {add = true, strides = array<i32>} : memref<80x256xf32, #tpu.memory_space<vmem>>, vector<1x16xf32>,
      %get3A_353 = arith.index_cast %scan3A_268 : i32 to index
      %get3A_354 = arith.constant 176 : index
      %get3A_355 = tpu.vector_load %arg10[%get3A_353, %get3A_354] {strides = array<i32>} : memref<80x256xf32, #tpu.memory_space<vmem>>, vector<1x16xf32>,
      %get3A_356 = vector.shape_cast %get3A_355 : vector<1x16xf32> to vector<16xf32>
      %add3A_357 = arith.addf %get3A_342, %get3A_356 : vector<16xf32>
      %swap3A_358 = arith.index_cast %scan3A_268 : i32 to index
      %swap3A_359 = arith.constant 48 : index
      %swap3A_360 = tpu.vector_load %arg12[%swap3A_358, %swap3A_359] {strides = array<i32>} : memref<80x256xf32, #tpu.memory_space<vmem>>, vector<1x16xf32>,
      %swap3A_361 = vector.shape_cast %swap3A_360 : vector<1x16xf32> to vector<16xf32>
      %swap3A_362 = vector.shape_cast %add3A_357 : vector<16xf32> to vector<1x16xf32>
      tpu.vector_store %arg12[%swap3A_358, %swap3A_359], %swap3A_362 {add = true, strides = array<i32>} : memref<80x256xf32, #tpu.memory_space<vmem>>, vector<1x16xf32>,
      %get3A_363 = arith.index_cast %scan3A_268 : i32 to index
      %get3A_364 = arith.constant 64 : index
      %get3A_365 = tpu.vector_load %arg14[%get3A_363, %get3A_364] {strides = array<i32>} : memref<80x128xf32, #tpu.memory_space<vmem>>, vector<1x16xf32>,
      %get3A_366 = vector.shape_cast %get3A_365 : vector<1x16xf32> to vector<16xf32>
      %get3A_367 = arith.index_cast %scan3A_268 : i32 to index
      %get3A_368 = arith.constant 192 : index
      %get3A_369 = tpu.vector_load %arg12[%get3A_367, %get3A_368] {strides = array<i32>} : memref<80x256xf32, #tpu.memory_space<vmem>>, vector<1x16xf32>,
      %get3A_370 = vector.shape_cast %get3A_369 : vector<1x16xf32> to vector<16xf32>
      %add3A_371 = arith.addf %get3A_366, %get3A_370 : vector<16xf32>
      %swap3A_372 = arith.index_cast %scan3A_268 : i32 to index
      %swap3A_373 = arith.constant 64 : index
      %swap3A_374 = tpu.vector_load %arg10[%swap3A_372, %swap3A_373] {strides = array<i32>} : memref<80x256xf32, #tpu.memory_space<vmem>>, vector<1x16xf32>,
      %swap3A_375 = vector.shape_cast %swap3A_374 : vector<1x16xf32> to vector<16xf32>
      %swap3A_376 = vector.shape_cast %add3A_371 : vector<16xf32> to vector<1x16xf32>
      tpu.vector_store %arg10[%swap3A_372, %swap3A_373], %swap3A_376 {add = true, strides = array<i32>} : memref<80x256xf32, #tpu.memory_space<vmem>>, vector<1x16xf32>,
      %get3A_377 = arith.index_cast %scan3A_268 : i32 to index
      %get3A_378 = arith.constant 192 : index
      %get3A_379 = tpu.vector_load %arg10[%get3A_377, %get3A_378] {strides = array<i32>} : memref<80x256xf32, #tpu.memory_space<vmem>>, vector<1x16xf32>,
      %get3A_380 = vector.shape_cast %get3A_379 : vector<1x16xf32> to vector<16xf32>
      %add3A_381 = arith.addf %get3A_366, %get3A_380 : vector<16xf32>
      %swap3A_382 = arith.index_cast %scan3A_268 : i32 to index
      %swap3A_383 = arith.constant 64 : index
      %swap3A_384 = tpu.vector_load %arg12[%swap3A_382, %swap3A_383] {strides = array<i32>} : memref<80x256xf32, #tpu.memory_space<vmem>>, vector<1x16xf32>,
      %swap3A_385 = vector.shape_cast %swap3A_384 : vector<1x16xf32> to vector<16xf32>
      %swap3A_386 = vector.shape_cast %add3A_381 : vector<16xf32> to vector<1x16xf32>
      tpu.vector_store %arg12[%swap3A_382, %swap3A_383], %swap3A_386 {add = true, strides = array<i32>} : memref<80x256xf32, #tpu.memory_space<vmem>>, vector<1x16xf32>,
      %get3A_387 = arith.index_cast %scan3A_268 : i32 to index
      %get3A_388 = arith.constant 80 : index
      %get3A_389 = tpu.vector_load %arg14[%get3A_387, %get3A_388] {strides = array<i32>} : memref<80x128xf32, #tpu.memory_space<vmem>>, vector<1x16xf32>,
      %get3A_390 = vector.shape_cast %get3A_389 : vector<1x16xf32> to vector<16xf32>
      %get3A_391 = arith.index_cast %scan3A_268 : i32 to index
      %get3A_392 = arith.constant 208 : index
      %get3A_393 = tpu.vector_load %arg12[%get3A_391, %get3A_392] {strides = array<i32>} : memref<80x256xf32, #tpu.memory_space<vmem>>, vector<1x16xf32>,
      %get3A_394 = vector.shape_cast %get3A_393 : vector<1x16xf32> to vector<16xf32>
      %add3A_395 = arith.addf %get3A_390, %get3A_394 : vector<16xf32>
      %swap3A_396 = arith.index_cast %scan3A_268 : i32 to index
      %swap3A_397 = arith.constant 80 : index
      %swap3A_398 = tpu.vector_load %arg10[%swap3A_396, %swap3A_397] {strides = array<i32>} : memref<80x256xf32, #tpu.memory_space<vmem>>, vector<1x16xf32>,
      %swap3A_399 = vector.shape_cast %swap3A_398 : vector<1x16xf32> to vector<16xf32>
      %swap3A_400 = vector.shape_cast %add3A_395 : vector<16xf32> to vector<1x16xf32>
      tpu.vector_store %arg10[%swap3A_396, %swap3A_397], %swap3A_400 {add = true, strides = array<i32>} : memref<80x256xf32, #tpu.memory_space<vmem>>, vector<1x16xf32>,
      %get3A_401 = arith.index_cast %scan3A_268 : i32 to index
      %get3A_402 = arith.constant 208 : index
      %get3A_403 = tpu.vector_load %arg10[%get3A_401, %get3A_402] {strides = array<i32>} : memref<80x256xf32, #tpu.memory_space<vmem>>, vector<1x16xf32>,
      %get3A_404 = vector.shape_cast %get3A_403 : vector<1x16xf32> to vector<16xf32>
      %add3A_405 = arith.addf %get3A_390, %get3A_404 : vector<16xf32>
      %swap3A_406 = arith.index_cast %scan3A_268 : i32 to index
      %swap3A_407 = arith.constant 80 : index
      %swap3A_408 = tpu.vector_load %arg12[%swap3A_406, %swap3A_407] {strides = array<i32>} : memref<80x256xf32, #tpu.memory_space<vmem>>, vector<1x16xf32>,
      %swap3A_409 = vector.shape_cast %swap3A_408 : vector<1x16xf32> to vector<16xf32>
      %swap3A_410 = vector.shape_cast %add3A_405 : vector<16xf32> to vector<1x16xf32>
      tpu.vector_store %arg12[%swap3A_406, %swap3A_407], %swap3A_410 {add = true, strides = array<i32>} : memref<80x256xf32, #tpu.memory_space<vmem>>, vector<1x16xf32>,
      %get3A_411 = arith.index_cast %scan3A_268 : i32 to index
      %get3A_412 = arith.constant 96 : index
      %get3A_413 = tpu.vector_load %arg14[%get3A_411, %get3A_412] {strides = array<i32>} : memref<80x128xf32, #tpu.memory_space<vmem>>, vector<1x16xf32>,
      %get3A_414 = vector.shape_cast %get3A_413 : vector<1x16xf32> to vector<16xf32>
      %get3A_415 = arith.index_cast %scan3A_268 : i32 to index
      %get3A_416 = arith.constant 224 : index
      %get3A_417 = tpu.vector_load %arg12[%get3A_415, %get3A_416] {strides = array<i32>} : memref<80x256xf32, #tpu.memory_space<vmem>>, vector<1x16xf32>,
      %get3A_418 = vector.shape_cast %get3A_417 : vector<1x16xf32> to vector<16xf32>
      %add3A_419 = arith.addf %get3A_414, %get3A_418 : vector<16xf32>
      %swap3A_420 = arith.index_cast %scan3A_268 : i32 to index
      %swap3A_421 = arith.constant 96 : index
      %swap3A_422 = tpu.vector_load %arg10[%swap3A_420, %swap3A_421] {strides = array<i32>} : memref<80x256xf32, #tpu.memory_space<vmem>>, vector<1x16xf32>,
      %swap3A_423 = vector.shape_cast %swap3A_422 : vector<1x16xf32> to vector<16xf32>
      %swap3A_424 = vector.shape_cast %add3A_419 : vector<16xf32> to vector<1x16xf32>
      tpu.vector_store %arg10[%swap3A_420, %swap3A_421], %swap3A_424 {add = true, strides = array<i32>} : memref<80x256xf32, #tpu.memory_space<vmem>>, vector<1x16xf32>,
      %get3A_425 = arith.index_cast %scan3A_268 : i32 to index
      %get3A_426 = arith.constant 224 : index
      %get3A_427 = tpu.vector_load %arg10[%get3A_425, %get3A_426] {strides = array<i32>} : memref<80x256xf32, #tpu.memory_space<vmem>>, vector<1x16xf32>,
      %get3A_428 = vector.shape_cast %get3A_427 : vector<1x16xf32> to vector<16xf32>
      %add3A_429 = arith.addf %get3A_414, %get3A_428 : vector<16xf32>
      %swap3A_430 = arith.index_cast %scan3A_268 : i32 to index
      %swap3A_431 = arith.constant 96 : index
      %swap3A_432 = tpu.vector_load %arg12[%swap3A_430, %swap3A_431] {strides = array<i32>} : memref<80x256xf32, #tpu.memory_space<vmem>>, vector<1x16xf32>,
      %swap3A_433 = vector.shape_cast %swap3A_432 : vector<1x16xf32> to vector<16xf32>
      %swap3A_434 = vector.shape_cast %add3A_429 : vector<16xf32> to vector<1x16xf32>
      tpu.vector_store %arg12[%swap3A_430, %swap3A_431], %swap3A_434 {add = true, strides = array<i32>} : memref<80x256xf32, #tpu.memory_space<vmem>>, vector<1x16xf32>,
      %get3A_435 = arith.index_cast %scan3A_268 : i32 to index
      %get3A_436 = arith.constant 112 : index
      %get3A_437 = tpu.vector_load %arg14[%get3A_435, %get3A_436] {strides = array<i32>} : memref<80x128xf32, #tpu.memory_space<vmem>>, vector<1x16xf32>,
      %get3A_438 = vector.shape_cast %get3A_437 : vector<1x16xf32> to vector<16xf32>
      %get3A_439 = arith.index_cast %scan3A_268 : i32 to index
      %get3A_440 = arith.constant 240 : index
      %get3A_441 = tpu.vector_load %arg12[%get3A_439, %get3A_440] {strides = array<i32>} : memref<80x256xf32, #tpu.memory_space<vmem>>, vector<1x16xf32>,
      %get3A_442 = vector.shape_cast %get3A_441 : vector<1x16xf32> to vector<16xf32>
      %add3A_443 = arith.addf %get3A_438, %get3A_442 : vector<16xf32>
      %swap3A_444 = arith.index_cast %scan3A_268 : i32 to index
      %swap3A_445 = arith.constant 112 : index
      %swap3A_446 = tpu.vector_load %arg10[%swap3A_444, %swap3A_445] {strides = array<i32>} : memref<80x256xf32, #tpu.memory_space<vmem>>, vector<1x16xf32>,
      %swap3A_447 = vector.shape_cast %swap3A_446 : vector<1x16xf32> to vector<16xf32>
      %swap3A_448 = vector.shape_cast %add3A_443 : vector<16xf32> to vector<1x16xf32>
      tpu.vector_store %arg10[%swap3A_444, %swap3A_445], %swap3A_448 {add = true, strides = array<i32>} : memref<80x256xf32, #tpu.memory_space<vmem>>, vector<1x16xf32>,
      %get3A_449 = arith.index_cast %scan3A_268 : i32 to index
      %get3A_450 = arith.constant 240 : index
      %get3A_451 = tpu.vector_load %arg10[%get3A_449, %get3A_450] {strides = array<i32>} : memref<80x256xf32, #tpu.memory_space<vmem>>, vector<1x16xf32>,
      %get3A_452 = vector.shape_cast %get3A_451 : vector<1x16xf32> to vector<16xf32>
      %add3A_453 = arith.addf %get3A_438, %get3A_452 : vector<16xf32>
      %swap3A_454 = arith.index_cast %scan3A_268 : i32 to index
      %swap3A_455 = arith.constant 112 : index
      %swap3A_456 = tpu.vector_load %arg12[%swap3A_454, %swap3A_455] {strides = array<i32>} : memref<80x256xf32, #tpu.memory_space<vmem>>, vector<1x16xf32>,
      %swap3A_457 = vector.shape_cast %swap3A_456 : vector<1x16xf32> to vector<16xf32>
      %swap3A_458 = vector.shape_cast %add3A_453 : vector<16xf32> to vector<1x16xf32>
      tpu.vector_store %arg12[%swap3A_454, %swap3A_455], %swap3A_458 {add = true, strides = array<i32>} : memref<80x256xf32, #tpu.memory_space<vmem>>, vector<1x16xf32>,
    }
    %scan3A_55 = arith.constant 80 : i32
    %mul3A_56 = arith.constant 10000 : i32
    %mul3A_57 = arith.muli %add3A, %mul3A_56 : i32
    %add3A_58 = arith.constant 0 : i32
    %add3A_59 = arith.addi %mul3A_57, %add3A_58 : i32
    %dma_start3A_60 = arith.constant 0 : i32
    %dma_start3A_61 = arith.constant 0 : i32
    %dma_start3A_62 = tpu.memref_slice %arg10[%dma_start3A_60, %dma_start3A_61] : memref<80x256xf32, #tpu.memory_space<vmem>> -> memref<80x128xf32, #tpu.memory_space<vmem>>
    %dma_start3A_63 = arith.constant 0 : i32
    %dma_start3A_64 = tpu.memref_slice %arg6[%add3A_59, %dma_start3A_63] : memref<320000x128xf32, #tpu.memory_space<hbm>> -> memref<80x128xf32, #tpu.memory_space<hbm>>
    %dma_start3A_65 = arith.constant 0 : i32
    %dma_start3A_66 = tpu.memref_slice %arg6[%add3A_59, %dma_start3A_65] : memref<320000x128xf32, #tpu.memory_space<hbm>> -> memref<80x128xf32, #tpu.memory_space<hbm>>
    %dma_start3A_67 = arith.constant 0 : i32
    %dma_start3A_68 = arith.constant 0 : i32
    %dma_start3A_69 = tpu.memref_slice %arg10[%dma_start3A_67, %dma_start3A_68] : memref<80x256xf32, #tpu.memory_space<vmem>> -> memref<80x128xf32, #tpu.memory_space<vmem>>
    tpu.enqueue_dma source(%dma_start3A_69 : memref<80x128xf32, #tpu.memory_space<vmem>>) target(%dma_start3A_66 : memref<80x128xf32, #tpu.memory_space<hbm>>) target_semaphore(%arg18 : memref<!tpu.dma_semaphore, #tpu.memory_space<semaphore_mem>>)
    %dma_start3A_70 = arith.constant 0 : i32
    %dma_start3A_71 = arith.constant 0 : i32
    %dma_start3A_72 = tpu.memref_slice %arg12[%dma_start3A_70, %dma_start3A_71] : memref<80x256xf32, #tpu.memory_space<vmem>> -> memref<80x128xf32, #tpu.memory_space<vmem>>
    %dma_start3A_73 = arith.constant 0 : i32
    %dma_start3A_74 = tpu.memref_slice %arg7[%add3A_59, %dma_start3A_73] : memref<320000x128xf32, #tpu.memory_space<hbm>> -> memref<80x128xf32, #tpu.memory_space<hbm>>
    %dma_start3A_75 = arith.constant 0 : i32
    %dma_start3A_76 = tpu.memref_slice %arg7[%add3A_59, %dma_start3A_75] : memref<320000x128xf32, #tpu.memory_space<hbm>> -> memref<80x128xf32, #tpu.memory_space<hbm>>
    %dma_start3A_77 = arith.constant 0 : i32
    %dma_start3A_78 = arith.constant 0 : i32
    %dma_start3A_79 = tpu.memref_slice %arg12[%dma_start3A_77, %dma_start3A_78] : memref<80x256xf32, #tpu.memory_space<vmem>> -> memref<80x128xf32, #tpu.memory_space<vmem>>
    tpu.enqueue_dma source(%dma_start3A_79 : memref<80x128xf32, #tpu.memory_space<vmem>>) target(%dma_start3A_76 : memref<80x128xf32, #tpu.memory_space<hbm>>) target_semaphore(%arg18 : memref<!tpu.dma_semaphore, #tpu.memory_space<semaphore_mem>>)
    %dma_wait3A_80 = arith.constant 0 : i32
    %dma_wait3A_81 = arith.constant 0 : i32
    %dma_wait3A_82 = tpu.memref_slice %arg10[%dma_wait3A_80, %dma_wait3A_81] : memref<80x256xf32, #tpu.memory_space<vmem>> -> memref<80x128xf32, #tpu.memory_space<vmem>>
    %dma_wait3A_83 = arith.constant 0 : i32
    %dma_wait3A_84 = arith.constant 0 : i32
    %dma_wait3A_85 = tpu.memref_slice %arg6[%dma_wait3A_83, %dma_wait3A_84] : memref<320000x128xf32, #tpu.memory_space<hbm>> -> memref<80x128xf32, #tpu.memory_space<hbm>>
    %dma_wait3A_86 = arith.constant 0 : i32
    %dma_wait3A_87 = arith.constant 0 : i32
    %dma_wait3A_88 = tpu.memref_slice %arg6[%dma_wait3A_86, %dma_wait3A_87] : memref<320000x128xf32, #tpu.memory_space<hbm>> -> memref<80x128xf32, #tpu.memory_space<hbm>>
    %dma_wait3A_89 = arith.constant 0 : i32
    %dma_wait3A_90 = arith.constant 0 : i32
    %dma_wait3A_91 = tpu.memref_slice %arg10[%dma_wait3A_89, %dma_wait3A_90] : memref<80x256xf32, #tpu.memory_space<vmem>> -> memref<80x128xf32, #tpu.memory_space<vmem>>
    tpu.wait_dma2 semaphore(%arg18 : memref<!tpu.dma_semaphore, #tpu.memory_space<semaphore_mem>>) src(%dma_wait3A_91 : memref<80x128xf32, #tpu.memory_space<vmem>>) dst(%dma_wait3A_88 : memref<80x128xf32, #tpu.memory_space<hbm>>)
    %dma_wait3A_92 = arith.constant 0 : i32
    %dma_wait3A_93 = arith.constant 0 : i32
    %dma_wait3A_94 = tpu.memref_slice %arg12[%dma_wait3A_92, %dma_wait3A_93] : memref<80x256xf32, #tpu.memory_space<vmem>> -> memref<80x128xf32, #tpu.memory_space<vmem>>
    %dma_wait3A_95 = arith.constant 0 : i32
    %dma_wait3A_96 = arith.constant 0 : i32
    %dma_wait3A_97 = tpu.memref_slice %arg7[%dma_wait3A_95, %dma_wait3A_96] : memref<320000x128xf32, #tpu.memory_space<hbm>> -> memref<80x128xf32, #tpu.memory_space<hbm>>
    %dma_wait3A_98 = arith.constant 0 : i32
    %dma_wait3A_99 = arith.constant 0 : i32
    %dma_wait3A_100 = tpu.memref_slice %arg7[%dma_wait3A_98, %dma_wait3A_99] : memref<320000x128xf32, #tpu.memory_space<hbm>> -> memref<80x128xf32, #tpu.memory_space<hbm>>
    %dma_wait3A_101 = arith.constant 0 : i32
    %dma_wait3A_102 = arith.constant 0 : i32
    %dma_wait3A_103 = tpu.memref_slice %arg12[%dma_wait3A_101, %dma_wait3A_102] : memref<80x256xf32, #tpu.memory_space<vmem>> -> memref<80x128xf32, #tpu.memory_space<vmem>>
    tpu.wait_dma2 semaphore(%arg18 : memref<!tpu.dma_semaphore, #tpu.memory_space<semaphore_mem>>) src(%dma_wait3A_103 : memref<80x128xf32, #tpu.memory_space<vmem>>) dst(%dma_wait3A_100 : memref<80x128xf32, #tpu.memory_space<hbm>>)
    %mul3A_104 = arith.constant 10000 : i32
    %mul3A_105 = arith.muli %add3A, %mul3A_104 : i32
    %add3A_106 = arith.constant 160 : i32
    %add3A_107 = arith.addi %mul3A_105, %add3A_106 : i32
    %dma_start3A_108 = arith.constant 0 : i32
    %dma_start3A_109 = tpu.memref_slice %arg4[%add3A_107, %dma_start3A_108] : memref<320000x128xf32, #tpu.memory_space<hbm>> -> memref<80x128xf32, #tpu.memory_space<hbm>>
    %dma_start3A_110 = arith.constant 0 : i32
    %dma_start3A_111 = tpu.memref_slice %arg4[%add3A_107, %dma_start3A_110] : memref<320000x128xf32, #tpu.memory_space<hbm>> -> memref<80x128xf32, #tpu.memory_space<hbm>>
    tpu.enqueue_dma source(%dma_start3A_111 : memref<80x128xf32, #tpu.memory_space<hbm>>) target(%arg14 : memref<80x128xf32, #tpu.memory_space<vmem>>) target_semaphore(%arg16 : memref<!tpu.dma_semaphore, #tpu.memory_space<semaphore_mem>>)
    %dma_start3A_112 = arith.constant 160 : i32
    %dma_start3A_113 = tpu.memref_slice %arg8[%dma_start3A_112] : memref<10000xi32, #tpu.memory_space<vmem>> -> memref<80xi32, #tpu.memory_space<vmem>>
    %dma_start3A_114 = arith.constant 0 : i32
    %dma_start3A_115 = arith.constant 0 : i32
    %dma_start3A_116 = tpu.memref_slice %arg5[%dma_start3A_114, %dma_start3A_115] : memref<10000x256xf32, #tpu.memory_space<hbm>> -> memref<10000x256xf32, #tpu.memory_space<hbm>>
    tpu.enqueue_indirect_dma source(%dma_start3A_116 : memref<10000x256xf32, #tpu.memory_space<hbm>>) target(%arg10 : memref<80x256xf32, #tpu.memory_space<vmem>>) offsets(%dma_start3A_113 : memref<80xi32, #tpu.memory_space<vmem>>) semaphore(%arg16 : memref<!tpu.dma_semaphore, #tpu.memory_space<semaphore_mem>>)
    %dma_start3A_117 = arith.constant 160 : i32
    %dma_start3A_118 = tpu.memref_slice %arg9[%dma_start3A_117] : memref<10000xi32, #tpu.memory_space<vmem>> -> memref<80xi32, #tpu.memory_space<vmem>>
    %dma_start3A_119 = arith.constant 0 : i32
    %dma_start3A_120 = arith.constant 0 : i32
    %dma_start3A_121 = tpu.memref_slice %arg5[%dma_start3A_119, %dma_start3A_120] : memref<10000x256xf32, #tpu.memory_space<hbm>> -> memref<10000x256xf32, #tpu.memory_space<hbm>>
    tpu.enqueue_indirect_dma source(%dma_start3A_121 : memref<10000x256xf32, #tpu.memory_space<hbm>>) target(%arg12 : memref<80x256xf32, #tpu.memory_space<vmem>>) offsets(%dma_start3A_118 : memref<80xi32, #tpu.memory_space<vmem>>) semaphore(%arg16 : memref<!tpu.dma_semaphore, #tpu.memory_space<semaphore_mem>>)
    %dma_wait3A_122 = arith.constant 0 : i32
    %dma_wait3A_123 = arith.constant 0 : i32
    %dma_wait3A_124 = tpu.memref_slice %arg4[%dma_wait3A_122, %dma_wait3A_123] : memref<320000x128xf32, #tpu.memory_space<hbm>> -> memref<80x128xf32, #tpu.memory_space<hbm>>
    %dma_wait3A_125 = arith.constant 0 : i32
    %dma_wait3A_126 = arith.constant 0 : i32
    %dma_wait3A_127 = tpu.memref_slice %arg4[%dma_wait3A_125, %dma_wait3A_126] : memref<320000x128xf32, #tpu.memory_space<hbm>> -> memref<80x128xf32, #tpu.memory_space<hbm>>
    tpu.wait_dma2 semaphore(%arg17 : memref<!tpu.dma_semaphore, #tpu.memory_space<semaphore_mem>>) src(%dma_wait3A_127 : memref<80x128xf32, #tpu.memory_space<hbm>>) dst(%arg15 : memref<80x128xf32, #tpu.memory_space<vmem>>)
    %dma_wait3A_128 = arith.constant 0 : i32
    %dma_wait3A_129 = tpu.memref_slice %arg8[%dma_wait3A_128] : memref<10000xi32, #tpu.memory_space<vmem>> -> memref<80xi32, #tpu.memory_space<vmem>>
    %dma_wait3A_130 = arith.constant 0 : i32
    %dma_wait3A_131 = arith.constant 0 : i32
    %dma_wait3A_132 = tpu.memref_slice %arg5[%dma_wait3A_130, %dma_wait3A_131] : memref<10000x256xf32, #tpu.memory_space<hbm>> -> memref<10000x256xf32, #tpu.memory_space<hbm>>
    tpu.wait_indirect_dma semaphore(%arg17 : memref<!tpu.dma_semaphore, #tpu.memory_space<semaphore_mem>>) src(%dma_wait3A_132 : memref<10000x256xf32, #tpu.memory_space<hbm>>) dst(%arg11 : memref<80x256xf32, #tpu.memory_space<vmem>>)
    %dma_wait3A_133 = arith.constant 0 : i32
    %dma_wait3A_134 = tpu.memref_slice %arg9[%dma_wait3A_133] : memref<10000xi32, #tpu.memory_space<vmem>> -> memref<80xi32, #tpu.memory_space<vmem>>
    %dma_wait3A_135 = arith.constant 0 : i32
    %dma_wait3A_136 = arith.constant 0 : i32
    %dma_wait3A_137 = tpu.memref_slice %arg5[%dma_wait3A_135, %dma_wait3A_136] : memref<10000x256xf32, #tpu.memory_space<hbm>> -> memref<10000x256xf32, #tpu.memory_space<hbm>>
    tpu.wait_indirect_dma semaphore(%arg17 : memref<!tpu.dma_semaphore, #tpu.memory_space<semaphore_mem>>) src(%dma_wait3A_137 : memref<10000x256xf32, #tpu.memory_space<hbm>>) dst(%arg13 : memref<80x256xf32, #tpu.memory_space<vmem>>)
    %scan3A_138 = arith.constant 0 : i32
    %scan3A_139 = arith.constant 0 : i32
    %scan3A_140 = arith.constant 80 : i32
    %scan3A_141 = arith.addi %scan3A_139, %scan3A_140 : i32
    %scan3A_142 = arith.constant 1 : i32
    scf.for %scan3A_268 = %scan3A_139 to %scan3A_141 step %scan3A_142  : i32 {
      %get3A = arith.index_cast %scan3A_268 : i32 to index
      %get3A_269 = arith.constant 0 : index
      %get3A_270 = tpu.vector_load %arg15[%get3A, %get3A_269] {strides = array<i32>} : memref<80x128xf32, #tpu.memory_space<vmem>>, vector<1x16xf32>,
      %get3A_271 = vector.shape_cast %get3A_270 : vector<1x16xf32> to vector<16xf32>
      %get3A_272 = arith.index_cast %scan3A_268 : i32 to index
      %get3A_273 = arith.constant 128 : index
      %get3A_274 = tpu.vector_load %arg13[%get3A_272, %get3A_273] {strides = array<i32>} : memref<80x256xf32, #tpu.memory_space<vmem>>, vector<1x16xf32>,
      %get3A_275 = vector.shape_cast %get3A_274 : vector<1x16xf32> to vector<16xf32>
      %add3A_276 = arith.addf %get3A_271, %get3A_275 : vector<16xf32>
      %swap3A = arith.index_cast %scan3A_268 : i32 to index
      %swap3A_277 = arith.constant 0 : index
      %swap3A_278 = tpu.vector_load %arg11[%swap3A, %swap3A_277] {strides = array<i32>} : memref<80x256xf32, #tpu.memory_space<vmem>>, vector<1x16xf32>,
      %swap3A_279 = vector.shape_cast %swap3A_278 : vector<1x16xf32> to vector<16xf32>
      %swap3A_280 = vector.shape_cast %add3A_276 : vector<16xf32> to vector<1x16xf32>
      tpu.vector_store %arg11[%swap3A, %swap3A_277], %swap3A_280 {add = true, strides = array<i32>} : memref<80x256xf32, #tpu.memory_space<vmem>>, vector<1x16xf32>,
      %get3A_281 = arith.index_cast %scan3A_268 : i32 to index
      %get3A_282 = arith.constant 128 : index
      %get3A_283 = tpu.vector_load %arg11[%get3A_281, %get3A_282] {strides = array<i32>} : memref<80x256xf32, #tpu.memory_space<vmem>>, vector<1x16xf32>,
      %get3A_284 = vector.shape_cast %get3A_283 : vector<1x16xf32> to vector<16xf32>
      %add3A_285 = arith.addf %get3A_271, %get3A_284 : vector<16xf32>
      %swap3A_286 = arith.index_cast %scan3A_268 : i32 to index
      %swap3A_287 = arith.constant 0 : index
      %swap3A_288 = tpu.vector_load %arg13[%swap3A_286, %swap3A_287] {strides = array<i32>} : memref<80x256xf32, #tpu.memory_space<vmem>>, vector<1x16xf32>,
      %swap3A_289 = vector.shape_cast %swap3A_288 : vector<1x16xf32> to vector<16xf32>
      %swap3A_290 = vector.shape_cast %add3A_285 : vector<16xf32> to vector<1x16xf32>
      tpu.vector_store %arg13[%swap3A_286, %swap3A_287], %swap3A_290 {add = true, strides = array<i32>} : memref<80x256xf32, #tpu.memory_space<vmem>>, vector<1x16xf32>,
      %get3A_291 = arith.index_cast %scan3A_268 : i32 to index
      %get3A_292 = arith.constant 16 : index
      %get3A_293 = tpu.vector_load %arg15[%get3A_291, %get3A_292] {strides = array<i32>} : memref<80x128xf32, #tpu.memory_space<vmem>>, vector<1x16xf32>,
      %get3A_294 = vector.shape_cast %get3A_293 : vector<1x16xf32> to vector<16xf32>
      %get3A_295 = arith.index_cast %scan3A_268 : i32 to index
      %get3A_296 = arith.constant 144 : index
      %get3A_297 = tpu.vector_load %arg13[%get3A_295, %get3A_296] {strides = array<i32>} : memref<80x256xf32, #tpu.memory_space<vmem>>, vector<1x16xf32>,
      %get3A_298 = vector.shape_cast %get3A_297 : vector<1x16xf32> to vector<16xf32>
      %add3A_299 = arith.addf %get3A_294, %get3A_298 : vector<16xf32>
      %swap3A_300 = arith.index_cast %scan3A_268 : i32 to index
      %swap3A_301 = arith.constant 16 : index
      %swap3A_302 = tpu.vector_load %arg11[%swap3A_300, %swap3A_301] {strides = array<i32>} : memref<80x256xf32, #tpu.memory_space<vmem>>, vector<1x16xf32>,
      %swap3A_303 = vector.shape_cast %swap3A_302 : vector<1x16xf32> to vector<16xf32>
      %swap3A_304 = vector.shape_cast %add3A_299 : vector<16xf32> to vector<1x16xf32>
      tpu.vector_store %arg11[%swap3A_300, %swap3A_301], %swap3A_304 {add = true, strides = array<i32>} : memref<80x256xf32, #tpu.memory_space<vmem>>, vector<1x16xf32>,
      %get3A_305 = arith.index_cast %scan3A_268 : i32 to index
      %get3A_306 = arith.constant 144 : index
      %get3A_307 = tpu.vector_load %arg11[%get3A_305, %get3A_306] {strides = array<i32>} : memref<80x256xf32, #tpu.memory_space<vmem>>, vector<1x16xf32>,
      %get3A_308 = vector.shape_cast %get3A_307 : vector<1x16xf32> to vector<16xf32>
      %add3A_309 = arith.addf %get3A_294, %get3A_308 : vector<16xf32>
      %swap3A_310 = arith.index_cast %scan3A_268 : i32 to index
      %swap3A_311 = arith.constant 16 : index
      %swap3A_312 = tpu.vector_load %arg13[%swap3A_310, %swap3A_311] {strides = array<i32>} : memref<80x256xf32, #tpu.memory_space<vmem>>, vector<1x16xf32>,
      %swap3A_313 = vector.shape_cast %swap3A_312 : vector<1x16xf32> to vector<16xf32>
      %swap3A_314 = vector.shape_cast %add3A_309 : vector<16xf32> to vector<1x16xf32>
      tpu.vector_store %arg13[%swap3A_310, %swap3A_311], %swap3A_314 {add = true, strides = array<i32>} : memref<80x256xf32, #tpu.memory_space<vmem>>, vector<1x16xf32>,
      %get3A_315 = arith.index_cast %scan3A_268 : i32 to index
      %get3A_316 = arith.constant 32 : index
      %get3A_317 = tpu.vector_load %arg15[%get3A_315, %get3A_316] {strides = array<i32>} : memref<80x128xf32, #tpu.memory_space<vmem>>, vector<1x16xf32>,
      %get3A_318 = vector.shape_cast %get3A_317 : vector<1x16xf32> to vector<16xf32>
      %get3A_319 = arith.index_cast %scan3A_268 : i32 to index
      %get3A_320 = arith.constant 160 : index
      %get3A_321 = tpu.vector_load %arg13[%get3A_319, %get3A_320] {strides = array<i32>} : memref<80x256xf32, #tpu.memory_space<vmem>>, vector<1x16xf32>,
      %get3A_322 = vector.shape_cast %get3A_321 : vector<1x16xf32> to vector<16xf32>
      %add3A_323 = arith.addf %get3A_318, %get3A_322 : vector<16xf32>
      %swap3A_324 = arith.index_cast %scan3A_268 : i32 to index
      %swap3A_325 = arith.constant 32 : index
      %swap3A_326 = tpu.vector_load %arg11[%swap3A_324, %swap3A_325] {strides = array<i32>} : memref<80x256xf32, #tpu.memory_space<vmem>>, vector<1x16xf32>,
      %swap3A_327 = vector.shape_cast %swap3A_326 : vector<1x16xf32> to vector<16xf32>
      %swap3A_328 = vector.shape_cast %add3A_323 : vector<16xf32> to vector<1x16xf32>
      tpu.vector_store %arg11[%swap3A_324, %swap3A_325], %swap3A_328 {add = true, strides = array<i32>} : memref<80x256xf32, #tpu.memory_space<vmem>>, vector<1x16xf32>,
      %get3A_329 = arith.index_cast %scan3A_268 : i32 to index
      %get3A_330 = arith.constant 160 : index
      %get3A_331 = tpu.vector_load %arg11[%get3A_329, %get3A_330] {strides = array<i32>} : memref<80x256xf32, #tpu.memory_space<vmem>>, vector<1x16xf32>,
      %get3A_332 = vector.shape_cast %get3A_331 : vector<1x16xf32> to vector<16xf32>
      %add3A_333 = arith.addf %get3A_318, %get3A_332 : vector<16xf32>
      %swap3A_334 = arith.index_cast %scan3A_268 : i32 to index
      %swap3A_335 = arith.constant 32 : index
      %swap3A_336 = tpu.vector_load %arg13[%swap3A_334, %swap3A_335] {strides = array<i32>} : memref<80x256xf32, #tpu.memory_space<vmem>>, vector<1x16xf32>,
      %swap3A_337 = vector.shape_cast %swap3A_336 : vector<1x16xf32> to vector<16xf32>
      %swap3A_338 = vector.shape_cast %add3A_333 : vector<16xf32> to vector<1x16xf32>
      tpu.vector_store %arg13[%swap3A_334, %swap3A_335], %swap3A_338 {add = true, strides = array<i32>} : memref<80x256xf32, #tpu.memory_space<vmem>>, vector<1x16xf32>,
      %get3A_339 = arith.index_cast %scan3A_268 : i32 to index
      %get3A_340 = arith.constant 48 : index
      %get3A_341 = tpu.vector_load %arg15[%get3A_339, %get3A_340] {strides = array<i32>} : memref<80x128xf32, #tpu.memory_space<vmem>>, vector<1x16xf32>,
      %get3A_342 = vector.shape_cast %get3A_341 : vector<1x16xf32> to vector<16xf32>
      %get3A_343 = arith.index_cast %scan3A_268 : i32 to index
      %get3A_344 = arith.constant 176 : index
      %get3A_345 = tpu.vector_load %arg13[%get3A_343, %get3A_344] {strides = array<i32>} : memref<80x256xf32, #tpu.memory_space<vmem>>, vector<1x16xf32>,
      %get3A_346 = vector.shape_cast %get3A_345 : vector<1x16xf32> to vector<16xf32>
      %add3A_347 = arith.addf %get3A_342, %get3A_346 : vector<16xf32>
      %swap3A_348 = arith.index_cast %scan3A_268 : i32 to index
      %swap3A_349 = arith.constant 48 : index
      %swap3A_350 = tpu.vector_load %arg11[%swap3A_348, %swap3A_349] {strides = array<i32>} : memref<80x256xf32, #tpu.memory_space<vmem>>, vector<1x16xf32>,
      %swap3A_351 = vector.shape_cast %swap3A_350 : vector<1x16xf32> to vector<16xf32>
      %swap3A_352 = vector.shape_cast %add3A_347 : vector<16xf32> to vector<1x16xf32>
      tpu.vector_store %arg11[%swap3A_348, %swap3A_349], %swap3A_352 {add = true, strides = array<i32>} : memref<80x256xf32, #tpu.memory_space<vmem>>, vector<1x16xf32>,
      %get3A_353 = arith.index_cast %scan3A_268 : i32 to index
      %get3A_354 = arith.constant 176 : index
      %get3A_355 = tpu.vector_load %arg11[%get3A_353, %get3A_354] {strides = array<i32>} : memref<80x256xf32, #tpu.memory_space<vmem>>, vector<1x16xf32>,
      %get3A_356 = vector.shape_cast %get3A_355 : vector<1x16xf32> to vector<16xf32>
      %add3A_357 = arith.addf %get3A_342, %get3A_356 : vector<16xf32>
      %swap3A_358 = arith.index_cast %scan3A_268 : i32 to index
      %swap3A_359 = arith.constant 48 : index
      %swap3A_360 = tpu.vector_load %arg13[%swap3A_358, %swap3A_359] {strides = array<i32>} : memref<80x256xf32, #tpu.memory_space<vmem>>, vector<1x16xf32>,
      %swap3A_361 = vector.shape_cast %swap3A_360 : vector<1x16xf32> to vector<16xf32>
      %swap3A_362 = vector.shape_cast %add3A_357 : vector<16xf32> to vector<1x16xf32>
      tpu.vector_store %arg13[%swap3A_358, %swap3A_359], %swap3A_362 {add = true, strides = array<i32>} : memref<80x256xf32, #tpu.memory_space<vmem>>, vector<1x16xf32>,
      %get3A_363 = arith.index_cast %scan3A_268 : i32 to index
      %get3A_364 = arith.constant 64 : index
      %get3A_365 = tpu.vector_load %arg15[%get3A_363, %get3A_364] {strides = array<i32>} : memref<80x128xf32, #tpu.memory_space<vmem>>, vector<1x16xf32>,
      %get3A_366 = vector.shape_cast %get3A_365 : vector<1x16xf32> to vector<16xf32>
      %get3A_367 = arith.index_cast %scan3A_268 : i32 to index
      %get3A_368 = arith.constant 192 : index
      %get3A_369 = tpu.vector_load %arg13[%get3A_367, %get3A_368] {strides = array<i32>} : memref<80x256xf32, #tpu.memory_space<vmem>>, vector<1x16xf32>,
      %get3A_370 = vector.shape_cast %get3A_369 : vector<1x16xf32> to vector<16xf32>
      %add3A_371 = arith.addf %get3A_366, %get3A_370 : vector<16xf32>
      %swap3A_372 = arith.index_cast %scan3A_268 : i32 to index
      %swap3A_373 = arith.constant 64 : index
      %swap3A_374 = tpu.vector_load %arg11[%swap3A_372, %swap3A_373] {strides = array<i32>} : memref<80x256xf32, #tpu.memory_space<vmem>>, vector<1x16xf32>,
      %swap3A_375 = vector.shape_cast %swap3A_374 : vector<1x16xf32> to vector<16xf32>
      %swap3A_376 = vector.shape_cast %add3A_371 : vector<16xf32> to vector<1x16xf32>
      tpu.vector_store %arg11[%swap3A_372, %swap3A_373], %swap3A_376 {add = true, strides = array<i32>} : memref<80x256xf32, #tpu.memory_space<vmem>>, vector<1x16xf32>,
      %get3A_377 = arith.index_cast %scan3A_268 : i32 to index
      %get3A_378 = arith.constant 192 : index
      %get3A_379 = tpu.vector_load %arg11[%get3A_377, %get3A_378] {strides = array<i32>} : memref<80x256xf32, #tpu.memory_space<vmem>>, vector<1x16xf32>,
      %get3A_380 = vector.shape_cast %get3A_379 : vector<1x16xf32> to vector<16xf32>
      %add3A_381 = arith.addf %get3A_366, %get3A_380 : vector<16xf32>
      %swap3A_382 = arith.index_cast %scan3A_268 : i32 to index
      %swap3A_383 = arith.constant 64 : index
      %swap3A_384 = tpu.vector_load %arg13[%swap3A_382, %swap3A_383] {strides = array<i32>} : memref<80x256xf32, #tpu.memory_space<vmem>>, vector<1x16xf32>,
      %swap3A_385 = vector.shape_cast %swap3A_384 : vector<1x16xf32> to vector<16xf32>
      %swap3A_386 = vector.shape_cast %add3A_381 : vector<16xf32> to vector<1x16xf32>
      tpu.vector_store %arg13[%swap3A_382, %swap3A_383], %swap3A_386 {add = true, strides = array<i32>} : memref<80x256xf32, #tpu.memory_space<vmem>>, vector<1x16xf32>,
      %get3A_387 = arith.index_cast %scan3A_268 : i32 to index
      %get3A_388 = arith.constant 80 : index
      %get3A_389 = tpu.vector_load %arg15[%get3A_387, %get3A_388] {strides = array<i32>} : memref<80x128xf32, #tpu.memory_space<vmem>>, vector<1x16xf32>,
      %get3A_390 = vector.shape_cast %get3A_389 : vector<1x16xf32> to vector<16xf32>
      %get3A_391 = arith.index_cast %scan3A_268 : i32 to index
      %get3A_392 = arith.constant 208 : index
      %get3A_393 = tpu.vector_load %arg13[%get3A_391, %get3A_392] {strides = array<i32>} : memref<80x256xf32, #tpu.memory_space<vmem>>, vector<1x16xf32>,
      %get3A_394 = vector.shape_cast %get3A_393 : vector<1x16xf32> to vector<16xf32>
      %add3A_395 = arith.addf %get3A_390, %get3A_394 : vector<16xf32>
      %swap3A_396 = arith.index_cast %scan3A_268 : i32 to index
      %swap3A_397 = arith.constant 80 : index
      %swap3A_398 = tpu.vector_load %arg11[%swap3A_396, %swap3A_397] {strides = array<i32>} : memref<80x256xf32, #tpu.memory_space<vmem>>, vector<1x16xf32>,
      %swap3A_399 = vector.shape_cast %swap3A_398 : vector<1x16xf32> to vector<16xf32>
      %swap3A_400 = vector.shape_cast %add3A_395 : vector<16xf32> to vector<1x16xf32>
      tpu.vector_store %arg11[%swap3A_396, %swap3A_397], %swap3A_400 {add = true, strides = array<i32>} : memref<80x256xf32, #tpu.memory_space<vmem>>, vector<1x16xf32>,
      %get3A_401 = arith.index_cast %scan3A_268 : i32 to index
      %get3A_402 = arith.constant 208 : index
      %get3A_403 = tpu.vector_load %arg11[%get3A_401, %get3A_402] {strides = array<i32>} : memref<80x256xf32, #tpu.memory_space<vmem>>, vector<1x16xf32>,
      %get3A_404 = vector.shape_cast %get3A_403 : vector<1x16xf32> to vector<16xf32>
      %add3A_405 = arith.addf %get3A_390, %get3A_404 : vector<16xf32>
      %swap3A_406 = arith.index_cast %scan3A_268 : i32 to index
      %swap3A_407 = arith.constant 80 : index
      %swap3A_408 = tpu.vector_load %arg13[%swap3A_406, %swap3A_407] {strides = array<i32>} : memref<80x256xf32, #tpu.memory_space<vmem>>, vector<1x16xf32>,
      %swap3A_409 = vector.shape_cast %swap3A_408 : vector<1x16xf32> to vector<16xf32>
      %swap3A_410 = vector.shape_cast %add3A_405 : vector<16xf32> to vector<1x16xf32>
      tpu.vector_store %arg13[%swap3A_406, %swap3A_407], %swap3A_410 {add = true, strides = array<i32>} : memref<80x256xf32, #tpu.memory_space<vmem>>, vector<1x16xf32>,
      %get3A_411 = arith.index_cast %scan3A_268 : i32 to index
      %get3A_412 = arith.constant 96 : index
      %get3A_413 = tpu.vector_load %arg15[%get3A_411, %get3A_412] {strides = array<i32>} : memref<80x128xf32, #tpu.memory_space<vmem>>, vector<1x16xf32>,
      %get3A_414 = vector.shape_cast %get3A_413 : vector<1x16xf32> to vector<16xf32>
      %get3A_415 = arith.index_cast %scan3A_268 : i32 to index
      %get3A_416 = arith.constant 224 : index
      %get3A_417 = tpu.vector_load %arg13[%get3A_415, %get3A_416] {strides = array<i32>} : memref<80x256xf32, #tpu.memory_space<vmem>>, vector<1x16xf32>,
      %get3A_418 = vector.shape_cast %get3A_417 : vector<1x16xf32> to vector<16xf32>
      %add3A_419 = arith.addf %get3A_414, %get3A_418 : vector<16xf32>
      %swap3A_420 = arith.index_cast %scan3A_268 : i32 to index
      %swap3A_421 = arith.constant 96 : index
      %swap3A_422 = tpu.vector_load %arg11[%swap3A_420, %swap3A_421] {strides = array<i32>} : memref<80x256xf32, #tpu.memory_space<vmem>>, vector<1x16xf32>,
      %swap3A_423 = vector.shape_cast %swap3A_422 : vector<1x16xf32> to vector<16xf32>
      %swap3A_424 = vector.shape_cast %add3A_419 : vector<16xf32> to vector<1x16xf32>
      tpu.vector_store %arg11[%swap3A_420, %swap3A_421], %swap3A_424 {add = true, strides = array<i32>} : memref<80x256xf32, #tpu.memory_space<vmem>>, vector<1x16xf32>,
      %get3A_425 = arith.index_cast %scan3A_268 : i32 to index
      %get3A_426 = arith.constant 224 : index
      %get3A_427 = tpu.vector_load %arg11[%get3A_425, %get3A_426] {strides = array<i32>} : memref<80x256xf32, #tpu.memory_space<vmem>>, vector<1x16xf32>,
      %get3A_428 = vector.shape_cast %get3A_427 : vector<1x16xf32> to vector<16xf32>
      %add3A_429 = arith.addf %get3A_414, %get3A_428 : vector<16xf32>
      %swap3A_430 = arith.index_cast %scan3A_268 : i32 to index
      %swap3A_431 = arith.constant 96 : index
      %swap3A_432 = tpu.vector_load %arg13[%swap3A_430, %swap3A_431] {strides = array<i32>} : memref<80x256xf32, #tpu.memory_space<vmem>>, vector<1x16xf32>,
      %swap3A_433 = vector.shape_cast %swap3A_432 : vector<1x16xf32> to vector<16xf32>
      %swap3A_434 = vector.shape_cast %add3A_429 : vector<16xf32> to vector<1x16xf32>
      tpu.vector_store %arg13[%swap3A_430, %swap3A_431], %swap3A_434 {add = true, strides = array<i32>} : memref<80x256xf32, #tpu.memory_space<vmem>>, vector<1x16xf32>,
      %get3A_435 = arith.index_cast %scan3A_268 : i32 to index
      %get3A_436 = arith.constant 112 : index
      %get3A_437 = tpu.vector_load %arg15[%get3A_435, %get3A_436] {strides = array<i32>} : memref<80x128xf32, #tpu.memory_space<vmem>>, vector<1x16xf32>,
      %get3A_438 = vector.shape_cast %get3A_437 : vector<1x16xf32> to vector<16xf32>
      %get3A_439 = arith.index_cast %scan3A_268 : i32 to index
      %get3A_440 = arith.constant 240 : index
      %get3A_441 = tpu.vector_load %arg13[%get3A_439, %get3A_440] {strides = array<i32>} : memref<80x256xf32, #tpu.memory_space<vmem>>, vector<1x16xf32>,
      %get3A_442 = vector.shape_cast %get3A_441 : vector<1x16xf32> to vector<16xf32>
      %add3A_443 = arith.addf %get3A_438, %get3A_442 : vector<16xf32>
      %swap3A_444 = arith.index_cast %scan3A_268 : i32 to index
      %swap3A_445 = arith.constant 112 : index
      %swap3A_446 = tpu.vector_load %arg11[%swap3A_444, %swap3A_445] {strides = array<i32>} : memref<80x256xf32, #tpu.memory_space<vmem>>, vector<1x16xf32>,
      %swap3A_447 = vector.shape_cast %swap3A_446 : vector<1x16xf32> to vector<16xf32>
      %swap3A_448 = vector.shape_cast %add3A_443 : vector<16xf32> to vector<1x16xf32>
      tpu.vector_store %arg11[%swap3A_444, %swap3A_445], %swap3A_448 {add = true, strides = array<i32>} : memref<80x256xf32, #tpu.memory_space<vmem>>, vector<1x16xf32>,
      %get3A_449 = arith.index_cast %scan3A_268 : i32 to index
      %get3A_450 = arith.constant 240 : index
      %get3A_451 = tpu.vector_load %arg11[%get3A_449, %get3A_450] {strides = array<i32>} : memref<80x256xf32, #tpu.memory_space<vmem>>, vector<1x16xf32>,
      %get3A_452 = vector.shape_cast %get3A_451 : vector<1x16xf32> to vector<16xf32>
      %add3A_453 = arith.addf %get3A_438, %get3A_452 : vector<16xf32>
      %swap3A_454 = arith.index_cast %scan3A_268 : i32 to index
      %swap3A_455 = arith.constant 112 : index
      %swap3A_456 = tpu.vector_load %arg13[%swap3A_454, %swap3A_455] {strides = array<i32>} : memref<80x256xf32, #tpu.memory_space<vmem>>, vector<1x16xf32>,
      %swap3A_457 = vector.shape_cast %swap3A_456 : vector<1x16xf32> to vector<16xf32>
      %swap3A_458 = vector.shape_cast %add3A_453 : vector<16xf32> to vector<1x16xf32>
      tpu.vector_store %arg13[%swap3A_454, %swap3A_455], %swap3A_458 {add = true, strides = array<i32>} : memref<80x256xf32, #tpu.memory_space<vmem>>, vector<1x16xf32>,
    }
    %scan3A_143 = arith.constant 80 : i32
    %mul3A_144 = arith.constant 10000 : i32
    %mul3A_145 = arith.muli %add3A, %mul3A_144 : i32
    %add3A_146 = arith.constant 80 : i32
    %add3A_147 = arith.addi %mul3A_145, %add3A_146 : i32
    %dma_start3A_148 = arith.constant 0 : i32
    %dma_start3A_149 = arith.constant 0 : i32
    %dma_start3A_150 = tpu.memref_slice %arg11[%dma_start3A_148, %dma_start3A_149] : memref<80x256xf32, #tpu.memory_space<vmem>> -> memref<80x128xf32, #tpu.memory_space<vmem>>
    %dma_start3A_151 = arith.constant 0 : i32
    %dma_start3A_152 = tpu.memref_slice %arg6[%add3A_147, %dma_start3A_151] : memref<320000x128xf32, #tpu.memory_space<hbm>> -> memref<80x128xf32, #tpu.memory_space<hbm>>
    %dma_start3A_153 = arith.constant 0 : i32
    %dma_start3A_154 = tpu.memref_slice %arg6[%add3A_147, %dma_start3A_153] : memref<320000x128xf32, #tpu.memory_space<hbm>> -> memref<80x128xf32, #tpu.memory_space<hbm>>
    %dma_start3A_155 = arith.constant 0 : i32
    %dma_start3A_156 = arith.constant 0 : i32
    %dma_start3A_157 = tpu.memref_slice %arg11[%dma_start3A_155, %dma_start3A_156] : memref<80x256xf32, #tpu.memory_space<vmem>> -> memref<80x128xf32, #tpu.memory_space<vmem>>
    tpu.enqueue_dma source(%dma_start3A_157 : memref<80x128xf32, #tpu.memory_space<vmem>>) target(%dma_start3A_154 : memref<80x128xf32, #tpu.memory_space<hbm>>) target_semaphore(%arg19 : memref<!tpu.dma_semaphore, #tpu.memory_space<semaphore_mem>>)
    %dma_start3A_158 = arith.constant 0 : i32
    %dma_start3A_159 = arith.constant 0 : i32
    %dma_start3A_160 = tpu.memref_slice %arg13[%dma_start3A_158, %dma_start3A_159] : memref<80x256xf32, #tpu.memory_space<vmem>> -> memref<80x128xf32, #tpu.memory_space<vmem>>
    %dma_start3A_161 = arith.constant 0 : i32
    %dma_start3A_162 = tpu.memref_slice %arg7[%add3A_147, %dma_start3A_161] : memref<320000x128xf32, #tpu.memory_space<hbm>> -> memref<80x128xf32, #tpu.memory_space<hbm>>
    %dma_start3A_163 = arith.constant 0 : i32
    %dma_start3A_164 = tpu.memref_slice %arg7[%add3A_147, %dma_start3A_163] : memref<320000x128xf32, #tpu.memory_space<hbm>> -> memref<80x128xf32, #tpu.memory_space<hbm>>
    %dma_start3A_165 = arith.constant 0 : i32
    %dma_start3A_166 = arith.constant 0 : i32
    %dma_start3A_167 = tpu.memref_slice %arg13[%dma_start3A_165, %dma_start3A_166] : memref<80x256xf32, #tpu.memory_space<vmem>> -> memref<80x128xf32, #tpu.memory_space<vmem>>
    tpu.enqueue_dma source(%dma_start3A_167 : memref<80x128xf32, #tpu.memory_space<vmem>>) target(%dma_start3A_164 : memref<80x128xf32, #tpu.memory_space<hbm>>) target_semaphore(%arg19 : memref<!tpu.dma_semaphore, #tpu.memory_space<semaphore_mem>>)
    %scan3A_168 = arith.constant 0 : i32
    %scan3A_169 = arith.constant 0 : i32
    %scan3A_170 = arith.constant 61 : i32
    %scan3A_171 = arith.addi %scan3A_169, %scan3A_170 : i32
    %scan3A_172 = arith.constant 1 : i32
    scf.for %scan3A_268 = %scan3A_169 to %scan3A_171 step %scan3A_172  : i32 {
      %mul3A_269 = arith.constant 2 : i32
      %mul3A_270 = arith.muli %mul3A_269, %scan3A_268 : i32
      %add3A_271 = arith.constant 2 : i32
      %add3A_272 = arith.addi %mul3A_270, %add3A_271 : i32
      %dma_wait3A_273 = arith.constant 0 : i32
      %dma_wait3A_274 = arith.constant 0 : i32
      %dma_wait3A_275 = tpu.memref_slice %arg11[%dma_wait3A_273, %dma_wait3A_274] : memref<80x256xf32, #tpu.memory_space<vmem>> -> memref<80x128xf32, #tpu.memory_space<vmem>>
      %dma_wait3A_276 = arith.constant 0 : i32
      %dma_wait3A_277 = arith.constant 0 : i32
      %dma_wait3A_278 = tpu.memref_slice %arg6[%dma_wait3A_276, %dma_wait3A_277] : memref<320000x128xf32, #tpu.memory_space<hbm>> -> memref<80x128xf32, #tpu.memory_space<hbm>>
      %dma_wait3A_279 = arith.constant 0 : i32
      %dma_wait3A_280 = arith.constant 0 : i32
      %dma_wait3A_281 = tpu.memref_slice %arg6[%dma_wait3A_279, %dma_wait3A_280] : memref<320000x128xf32, #tpu.memory_space<hbm>> -> memref<80x128xf32, #tpu.memory_space<hbm>>
      %dma_wait3A_282 = arith.constant 0 : i32
      %dma_wait3A_283 = arith.constant 0 : i32
      %dma_wait3A_284 = tpu.memref_slice %arg11[%dma_wait3A_282, %dma_wait3A_283] : memref<80x256xf32, #tpu.memory_space<vmem>> -> memref<80x128xf32, #tpu.memory_space<vmem>>
      tpu.wait_dma2 semaphore(%arg19 : memref<!tpu.dma_semaphore, #tpu.memory_space<semaphore_mem>>) src(%dma_wait3A_284 : memref<80x128xf32, #tpu.memory_space<vmem>>) dst(%dma_wait3A_281 : memref<80x128xf32, #tpu.memory_space<hbm>>)
      %dma_wait3A_285 = arith.constant 0 : i32
      %dma_wait3A_286 = arith.constant 0 : i32
      %dma_wait3A_287 = tpu.memref_slice %arg13[%dma_wait3A_285, %dma_wait3A_286] : memref<80x256xf32, #tpu.memory_space<vmem>> -> memref<80x128xf32, #tpu.memory_space<vmem>>
      %dma_wait3A_288 = arith.constant 0 : i32
      %dma_wait3A_289 = arith.constant 0 : i32
      %dma_wait3A_290 = tpu.memref_slice %arg7[%dma_wait3A_288, %dma_wait3A_289] : memref<320000x128xf32, #tpu.memory_space<hbm>> -> memref<80x128xf32, #tpu.memory_space<hbm>>
      %dma_wait3A_291 = arith.constant 0 : i32
      %dma_wait3A_292 = arith.constant 0 : i32
      %dma_wait3A_293 = tpu.memref_slice %arg7[%dma_wait3A_291, %dma_wait3A_292] : memref<320000x128xf32, #tpu.memory_space<hbm>> -> memref<80x128xf32, #tpu.memory_space<hbm>>
      %dma_wait3A_294 = arith.constant 0 : i32
      %dma_wait3A_295 = arith.constant 0 : i32
      %dma_wait3A_296 = tpu.memref_slice %arg13[%dma_wait3A_294, %dma_wait3A_295] : memref<80x256xf32, #tpu.memory_space<vmem>> -> memref<80x128xf32, #tpu.memory_space<vmem>>
      tpu.wait_dma2 semaphore(%arg19 : memref<!tpu.dma_semaphore, #tpu.memory_space<semaphore_mem>>) src(%dma_wait3A_296 : memref<80x128xf32, #tpu.memory_space<vmem>>) dst(%dma_wait3A_293 : memref<80x128xf32, #tpu.memory_space<hbm>>)
      %add3A_297 = arith.constant 1 : i32
      %add3A_298 = arith.addi %add3A_272, %add3A_297 : i32
      %mul3A_299 = arith.constant 10000 : i32
      %mul3A_300 = arith.muli %add3A, %mul3A_299 : i32
      %mul3A_301 = arith.constant 80 : i32
      %mul3A_302 = arith.muli %add3A_298, %mul3A_301 : i32
      %add3A_303 = arith.addi %mul3A_300, %mul3A_302 : i32
      %dma_start3A_304 = arith.constant 0 : i32
      %dma_start3A_305 = tpu.memref_slice %arg4[%add3A_303, %dma_start3A_304] : memref<320000x128xf32, #tpu.memory_space<hbm>> -> memref<80x128xf32, #tpu.memory_space<hbm>>
      %dma_start3A_306 = arith.constant 0 : i32
      %dma_start3A_307 = tpu.memref_slice %arg4[%add3A_303, %dma_start3A_306] : memref<320000x128xf32, #tpu.memory_space<hbm>> -> memref<80x128xf32, #tpu.memory_space<hbm>>
      tpu.enqueue_dma source(%dma_start3A_307 : memref<80x128xf32, #tpu.memory_space<hbm>>) target(%arg15 : memref<80x128xf32, #tpu.memory_space<vmem>>) target_semaphore(%arg17 : memref<!tpu.dma_semaphore, #tpu.memory_space<semaphore_mem>>)
      %mul3A_308 = arith.constant 80 : i32
      %mul3A_309 = arith.muli %add3A_298, %mul3A_308 : i32
      %dma_start3A_310 = tpu.memref_slice %arg8[%mul3A_309] : memref<10000xi32, #tpu.memory_space<vmem>> -> memref<80xi32, #tpu.memory_space<vmem>>
      %dma_start3A_311 = arith.constant 0 : i32
      %dma_start3A_312 = arith.constant 0 : i32
      %dma_start3A_313 = tpu.memref_slice %arg5[%dma_start3A_311, %dma_start3A_312] : memref<10000x256xf32, #tpu.memory_space<hbm>> -> memref<10000x256xf32, #tpu.memory_space<hbm>>
      tpu.enqueue_indirect_dma source(%dma_start3A_313 : memref<10000x256xf32, #tpu.memory_space<hbm>>) target(%arg11 : memref<80x256xf32, #tpu.memory_space<vmem>>) offsets(%dma_start3A_310 : memref<80xi32, #tpu.memory_space<vmem>>) semaphore(%arg17 : memref<!tpu.dma_semaphore, #tpu.memory_space<semaphore_mem>>)
      %mul3A_314 = arith.constant 80 : i32
      %mul3A_315 = arith.muli %add3A_298, %mul3A_314 : i32
      %dma_start3A_316 = tpu.memref_slice %arg9[%mul3A_315] : memref<10000xi32, #tpu.memory_space<vmem>> -> memref<80xi32, #tpu.memory_space<vmem>>
      %dma_start3A_317 = arith.constant 0 : i32
      %dma_start3A_318 = arith.constant 0 : i32
      %dma_start3A_319 = tpu.memref_slice %arg5[%dma_start3A_317, %dma_start3A_318] : memref<10000x256xf32, #tpu.memory_space<hbm>> -> memref<10000x256xf32, #tpu.memory_space<hbm>>
      tpu.enqueue_indirect_dma source(%dma_start3A_319 : memref<10000x256xf32, #tpu.memory_space<hbm>>) target(%arg13 : memref<80x256xf32, #tpu.memory_space<vmem>>) offsets(%dma_start3A_316 : memref<80xi32, #tpu.memory_space<vmem>>) semaphore(%arg17 : memref<!tpu.dma_semaphore, #tpu.memory_space<semaphore_mem>>)
      %dma_wait3A_320 = arith.constant 0 : i32
      %dma_wait3A_321 = arith.constant 0 : i32
      %dma_wait3A_322 = tpu.memref_slice %arg4[%dma_wait3A_320, %dma_wait3A_321] : memref<320000x128xf32, #tpu.memory_space<hbm>> -> memref<80x128xf32, #tpu.memory_space<hbm>>
      %dma_wait3A_323 = arith.constant 0 : i32
      %dma_wait3A_324 = arith.constant 0 : i32
      %dma_wait3A_325 = tpu.memref_slice %arg4[%dma_wait3A_323, %dma_wait3A_324] : memref<320000x128xf32, #tpu.memory_space<hbm>> -> memref<80x128xf32, #tpu.memory_space<hbm>>
      tpu.wait_dma2 semaphore(%arg16 : memref<!tpu.dma_semaphore, #tpu.memory_space<semaphore_mem>>) src(%dma_wait3A_325 : memref<80x128xf32, #tpu.memory_space<hbm>>) dst(%arg14 : memref<80x128xf32, #tpu.memory_space<vmem>>)
      %dma_wait3A_326 = arith.constant 0 : i32
      %dma_wait3A_327 = tpu.memref_slice %arg8[%dma_wait3A_326] : memref<10000xi32, #tpu.memory_space<vmem>> -> memref<80xi32, #tpu.memory_space<vmem>>
      %dma_wait3A_328 = arith.constant 0 : i32
      %dma_wait3A_329 = arith.constant 0 : i32
      %dma_wait3A_330 = tpu.memref_slice %arg5[%dma_wait3A_328, %dma_wait3A_329] : memref<10000x256xf32, #tpu.memory_space<hbm>> -> memref<10000x256xf32, #tpu.memory_space<hbm>>
      tpu.wait_indirect_dma semaphore(%arg16 : memref<!tpu.dma_semaphore, #tpu.memory_space<semaphore_mem>>) src(%dma_wait3A_330 : memref<10000x256xf32, #tpu.memory_space<hbm>>) dst(%arg10 : memref<80x256xf32, #tpu.memory_space<vmem>>)
      %dma_wait3A_331 = arith.constant 0 : i32
      %dma_wait3A_332 = tpu.memref_slice %arg9[%dma_wait3A_331] : memref<10000xi32, #tpu.memory_space<vmem>> -> memref<80xi32, #tpu.memory_space<vmem>>
      %dma_wait3A_333 = arith.constant 0 : i32
      %dma_wait3A_334 = arith.constant 0 : i32
      %dma_wait3A_335 = tpu.memref_slice %arg5[%dma_wait3A_333, %dma_wait3A_334] : memref<10000x256xf32, #tpu.memory_space<hbm>> -> memref<10000x256xf32, #tpu.memory_space<hbm>>
      tpu.wait_indirect_dma semaphore(%arg16 : memref<!tpu.dma_semaphore, #tpu.memory_space<semaphore_mem>>) src(%dma_wait3A_335 : memref<10000x256xf32, #tpu.memory_space<hbm>>) dst(%arg12 : memref<80x256xf32, #tpu.memory_space<vmem>>)
      %scan3A_336 = arith.constant 0 : i32
      %scan3A_337 = arith.constant 0 : i32
      %scan3A_338 = arith.constant 80 : i32
      %scan3A_339 = arith.addi %scan3A_337, %scan3A_338 : i32
      %scan3A_340 = arith.constant 1 : i32
      scf.for %scan3A_463 = %scan3A_337 to %scan3A_339 step %scan3A_340  : i32 {
        %get3A = arith.index_cast %scan3A_463 : i32 to index
        %get3A_464 = arith.constant 0 : index
        %get3A_465 = tpu.vector_load %arg14[%get3A, %get3A_464] {strides = array<i32>} : memref<80x128xf32, #tpu.memory_space<vmem>>, vector<1x16xf32>,
        %get3A_466 = vector.shape_cast %get3A_465 : vector<1x16xf32> to vector<16xf32>
        %get3A_467 = arith.index_cast %scan3A_463 : i32 to index
        %get3A_468 = arith.constant 128 : index
        %get3A_469 = tpu.vector_load %arg12[%get3A_467, %get3A_468] {strides = array<i32>} : memref<80x256xf32, #tpu.memory_space<vmem>>, vector<1x16xf32>,
        %get3A_470 = vector.shape_cast %get3A_469 : vector<1x16xf32> to vector<16xf32>
        %add3A_471 = arith.addf %get3A_466, %get3A_470 : vector<16xf32>
        %swap3A = arith.index_cast %scan3A_463 : i32 to index
        %swap3A_472 = arith.constant 0 : index
        %swap3A_473 = tpu.vector_load %arg10[%swap3A, %swap3A_472] {strides = array<i32>} : memref<80x256xf32, #tpu.memory_space<vmem>>, vector<1x16xf32>,
        %swap3A_474 = vector.shape_cast %swap3A_473 : vector<1x16xf32> to vector<16xf32>
        %swap3A_475 = vector.shape_cast %add3A_471 : vector<16xf32> to vector<1x16xf32>
        tpu.vector_store %arg10[%swap3A, %swap3A_472], %swap3A_475 {add = true, strides = array<i32>} : memref<80x256xf32, #tpu.memory_space<vmem>>, vector<1x16xf32>,
        %get3A_476 = arith.index_cast %scan3A_463 : i32 to index
        %get3A_477 = arith.constant 128 : index
        %get3A_478 = tpu.vector_load %arg10[%get3A_476, %get3A_477] {strides = array<i32>} : memref<80x256xf32, #tpu.memory_space<vmem>>, vector<1x16xf32>,
        %get3A_479 = vector.shape_cast %get3A_478 : vector<1x16xf32> to vector<16xf32>
        %add3A_480 = arith.addf %get3A_466, %get3A_479 : vector<16xf32>
        %swap3A_481 = arith.index_cast %scan3A_463 : i32 to index
        %swap3A_482 = arith.constant 0 : index
        %swap3A_483 = tpu.vector_load %arg12[%swap3A_481, %swap3A_482] {strides = array<i32>} : memref<80x256xf32, #tpu.memory_space<vmem>>, vector<1x16xf32>,
        %swap3A_484 = vector.shape_cast %swap3A_483 : vector<1x16xf32> to vector<16xf32>
        %swap3A_485 = vector.shape_cast %add3A_480 : vector<16xf32> to vector<1x16xf32>
        tpu.vector_store %arg12[%swap3A_481, %swap3A_482], %swap3A_485 {add = true, strides = array<i32>} : memref<80x256xf32, #tpu.memory_space<vmem>>, vector<1x16xf32>,
        %get3A_486 = arith.index_cast %scan3A_463 : i32 to index
        %get3A_487 = arith.constant 16 : index
        %get3A_488 = tpu.vector_load %arg14[%get3A_486, %get3A_487] {strides = array<i32>} : memref<80x128xf32, #tpu.memory_space<vmem>>, vector<1x16xf32>,
        %get3A_489 = vector.shape_cast %get3A_488 : vector<1x16xf32> to vector<16xf32>
        %get3A_490 = arith.index_cast %scan3A_463 : i32 to index
        %get3A_491 = arith.constant 144 : index
        %get3A_492 = tpu.vector_load %arg12[%get3A_490, %get3A_491] {strides = array<i32>} : memref<80x256xf32, #tpu.memory_space<vmem>>, vector<1x16xf32>,
        %get3A_493 = vector.shape_cast %get3A_492 : vector<1x16xf32> to vector<16xf32>
        %add3A_494 = arith.addf %get3A_489, %get3A_493 : vector<16xf32>
        %swap3A_495 = arith.index_cast %scan3A_463 : i32 to index
        %swap3A_496 = arith.constant 16 : index
        %swap3A_497 = tpu.vector_load %arg10[%swap3A_495, %swap3A_496] {strides = array<i32>} : memref<80x256xf32, #tpu.memory_space<vmem>>, vector<1x16xf32>,
        %swap3A_498 = vector.shape_cast %swap3A_497 : vector<1x16xf32> to vector<16xf32>
        %swap3A_499 = vector.shape_cast %add3A_494 : vector<16xf32> to vector<1x16xf32>
        tpu.vector_store %arg10[%swap3A_495, %swap3A_496], %swap3A_499 {add = true, strides = array<i32>} : memref<80x256xf32, #tpu.memory_space<vmem>>, vector<1x16xf32>,
        %get3A_500 = arith.index_cast %scan3A_463 : i32 to index
        %get3A_501 = arith.constant 144 : index
        %get3A_502 = tpu.vector_load %arg10[%get3A_500, %get3A_501] {strides = array<i32>} : memref<80x256xf32, #tpu.memory_space<vmem>>, vector<1x16xf32>,
        %get3A_503 = vector.shape_cast %get3A_502 : vector<1x16xf32> to vector<16xf32>
        %add3A_504 = arith.addf %get3A_489, %get3A_503 : vector<16xf32>
        %swap3A_505 = arith.index_cast %scan3A_463 : i32 to index
        %swap3A_506 = arith.constant 16 : index
        %swap3A_507 = tpu.vector_load %arg12[%swap3A_505, %swap3A_506] {strides = array<i32>} : memref<80x256xf32, #tpu.memory_space<vmem>>, vector<1x16xf32>,
        %swap3A_508 = vector.shape_cast %swap3A_507 : vector<1x16xf32> to vector<16xf32>
        %swap3A_509 = vector.shape_cast %add3A_504 : vector<16xf32> to vector<1x16xf32>
        tpu.vector_store %arg12[%swap3A_505, %swap3A_506], %swap3A_509 {add = true, strides = array<i32>} : memref<80x256xf32, #tpu.memory_space<vmem>>, vector<1x16xf32>,
        %get3A_510 = arith.index_cast %scan3A_463 : i32 to index
        %get3A_511 = arith.constant 32 : index
        %get3A_512 = tpu.vector_load %arg14[%get3A_510, %get3A_511] {strides = array<i32>} : memref<80x128xf32, #tpu.memory_space<vmem>>, vector<1x16xf32>,
        %get3A_513 = vector.shape_cast %get3A_512 : vector<1x16xf32> to vector<16xf32>
        %get3A_514 = arith.index_cast %scan3A_463 : i32 to index
        %get3A_515 = arith.constant 160 : index
        %get3A_516 = tpu.vector_load %arg12[%get3A_514, %get3A_515] {strides = array<i32>} : memref<80x256xf32, #tpu.memory_space<vmem>>, vector<1x16xf32>,
        %get3A_517 = vector.shape_cast %get3A_516 : vector<1x16xf32> to vector<16xf32>
        %add3A_518 = arith.addf %get3A_513, %get3A_517 : vector<16xf32>
        %swap3A_519 = arith.index_cast %scan3A_463 : i32 to index
        %swap3A_520 = arith.constant 32 : index
        %swap3A_521 = tpu.vector_load %arg10[%swap3A_519, %swap3A_520] {strides = array<i32>} : memref<80x256xf32, #tpu.memory_space<vmem>>, vector<1x16xf32>,
        %swap3A_522 = vector.shape_cast %swap3A_521 : vector<1x16xf32> to vector<16xf32>
        %swap3A_523 = vector.shape_cast %add3A_518 : vector<16xf32> to vector<1x16xf32>
        tpu.vector_store %arg10[%swap3A_519, %swap3A_520], %swap3A_523 {add = true, strides = array<i32>} : memref<80x256xf32, #tpu.memory_space<vmem>>, vector<1x16xf32>,
        %get3A_524 = arith.index_cast %scan3A_463 : i32 to index
        %get3A_525 = arith.constant 160 : index
        %get3A_526 = tpu.vector_load %arg10[%get3A_524, %get3A_525] {strides = array<i32>} : memref<80x256xf32, #tpu.memory_space<vmem>>, vector<1x16xf32>,
        %get3A_527 = vector.shape_cast %get3A_526 : vector<1x16xf32> to vector<16xf32>
        %add3A_528 = arith.addf %get3A_513, %get3A_527 : vector<16xf32>
        %swap3A_529 = arith.index_cast %scan3A_463 : i32 to index
        %swap3A_530 = arith.constant 32 : index
        %swap3A_531 = tpu.vector_load %arg12[%swap3A_529, %swap3A_530] {strides = array<i32>} : memref<80x256xf32, #tpu.memory_space<vmem>>, vector<1x16xf32>,
        %swap3A_532 = vector.shape_cast %swap3A_531 : vector<1x16xf32> to vector<16xf32>
        %swap3A_533 = vector.shape_cast %add3A_528 : vector<16xf32> to vector<1x16xf32>
        tpu.vector_store %arg12[%swap3A_529, %swap3A_530], %swap3A_533 {add = true, strides = array<i32>} : memref<80x256xf32, #tpu.memory_space<vmem>>, vector<1x16xf32>,
        %get3A_534 = arith.index_cast %scan3A_463 : i32 to index
        %get3A_535 = arith.constant 48 : index
        %get3A_536 = tpu.vector_load %arg14[%get3A_534, %get3A_535] {strides = array<i32>} : memref<80x128xf32, #tpu.memory_space<vmem>>, vector<1x16xf32>,
        %get3A_537 = vector.shape_cast %get3A_536 : vector<1x16xf32> to vector<16xf32>
        %get3A_538 = arith.index_cast %scan3A_463 : i32 to index
        %get3A_539 = arith.constant 176 : index
        %get3A_540 = tpu.vector_load %arg12[%get3A_538, %get3A_539] {strides = array<i32>} : memref<80x256xf32, #tpu.memory_space<vmem>>, vector<1x16xf32>,
        %get3A_541 = vector.shape_cast %get3A_540 : vector<1x16xf32> to vector<16xf32>
        %add3A_542 = arith.addf %get3A_537, %get3A_541 : vector<16xf32>
        %swap3A_543 = arith.index_cast %scan3A_463 : i32 to index
        %swap3A_544 = arith.constant 48 : index
        %swap3A_545 = tpu.vector_load %arg10[%swap3A_543, %swap3A_544] {strides = array<i32>} : memref<80x256xf32, #tpu.memory_space<vmem>>, vector<1x16xf32>,
        %swap3A_546 = vector.shape_cast %swap3A_545 : vector<1x16xf32> to vector<16xf32>
        %swap3A_547 = vector.shape_cast %add3A_542 : vector<16xf32> to vector<1x16xf32>
        tpu.vector_store %arg10[%swap3A_543, %swap3A_544], %swap3A_547 {add = true, strides = array<i32>} : memref<80x256xf32, #tpu.memory_space<vmem>>, vector<1x16xf32>,
        %get3A_548 = arith.index_cast %scan3A_463 : i32 to index
        %get3A_549 = arith.constant 176 : index
        %get3A_550 = tpu.vector_load %arg10[%get3A_548, %get3A_549] {strides = array<i32>} : memref<80x256xf32, #tpu.memory_space<vmem>>, vector<1x16xf32>,
        %get3A_551 = vector.shape_cast %get3A_550 : vector<1x16xf32> to vector<16xf32>
        %add3A_552 = arith.addf %get3A_537, %get3A_551 : vector<16xf32>
        %swap3A_553 = arith.index_cast %scan3A_463 : i32 to index
        %swap3A_554 = arith.constant 48 : index
        %swap3A_555 = tpu.vector_load %arg12[%swap3A_553, %swap3A_554] {strides = array<i32>} : memref<80x256xf32, #tpu.memory_space<vmem>>, vector<1x16xf32>,
        %swap3A_556 = vector.shape_cast %swap3A_555 : vector<1x16xf32> to vector<16xf32>
        %swap3A_557 = vector.shape_cast %add3A_552 : vector<16xf32> to vector<1x16xf32>
        tpu.vector_store %arg12[%swap3A_553, %swap3A_554], %swap3A_557 {add = true, strides = array<i32>} : memref<80x256xf32, #tpu.memory_space<vmem>>, vector<1x16xf32>,
        %get3A_558 = arith.index_cast %scan3A_463 : i32 to index
        %get3A_559 = arith.constant 64 : index
        %get3A_560 = tpu.vector_load %arg14[%get3A_558, %get3A_559] {strides = array<i32>} : memref<80x128xf32, #tpu.memory_space<vmem>>, vector<1x16xf32>,
        %get3A_561 = vector.shape_cast %get3A_560 : vector<1x16xf32> to vector<16xf32>
        %get3A_562 = arith.index_cast %scan3A_463 : i32 to index
        %get3A_563 = arith.constant 192 : index
        %get3A_564 = tpu.vector_load %arg12[%get3A_562, %get3A_563] {strides = array<i32>} : memref<80x256xf32, #tpu.memory_space<vmem>>, vector<1x16xf32>,
        %get3A_565 = vector.shape_cast %get3A_564 : vector<1x16xf32> to vector<16xf32>
        %add3A_566 = arith.addf %get3A_561, %get3A_565 : vector<16xf32>
        %swap3A_567 = arith.index_cast %scan3A_463 : i32 to index
        %swap3A_568 = arith.constant 64 : index
        %swap3A_569 = tpu.vector_load %arg10[%swap3A_567, %swap3A_568] {strides = array<i32>} : memref<80x256xf32, #tpu.memory_space<vmem>>, vector<1x16xf32>,
        %swap3A_570 = vector.shape_cast %swap3A_569 : vector<1x16xf32> to vector<16xf32>
        %swap3A_571 = vector.shape_cast %add3A_566 : vector<16xf32> to vector<1x16xf32>
        tpu.vector_store %arg10[%swap3A_567, %swap3A_568], %swap3A_571 {add = true, strides = array<i32>} : memref<80x256xf32, #tpu.memory_space<vmem>>, vector<1x16xf32>,
        %get3A_572 = arith.index_cast %scan3A_463 : i32 to index
        %get3A_573 = arith.constant 192 : index
        %get3A_574 = tpu.vector_load %arg10[%get3A_572, %get3A_573] {strides = array<i32>} : memref<80x256xf32, #tpu.memory_space<vmem>>, vector<1x16xf32>,
        %get3A_575 = vector.shape_cast %get3A_574 : vector<1x16xf32> to vector<16xf32>
        %add3A_576 = arith.addf %get3A_561, %get3A_575 : vector<16xf32>
        %swap3A_577 = arith.index_cast %scan3A_463 : i32 to index
        %swap3A_578 = arith.constant 64 : index
        %swap3A_579 = tpu.vector_load %arg12[%swap3A_577, %swap3A_578] {strides = array<i32>} : memref<80x256xf32, #tpu.memory_space<vmem>>, vector<1x16xf32>,
        %swap3A_580 = vector.shape_cast %swap3A_579 : vector<1x16xf32> to vector<16xf32>
        %swap3A_581 = vector.shape_cast %add3A_576 : vector<16xf32> to vector<1x16xf32>
        tpu.vector_store %arg12[%swap3A_577, %swap3A_578], %swap3A_581 {add = true, strides = array<i32>} : memref<80x256xf32, #tpu.memory_space<vmem>>, vector<1x16xf32>,
        %get3A_582 = arith.index_cast %scan3A_463 : i32 to index
        %get3A_583 = arith.constant 80 : index
        %get3A_584 = tpu.vector_load %arg14[%get3A_582, %get3A_583] {strides = array<i32>} : memref<80x128xf32, #tpu.memory_space<vmem>>, vector<1x16xf32>,
        %get3A_585 = vector.shape_cast %get3A_584 : vector<1x16xf32> to vector<16xf32>
        %get3A_586 = arith.index_cast %scan3A_463 : i32 to index
        %get3A_587 = arith.constant 208 : index
        %get3A_588 = tpu.vector_load %arg12[%get3A_586, %get3A_587] {strides = array<i32>} : memref<80x256xf32, #tpu.memory_space<vmem>>, vector<1x16xf32>,
        %get3A_589 = vector.shape_cast %get3A_588 : vector<1x16xf32> to vector<16xf32>
        %add3A_590 = arith.addf %get3A_585, %get3A_589 : vector<16xf32>
        %swap3A_591 = arith.index_cast %scan3A_463 : i32 to index
        %swap3A_592 = arith.constant 80 : index
        %swap3A_593 = tpu.vector_load %arg10[%swap3A_591, %swap3A_592] {strides = array<i32>} : memref<80x256xf32, #tpu.memory_space<vmem>>, vector<1x16xf32>,
        %swap3A_594 = vector.shape_cast %swap3A_593 : vector<1x16xf32> to vector<16xf32>
        %swap3A_595 = vector.shape_cast %add3A_590 : vector<16xf32> to vector<1x16xf32>
        tpu.vector_store %arg10[%swap3A_591, %swap3A_592], %swap3A_595 {add = true, strides = array<i32>} : memref<80x256xf32, #tpu.memory_space<vmem>>, vector<1x16xf32>,
        %get3A_596 = arith.index_cast %scan3A_463 : i32 to index
        %get3A_597 = arith.constant 208 : index
        %get3A_598 = tpu.vector_load %arg10[%get3A_596, %get3A_597] {strides = array<i32>} : memref<80x256xf32, #tpu.memory_space<vmem>>, vector<1x16xf32>,
        %get3A_599 = vector.shape_cast %get3A_598 : vector<1x16xf32> to vector<16xf32>
        %add3A_600 = arith.addf %get3A_585, %get3A_599 : vector<16xf32>
        %swap3A_601 = arith.index_cast %scan3A_463 : i32 to index
        %swap3A_602 = arith.constant 80 : index
        %swap3A_603 = tpu.vector_load %arg12[%swap3A_601, %swap3A_602] {strides = array<i32>} : memref<80x256xf32, #tpu.memory_space<vmem>>, vector<1x16xf32>,
        %swap3A_604 = vector.shape_cast %swap3A_603 : vector<1x16xf32> to vector<16xf32>
        %swap3A_605 = vector.shape_cast %add3A_600 : vector<16xf32> to vector<1x16xf32>
        tpu.vector_store %arg12[%swap3A_601, %swap3A_602], %swap3A_605 {add = true, strides = array<i32>} : memref<80x256xf32, #tpu.memory_space<vmem>>, vector<1x16xf32>,
        %get3A_606 = arith.index_cast %scan3A_463 : i32 to index
        %get3A_607 = arith.constant 96 : index
        %get3A_608 = tpu.vector_load %arg14[%get3A_606, %get3A_607] {strides = array<i32>} : memref<80x128xf32, #tpu.memory_space<vmem>>, vector<1x16xf32>,
        %get3A_609 = vector.shape_cast %get3A_608 : vector<1x16xf32> to vector<16xf32>
        %get3A_610 = arith.index_cast %scan3A_463 : i32 to index
        %get3A_611 = arith.constant 224 : index
        %get3A_612 = tpu.vector_load %arg12[%get3A_610, %get3A_611] {strides = array<i32>} : memref<80x256xf32, #tpu.memory_space<vmem>>, vector<1x16xf32>,
        %get3A_613 = vector.shape_cast %get3A_612 : vector<1x16xf32> to vector<16xf32>
        %add3A_614 = arith.addf %get3A_609, %get3A_613 : vector<16xf32>
        %swap3A_615 = arith.index_cast %scan3A_463 : i32 to index
        %swap3A_616 = arith.constant 96 : index
        %swap3A_617 = tpu.vector_load %arg10[%swap3A_615, %swap3A_616] {strides = array<i32>} : memref<80x256xf32, #tpu.memory_space<vmem>>, vector<1x16xf32>,
        %swap3A_618 = vector.shape_cast %swap3A_617 : vector<1x16xf32> to vector<16xf32>
        %swap3A_619 = vector.shape_cast %add3A_614 : vector<16xf32> to vector<1x16xf32>
        tpu.vector_store %arg10[%swap3A_615, %swap3A_616], %swap3A_619 {add = true, strides = array<i32>} : memref<80x256xf32, #tpu.memory_space<vmem>>, vector<1x16xf32>,
        %get3A_620 = arith.index_cast %scan3A_463 : i32 to index
        %get3A_621 = arith.constant 224 : index
        %get3A_622 = tpu.vector_load %arg10[%get3A_620, %get3A_621] {strides = array<i32>} : memref<80x256xf32, #tpu.memory_space<vmem>>, vector<1x16xf32>,
        %get3A_623 = vector.shape_cast %get3A_622 : vector<1x16xf32> to vector<16xf32>
        %add3A_624 = arith.addf %get3A_609, %get3A_623 : vector<16xf32>
        %swap3A_625 = arith.index_cast %scan3A_463 : i32 to index
        %swap3A_626 = arith.constant 96 : index
        %swap3A_627 = tpu.vector_load %arg12[%swap3A_625, %swap3A_626] {strides = array<i32>} : memref<80x256xf32, #tpu.memory_space<vmem>>, vector<1x16xf32>,
        %swap3A_628 = vector.shape_cast %swap3A_627 : vector<1x16xf32> to vector<16xf32>
        %swap3A_629 = vector.shape_cast %add3A_624 : vector<16xf32> to vector<1x16xf32>
        tpu.vector_store %arg12[%swap3A_625, %swap3A_626], %swap3A_629 {add = true, strides = array<i32>} : memref<80x256xf32, #tpu.memory_space<vmem>>, vector<1x16xf32>,
        %get3A_630 = arith.index_cast %scan3A_463 : i32 to index
        %get3A_631 = arith.constant 112 : index
        %get3A_632 = tpu.vector_load %arg14[%get3A_630, %get3A_631] {strides = array<i32>} : memref<80x128xf32, #tpu.memory_space<vmem>>, vector<1x16xf32>,
        %get3A_633 = vector.shape_cast %get3A_632 : vector<1x16xf32> to vector<16xf32>
        %get3A_634 = arith.index_cast %scan3A_463 : i32 to index
        %get3A_635 = arith.constant 240 : index
        %get3A_636 = tpu.vector_load %arg12[%get3A_634, %get3A_635] {strides = array<i32>} : memref<80x256xf32, #tpu.memory_space<vmem>>, vector<1x16xf32>,
        %get3A_637 = vector.shape_cast %get3A_636 : vector<1x16xf32> to vector<16xf32>
        %add3A_638 = arith.addf %get3A_633, %get3A_637 : vector<16xf32>
        %swap3A_639 = arith.index_cast %scan3A_463 : i32 to index
        %swap3A_640 = arith.constant 112 : index
        %swap3A_641 = tpu.vector_load %arg10[%swap3A_639, %swap3A_640] {strides = array<i32>} : memref<80x256xf32, #tpu.memory_space<vmem>>, vector<1x16xf32>,
        %swap3A_642 = vector.shape_cast %swap3A_641 : vector<1x16xf32> to vector<16xf32>
        %swap3A_643 = vector.shape_cast %add3A_638 : vector<16xf32> to vector<1x16xf32>
        tpu.vector_store %arg10[%swap3A_639, %swap3A_640], %swap3A_643 {add = true, strides = array<i32>} : memref<80x256xf32, #tpu.memory_space<vmem>>, vector<1x16xf32>,
        %get3A_644 = arith.index_cast %scan3A_463 : i32 to index
        %get3A_645 = arith.constant 240 : index
        %get3A_646 = tpu.vector_load %arg10[%get3A_644, %get3A_645] {strides = array<i32>} : memref<80x256xf32, #tpu.memory_space<vmem>>, vector<1x16xf32>,
        %get3A_647 = vector.shape_cast %get3A_646 : vector<1x16xf32> to vector<16xf32>
        %add3A_648 = arith.addf %get3A_633, %get3A_647 : vector<16xf32>
        %swap3A_649 = arith.index_cast %scan3A_463 : i32 to index
        %swap3A_650 = arith.constant 112 : index
        %swap3A_651 = tpu.vector_load %arg12[%swap3A_649, %swap3A_650] {strides = array<i32>} : memref<80x256xf32, #tpu.memory_space<vmem>>, vector<1x16xf32>,
        %swap3A_652 = vector.shape_cast %swap3A_651 : vector<1x16xf32> to vector<16xf32>
        %swap3A_653 = vector.shape_cast %add3A_648 : vector<16xf32> to vector<1x16xf32>
        tpu.vector_store %arg12[%swap3A_649, %swap3A_650], %swap3A_653 {add = true, strides = array<i32>} : memref<80x256xf32, #tpu.memory_space<vmem>>, vector<1x16xf32>,
      }
      %scan3A_341 = arith.constant 80 : i32
      %mul3A_342 = arith.constant 10000 : i32
      %mul3A_343 = arith.muli %add3A, %mul3A_342 : i32
      %mul3A_344 = arith.constant 80 : i32
      %mul3A_345 = arith.muli %add3A_272, %mul3A_344 : i32
      %add3A_346 = arith.addi %mul3A_343, %mul3A_345 : i32
      %dma_start3A_347 = arith.constant 0 : i32
      %dma_start3A_348 = arith.constant 0 : i32
      %dma_start3A_349 = tpu.memref_slice %arg10[%dma_start3A_347, %dma_start3A_348] : memref<80x256xf32, #tpu.memory_space<vmem>> -> memref<80x128xf32, #tpu.memory_space<vmem>>
      %dma_start3A_350 = arith.constant 0 : i32
      %dma_start3A_351 = tpu.memref_slice %arg6[%add3A_346, %dma_start3A_350] : memref<320000x128xf32, #tpu.memory_space<hbm>> -> memref<80x128xf32, #tpu.memory_space<hbm>>
      %dma_start3A_352 = arith.constant 0 : i32
      %dma_start3A_353 = tpu.memref_slice %arg6[%add3A_346, %dma_start3A_352] : memref<320000x128xf32, #tpu.memory_space<hbm>> -> memref<80x128xf32, #tpu.memory_space<hbm>>
      %dma_start3A_354 = arith.constant 0 : i32
      %dma_start3A_355 = arith.constant 0 : i32
      %dma_start3A_356 = tpu.memref_slice %arg10[%dma_start3A_354, %dma_start3A_355] : memref<80x256xf32, #tpu.memory_space<vmem>> -> memref<80x128xf32, #tpu.memory_space<vmem>>
      tpu.enqueue_dma source(%dma_start3A_356 : memref<80x128xf32, #tpu.memory_space<vmem>>) target(%dma_start3A_353 : memref<80x128xf32, #tpu.memory_space<hbm>>) target_semaphore(%arg18 : memref<!tpu.dma_semaphore, #tpu.memory_space<semaphore_mem>>)
      %dma_start3A_357 = arith.constant 0 : i32
      %dma_start3A_358 = arith.constant 0 : i32
      %dma_start3A_359 = tpu.memref_slice %arg12[%dma_start3A_357, %dma_start3A_358] : memref<80x256xf32, #tpu.memory_space<vmem>> -> memref<80x128xf32, #tpu.memory_space<vmem>>
      %dma_start3A_360 = arith.constant 0 : i32
      %dma_start3A_361 = tpu.memref_slice %arg7[%add3A_346, %dma_start3A_360] : memref<320000x128xf32, #tpu.memory_space<hbm>> -> memref<80x128xf32, #tpu.memory_space<hbm>>
      %dma_start3A_362 = arith.constant 0 : i32
      %dma_start3A_363 = tpu.memref_slice %arg7[%add3A_346, %dma_start3A_362] : memref<320000x128xf32, #tpu.memory_space<hbm>> -> memref<80x128xf32, #tpu.memory_space<hbm>>
      %dma_start3A_364 = arith.constant 0 : i32
      %dma_start3A_365 = arith.constant 0 : i32
      %dma_start3A_366 = tpu.memref_slice %arg12[%dma_start3A_364, %dma_start3A_365] : memref<80x256xf32, #tpu.memory_space<vmem>> -> memref<80x128xf32, #tpu.memory_space<vmem>>
      tpu.enqueue_dma source(%dma_start3A_366 : memref<80x128xf32, #tpu.memory_space<vmem>>) target(%dma_start3A_363 : memref<80x128xf32, #tpu.memory_space<hbm>>) target_semaphore(%arg18 : memref<!tpu.dma_semaphore, #tpu.memory_space<semaphore_mem>>)
      %dma_wait3A_367 = arith.constant 0 : i32
      %dma_wait3A_368 = arith.constant 0 : i32
      %dma_wait3A_369 = tpu.memref_slice %arg10[%dma_wait3A_367, %dma_wait3A_368] : memref<80x256xf32, #tpu.memory_space<vmem>> -> memref<80x128xf32, #tpu.memory_space<vmem>>
      %dma_wait3A_370 = arith.constant 0 : i32
      %dma_wait3A_371 = arith.constant 0 : i32
      %dma_wait3A_372 = tpu.memref_slice %arg6[%dma_wait3A_370, %dma_wait3A_371] : memref<320000x128xf32, #tpu.memory_space<hbm>> -> memref<80x128xf32, #tpu.memory_space<hbm>>
      %dma_wait3A_373 = arith.constant 0 : i32
      %dma_wait3A_374 = arith.constant 0 : i32
      %dma_wait3A_375 = tpu.memref_slice %arg6[%dma_wait3A_373, %dma_wait3A_374] : memref<320000x128xf32, #tpu.memory_space<hbm>> -> memref<80x128xf32, #tpu.memory_space<hbm>>
      %dma_wait3A_376 = arith.constant 0 : i32
      %dma_wait3A_377 = arith.constant 0 : i32
      %dma_wait3A_378 = tpu.memref_slice %arg10[%dma_wait3A_376, %dma_wait3A_377] : memref<80x256xf32, #tpu.memory_space<vmem>> -> memref<80x128xf32, #tpu.memory_space<vmem>>
      tpu.wait_dma2 semaphore(%arg18 : memref<!tpu.dma_semaphore, #tpu.memory_space<semaphore_mem>>) src(%dma_wait3A_378 : memref<80x128xf32, #tpu.memory_space<vmem>>) dst(%dma_wait3A_375 : memref<80x128xf32, #tpu.memory_space<hbm>>)
      %dma_wait3A_379 = arith.constant 0 : i32
      %dma_wait3A_380 = arith.constant 0 : i32
      %dma_wait3A_381 = tpu.memref_slice %arg12[%dma_wait3A_379, %dma_wait3A_380] : memref<80x256xf32, #tpu.memory_space<vmem>> -> memref<80x128xf32, #tpu.memory_space<vmem>>
      %dma_wait3A_382 = arith.constant 0 : i32
      %dma_wait3A_383 = arith.constant 0 : i32
      %dma_wait3A_384 = tpu.memref_slice %arg7[%dma_wait3A_382, %dma_wait3A_383] : memref<320000x128xf32, #tpu.memory_space<hbm>> -> memref<80x128xf32, #tpu.memory_space<hbm>>
      %dma_wait3A_385 = arith.constant 0 : i32
      %dma_wait3A_386 = arith.constant 0 : i32
      %dma_wait3A_387 = tpu.memref_slice %arg7[%dma_wait3A_385, %dma_wait3A_386] : memref<320000x128xf32, #tpu.memory_space<hbm>> -> memref<80x128xf32, #tpu.memory_space<hbm>>
      %dma_wait3A_388 = arith.constant 0 : i32
      %dma_wait3A_389 = arith.constant 0 : i32
      %dma_wait3A_390 = tpu.memref_slice %arg12[%dma_wait3A_388, %dma_wait3A_389] : memref<80x256xf32, #tpu.memory_space<vmem>> -> memref<80x128xf32, #tpu.memory_space<vmem>>
      tpu.wait_dma2 semaphore(%arg18 : memref<!tpu.dma_semaphore, #tpu.memory_space<semaphore_mem>>) src(%dma_wait3A_390 : memref<80x128xf32, #tpu.memory_space<vmem>>) dst(%dma_wait3A_387 : memref<80x128xf32, #tpu.memory_space<hbm>>)
      %add3A_391 = arith.constant 2 : i32
      %add3A_392 = arith.addi %add3A_272, %add3A_391 : i32
      %mul3A_393 = arith.constant 10000 : i32
      %mul3A_394 = arith.muli %add3A, %mul3A_393 : i32
      %mul3A_395 = arith.constant 80 : i32
      %mul3A_396 = arith.muli %add3A_392, %mul3A_395 : i32
      %add3A_397 = arith.addi %mul3A_394, %mul3A_396 : i32
      %dma_start3A_398 = arith.constant 0 : i32
      %dma_start3A_399 = tpu.memref_slice %arg4[%add3A_397, %dma_start3A_398] : memref<320000x128xf32, #tpu.memory_space<hbm>> -> memref<80x128xf32, #tpu.memory_space<hbm>>
      %dma_start3A_400 = arith.constant 0 : i32
      %dma_start3A_401 = tpu.memref_slice %arg4[%add3A_397, %dma_start3A_400] : memref<320000x128xf32, #tpu.memory_space<hbm>> -> memref<80x128xf32, #tpu.memory_space<hbm>>
      tpu.enqueue_dma source(%dma_start3A_401 : memref<80x128xf32, #tpu.memory_space<hbm>>) target(%arg14 : memref<80x128xf32, #tpu.memory_space<vmem>>) target_semaphore(%arg16 : memref<!tpu.dma_semaphore, #tpu.memory_space<semaphore_mem>>)
      %mul3A_402 = arith.constant 80 : i32
      %mul3A_403 = arith.muli %add3A_392, %mul3A_402 : i32
      %dma_start3A_404 = tpu.memref_slice %arg8[%mul3A_403] : memref<10000xi32, #tpu.memory_space<vmem>> -> memref<80xi32, #tpu.memory_space<vmem>>
      %dma_start3A_405 = arith.constant 0 : i32
      %dma_start3A_406 = arith.constant 0 : i32
      %dma_start3A_407 = tpu.memref_slice %arg5[%dma_start3A_405, %dma_start3A_406] : memref<10000x256xf32, #tpu.memory_space<hbm>> -> memref<10000x256xf32, #tpu.memory_space<hbm>>
      tpu.enqueue_indirect_dma source(%dma_start3A_407 : memref<10000x256xf32, #tpu.memory_space<hbm>>) target(%arg10 : memref<80x256xf32, #tpu.memory_space<vmem>>) offsets(%dma_start3A_404 : memref<80xi32, #tpu.memory_space<vmem>>) semaphore(%arg16 : memref<!tpu.dma_semaphore, #tpu.memory_space<semaphore_mem>>)
      %mul3A_408 = arith.constant 80 : i32
      %mul3A_409 = arith.muli %add3A_392, %mul3A_408 : i32
      %dma_start3A_410 = tpu.memref_slice %arg9[%mul3A_409] : memref<10000xi32, #tpu.memory_space<vmem>> -> memref<80xi32, #tpu.memory_space<vmem>>
      %dma_start3A_411 = arith.constant 0 : i32
      %dma_start3A_412 = arith.constant 0 : i32
      %dma_start3A_413 = tpu.memref_slice %arg5[%dma_start3A_411, %dma_start3A_412] : memref<10000x256xf32, #tpu.memory_space<hbm>> -> memref<10000x256xf32, #tpu.memory_space<hbm>>
      tpu.enqueue_indirect_dma source(%dma_start3A_413 : memref<10000x256xf32, #tpu.memory_space<hbm>>) target(%arg12 : memref<80x256xf32, #tpu.memory_space<vmem>>) offsets(%dma_start3A_410 : memref<80xi32, #tpu.memory_space<vmem>>) semaphore(%arg16 : memref<!tpu.dma_semaphore, #tpu.memory_space<semaphore_mem>>)
      %dma_wait3A_414 = arith.constant 0 : i32
      %dma_wait3A_415 = arith.constant 0 : i32
      %dma_wait3A_416 = tpu.memref_slice %arg4[%dma_wait3A_414, %dma_wait3A_415] : memref<320000x128xf32, #tpu.memory_space<hbm>> -> memref<80x128xf32, #tpu.memory_space<hbm>>
      %dma_wait3A_417 = arith.constant 0 : i32
      %dma_wait3A_418 = arith.constant 0 : i32
      %dma_wait3A_419 = tpu.memref_slice %arg4[%dma_wait3A_417, %dma_wait3A_418] : memref<320000x128xf32, #tpu.memory_space<hbm>> -> memref<80x128xf32, #tpu.memory_space<hbm>>
      tpu.wait_dma2 semaphore(%arg17 : memref<!tpu.dma_semaphore, #tpu.memory_space<semaphore_mem>>) src(%dma_wait3A_419 : memref<80x128xf32, #tpu.memory_space<hbm>>) dst(%arg15 : memref<80x128xf32, #tpu.memory_space<vmem>>)
      %dma_wait3A_420 = arith.constant 0 : i32
      %dma_wait3A_421 = tpu.memref_slice %arg8[%dma_wait3A_420] : memref<10000xi32, #tpu.memory_space<vmem>> -> memref<80xi32, #tpu.memory_space<vmem>>
      %dma_wait3A_422 = arith.constant 0 : i32
      %dma_wait3A_423 = arith.constant 0 : i32
      %dma_wait3A_424 = tpu.memref_slice %arg5[%dma_wait3A_422, %dma_wait3A_423] : memref<10000x256xf32, #tpu.memory_space<hbm>> -> memref<10000x256xf32, #tpu.memory_space<hbm>>
      tpu.wait_indirect_dma semaphore(%arg17 : memref<!tpu.dma_semaphore, #tpu.memory_space<semaphore_mem>>) src(%dma_wait3A_424 : memref<10000x256xf32, #tpu.memory_space<hbm>>) dst(%arg11 : memref<80x256xf32, #tpu.memory_space<vmem>>)
      %dma_wait3A_425 = arith.constant 0 : i32
      %dma_wait3A_426 = tpu.memref_slice %arg9[%dma_wait3A_425] : memref<10000xi32, #tpu.memory_space<vmem>> -> memref<80xi32, #tpu.memory_space<vmem>>
      %dma_wait3A_427 = arith.constant 0 : i32
      %dma_wait3A_428 = arith.constant 0 : i32
      %dma_wait3A_429 = tpu.memref_slice %arg5[%dma_wait3A_427, %dma_wait3A_428] : memref<10000x256xf32, #tpu.memory_space<hbm>> -> memref<10000x256xf32, #tpu.memory_space<hbm>>
      tpu.wait_indirect_dma semaphore(%arg17 : memref<!tpu.dma_semaphore, #tpu.memory_space<semaphore_mem>>) src(%dma_wait3A_429 : memref<10000x256xf32, #tpu.memory_space<hbm>>) dst(%arg13 : memref<80x256xf32, #tpu.memory_space<vmem>>)
      %scan3A_430 = arith.constant 0 : i32
      %scan3A_431 = arith.constant 0 : i32
      %scan3A_432 = arith.constant 80 : i32
      %scan3A_433 = arith.addi %scan3A_431, %scan3A_432 : i32
      %scan3A_434 = arith.constant 1 : i32
      scf.for %scan3A_463 = %scan3A_431 to %scan3A_433 step %scan3A_434  : i32 {
        %get3A = arith.index_cast %scan3A_463 : i32 to index
        %get3A_464 = arith.constant 0 : index
        %get3A_465 = tpu.vector_load %arg15[%get3A, %get3A_464] {strides = array<i32>} : memref<80x128xf32, #tpu.memory_space<vmem>>, vector<1x16xf32>,
        %get3A_466 = vector.shape_cast %get3A_465 : vector<1x16xf32> to vector<16xf32>
        %get3A_467 = arith.index_cast %scan3A_463 : i32 to index
        %get3A_468 = arith.constant 128 : index
        %get3A_469 = tpu.vector_load %arg13[%get3A_467, %get3A_468] {strides = array<i32>} : memref<80x256xf32, #tpu.memory_space<vmem>>, vector<1x16xf32>,
        %get3A_470 = vector.shape_cast %get3A_469 : vector<1x16xf32> to vector<16xf32>
        %add3A_471 = arith.addf %get3A_466, %get3A_470 : vector<16xf32>
        %swap3A = arith.index_cast %scan3A_463 : i32 to index
        %swap3A_472 = arith.constant 0 : index
        %swap3A_473 = tpu.vector_load %arg11[%swap3A, %swap3A_472] {strides = array<i32>} : memref<80x256xf32, #tpu.memory_space<vmem>>, vector<1x16xf32>,
        %swap3A_474 = vector.shape_cast %swap3A_473 : vector<1x16xf32> to vector<16xf32>
        %swap3A_475 = vector.shape_cast %add3A_471 : vector<16xf32> to vector<1x16xf32>
        tpu.vector_store %arg11[%swap3A, %swap3A_472], %swap3A_475 {add = true, strides = array<i32>} : memref<80x256xf32, #tpu.memory_space<vmem>>, vector<1x16xf32>,
        %get3A_476 = arith.index_cast %scan3A_463 : i32 to index
        %get3A_477 = arith.constant 128 : index
        %get3A_478 = tpu.vector_load %arg11[%get3A_476, %get3A_477] {strides = array<i32>} : memref<80x256xf32, #tpu.memory_space<vmem>>, vector<1x16xf32>,
        %get3A_479 = vector.shape_cast %get3A_478 : vector<1x16xf32> to vector<16xf32>
        %add3A_480 = arith.addf %get3A_466, %get3A_479 : vector<16xf32>
        %swap3A_481 = arith.index_cast %scan3A_463 : i32 to index
        %swap3A_482 = arith.constant 0 : index
        %swap3A_483 = tpu.vector_load %arg13[%swap3A_481, %swap3A_482] {strides = array<i32>} : memref<80x256xf32, #tpu.memory_space<vmem>>, vector<1x16xf32>,
        %swap3A_484 = vector.shape_cast %swap3A_483 : vector<1x16xf32> to vector<16xf32>
        %swap3A_485 = vector.shape_cast %add3A_480 : vector<16xf32> to vector<1x16xf32>
        tpu.vector_store %arg13[%swap3A_481, %swap3A_482], %swap3A_485 {add = true, strides = array<i32>} : memref<80x256xf32, #tpu.memory_space<vmem>>, vector<1x16xf32>,
        %get3A_486 = arith.index_cast %scan3A_463 : i32 to index
        %get3A_487 = arith.constant 16 : index
        %get3A_488 = tpu.vector_load %arg15[%get3A_486, %get3A_487] {strides = array<i32>} : memref<80x128xf32, #tpu.memory_space<vmem>>, vector<1x16xf32>,
        %get3A_489 = vector.shape_cast %get3A_488 : vector<1x16xf32> to vector<16xf32>
        %get3A_490 = arith.index_cast %scan3A_463 : i32 to index
        %get3A_491 = arith.constant 144 : index
        %get3A_492 = tpu.vector_load %arg13[%get3A_490, %get3A_491] {strides = array<i32>} : memref<80x256xf32, #tpu.memory_space<vmem>>, vector<1x16xf32>,
        %get3A_493 = vector.shape_cast %get3A_492 : vector<1x16xf32> to vector<16xf32>
        %add3A_494 = arith.addf %get3A_489, %get3A_493 : vector<16xf32>
        %swap3A_495 = arith.index_cast %scan3A_463 : i32 to index
        %swap3A_496 = arith.constant 16 : index
        %swap3A_497 = tpu.vector_load %arg11[%swap3A_495, %swap3A_496] {strides = array<i32>} : memref<80x256xf32, #tpu.memory_space<vmem>>, vector<1x16xf32>,
        %swap3A_498 = vector.shape_cast %swap3A_497 : vector<1x16xf32> to vector<16xf32>
        %swap3A_499 = vector.shape_cast %add3A_494 : vector<16xf32> to vector<1x16xf32>
        tpu.vector_store %arg11[%swap3A_495, %swap3A_496], %swap3A_499 {add = true, strides = array<i32>} : memref<80x256xf32, #tpu.memory_space<vmem>>, vector<1x16xf32>,
        %get3A_500 = arith.index_cast %scan3A_463 : i32 to index
        %get3A_501 = arith.constant 144 : index
        %get3A_502 = tpu.vector_load %arg11[%get3A_500, %get3A_501] {strides = array<i32>} : memref<80x256xf32, #tpu.memory_space<vmem>>, vector<1x16xf32>,
        %get3A_503 = vector.shape_cast %get3A_502 : vector<1x16xf32> to vector<16xf32>
        %add3A_504 = arith.addf %get3A_489, %get3A_503 : vector<16xf32>
        %swap3A_505 = arith.index_cast %scan3A_463 : i32 to index
        %swap3A_506 = arith.constant 16 : index
        %swap3A_507 = tpu.vector_load %arg13[%swap3A_505, %swap3A_506] {strides = array<i32>} : memref<80x256xf32, #tpu.memory_space<vmem>>, vector<1x16xf32>,
        %swap3A_508 = vector.shape_cast %swap3A_507 : vector<1x16xf32> to vector<16xf32>
        %swap3A_509 = vector.shape_cast %add3A_504 : vector<16xf32> to vector<1x16xf32>
        tpu.vector_store %arg13[%swap3A_505, %swap3A_506], %swap3A_509 {add = true, strides = array<i32>} : memref<80x256xf32, #tpu.memory_space<vmem>>, vector<1x16xf32>,
        %get3A_510 = arith.index_cast %scan3A_463 : i32 to index
        %get3A_511 = arith.constant 32 : index
        %get3A_512 = tpu.vector_load %arg15[%get3A_510, %get3A_511] {strides = array<i32>} : memref<80x128xf32, #tpu.memory_space<vmem>>, vector<1x16xf32>,
        %get3A_513 = vector.shape_cast %get3A_512 : vector<1x16xf32> to vector<16xf32>
        %get3A_514 = arith.index_cast %scan3A_463 : i32 to index
        %get3A_515 = arith.constant 160 : index
        %get3A_516 = tpu.vector_load %arg13[%get3A_514, %get3A_515] {strides = array<i32>} : memref<80x256xf32, #tpu.memory_space<vmem>>, vector<1x16xf32>,
        %get3A_517 = vector.shape_cast %get3A_516 : vector<1x16xf32> to vector<16xf32>
        %add3A_518 = arith.addf %get3A_513, %get3A_517 : vector<16xf32>
        %swap3A_519 = arith.index_cast %scan3A_463 : i32 to index
        %swap3A_520 = arith.constant 32 : index
        %swap3A_521 = tpu.vector_load %arg11[%swap3A_519, %swap3A_520] {strides = array<i32>} : memref<80x256xf32, #tpu.memory_space<vmem>>, vector<1x16xf32>,
        %swap3A_522 = vector.shape_cast %swap3A_521 : vector<1x16xf32> to vector<16xf32>
        %swap3A_523 = vector.shape_cast %add3A_518 : vector<16xf32> to vector<1x16xf32>
        tpu.vector_store %arg11[%swap3A_519, %swap3A_520], %swap3A_523 {add = true, strides = array<i32>} : memref<80x256xf32, #tpu.memory_space<vmem>>, vector<1x16xf32>,
        %get3A_524 = arith.index_cast %scan3A_463 : i32 to index
        %get3A_525 = arith.constant 160 : index
        %get3A_526 = tpu.vector_load %arg11[%get3A_524, %get3A_525] {strides = array<i32>} : memref<80x256xf32, #tpu.memory_space<vmem>>, vector<1x16xf32>,
        %get3A_527 = vector.shape_cast %get3A_526 : vector<1x16xf32> to vector<16xf32>
        %add3A_528 = arith.addf %get3A_513, %get3A_527 : vector<16xf32>
        %swap3A_529 = arith.index_cast %scan3A_463 : i32 to index
        %swap3A_530 = arith.constant 32 : index
        %swap3A_531 = tpu.vector_load %arg13[%swap3A_529, %swap3A_530] {strides = array<i32>} : memref<80x256xf32, #tpu.memory_space<vmem>>, vector<1x16xf32>,
        %swap3A_532 = vector.shape_cast %swap3A_531 : vector<1x16xf32> to vector<16xf32>
        %swap3A_533 = vector.shape_cast %add3A_528 : vector<16xf32> to vector<1x16xf32>
        tpu.vector_store %arg13[%swap3A_529, %swap3A_530], %swap3A_533 {add = true, strides = array<i32>} : memref<80x256xf32, #tpu.memory_space<vmem>>, vector<1x16xf32>,
        %get3A_534 = arith.index_cast %scan3A_463 : i32 to index
        %get3A_535 = arith.constant 48 : index
        %get3A_536 = tpu.vector_load %arg15[%get3A_534, %get3A_535] {strides = array<i32>} : memref<80x128xf32, #tpu.memory_space<vmem>>, vector<1x16xf32>,
        %get3A_537 = vector.shape_cast %get3A_536 : vector<1x16xf32> to vector<16xf32>
        %get3A_538 = arith.index_cast %scan3A_463 : i32 to index
        %get3A_539 = arith.constant 176 : index
        %get3A_540 = tpu.vector_load %arg13[%get3A_538, %get3A_539] {strides = array<i32>} : memref<80x256xf32, #tpu.memory_space<vmem>>, vector<1x16xf32>,
        %get3A_541 = vector.shape_cast %get3A_540 : vector<1x16xf32> to vector<16xf32>
        %add3A_542 = arith.addf %get3A_537, %get3A_541 : vector<16xf32>
        %swap3A_543 = arith.index_cast %scan3A_463 : i32 to index
        %swap3A_544 = arith.constant 48 : index
        %swap3A_545 = tpu.vector_load %arg11[%swap3A_543, %swap3A_544] {strides = array<i32>} : memref<80x256xf32, #tpu.memory_space<vmem>>, vector<1x16xf32>,
        %swap3A_546 = vector.shape_cast %swap3A_545 : vector<1x16xf32> to vector<16xf32>
        %swap3A_547 = vector.shape_cast %add3A_542 : vector<16xf32> to vector<1x16xf32>
        tpu.vector_store %arg11[%swap3A_543, %swap3A_544], %swap3A_547 {add = true, strides = array<i32>} : memref<80x256xf32, #tpu.memory_space<vmem>>, vector<1x16xf32>,
        %get3A_548 = arith.index_cast %scan3A_463 : i32 to index
        %get3A_549 = arith.constant 176 : index
        %get3A_550 = tpu.vector_load %arg11[%get3A_548, %get3A_549] {strides = array<i32>} : memref<80x256xf32, #tpu.memory_space<vmem>>, vector<1x16xf32>,
        %get3A_551 = vector.shape_cast %get3A_550 : vector<1x16xf32> to vector<16xf32>
        %add3A_552 = arith.addf %get3A_537, %get3A_551 : vector<16xf32>
        %swap3A_553 = arith.index_cast %scan3A_463 : i32 to index
        %swap3A_554 = arith.constant 48 : index
        %swap3A_555 = tpu.vector_load %arg13[%swap3A_553, %swap3A_554] {strides = array<i32>} : memref<80x256xf32, #tpu.memory_space<vmem>>, vector<1x16xf32>,
        %swap3A_556 = vector.shape_cast %swap3A_555 : vector<1x16xf32> to vector<16xf32>
        %swap3A_557 = vector.shape_cast %add3A_552 : vector<16xf32> to vector<1x16xf32>
        tpu.vector_store %arg13[%swap3A_553, %swap3A_554], %swap3A_557 {add = true, strides = array<i32>} : memref<80x256xf32, #tpu.memory_space<vmem>>, vector<1x16xf32>,
        %get3A_558 = arith.index_cast %scan3A_463 : i32 to index
        %get3A_559 = arith.constant 64 : index
        %get3A_560 = tpu.vector_load %arg15[%get3A_558, %get3A_559] {strides = array<i32>} : memref<80x128xf32, #tpu.memory_space<vmem>>, vector<1x16xf32>,
        %get3A_561 = vector.shape_cast %get3A_560 : vector<1x16xf32> to vector<16xf32>
        %get3A_562 = arith.index_cast %scan3A_463 : i32 to index
        %get3A_563 = arith.constant 192 : index
        %get3A_564 = tpu.vector_load %arg13[%get3A_562, %get3A_563] {strides = array<i32>} : memref<80x256xf32, #tpu.memory_space<vmem>>, vector<1x16xf32>,
        %get3A_565 = vector.shape_cast %get3A_564 : vector<1x16xf32> to vector<16xf32>
        %add3A_566 = arith.addf %get3A_561, %get3A_565 : vector<16xf32>
        %swap3A_567 = arith.index_cast %scan3A_463 : i32 to index
        %swap3A_568 = arith.constant 64 : index
        %swap3A_569 = tpu.vector_load %arg11[%swap3A_567, %swap3A_568] {strides = array<i32>} : memref<80x256xf32, #tpu.memory_space<vmem>>, vector<1x16xf32>,
        %swap3A_570 = vector.shape_cast %swap3A_569 : vector<1x16xf32> to vector<16xf32>
        %swap3A_571 = vector.shape_cast %add3A_566 : vector<16xf32> to vector<1x16xf32>
        tpu.vector_store %arg11[%swap3A_567, %swap3A_568], %swap3A_571 {add = true, strides = array<i32>} : memref<80x256xf32, #tpu.memory_space<vmem>>, vector<1x16xf32>,
        %get3A_572 = arith.index_cast %scan3A_463 : i32 to index
        %get3A_573 = arith.constant 192 : index
        %get3A_574 = tpu.vector_load %arg11[%get3A_572, %get3A_573] {strides = array<i32>} : memref<80x256xf32, #tpu.memory_space<vmem>>, vector<1x16xf32>,
        %get3A_575 = vector.shape_cast %get3A_574 : vector<1x16xf32> to vector<16xf32>
        %add3A_576 = arith.addf %get3A_561, %get3A_575 : vector<16xf32>
        %swap3A_577 = arith.index_cast %scan3A_463 : i32 to index
        %swap3A_578 = arith.constant 64 : index
        %swap3A_579 = tpu.vector_load %arg13[%swap3A_577, %swap3A_578] {strides = array<i32>} : memref<80x256xf32, #tpu.memory_space<vmem>>, vector<1x16xf32>,
        %swap3A_580 = vector.shape_cast %swap3A_579 : vector<1x16xf32> to vector<16xf32>
        %swap3A_581 = vector.shape_cast %add3A_576 : vector<16xf32> to vector<1x16xf32>
        tpu.vector_store %arg13[%swap3A_577, %swap3A_578], %swap3A_581 {add = true, strides = array<i32>} : memref<80x256xf32, #tpu.memory_space<vmem>>, vector<1x16xf32>,
        %get3A_582 = arith.index_cast %scan3A_463 : i32 to index
        %get3A_583 = arith.constant 80 : index
        %get3A_584 = tpu.vector_load %arg15[%get3A_582, %get3A_583] {strides = array<i32>} : memref<80x128xf32, #tpu.memory_space<vmem>>, vector<1x16xf32>,
        %get3A_585 = vector.shape_cast %get3A_584 : vector<1x16xf32> to vector<16xf32>
        %get3A_586 = arith.index_cast %scan3A_463 : i32 to index
        %get3A_587 = arith.constant 208 : index
        %get3A_588 = tpu.vector_load %arg13[%get3A_586, %get3A_587] {strides = array<i32>} : memref<80x256xf32, #tpu.memory_space<vmem>>, vector<1x16xf32>,
        %get3A_589 = vector.shape_cast %get3A_588 : vector<1x16xf32> to vector<16xf32>
        %add3A_590 = arith.addf %get3A_585, %get3A_589 : vector<16xf32>
        %swap3A_591 = arith.index_cast %scan3A_463 : i32 to index
        %swap3A_592 = arith.constant 80 : index
        %swap3A_593 = tpu.vector_load %arg11[%swap3A_591, %swap3A_592] {strides = array<i32>} : memref<80x256xf32, #tpu.memory_space<vmem>>, vector<1x16xf32>,
        %swap3A_594 = vector.shape_cast %swap3A_593 : vector<1x16xf32> to vector<16xf32>
        %swap3A_595 = vector.shape_cast %add3A_590 : vector<16xf32> to vector<1x16xf32>
        tpu.vector_store %arg11[%swap3A_591, %swap3A_592], %swap3A_595 {add = true, strides = array<i32>} : memref<80x256xf32, #tpu.memory_space<vmem>>, vector<1x16xf32>,
        %get3A_596 = arith.index_cast %scan3A_463 : i32 to index
        %get3A_597 = arith.constant 208 : index
        %get3A_598 = tpu.vector_load %arg11[%get3A_596, %get3A_597] {strides = array<i32>} : memref<80x256xf32, #tpu.memory_space<vmem>>, vector<1x16xf32>,
        %get3A_599 = vector.shape_cast %get3A_598 : vector<1x16xf32> to vector<16xf32>
        %add3A_600 = arith.addf %get3A_585, %get3A_599 : vector<16xf32>
        %swap3A_601 = arith.index_cast %scan3A_463 : i32 to index
        %swap3A_602 = arith.constant 80 : index
        %swap3A_603 = tpu.vector_load %arg13[%swap3A_601, %swap3A_602] {strides = array<i32>} : memref<80x256xf32, #tpu.memory_space<vmem>>, vector<1x16xf32>,
        %swap3A_604 = vector.shape_cast %swap3A_603 : vector<1x16xf32> to vector<16xf32>
        %swap3A_605 = vector.shape_cast %add3A_600 : vector<16xf32> to vector<1x16xf32>
        tpu.vector_store %arg13[%swap3A_601, %swap3A_602], %swap3A_605 {add = true, strides = array<i32>} : memref<80x256xf32, #tpu.memory_space<vmem>>, vector<1x16xf32>,
        %get3A_606 = arith.index_cast %scan3A_463 : i32 to index
        %get3A_607 = arith.constant 96 : index
        %get3A_608 = tpu.vector_load %arg15[%get3A_606, %get3A_607] {strides = array<i32>} : memref<80x128xf32, #tpu.memory_space<vmem>>, vector<1x16xf32>,
        %get3A_609 = vector.shape_cast %get3A_608 : vector<1x16xf32> to vector<16xf32>
        %get3A_610 = arith.index_cast %scan3A_463 : i32 to index
        %get3A_611 = arith.constant 224 : index
        %get3A_612 = tpu.vector_load %arg13[%get3A_610, %get3A_611] {strides = array<i32>} : memref<80x256xf32, #tpu.memory_space<vmem>>, vector<1x16xf32>,
        %get3A_613 = vector.shape_cast %get3A_612 : vector<1x16xf32> to vector<16xf32>
        %add3A_614 = arith.addf %get3A_609, %get3A_613 : vector<16xf32>
        %swap3A_615 = arith.index_cast %scan3A_463 : i32 to index
        %swap3A_616 = arith.constant 96 : index
        %swap3A_617 = tpu.vector_load %arg11[%swap3A_615, %swap3A_616] {strides = array<i32>} : memref<80x256xf32, #tpu.memory_space<vmem>>, vector<1x16xf32>,
        %swap3A_618 = vector.shape_cast %swap3A_617 : vector<1x16xf32> to vector<16xf32>
        %swap3A_619 = vector.shape_cast %add3A_614 : vector<16xf32> to vector<1x16xf32>
        tpu.vector_store %arg11[%swap3A_615, %swap3A_616], %swap3A_619 {add = true, strides = array<i32>} : memref<80x256xf32, #tpu.memory_space<vmem>>, vector<1x16xf32>,
        %get3A_620 = arith.index_cast %scan3A_463 : i32 to index
        %get3A_621 = arith.constant 224 : index
        %get3A_622 = tpu.vector_load %arg11[%get3A_620, %get3A_621] {strides = array<i32>} : memref<80x256xf32, #tpu.memory_space<vmem>>, vector<1x16xf32>,
        %get3A_623 = vector.shape_cast %get3A_622 : vector<1x16xf32> to vector<16xf32>
        %add3A_624 = arith.addf %get3A_609, %get3A_623 : vector<16xf32>
        %swap3A_625 = arith.index_cast %scan3A_463 : i32 to index
        %swap3A_626 = arith.constant 96 : index
        %swap3A_627 = tpu.vector_load %arg13[%swap3A_625, %swap3A_626] {strides = array<i32>} : memref<80x256xf32, #tpu.memory_space<vmem>>, vector<1x16xf32>,
        %swap3A_628 = vector.shape_cast %swap3A_627 : vector<1x16xf32> to vector<16xf32>
        %swap3A_629 = vector.shape_cast %add3A_624 : vector<16xf32> to vector<1x16xf32>
        tpu.vector_store %arg13[%swap3A_625, %swap3A_626], %swap3A_629 {add = true, strides = array<i32>} : memref<80x256xf32, #tpu.memory_space<vmem>>, vector<1x16xf32>,
        %get3A_630 = arith.index_cast %scan3A_463 : i32 to index
        %get3A_631 = arith.constant 112 : index
        %get3A_632 = tpu.vector_load %arg15[%get3A_630, %get3A_631] {strides = array<i32>} : memref<80x128xf32, #tpu.memory_space<vmem>>, vector<1x16xf32>,
        %get3A_633 = vector.shape_cast %get3A_632 : vector<1x16xf32> to vector<16xf32>
        %get3A_634 = arith.index_cast %scan3A_463 : i32 to index
        %get3A_635 = arith.constant 240 : index
        %get3A_636 = tpu.vector_load %arg13[%get3A_634, %get3A_635] {strides = array<i32>} : memref<80x256xf32, #tpu.memory_space<vmem>>, vector<1x16xf32>,
        %get3A_637 = vector.shape_cast %get3A_636 : vector<1x16xf32> to vector<16xf32>
        %add3A_638 = arith.addf %get3A_633, %get3A_637 : vector<16xf32>
        %swap3A_639 = arith.index_cast %scan3A_463 : i32 to index
        %swap3A_640 = arith.constant 112 : index
        %swap3A_641 = tpu.vector_load %arg11[%swap3A_639, %swap3A_640] {strides = array<i32>} : memref<80x256xf32, #tpu.memory_space<vmem>>, vector<1x16xf32>,
        %swap3A_642 = vector.shape_cast %swap3A_641 : vector<1x16xf32> to vector<16xf32>
        %swap3A_643 = vector.shape_cast %add3A_638 : vector<16xf32> to vector<1x16xf32>
        tpu.vector_store %arg11[%swap3A_639, %swap3A_640], %swap3A_643 {add = true, strides = array<i32>} : memref<80x256xf32, #tpu.memory_space<vmem>>, vector<1x16xf32>,
        %get3A_644 = arith.index_cast %scan3A_463 : i32 to index
        %get3A_645 = arith.constant 240 : index
        %get3A_646 = tpu.vector_load %arg11[%get3A_644, %get3A_645] {strides = array<i32>} : memref<80x256xf32, #tpu.memory_space<vmem>>, vector<1x16xf32>,
        %get3A_647 = vector.shape_cast %get3A_646 : vector<1x16xf32> to vector<16xf32>
        %add3A_648 = arith.addf %get3A_633, %get3A_647 : vector<16xf32>
        %swap3A_649 = arith.index_cast %scan3A_463 : i32 to index
        %swap3A_650 = arith.constant 112 : index
        %swap3A_651 = tpu.vector_load %arg13[%swap3A_649, %swap3A_650] {strides = array<i32>} : memref<80x256xf32, #tpu.memory_space<vmem>>, vector<1x16xf32>,
        %swap3A_652 = vector.shape_cast %swap3A_651 : vector<1x16xf32> to vector<16xf32>
        %swap3A_653 = vector.shape_cast %add3A_648 : vector<16xf32> to vector<1x16xf32>
        tpu.vector_store %arg13[%swap3A_649, %swap3A_650], %swap3A_653 {add = true, strides = array<i32>} : memref<80x256xf32, #tpu.memory_space<vmem>>, vector<1x16xf32>,
      }
      %scan3A_435 = arith.constant 80 : i32
      %add3A_436 = arith.constant 1 : i32
      %add3A_437 = arith.addi %add3A_272, %add3A_436 : i32
      %mul3A_438 = arith.constant 10000 : i32
      %mul3A_439 = arith.muli %add3A, %mul3A_438 : i32
      %mul3A_440 = arith.constant 80 : i32
      %mul3A_441 = arith.muli %add3A_437, %mul3A_440 : i32
      %add3A_442 = arith.addi %mul3A_439, %mul3A_441 : i32
      %dma_start3A_443 = arith.constant 0 : i32
      %dma_start3A_444 = arith.constant 0 : i32
      %dma_start3A_445 = tpu.memref_slice %arg11[%dma_start3A_443, %dma_start3A_444] : memref<80x256xf32, #tpu.memory_space<vmem>> -> memref<80x128xf32, #tpu.memory_space<vmem>>
      %dma_start3A_446 = arith.constant 0 : i32
      %dma_start3A_447 = tpu.memref_slice %arg6[%add3A_442, %dma_start3A_446] : memref<320000x128xf32, #tpu.memory_space<hbm>> -> memref<80x128xf32, #tpu.memory_space<hbm>>
      %dma_start3A_448 = arith.constant 0 : i32
      %dma_start3A_449 = tpu.memref_slice %arg6[%add3A_442, %dma_start3A_448] : memref<320000x128xf32, #tpu.memory_space<hbm>> -> memref<80x128xf32, #tpu.memory_space<hbm>>
      %dma_start3A_450 = arith.constant 0 : i32
      %dma_start3A_451 = arith.constant 0 : i32
      %dma_start3A_452 = tpu.memref_slice %arg11[%dma_start3A_450, %dma_start3A_451] : memref<80x256xf32, #tpu.memory_space<vmem>> -> memref<80x128xf32, #tpu.memory_space<vmem>>
      tpu.enqueue_dma source(%dma_start3A_452 : memref<80x128xf32, #tpu.memory_space<vmem>>) target(%dma_start3A_449 : memref<80x128xf32, #tpu.memory_space<hbm>>) target_semaphore(%arg19 : memref<!tpu.dma_semaphore, #tpu.memory_space<semaphore_mem>>)
      %dma_start3A_453 = arith.constant 0 : i32
      %dma_start3A_454 = arith.constant 0 : i32
      %dma_start3A_455 = tpu.memref_slice %arg13[%dma_start3A_453, %dma_start3A_454] : memref<80x256xf32, #tpu.memory_space<vmem>> -> memref<80x128xf32, #tpu.memory_space<vmem>>
      %dma_start3A_456 = arith.constant 0 : i32
      %dma_start3A_457 = tpu.memref_slice %arg7[%add3A_442, %dma_start3A_456] : memref<320000x128xf32, #tpu.memory_space<hbm>> -> memref<80x128xf32, #tpu.memory_space<hbm>>
      %dma_start3A_458 = arith.constant 0 : i32
      %dma_start3A_459 = tpu.memref_slice %arg7[%add3A_442, %dma_start3A_458] : memref<320000x128xf32, #tpu.memory_space<hbm>> -> memref<80x128xf32, #tpu.memory_space<hbm>>
      %dma_start3A_460 = arith.constant 0 : i32
      %dma_start3A_461 = arith.constant 0 : i32
      %dma_start3A_462 = tpu.memref_slice %arg13[%dma_start3A_460, %dma_start3A_461] : memref<80x256xf32, #tpu.memory_space<vmem>> -> memref<80x128xf32, #tpu.memory_space<vmem>>
      tpu.enqueue_dma source(%dma_start3A_462 : memref<80x128xf32, #tpu.memory_space<vmem>>) target(%dma_start3A_459 : memref<80x128xf32, #tpu.memory_space<hbm>>) target_semaphore(%arg19 : memref<!tpu.dma_semaphore, #tpu.memory_space<semaphore_mem>>)
    }
    %scan3A_173 = arith.constant 61 : i32
    %dma_wait3A_174 = arith.constant 0 : i32
    %dma_wait3A_175 = arith.constant 0 : i32
    %dma_wait3A_176 = tpu.memref_slice %arg4[%dma_wait3A_174, %dma_wait3A_175] : memref<320000x128xf32, #tpu.memory_space<hbm>> -> memref<80x128xf32, #tpu.memory_space<hbm>>
    %dma_wait3A_177 = arith.constant 0 : i32
    %dma_wait3A_178 = arith.constant 0 : i32
    %dma_wait3A_179 = tpu.memref_slice %arg4[%dma_wait3A_177, %dma_wait3A_178] : memref<320000x128xf32, #tpu.memory_space<hbm>> -> memref<80x128xf32, #tpu.memory_space<hbm>>
    tpu.wait_dma2 semaphore(%arg16 : memref<!tpu.dma_semaphore, #tpu.memory_space<semaphore_mem>>) src(%dma_wait3A_179 : memref<80x128xf32, #tpu.memory_space<hbm>>) dst(%arg14 : memref<80x128xf32, #tpu.memory_space<vmem>>)
    %dma_wait3A_180 = arith.constant 0 : i32
    %dma_wait3A_181 = tpu.memref_slice %arg8[%dma_wait3A_180] : memref<10000xi32, #tpu.memory_space<vmem>> -> memref<80xi32, #tpu.memory_space<vmem>>
    %dma_wait3A_182 = arith.constant 0 : i32
    %dma_wait3A_183 = arith.constant 0 : i32
    %dma_wait3A_184 = tpu.memref_slice %arg5[%dma_wait3A_182, %dma_wait3A_183] : memref<10000x256xf32, #tpu.memory_space<hbm>> -> memref<10000x256xf32, #tpu.memory_space<hbm>>
    tpu.wait_indirect_dma semaphore(%arg16 : memref<!tpu.dma_semaphore, #tpu.memory_space<semaphore_mem>>) src(%dma_wait3A_184 : memref<10000x256xf32, #tpu.memory_space<hbm>>) dst(%arg10 : memref<80x256xf32, #tpu.memory_space<vmem>>)
    %dma_wait3A_185 = arith.constant 0 : i32
    %dma_wait3A_186 = tpu.memref_slice %arg9[%dma_wait3A_185] : memref<10000xi32, #tpu.memory_space<vmem>> -> memref<80xi32, #tpu.memory_space<vmem>>
    %dma_wait3A_187 = arith.constant 0 : i32
    %dma_wait3A_188 = arith.constant 0 : i32
    %dma_wait3A_189 = tpu.memref_slice %arg5[%dma_wait3A_187, %dma_wait3A_188] : memref<10000x256xf32, #tpu.memory_space<hbm>> -> memref<10000x256xf32, #tpu.memory_space<hbm>>
    tpu.wait_indirect_dma semaphore(%arg16 : memref<!tpu.dma_semaphore, #tpu.memory_space<semaphore_mem>>) src(%dma_wait3A_189 : memref<10000x256xf32, #tpu.memory_space<hbm>>) dst(%arg12 : memref<80x256xf32, #tpu.memory_space<vmem>>)
    %scan3A_190 = arith.constant 0 : i32
    %scan3A_191 = arith.constant 0 : i32
    %scan3A_192 = arith.constant 80 : i32
    %scan3A_193 = arith.addi %scan3A_191, %scan3A_192 : i32
    %scan3A_194 = arith.constant 1 : i32
    scf.for %scan3A_268 = %scan3A_191 to %scan3A_193 step %scan3A_194  : i32 {
      %get3A = arith.index_cast %scan3A_268 : i32 to index
      %get3A_269 = arith.constant 0 : index
      %get3A_270 = tpu.vector_load %arg14[%get3A, %get3A_269] {strides = array<i32>} : memref<80x128xf32, #tpu.memory_space<vmem>>, vector<1x16xf32>,
      %get3A_271 = vector.shape_cast %get3A_270 : vector<1x16xf32> to vector<16xf32>
      %get3A_272 = arith.index_cast %scan3A_268 : i32 to index
      %get3A_273 = arith.constant 128 : index
      %get3A_274 = tpu.vector_load %arg12[%get3A_272, %get3A_273] {strides = array<i32>} : memref<80x256xf32, #tpu.memory_space<vmem>>, vector<1x16xf32>,
      %get3A_275 = vector.shape_cast %get3A_274 : vector<1x16xf32> to vector<16xf32>
      %add3A_276 = arith.addf %get3A_271, %get3A_275 : vector<16xf32>
      %swap3A = arith.index_cast %scan3A_268 : i32 to index
      %swap3A_277 = arith.constant 0 : index
      %swap3A_278 = tpu.vector_load %arg10[%swap3A, %swap3A_277] {strides = array<i32>} : memref<80x256xf32, #tpu.memory_space<vmem>>, vector<1x16xf32>,
      %swap3A_279 = vector.shape_cast %swap3A_278 : vector<1x16xf32> to vector<16xf32>
      %swap3A_280 = vector.shape_cast %add3A_276 : vector<16xf32> to vector<1x16xf32>
      tpu.vector_store %arg10[%swap3A, %swap3A_277], %swap3A_280 {add = true, strides = array<i32>} : memref<80x256xf32, #tpu.memory_space<vmem>>, vector<1x16xf32>,
      %get3A_281 = arith.index_cast %scan3A_268 : i32 to index
      %get3A_282 = arith.constant 128 : index
      %get3A_283 = tpu.vector_load %arg10[%get3A_281, %get3A_282] {strides = array<i32>} : memref<80x256xf32, #tpu.memory_space<vmem>>, vector<1x16xf32>,
      %get3A_284 = vector.shape_cast %get3A_283 : vector<1x16xf32> to vector<16xf32>
      %add3A_285 = arith.addf %get3A_271, %get3A_284 : vector<16xf32>
      %swap3A_286 = arith.index_cast %scan3A_268 : i32 to index
      %swap3A_287 = arith.constant 0 : index
      %swap3A_288 = tpu.vector_load %arg12[%swap3A_286, %swap3A_287] {strides = array<i32>} : memref<80x256xf32, #tpu.memory_space<vmem>>, vector<1x16xf32>,
      %swap3A_289 = vector.shape_cast %swap3A_288 : vector<1x16xf32> to vector<16xf32>
      %swap3A_290 = vector.shape_cast %add3A_285 : vector<16xf32> to vector<1x16xf32>
      tpu.vector_store %arg12[%swap3A_286, %swap3A_287], %swap3A_290 {add = true, strides = array<i32>} : memref<80x256xf32, #tpu.memory_space<vmem>>, vector<1x16xf32>,
      %get3A_291 = arith.index_cast %scan3A_268 : i32 to index
      %get3A_292 = arith.constant 16 : index
      %get3A_293 = tpu.vector_load %arg14[%get3A_291, %get3A_292] {strides = array<i32>} : memref<80x128xf32, #tpu.memory_space<vmem>>, vector<1x16xf32>,
      %get3A_294 = vector.shape_cast %get3A_293 : vector<1x16xf32> to vector<16xf32>
      %get3A_295 = arith.index_cast %scan3A_268 : i32 to index
      %get3A_296 = arith.constant 144 : index
      %get3A_297 = tpu.vector_load %arg12[%get3A_295, %get3A_296] {strides = array<i32>} : memref<80x256xf32, #tpu.memory_space<vmem>>, vector<1x16xf32>,
      %get3A_298 = vector.shape_cast %get3A_297 : vector<1x16xf32> to vector<16xf32>
      %add3A_299 = arith.addf %get3A_294, %get3A_298 : vector<16xf32>
      %swap3A_300 = arith.index_cast %scan3A_268 : i32 to index
      %swap3A_301 = arith.constant 16 : index
      %swap3A_302 = tpu.vector_load %arg10[%swap3A_300, %swap3A_301] {strides = array<i32>} : memref<80x256xf32, #tpu.memory_space<vmem>>, vector<1x16xf32>,
      %swap3A_303 = vector.shape_cast %swap3A_302 : vector<1x16xf32> to vector<16xf32>
      %swap3A_304 = vector.shape_cast %add3A_299 : vector<16xf32> to vector<1x16xf32>
      tpu.vector_store %arg10[%swap3A_300, %swap3A_301], %swap3A_304 {add = true, strides = array<i32>} : memref<80x256xf32, #tpu.memory_space<vmem>>, vector<1x16xf32>,
      %get3A_305 = arith.index_cast %scan3A_268 : i32 to index
      %get3A_306 = arith.constant 144 : index
      %get3A_307 = tpu.vector_load %arg10[%get3A_305, %get3A_306] {strides = array<i32>} : memref<80x256xf32, #tpu.memory_space<vmem>>, vector<1x16xf32>,
      %get3A_308 = vector.shape_cast %get3A_307 : vector<1x16xf32> to vector<16xf32>
      %add3A_309 = arith.addf %get3A_294, %get3A_308 : vector<16xf32>
      %swap3A_310 = arith.index_cast %scan3A_268 : i32 to index
      %swap3A_311 = arith.constant 16 : index
      %swap3A_312 = tpu.vector_load %arg12[%swap3A_310, %swap3A_311] {strides = array<i32>} : memref<80x256xf32, #tpu.memory_space<vmem>>, vector<1x16xf32>,
      %swap3A_313 = vector.shape_cast %swap3A_312 : vector<1x16xf32> to vector<16xf32>
      %swap3A_314 = vector.shape_cast %add3A_309 : vector<16xf32> to vector<1x16xf32>
      tpu.vector_store %arg12[%swap3A_310, %swap3A_311], %swap3A_314 {add = true, strides = array<i32>} : memref<80x256xf32, #tpu.memory_space<vmem>>, vector<1x16xf32>,
      %get3A_315 = arith.index_cast %scan3A_268 : i32 to index
      %get3A_316 = arith.constant 32 : index
      %get3A_317 = tpu.vector_load %arg14[%get3A_315, %get3A_316] {strides = array<i32>} : memref<80x128xf32, #tpu.memory_space<vmem>>, vector<1x16xf32>,
      %get3A_318 = vector.shape_cast %get3A_317 : vector<1x16xf32> to vector<16xf32>
      %get3A_319 = arith.index_cast %scan3A_268 : i32 to index
      %get3A_320 = arith.constant 160 : index
      %get3A_321 = tpu.vector_load %arg12[%get3A_319, %get3A_320] {strides = array<i32>} : memref<80x256xf32, #tpu.memory_space<vmem>>, vector<1x16xf32>,
      %get3A_322 = vector.shape_cast %get3A_321 : vector<1x16xf32> to vector<16xf32>
      %add3A_323 = arith.addf %get3A_318, %get3A_322 : vector<16xf32>
      %swap3A_324 = arith.index_cast %scan3A_268 : i32 to index
      %swap3A_325 = arith.constant 32 : index
      %swap3A_326 = tpu.vector_load %arg10[%swap3A_324, %swap3A_325] {strides = array<i32>} : memref<80x256xf32, #tpu.memory_space<vmem>>, vector<1x16xf32>,
      %swap3A_327 = vector.shape_cast %swap3A_326 : vector<1x16xf32> to vector<16xf32>
      %swap3A_328 = vector.shape_cast %add3A_323 : vector<16xf32> to vector<1x16xf32>
      tpu.vector_store %arg10[%swap3A_324, %swap3A_325], %swap3A_328 {add = true, strides = array<i32>} : memref<80x256xf32, #tpu.memory_space<vmem>>, vector<1x16xf32>,
      %get3A_329 = arith.index_cast %scan3A_268 : i32 to index
      %get3A_330 = arith.constant 160 : index
      %get3A_331 = tpu.vector_load %arg10[%get3A_329, %get3A_330] {strides = array<i32>} : memref<80x256xf32, #tpu.memory_space<vmem>>, vector<1x16xf32>,
      %get3A_332 = vector.shape_cast %get3A_331 : vector<1x16xf32> to vector<16xf32>
      %add3A_333 = arith.addf %get3A_318, %get3A_332 : vector<16xf32>
      %swap3A_334 = arith.index_cast %scan3A_268 : i32 to index
      %swap3A_335 = arith.constant 32 : index
      %swap3A_336 = tpu.vector_load %arg12[%swap3A_334, %swap3A_335] {strides = array<i32>} : memref<80x256xf32, #tpu.memory_space<vmem>>, vector<1x16xf32>,
      %swap3A_337 = vector.shape_cast %swap3A_336 : vector<1x16xf32> to vector<16xf32>
      %swap3A_338 = vector.shape_cast %add3A_333 : vector<16xf32> to vector<1x16xf32>
      tpu.vector_store %arg12[%swap3A_334, %swap3A_335], %swap3A_338 {add = true, strides = array<i32>} : memref<80x256xf32, #tpu.memory_space<vmem>>, vector<1x16xf32>,
      %get3A_339 = arith.index_cast %scan3A_268 : i32 to index
      %get3A_340 = arith.constant 48 : index
      %get3A_341 = tpu.vector_load %arg14[%get3A_339, %get3A_340] {strides = array<i32>} : memref<80x128xf32, #tpu.memory_space<vmem>>, vector<1x16xf32>,
      %get3A_342 = vector.shape_cast %get3A_341 : vector<1x16xf32> to vector<16xf32>
      %get3A_343 = arith.index_cast %scan3A_268 : i32 to index
      %get3A_344 = arith.constant 176 : index
      %get3A_345 = tpu.vector_load %arg12[%get3A_343, %get3A_344] {strides = array<i32>} : memref<80x256xf32, #tpu.memory_space<vmem>>, vector<1x16xf32>,
      %get3A_346 = vector.shape_cast %get3A_345 : vector<1x16xf32> to vector<16xf32>
      %add3A_347 = arith.addf %get3A_342, %get3A_346 : vector<16xf32>
      %swap3A_348 = arith.index_cast %scan3A_268 : i32 to index
      %swap3A_349 = arith.constant 48 : index
      %swap3A_350 = tpu.vector_load %arg10[%swap3A_348, %swap3A_349] {strides = array<i32>} : memref<80x256xf32, #tpu.memory_space<vmem>>, vector<1x16xf32>,
      %swap3A_351 = vector.shape_cast %swap3A_350 : vector<1x16xf32> to vector<16xf32>
      %swap3A_352 = vector.shape_cast %add3A_347 : vector<16xf32> to vector<1x16xf32>
      tpu.vector_store %arg10[%swap3A_348, %swap3A_349], %swap3A_352 {add = true, strides = array<i32>} : memref<80x256xf32, #tpu.memory_space<vmem>>, vector<1x16xf32>,
      %get3A_353 = arith.index_cast %scan3A_268 : i32 to index
      %get3A_354 = arith.constant 176 : index
      %get3A_355 = tpu.vector_load %arg10[%get3A_353, %get3A_354] {strides = array<i32>} : memref<80x256xf32, #tpu.memory_space<vmem>>, vector<1x16xf32>,
      %get3A_356 = vector.shape_cast %get3A_355 : vector<1x16xf32> to vector<16xf32>
      %add3A_357 = arith.addf %get3A_342, %get3A_356 : vector<16xf32>
      %swap3A_358 = arith.index_cast %scan3A_268 : i32 to index
      %swap3A_359 = arith.constant 48 : index
      %swap3A_360 = tpu.vector_load %arg12[%swap3A_358, %swap3A_359] {strides = array<i32>} : memref<80x256xf32, #tpu.memory_space<vmem>>, vector<1x16xf32>,
      %swap3A_361 = vector.shape_cast %swap3A_360 : vector<1x16xf32> to vector<16xf32>
      %swap3A_362 = vector.shape_cast %add3A_357 : vector<16xf32> to vector<1x16xf32>
      tpu.vector_store %arg12[%swap3A_358, %swap3A_359], %swap3A_362 {add = true, strides = array<i32>} : memref<80x256xf32, #tpu.memory_space<vmem>>, vector<1x16xf32>,
      %get3A_363 = arith.index_cast %scan3A_268 : i32 to index
      %get3A_364 = arith.constant 64 : index
      %get3A_365 = tpu.vector_load %arg14[%get3A_363, %get3A_364] {strides = array<i32>} : memref<80x128xf32, #tpu.memory_space<vmem>>, vector<1x16xf32>,
      %get3A_366 = vector.shape_cast %get3A_365 : vector<1x16xf32> to vector<16xf32>
      %get3A_367 = arith.index_cast %scan3A_268 : i32 to index
      %get3A_368 = arith.constant 192 : index
      %get3A_369 = tpu.vector_load %arg12[%get3A_367, %get3A_368] {strides = array<i32>} : memref<80x256xf32, #tpu.memory_space<vmem>>, vector<1x16xf32>,
      %get3A_370 = vector.shape_cast %get3A_369 : vector<1x16xf32> to vector<16xf32>
      %add3A_371 = arith.addf %get3A_366, %get3A_370 : vector<16xf32>
      %swap3A_372 = arith.index_cast %scan3A_268 : i32 to index
      %swap3A_373 = arith.constant 64 : index
      %swap3A_374 = tpu.vector_load %arg10[%swap3A_372, %swap3A_373] {strides = array<i32>} : memref<80x256xf32, #tpu.memory_space<vmem>>, vector<1x16xf32>,
      %swap3A_375 = vector.shape_cast %swap3A_374 : vector<1x16xf32> to vector<16xf32>
      %swap3A_376 = vector.shape_cast %add3A_371 : vector<16xf32> to vector<1x16xf32>
      tpu.vector_store %arg10[%swap3A_372, %swap3A_373], %swap3A_376 {add = true, strides = array<i32>} : memref<80x256xf32, #tpu.memory_space<vmem>>, vector<1x16xf32>,
      %get3A_377 = arith.index_cast %scan3A_268 : i32 to index
      %get3A_378 = arith.constant 192 : index
      %get3A_379 = tpu.vector_load %arg10[%get3A_377, %get3A_378] {strides = array<i32>} : memref<80x256xf32, #tpu.memory_space<vmem>>, vector<1x16xf32>,
      %get3A_380 = vector.shape_cast %get3A_379 : vector<1x16xf32> to vector<16xf32>
      %add3A_381 = arith.addf %get3A_366, %get3A_380 : vector<16xf32>
      %swap3A_382 = arith.index_cast %scan3A_268 : i32 to index
      %swap3A_383 = arith.constant 64 : index
      %swap3A_384 = tpu.vector_load %arg12[%swap3A_382, %swap3A_383] {strides = array<i32>} : memref<80x256xf32, #tpu.memory_space<vmem>>, vector<1x16xf32>,
      %swap3A_385 = vector.shape_cast %swap3A_384 : vector<1x16xf32> to vector<16xf32>
      %swap3A_386 = vector.shape_cast %add3A_381 : vector<16xf32> to vector<1x16xf32>
      tpu.vector_store %arg12[%swap3A_382, %swap3A_383], %swap3A_386 {add = true, strides = array<i32>} : memref<80x256xf32, #tpu.memory_space<vmem>>, vector<1x16xf32>,
      %get3A_387 = arith.index_cast %scan3A_268 : i32 to index
      %get3A_388 = arith.constant 80 : index
      %get3A_389 = tpu.vector_load %arg14[%get3A_387, %get3A_388] {strides = array<i32>} : memref<80x128xf32, #tpu.memory_space<vmem>>, vector<1x16xf32>,
      %get3A_390 = vector.shape_cast %get3A_389 : vector<1x16xf32> to vector<16xf32>
      %get3A_391 = arith.index_cast %scan3A_268 : i32 to index
      %get3A_392 = arith.constant 208 : index
      %get3A_393 = tpu.vector_load %arg12[%get3A_391, %get3A_392] {strides = array<i32>} : memref<80x256xf32, #tpu.memory_space<vmem>>, vector<1x16xf32>,
      %get3A_394 = vector.shape_cast %get3A_393 : vector<1x16xf32> to vector<16xf32>
      %add3A_395 = arith.addf %get3A_390, %get3A_394 : vector<16xf32>
      %swap3A_396 = arith.index_cast %scan3A_268 : i32 to index
      %swap3A_397 = arith.constant 80 : index
      %swap3A_398 = tpu.vector_load %arg10[%swap3A_396, %swap3A_397] {strides = array<i32>} : memref<80x256xf32, #tpu.memory_space<vmem>>, vector<1x16xf32>,
      %swap3A_399 = vector.shape_cast %swap3A_398 : vector<1x16xf32> to vector<16xf32>
      %swap3A_400 = vector.shape_cast %add3A_395 : vector<16xf32> to vector<1x16xf32>
      tpu.vector_store %arg10[%swap3A_396, %swap3A_397], %swap3A_400 {add = true, strides = array<i32>} : memref<80x256xf32, #tpu.memory_space<vmem>>, vector<1x16xf32>,
      %get3A_401 = arith.index_cast %scan3A_268 : i32 to index
      %get3A_402 = arith.constant 208 : index
      %get3A_403 = tpu.vector_load %arg10[%get3A_401, %get3A_402] {strides = array<i32>} : memref<80x256xf32, #tpu.memory_space<vmem>>, vector<1x16xf32>,
      %get3A_404 = vector.shape_cast %get3A_403 : vector<1x16xf32> to vector<16xf32>
      %add3A_405 = arith.addf %get3A_390, %get3A_404 : vector<16xf32>
      %swap3A_406 = arith.index_cast %scan3A_268 : i32 to index
      %swap3A_407 = arith.constant 80 : index
      %swap3A_408 = tpu.vector_load %arg12[%swap3A_406, %swap3A_407] {strides = array<i32>} : memref<80x256xf32, #tpu.memory_space<vmem>>, vector<1x16xf32>,
      %swap3A_409 = vector.shape_cast %swap3A_408 : vector<1x16xf32> to vector<16xf32>
      %swap3A_410 = vector.shape_cast %add3A_405 : vector<16xf32> to vector<1x16xf32>
      tpu.vector_store %arg12[%swap3A_406, %swap3A_407], %swap3A_410 {add = true, strides = array<i32>} : memref<80x256xf32, #tpu.memory_space<vmem>>, vector<1x16xf32>,
      %get3A_411 = arith.index_cast %scan3A_268 : i32 to index
      %get3A_412 = arith.constant 96 : index
      %get3A_413 = tpu.vector_load %arg14[%get3A_411, %get3A_412] {strides = array<i32>} : memref<80x128xf32, #tpu.memory_space<vmem>>, vector<1x16xf32>,
      %get3A_414 = vector.shape_cast %get3A_413 : vector<1x16xf32> to vector<16xf32>
      %get3A_415 = arith.index_cast %scan3A_268 : i32 to index
      %get3A_416 = arith.constant 224 : index
      %get3A_417 = tpu.vector_load %arg12[%get3A_415, %get3A_416] {strides = array<i32>} : memref<80x256xf32, #tpu.memory_space<vmem>>, vector<1x16xf32>,
      %get3A_418 = vector.shape_cast %get3A_417 : vector<1x16xf32> to vector<16xf32>
      %add3A_419 = arith.addf %get3A_414, %get3A_418 : vector<16xf32>
      %swap3A_420 = arith.index_cast %scan3A_268 : i32 to index
      %swap3A_421 = arith.constant 96 : index
      %swap3A_422 = tpu.vector_load %arg10[%swap3A_420, %swap3A_421] {strides = array<i32>} : memref<80x256xf32, #tpu.memory_space<vmem>>, vector<1x16xf32>,
      %swap3A_423 = vector.shape_cast %swap3A_422 : vector<1x16xf32> to vector<16xf32>
      %swap3A_424 = vector.shape_cast %add3A_419 : vector<16xf32> to vector<1x16xf32>
      tpu.vector_store %arg10[%swap3A_420, %swap3A_421], %swap3A_424 {add = true, strides = array<i32>} : memref<80x256xf32, #tpu.memory_space<vmem>>, vector<1x16xf32>,
      %get3A_425 = arith.index_cast %scan3A_268 : i32 to index
      %get3A_426 = arith.constant 224 : index
      %get3A_427 = tpu.vector_load %arg10[%get3A_425, %get3A_426] {strides = array<i32>} : memref<80x256xf32, #tpu.memory_space<vmem>>, vector<1x16xf32>,
      %get3A_428 = vector.shape_cast %get3A_427 : vector<1x16xf32> to vector<16xf32>
      %add3A_429 = arith.addf %get3A_414, %get3A_428 : vector<16xf32>
      %swap3A_430 = arith.index_cast %scan3A_268 : i32 to index
      %swap3A_431 = arith.constant 96 : index
      %swap3A_432 = tpu.vector_load %arg12[%swap3A_430, %swap3A_431] {strides = array<i32>} : memref<80x256xf32, #tpu.memory_space<vmem>>, vector<1x16xf32>,
      %swap3A_433 = vector.shape_cast %swap3A_432 : vector<1x16xf32> to vector<16xf32>
      %swap3A_434 = vector.shape_cast %add3A_429 : vector<16xf32> to vector<1x16xf32>
      tpu.vector_store %arg12[%swap3A_430, %swap3A_431], %swap3A_434 {add = true, strides = array<i32>} : memref<80x256xf32, #tpu.memory_space<vmem>>, vector<1x16xf32>,
      %get3A_435 = arith.index_cast %scan3A_268 : i32 to index
      %get3A_436 = arith.constant 112 : index
      %get3A_437 = tpu.vector_load %arg14[%get3A_435, %get3A_436] {strides = array<i32>} : memref<80x128xf32, #tpu.memory_space<vmem>>, vector<1x16xf32>,
      %get3A_438 = vector.shape_cast %get3A_437 : vector<1x16xf32> to vector<16xf32>
      %get3A_439 = arith.index_cast %scan3A_268 : i32 to index
      %get3A_440 = arith.constant 240 : index
      %get3A_441 = tpu.vector_load %arg12[%get3A_439, %get3A_440] {strides = array<i32>} : memref<80x256xf32, #tpu.memory_space<vmem>>, vector<1x16xf32>,
      %get3A_442 = vector.shape_cast %get3A_441 : vector<1x16xf32> to vector<16xf32>
      %add3A_443 = arith.addf %get3A_438, %get3A_442 : vector<16xf32>
      %swap3A_444 = arith.index_cast %scan3A_268 : i32 to index
      %swap3A_445 = arith.constant 112 : index
      %swap3A_446 = tpu.vector_load %arg10[%swap3A_444, %swap3A_445] {strides = array<i32>} : memref<80x256xf32, #tpu.memory_space<vmem>>, vector<1x16xf32>,
      %swap3A_447 = vector.shape_cast %swap3A_446 : vector<1x16xf32> to vector<16xf32>
      %swap3A_448 = vector.shape_cast %add3A_443 : vector<16xf32> to vector<1x16xf32>
      tpu.vector_store %arg10[%swap3A_444, %swap3A_445], %swap3A_448 {add = true, strides = array<i32>} : memref<80x256xf32, #tpu.memory_space<vmem>>, vector<1x16xf32>,
      %get3A_449 = arith.index_cast %scan3A_268 : i32 to index
      %get3A_450 = arith.constant 240 : index
      %get3A_451 = tpu.vector_load %arg10[%get3A_449, %get3A_450] {strides = array<i32>} : memref<80x256xf32, #tpu.memory_space<vmem>>, vector<1x16xf32>,
      %get3A_452 = vector.shape_cast %get3A_451 : vector<1x16xf32> to vector<16xf32>
      %add3A_453 = arith.addf %get3A_438, %get3A_452 : vector<16xf32>
      %swap3A_454 = arith.index_cast %scan3A_268 : i32 to index
      %swap3A_455 = arith.constant 112 : index
      %swap3A_456 = tpu.vector_load %arg12[%swap3A_454, %swap3A_455] {strides = array<i32>} : memref<80x256xf32, #tpu.memory_space<vmem>>, vector<1x16xf32>,
      %swap3A_457 = vector.shape_cast %swap3A_456 : vector<1x16xf32> to vector<16xf32>
      %swap3A_458 = vector.shape_cast %add3A_453 : vector<16xf32> to vector<1x16xf32>
      tpu.vector_store %arg12[%swap3A_454, %swap3A_455], %swap3A_458 {add = true, strides = array<i32>} : memref<80x256xf32, #tpu.memory_space<vmem>>, vector<1x16xf32>,
    }
    %scan3A_195 = arith.constant 80 : i32
    %mul3A_196 = arith.constant 10000 : i32
    %mul3A_197 = arith.muli %add3A, %mul3A_196 : i32
    %add3A_198 = arith.constant 9920 : i32
    %add3A_199 = arith.addi %mul3A_197, %add3A_198 : i32
    %dma_start3A_200 = arith.constant 0 : i32
    %dma_start3A_201 = arith.constant 0 : i32
    %dma_start3A_202 = tpu.memref_slice %arg10[%dma_start3A_200, %dma_start3A_201] : memref<80x256xf32, #tpu.memory_space<vmem>> -> memref<80x128xf32, #tpu.memory_space<vmem>>
    %dma_start3A_203 = arith.constant 0 : i32
    %dma_start3A_204 = tpu.memref_slice %arg6[%add3A_199, %dma_start3A_203] : memref<320000x128xf32, #tpu.memory_space<hbm>> -> memref<80x128xf32, #tpu.memory_space<hbm>>
    %dma_start3A_205 = arith.constant 0 : i32
    %dma_start3A_206 = tpu.memref_slice %arg6[%add3A_199, %dma_start3A_205] : memref<320000x128xf32, #tpu.memory_space<hbm>> -> memref<80x128xf32, #tpu.memory_space<hbm>>
    %dma_start3A_207 = arith.constant 0 : i32
    %dma_start3A_208 = arith.constant 0 : i32
    %dma_start3A_209 = tpu.memref_slice %arg10[%dma_start3A_207, %dma_start3A_208] : memref<80x256xf32, #tpu.memory_space<vmem>> -> memref<80x128xf32, #tpu.memory_space<vmem>>
    tpu.enqueue_dma source(%dma_start3A_209 : memref<80x128xf32, #tpu.memory_space<vmem>>) target(%dma_start3A_206 : memref<80x128xf32, #tpu.memory_space<hbm>>) target_semaphore(%arg18 : memref<!tpu.dma_semaphore, #tpu.memory_space<semaphore_mem>>)
    %dma_start3A_210 = arith.constant 0 : i32
    %dma_start3A_211 = arith.constant 0 : i32
    %dma_start3A_212 = tpu.memref_slice %arg12[%dma_start3A_210, %dma_start3A_211] : memref<80x256xf32, #tpu.memory_space<vmem>> -> memref<80x128xf32, #tpu.memory_space<vmem>>
    %dma_start3A_213 = arith.constant 0 : i32
    %dma_start3A_214 = tpu.memref_slice %arg7[%add3A_199, %dma_start3A_213] : memref<320000x128xf32, #tpu.memory_space<hbm>> -> memref<80x128xf32, #tpu.memory_space<hbm>>
    %dma_start3A_215 = arith.constant 0 : i32
    %dma_start3A_216 = tpu.memref_slice %arg7[%add3A_199, %dma_start3A_215] : memref<320000x128xf32, #tpu.memory_space<hbm>> -> memref<80x128xf32, #tpu.memory_space<hbm>>
    %dma_start3A_217 = arith.constant 0 : i32
    %dma_start3A_218 = arith.constant 0 : i32
    %dma_start3A_219 = tpu.memref_slice %arg12[%dma_start3A_217, %dma_start3A_218] : memref<80x256xf32, #tpu.memory_space<vmem>> -> memref<80x128xf32, #tpu.memory_space<vmem>>
    tpu.enqueue_dma source(%dma_start3A_219 : memref<80x128xf32, #tpu.memory_space<vmem>>) target(%dma_start3A_216 : memref<80x128xf32, #tpu.memory_space<hbm>>) target_semaphore(%arg18 : memref<!tpu.dma_semaphore, #tpu.memory_space<semaphore_mem>>)
    %dma_wait3A_220 = arith.constant 0 : i32
    %dma_wait3A_221 = arith.constant 0 : i32
    %dma_wait3A_222 = tpu.memref_slice %arg10[%dma_wait3A_220, %dma_wait3A_221] : memref<80x256xf32, #tpu.memory_space<vmem>> -> memref<80x128xf32, #tpu.memory_space<vmem>>
    %dma_wait3A_223 = arith.constant 0 : i32
    %dma_wait3A_224 = arith.constant 0 : i32
    %dma_wait3A_225 = tpu.memref_slice %arg6[%dma_wait3A_223, %dma_wait3A_224] : memref<320000x128xf32, #tpu.memory_space<hbm>> -> memref<80x128xf32, #tpu.memory_space<hbm>>
    %dma_wait3A_226 = arith.constant 0 : i32
    %dma_wait3A_227 = arith.constant 0 : i32
    %dma_wait3A_228 = tpu.memref_slice %arg6[%dma_wait3A_226, %dma_wait3A_227] : memref<320000x128xf32, #tpu.memory_space<hbm>> -> memref<80x128xf32, #tpu.memory_space<hbm>>
    %dma_wait3A_229 = arith.constant 0 : i32
    %dma_wait3A_230 = arith.constant 0 : i32
    %dma_wait3A_231 = tpu.memref_slice %arg10[%dma_wait3A_229, %dma_wait3A_230] : memref<80x256xf32, #tpu.memory_space<vmem>> -> memref<80x128xf32, #tpu.memory_space<vmem>>
    tpu.wait_dma2 semaphore(%arg18 : memref<!tpu.dma_semaphore, #tpu.memory_space<semaphore_mem>>) src(%dma_wait3A_231 : memref<80x128xf32, #tpu.memory_space<vmem>>) dst(%dma_wait3A_228 : memref<80x128xf32, #tpu.memory_space<hbm>>)
    %dma_wait3A_232 = arith.constant 0 : i32
    %dma_wait3A_233 = arith.constant 0 : i32
    %dma_wait3A_234 = tpu.memref_slice %arg12[%dma_wait3A_232, %dma_wait3A_233] : memref<80x256xf32, #tpu.memory_space<vmem>> -> memref<80x128xf32, #tpu.memory_space<vmem>>
    %dma_wait3A_235 = arith.constant 0 : i32
    %dma_wait3A_236 = arith.constant 0 : i32
    %dma_wait3A_237 = tpu.memref_slice %arg7[%dma_wait3A_235, %dma_wait3A_236] : memref<320000x128xf32, #tpu.memory_space<hbm>> -> memref<80x128xf32, #tpu.memory_space<hbm>>
    %dma_wait3A_238 = arith.constant 0 : i32
    %dma_wait3A_239 = arith.constant 0 : i32
    %dma_wait3A_240 = tpu.memref_slice %arg7[%dma_wait3A_238, %dma_wait3A_239] : memref<320000x128xf32, #tpu.memory_space<hbm>> -> memref<80x128xf32, #tpu.memory_space<hbm>>
    %dma_wait3A_241 = arith.constant 0 : i32
    %dma_wait3A_242 = arith.constant 0 : i32
    %dma_wait3A_243 = tpu.memref_slice %arg12[%dma_wait3A_241, %dma_wait3A_242] : memref<80x256xf32, #tpu.memory_space<vmem>> -> memref<80x128xf32, #tpu.memory_space<vmem>>
    tpu.wait_dma2 semaphore(%arg18 : memref<!tpu.dma_semaphore, #tpu.memory_space<semaphore_mem>>) src(%dma_wait3A_243 : memref<80x128xf32, #tpu.memory_space<vmem>>) dst(%dma_wait3A_240 : memref<80x128xf32, #tpu.memory_space<hbm>>)
    %dma_wait3A_244 = arith.constant 0 : i32
    %dma_wait3A_245 = arith.constant 0 : i32
    %dma_wait3A_246 = tpu.memref_slice %arg11[%dma_wait3A_244, %dma_wait3A_245] : memref<80x256xf32, #tpu.memory_space<vmem>> -> memref<80x128xf32, #tpu.memory_space<vmem>>
    %dma_wait3A_247 = arith.constant 0 : i32
    %dma_wait3A_248 = arith.constant 0 : i32
    %dma_wait3A_249 = tpu.memref_slice %arg6[%dma_wait3A_247, %dma_wait3A_248] : memref<320000x128xf32, #tpu.memory_space<hbm>> -> memref<80x128xf32, #tpu.memory_space<hbm>>
    %dma_wait3A_250 = arith.constant 0 : i32
    %dma_wait3A_251 = arith.constant 0 : i32
    %dma_wait3A_252 = tpu.memref_slice %arg6[%dma_wait3A_250, %dma_wait3A_251] : memref<320000x128xf32, #tpu.memory_space<hbm>> -> memref<80x128xf32, #tpu.memory_space<hbm>>
    %dma_wait3A_253 = arith.constant 0 : i32
    %dma_wait3A_254 = arith.constant 0 : i32
    %dma_wait3A_255 = tpu.memref_slice %arg11[%dma_wait3A_253, %dma_wait3A_254] : memref<80x256xf32, #tpu.memory_space<vmem>> -> memref<80x128xf32, #tpu.memory_space<vmem>>
    tpu.wait_dma2 semaphore(%arg19 : memref<!tpu.dma_semaphore, #tpu.memory_space<semaphore_mem>>) src(%dma_wait3A_255 : memref<80x128xf32, #tpu.memory_space<vmem>>) dst(%dma_wait3A_252 : memref<80x128xf32, #tpu.memory_space<hbm>>)
    %dma_wait3A_256 = arith.constant 0 : i32
    %dma_wait3A_257 = arith.constant 0 : i32
    %dma_wait3A_258 = tpu.memref_slice %arg13[%dma_wait3A_256, %dma_wait3A_257] : memref<80x256xf32, #tpu.memory_space<vmem>> -> memref<80x128xf32, #tpu.memory_space<vmem>>
    %dma_wait3A_259 = arith.constant 0 : i32
    %dma_wait3A_260 = arith.constant 0 : i32
    %dma_wait3A_261 = tpu.memref_slice %arg7[%dma_wait3A_259, %dma_wait3A_260] : memref<320000x128xf32, #tpu.memory_space<hbm>> -> memref<80x128xf32, #tpu.memory_space<hbm>>
    %dma_wait3A_262 = arith.constant 0 : i32
    %dma_wait3A_263 = arith.constant 0 : i32
    %dma_wait3A_264 = tpu.memref_slice %arg7[%dma_wait3A_262, %dma_wait3A_263] : memref<320000x128xf32, #tpu.memory_space<hbm>> -> memref<80x128xf32, #tpu.memory_space<hbm>>
    %dma_wait3A_265 = arith.constant 0 : i32
    %dma_wait3A_266 = arith.constant 0 : i32
    %dma_wait3A_267 = tpu.memref_slice %arg13[%dma_wait3A_265, %dma_wait3A_266] : memref<80x256xf32, #tpu.memory_space<vmem>> -> memref<80x128xf32, #tpu.memory_space<vmem>>
    tpu.wait_dma2 semaphore(%arg19 : memref<!tpu.dma_semaphore, #tpu.memory_space<semaphore_mem>>) src(%dma_wait3A_267 : memref<80x128xf32, #tpu.memory_space<vmem>>) dst(%dma_wait3A_264 : memref<80x128xf32, #tpu.memory_space<hbm>>)
    return
  }
}

#map = affine_map<(d0, d1) -> (0, 0)>
#map1 = affine_map<(d0, d1) -> (0)>
module attributes {stable_mosaic.version = 14 : i64} {
  func.func @_scatter_kernel(%arg0: i32, %arg1: i32, %arg2: memref<32x10000xi32, #tpu.memory_space<hbm>>, %arg3: memref<320000xi32, #tpu.memory_space<hbm>>, %arg4: memref<320000x128xf32, #tpu.memory_space<hbm>>, %arg5: memref<10000x128xf32, #tpu.memory_space<hbm>>, %arg6: memref<20480x128xf32, #tpu.memory_space<hbm>>, %arg7: memref<10240x128xf32, #tpu.memory_space<vmem_shared>>, %arg8: memref<10000xi32, #tpu.memory_space<vmem>>, %arg9: memref<80xi32, #tpu.memory_space<vmem>>, %arg10: memref<80xi32, #tpu.memory_space<vmem>>, %arg11: memref<80x128xf32, #tpu.memory_space<vmem>>, %arg12: memref<80x128xf32, #tpu.memory_space<vmem>>, %arg13: memref<80x128xf32, #tpu.memory_space<vmem>>, %arg14: memref<!tpu.dma_semaphore, #tpu.memory_space<semaphore_mem>>, %arg15: memref<!tpu.dma_semaphore, #tpu.memory_space<semaphore_mem>>, %arg16: memref<!tpu.dma_semaphore, #tpu.memory_space<semaphore_mem>>) attributes {dimension_semantics = [#tpu.dimension_semantics<core_parallel>, #tpu.dimension_semantics<subcore_parallel>], iteration_bounds = array<i64: 2, 16>, scalar_prefetch = 0 : i64, scratch_operands = 10 : i64, tpu.core_type = #tpu.core_type<sc_vector_subcore>, window_params = [{transform_indices = #map}, {transform_indices = #map1}, {transform_indices = #map}, {transform_indices = #map}, {transform_indices = #map}]} {
    %mul3A = arith.constant 2 : i32
    %mul3A_0 = arith.muli %arg1, %mul3A : i32
    %add3A = arith.addi %mul3A_0, %arg0 : i32
    "tpu.region"() ({
      %run_scoped3A = tpu.sem_alloc : memref<!tpu.dma_semaphore, #tpu.memory_space<semaphore_mem>>
      %dma_start3A_238 = arith.constant 0 : i32
      %dma_start3A_239 = tpu.memref_slice %arg2[%add3A, %dma_start3A_238] : memref<32x10000xi32, #tpu.memory_space<hbm>> -> memref<1x10000xi32, #tpu.memory_space<hbm>>
      %dma_start3A_240 = tpu.memref_squeeze %dma_start3A_239 : memref<1x10000xi32, #tpu.memory_space<hbm>> -> memref<10000xi32, #tpu.memory_space<hbm>>
      %dma_start3A_241 = arith.constant 0 : i32
      %dma_start3A_242 = tpu.memref_slice %arg2[%add3A, %dma_start3A_241] : memref<32x10000xi32, #tpu.memory_space<hbm>> -> memref<1x10000xi32, #tpu.memory_space<hbm>>
      %dma_start3A_243 = tpu.memref_squeeze %dma_start3A_242 : memref<1x10000xi32, #tpu.memory_space<hbm>> -> memref<10000xi32, #tpu.memory_space<hbm>>
      tpu.enqueue_dma source(%dma_start3A_243 : memref<10000xi32, #tpu.memory_space<hbm>>) target(%arg8 : memref<10000xi32, #tpu.memory_space<vmem>>) target_semaphore(%run_scoped3A : memref<!tpu.dma_semaphore, #tpu.memory_space<semaphore_mem>>)
      %dma_wait3A_244 = arith.constant 0 : i32
      %dma_wait3A_245 = tpu.memref_slice %arg2[%add3A, %dma_wait3A_244] : memref<32x10000xi32, #tpu.memory_space<hbm>> -> memref<1x10000xi32, #tpu.memory_space<hbm>>
      %dma_wait3A_246 = tpu.memref_squeeze %dma_wait3A_245 : memref<1x10000xi32, #tpu.memory_space<hbm>> -> memref<10000xi32, #tpu.memory_space<hbm>>
      %dma_wait3A_247 = arith.constant 0 : i32
      %dma_wait3A_248 = tpu.memref_slice %arg2[%add3A, %dma_wait3A_247] : memref<32x10000xi32, #tpu.memory_space<hbm>> -> memref<1x10000xi32, #tpu.memory_space<hbm>>
      %dma_wait3A_249 = tpu.memref_squeeze %dma_wait3A_248 : memref<1x10000xi32, #tpu.memory_space<hbm>> -> memref<10000xi32, #tpu.memory_space<hbm>>
      tpu.wait_dma2 semaphore(%run_scoped3A : memref<!tpu.dma_semaphore, #tpu.memory_space<semaphore_mem>>) src(%dma_wait3A_249 : memref<10000xi32, #tpu.memory_space<hbm>>) dst(%arg8 : memref<10000xi32, #tpu.memory_space<vmem>>)
      tpu.yield
    }) : () -> ()
    %scan3A = arith.constant 0 : i32
    %scan3A_1 = arith.constant 0 : i32
    %scan3A_2 = arith.constant 80 : i32
    %scan3A_3 = arith.addi %scan3A_1, %scan3A_2 : i32
    %scan3A_4 = arith.constant 1 : i32
    scf.for %scan3A_238 = %scan3A_1 to %scan3A_3 step %scan3A_4  : i32 {
      %broadcast_in_dim3A = arith.constant 0.000000e+00 : f32
      %broadcast_in_dim3A_239 = vector.broadcast %broadcast_in_dim3A : f32 to vector<16xf32>
      %swap3A = arith.index_cast %scan3A_238 : i32 to index
      %swap3A_240 = arith.constant 0 : index
      %swap3A_241 = tpu.vector_load %arg11[%swap3A, %swap3A_240] {strides = array<i32>} : memref<80x128xf32, #tpu.memory_space<vmem>>, vector<1x16xf32>,
      %swap3A_242 = vector.shape_cast %swap3A_241 : vector<1x16xf32> to vector<16xf32>
      %swap3A_243 = vector.shape_cast %broadcast_in_dim3A_239 : vector<16xf32> to vector<1x16xf32>
      tpu.vector_store %arg11[%swap3A, %swap3A_240], %swap3A_243 {strides = array<i32>} : memref<80x128xf32, #tpu.memory_space<vmem>>, vector<1x16xf32>,
      %broadcast_in_dim3A_244 = arith.constant 0.000000e+00 : f32
      %broadcast_in_dim3A_245 = vector.broadcast %broadcast_in_dim3A_244 : f32 to vector<16xf32>
      %swap3A_246 = arith.index_cast %scan3A_238 : i32 to index
      %swap3A_247 = arith.constant 16 : index
      %swap3A_248 = tpu.vector_load %arg11[%swap3A_246, %swap3A_247] {strides = array<i32>} : memref<80x128xf32, #tpu.memory_space<vmem>>, vector<1x16xf32>,
      %swap3A_249 = vector.shape_cast %swap3A_248 : vector<1x16xf32> to vector<16xf32>
      %swap3A_250 = vector.shape_cast %broadcast_in_dim3A_245 : vector<16xf32> to vector<1x16xf32>
      tpu.vector_store %arg11[%swap3A_246, %swap3A_247], %swap3A_250 {strides = array<i32>} : memref<80x128xf32, #tpu.memory_space<vmem>>, vector<1x16xf32>,
      %broadcast_in_dim3A_251 = arith.constant 0.000000e+00 : f32
      %broadcast_in_dim3A_252 = vector.broadcast %broadcast_in_dim3A_251 : f32 to vector<16xf32>
      %swap3A_253 = arith.index_cast %scan3A_238 : i32 to index
      %swap3A_254 = arith.constant 32 : index
      %swap3A_255 = tpu.vector_load %arg11[%swap3A_253, %swap3A_254] {strides = array<i32>} : memref<80x128xf32, #tpu.memory_space<vmem>>, vector<1x16xf32>,
      %swap3A_256 = vector.shape_cast %swap3A_255 : vector<1x16xf32> to vector<16xf32>
      %swap3A_257 = vector.shape_cast %broadcast_in_dim3A_252 : vector<16xf32> to vector<1x16xf32>
      tpu.vector_store %arg11[%swap3A_253, %swap3A_254], %swap3A_257 {strides = array<i32>} : memref<80x128xf32, #tpu.memory_space<vmem>>, vector<1x16xf32>,
      %broadcast_in_dim3A_258 = arith.constant 0.000000e+00 : f32
      %broadcast_in_dim3A_259 = vector.broadcast %broadcast_in_dim3A_258 : f32 to vector<16xf32>
      %swap3A_260 = arith.index_cast %scan3A_238 : i32 to index
      %swap3A_261 = arith.constant 48 : index
      %swap3A_262 = tpu.vector_load %arg11[%swap3A_260, %swap3A_261] {strides = array<i32>} : memref<80x128xf32, #tpu.memory_space<vmem>>, vector<1x16xf32>,
      %swap3A_263 = vector.shape_cast %swap3A_262 : vector<1x16xf32> to vector<16xf32>
      %swap3A_264 = vector.shape_cast %broadcast_in_dim3A_259 : vector<16xf32> to vector<1x16xf32>
      tpu.vector_store %arg11[%swap3A_260, %swap3A_261], %swap3A_264 {strides = array<i32>} : memref<80x128xf32, #tpu.memory_space<vmem>>, vector<1x16xf32>,
      %broadcast_in_dim3A_265 = arith.constant 0.000000e+00 : f32
      %broadcast_in_dim3A_266 = vector.broadcast %broadcast_in_dim3A_265 : f32 to vector<16xf32>
      %swap3A_267 = arith.index_cast %scan3A_238 : i32 to index
      %swap3A_268 = arith.constant 64 : index
      %swap3A_269 = tpu.vector_load %arg11[%swap3A_267, %swap3A_268] {strides = array<i32>} : memref<80x128xf32, #tpu.memory_space<vmem>>, vector<1x16xf32>,
      %swap3A_270 = vector.shape_cast %swap3A_269 : vector<1x16xf32> to vector<16xf32>
      %swap3A_271 = vector.shape_cast %broadcast_in_dim3A_266 : vector<16xf32> to vector<1x16xf32>
      tpu.vector_store %arg11[%swap3A_267, %swap3A_268], %swap3A_271 {strides = array<i32>} : memref<80x128xf32, #tpu.memory_space<vmem>>, vector<1x16xf32>,
      %broadcast_in_dim3A_272 = arith.constant 0.000000e+00 : f32
      %broadcast_in_dim3A_273 = vector.broadcast %broadcast_in_dim3A_272 : f32 to vector<16xf32>
      %swap3A_274 = arith.index_cast %scan3A_238 : i32 to index
      %swap3A_275 = arith.constant 80 : index
      %swap3A_276 = tpu.vector_load %arg11[%swap3A_274, %swap3A_275] {strides = array<i32>} : memref<80x128xf32, #tpu.memory_space<vmem>>, vector<1x16xf32>,
      %swap3A_277 = vector.shape_cast %swap3A_276 : vector<1x16xf32> to vector<16xf32>
      %swap3A_278 = vector.shape_cast %broadcast_in_dim3A_273 : vector<16xf32> to vector<1x16xf32>
      tpu.vector_store %arg11[%swap3A_274, %swap3A_275], %swap3A_278 {strides = array<i32>} : memref<80x128xf32, #tpu.memory_space<vmem>>, vector<1x16xf32>,
      %broadcast_in_dim3A_279 = arith.constant 0.000000e+00 : f32
      %broadcast_in_dim3A_280 = vector.broadcast %broadcast_in_dim3A_279 : f32 to vector<16xf32>
      %swap3A_281 = arith.index_cast %scan3A_238 : i32 to index
      %swap3A_282 = arith.constant 96 : index
      %swap3A_283 = tpu.vector_load %arg11[%swap3A_281, %swap3A_282] {strides = array<i32>} : memref<80x128xf32, #tpu.memory_space<vmem>>, vector<1x16xf32>,
      %swap3A_284 = vector.shape_cast %swap3A_283 : vector<1x16xf32> to vector<16xf32>
      %swap3A_285 = vector.shape_cast %broadcast_in_dim3A_280 : vector<16xf32> to vector<1x16xf32>
      tpu.vector_store %arg11[%swap3A_281, %swap3A_282], %swap3A_285 {strides = array<i32>} : memref<80x128xf32, #tpu.memory_space<vmem>>, vector<1x16xf32>,
      %broadcast_in_dim3A_286 = arith.constant 0.000000e+00 : f32
      %broadcast_in_dim3A_287 = vector.broadcast %broadcast_in_dim3A_286 : f32 to vector<16xf32>
      %swap3A_288 = arith.index_cast %scan3A_238 : i32 to index
      %swap3A_289 = arith.constant 112 : index
      %swap3A_290 = tpu.vector_load %arg11[%swap3A_288, %swap3A_289] {strides = array<i32>} : memref<80x128xf32, #tpu.memory_space<vmem>>, vector<1x16xf32>,
      %swap3A_291 = vector.shape_cast %swap3A_290 : vector<1x16xf32> to vector<16xf32>
      %swap3A_292 = vector.shape_cast %broadcast_in_dim3A_287 : vector<16xf32> to vector<1x16xf32>
      tpu.vector_store %arg11[%swap3A_288, %swap3A_289], %swap3A_292 {strides = array<i32>} : memref<80x128xf32, #tpu.memory_space<vmem>>, vector<1x16xf32>,
    }
    %scan3A_5 = arith.constant 80 : i32
    %mul3A_6 = arith.constant 640 : i32
    %mul3A_7 = arith.muli %arg1, %mul3A_6 : i32
    %add3A_8 = arith.constant 0 : i32
    %add3A_9 = arith.addi %mul3A_7, %add3A_8 : i32
    "tpu.region"() ({
      %run_scoped3A = tpu.sem_alloc : memref<!tpu.dma_semaphore, #tpu.memory_space<semaphore_mem>>
      %dma_start3A_238 = arith.constant 0 : i32
      %dma_start3A_239 = tpu.memref_slice %arg7[%add3A_9, %dma_start3A_238] : memref<10240x128xf32, #tpu.memory_space<vmem_shared>> -> memref<80x128xf32, #tpu.memory_space<vmem_shared>>
      %dma_start3A_240 = arith.constant 0 : i32
      %dma_start3A_241 = tpu.memref_slice %arg7[%add3A_9, %dma_start3A_240] : memref<10240x128xf32, #tpu.memory_space<vmem_shared>> -> memref<80x128xf32, #tpu.memory_space<vmem_shared>>
      tpu.enqueue_dma source(%arg11 : memref<80x128xf32, #tpu.memory_space<vmem>>) target(%dma_start3A_241 : memref<80x128xf32, #tpu.memory_space<vmem_shared>>) target_semaphore(%run_scoped3A : memref<!tpu.dma_semaphore, #tpu.memory_space<semaphore_mem>>)
      %dma_wait3A_242 = arith.constant 0 : i32
      %dma_wait3A_243 = tpu.memref_slice %arg7[%add3A_9, %dma_wait3A_242] : memref<10240x128xf32, #tpu.memory_space<vmem_shared>> -> memref<80x128xf32, #tpu.memory_space<vmem_shared>>
      %dma_wait3A_244 = arith.constant 0 : i32
      %dma_wait3A_245 = tpu.memref_slice %arg7[%add3A_9, %dma_wait3A_244] : memref<10240x128xf32, #tpu.memory_space<vmem_shared>> -> memref<80x128xf32, #tpu.memory_space<vmem_shared>>
      tpu.wait_dma2 semaphore(%run_scoped3A : memref<!tpu.dma_semaphore, #tpu.memory_space<semaphore_mem>>) src(%arg11 : memref<80x128xf32, #tpu.memory_space<vmem>>) dst(%dma_wait3A_245 : memref<80x128xf32, #tpu.memory_space<vmem_shared>>)
      tpu.yield
    }) : () -> ()
    %mul3A_10 = arith.constant 640 : i32
    %mul3A_11 = arith.muli %arg1, %mul3A_10 : i32
    %add3A_12 = arith.constant 80 : i32
    %add3A_13 = arith.addi %mul3A_11, %add3A_12 : i32
    "tpu.region"() ({
      %run_scoped3A = tpu.sem_alloc : memref<!tpu.dma_semaphore, #tpu.memory_space<semaphore_mem>>
      %dma_start3A_238 = arith.constant 0 : i32
      %dma_start3A_239 = tpu.memref_slice %arg7[%add3A_13, %dma_start3A_238] : memref<10240x128xf32, #tpu.memory_space<vmem_shared>> -> memref<80x128xf32, #tpu.memory_space<vmem_shared>>
      %dma_start3A_240 = arith.constant 0 : i32
      %dma_start3A_241 = tpu.memref_slice %arg7[%add3A_13, %dma_start3A_240] : memref<10240x128xf32, #tpu.memory_space<vmem_shared>> -> memref<80x128xf32, #tpu.memory_space<vmem_shared>>
      tpu.enqueue_dma source(%arg11 : memref<80x128xf32, #tpu.memory_space<vmem>>) target(%dma_start3A_241 : memref<80x128xf32, #tpu.memory_space<vmem_shared>>) target_semaphore(%run_scoped3A : memref<!tpu.dma_semaphore, #tpu.memory_space<semaphore_mem>>)
      %dma_wait3A_242 = arith.constant 0 : i32
      %dma_wait3A_243 = tpu.memref_slice %arg7[%add3A_13, %dma_wait3A_242] : memref<10240x128xf32, #tpu.memory_space<vmem_shared>> -> memref<80x128xf32, #tpu.memory_space<vmem_shared>>
      %dma_wait3A_244 = arith.constant 0 : i32
      %dma_wait3A_245 = tpu.memref_slice %arg7[%add3A_13, %dma_wait3A_244] : memref<10240x128xf32, #tpu.memory_space<vmem_shared>> -> memref<80x128xf32, #tpu.memory_space<vmem_shared>>
      tpu.wait_dma2 semaphore(%run_scoped3A : memref<!tpu.dma_semaphore, #tpu.memory_space<semaphore_mem>>) src(%arg11 : memref<80x128xf32, #tpu.memory_space<vmem>>) dst(%dma_wait3A_245 : memref<80x128xf32, #tpu.memory_space<vmem_shared>>)
      tpu.yield
    }) : () -> ()
    %mul3A_14 = arith.constant 640 : i32
    %mul3A_15 = arith.muli %arg1, %mul3A_14 : i32
    %add3A_16 = arith.constant 160 : i32
    %add3A_17 = arith.addi %mul3A_15, %add3A_16 : i32
    "tpu.region"() ({
      %run_scoped3A = tpu.sem_alloc : memref<!tpu.dma_semaphore, #tpu.memory_space<semaphore_mem>>
      %dma_start3A_238 = arith.constant 0 : i32
      %dma_start3A_239 = tpu.memref_slice %arg7[%add3A_17, %dma_start3A_238] : memref<10240x128xf32, #tpu.memory_space<vmem_shared>> -> memref<80x128xf32, #tpu.memory_space<vmem_shared>>
      %dma_start3A_240 = arith.constant 0 : i32
      %dma_start3A_241 = tpu.memref_slice %arg7[%add3A_17, %dma_start3A_240] : memref<10240x128xf32, #tpu.memory_space<vmem_shared>> -> memref<80x128xf32, #tpu.memory_space<vmem_shared>>
      tpu.enqueue_dma source(%arg11 : memref<80x128xf32, #tpu.memory_space<vmem>>) target(%dma_start3A_241 : memref<80x128xf32, #tpu.memory_space<vmem_shared>>) target_semaphore(%run_scoped3A : memref<!tpu.dma_semaphore, #tpu.memory_space<semaphore_mem>>)
      %dma_wait3A_242 = arith.constant 0 : i32
      %dma_wait3A_243 = tpu.memref_slice %arg7[%add3A_17, %dma_wait3A_242] : memref<10240x128xf32, #tpu.memory_space<vmem_shared>> -> memref<80x128xf32, #tpu.memory_space<vmem_shared>>
      %dma_wait3A_244 = arith.constant 0 : i32
      %dma_wait3A_245 = tpu.memref_slice %arg7[%add3A_17, %dma_wait3A_244] : memref<10240x128xf32, #tpu.memory_space<vmem_shared>> -> memref<80x128xf32, #tpu.memory_space<vmem_shared>>
      tpu.wait_dma2 semaphore(%run_scoped3A : memref<!tpu.dma_semaphore, #tpu.memory_space<semaphore_mem>>) src(%arg11 : memref<80x128xf32, #tpu.memory_space<vmem>>) dst(%dma_wait3A_245 : memref<80x128xf32, #tpu.memory_space<vmem_shared>>)
      tpu.yield
    }) : () -> ()
    %mul3A_18 = arith.constant 640 : i32
    %mul3A_19 = arith.muli %arg1, %mul3A_18 : i32
    %add3A_20 = arith.constant 240 : i32
    %add3A_21 = arith.addi %mul3A_19, %add3A_20 : i32
    "tpu.region"() ({
      %run_scoped3A = tpu.sem_alloc : memref<!tpu.dma_semaphore, #tpu.memory_space<semaphore_mem>>
      %dma_start3A_238 = arith.constant 0 : i32
      %dma_start3A_239 = tpu.memref_slice %arg7[%add3A_21, %dma_start3A_238] : memref<10240x128xf32, #tpu.memory_space<vmem_shared>> -> memref<80x128xf32, #tpu.memory_space<vmem_shared>>
      %dma_start3A_240 = arith.constant 0 : i32
      %dma_start3A_241 = tpu.memref_slice %arg7[%add3A_21, %dma_start3A_240] : memref<10240x128xf32, #tpu.memory_space<vmem_shared>> -> memref<80x128xf32, #tpu.memory_space<vmem_shared>>
      tpu.enqueue_dma source(%arg11 : memref<80x128xf32, #tpu.memory_space<vmem>>) target(%dma_start3A_241 : memref<80x128xf32, #tpu.memory_space<vmem_shared>>) target_semaphore(%run_scoped3A : memref<!tpu.dma_semaphore, #tpu.memory_space<semaphore_mem>>)
      %dma_wait3A_242 = arith.constant 0 : i32
      %dma_wait3A_243 = tpu.memref_slice %arg7[%add3A_21, %dma_wait3A_242] : memref<10240x128xf32, #tpu.memory_space<vmem_shared>> -> memref<80x128xf32, #tpu.memory_space<vmem_shared>>
      %dma_wait3A_244 = arith.constant 0 : i32
      %dma_wait3A_245 = tpu.memref_slice %arg7[%add3A_21, %dma_wait3A_244] : memref<10240x128xf32, #tpu.memory_space<vmem_shared>> -> memref<80x128xf32, #tpu.memory_space<vmem_shared>>
      tpu.wait_dma2 semaphore(%run_scoped3A : memref<!tpu.dma_semaphore, #tpu.memory_space<semaphore_mem>>) src(%arg11 : memref<80x128xf32, #tpu.memory_space<vmem>>) dst(%dma_wait3A_245 : memref<80x128xf32, #tpu.memory_space<vmem_shared>>)
      tpu.yield
    }) : () -> ()
    %mul3A_22 = arith.constant 640 : i32
    %mul3A_23 = arith.muli %arg1, %mul3A_22 : i32
    %add3A_24 = arith.constant 320 : i32
    %add3A_25 = arith.addi %mul3A_23, %add3A_24 : i32
    "tpu.region"() ({
      %run_scoped3A = tpu.sem_alloc : memref<!tpu.dma_semaphore, #tpu.memory_space<semaphore_mem>>
      %dma_start3A_238 = arith.constant 0 : i32
      %dma_start3A_239 = tpu.memref_slice %arg7[%add3A_25, %dma_start3A_238] : memref<10240x128xf32, #tpu.memory_space<vmem_shared>> -> memref<80x128xf32, #tpu.memory_space<vmem_shared>>
      %dma_start3A_240 = arith.constant 0 : i32
      %dma_start3A_241 = tpu.memref_slice %arg7[%add3A_25, %dma_start3A_240] : memref<10240x128xf32, #tpu.memory_space<vmem_shared>> -> memref<80x128xf32, #tpu.memory_space<vmem_shared>>
      tpu.enqueue_dma source(%arg11 : memref<80x128xf32, #tpu.memory_space<vmem>>) target(%dma_start3A_241 : memref<80x128xf32, #tpu.memory_space<vmem_shared>>) target_semaphore(%run_scoped3A : memref<!tpu.dma_semaphore, #tpu.memory_space<semaphore_mem>>)
      %dma_wait3A_242 = arith.constant 0 : i32
      %dma_wait3A_243 = tpu.memref_slice %arg7[%add3A_25, %dma_wait3A_242] : memref<10240x128xf32, #tpu.memory_space<vmem_shared>> -> memref<80x128xf32, #tpu.memory_space<vmem_shared>>
      %dma_wait3A_244 = arith.constant 0 : i32
      %dma_wait3A_245 = tpu.memref_slice %arg7[%add3A_25, %dma_wait3A_244] : memref<10240x128xf32, #tpu.memory_space<vmem_shared>> -> memref<80x128xf32, #tpu.memory_space<vmem_shared>>
      tpu.wait_dma2 semaphore(%run_scoped3A : memref<!tpu.dma_semaphore, #tpu.memory_space<semaphore_mem>>) src(%arg11 : memref<80x128xf32, #tpu.memory_space<vmem>>) dst(%dma_wait3A_245 : memref<80x128xf32, #tpu.memory_space<vmem_shared>>)
      tpu.yield
    }) : () -> ()
    %mul3A_26 = arith.constant 640 : i32
    %mul3A_27 = arith.muli %arg1, %mul3A_26 : i32
    %add3A_28 = arith.constant 400 : i32
    %add3A_29 = arith.addi %mul3A_27, %add3A_28 : i32
    "tpu.region"() ({
      %run_scoped3A = tpu.sem_alloc : memref<!tpu.dma_semaphore, #tpu.memory_space<semaphore_mem>>
      %dma_start3A_238 = arith.constant 0 : i32
      %dma_start3A_239 = tpu.memref_slice %arg7[%add3A_29, %dma_start3A_238] : memref<10240x128xf32, #tpu.memory_space<vmem_shared>> -> memref<80x128xf32, #tpu.memory_space<vmem_shared>>
      %dma_start3A_240 = arith.constant 0 : i32
      %dma_start3A_241 = tpu.memref_slice %arg7[%add3A_29, %dma_start3A_240] : memref<10240x128xf32, #tpu.memory_space<vmem_shared>> -> memref<80x128xf32, #tpu.memory_space<vmem_shared>>
      tpu.enqueue_dma source(%arg11 : memref<80x128xf32, #tpu.memory_space<vmem>>) target(%dma_start3A_241 : memref<80x128xf32, #tpu.memory_space<vmem_shared>>) target_semaphore(%run_scoped3A : memref<!tpu.dma_semaphore, #tpu.memory_space<semaphore_mem>>)
      %dma_wait3A_242 = arith.constant 0 : i32
      %dma_wait3A_243 = tpu.memref_slice %arg7[%add3A_29, %dma_wait3A_242] : memref<10240x128xf32, #tpu.memory_space<vmem_shared>> -> memref<80x128xf32, #tpu.memory_space<vmem_shared>>
      %dma_wait3A_244 = arith.constant 0 : i32
      %dma_wait3A_245 = tpu.memref_slice %arg7[%add3A_29, %dma_wait3A_244] : memref<10240x128xf32, #tpu.memory_space<vmem_shared>> -> memref<80x128xf32, #tpu.memory_space<vmem_shared>>
      tpu.wait_dma2 semaphore(%run_scoped3A : memref<!tpu.dma_semaphore, #tpu.memory_space<semaphore_mem>>) src(%arg11 : memref<80x128xf32, #tpu.memory_space<vmem>>) dst(%dma_wait3A_245 : memref<80x128xf32, #tpu.memory_space<vmem_shared>>)
      tpu.yield
    }) : () -> ()
    %mul3A_30 = arith.constant 640 : i32
    %mul3A_31 = arith.muli %arg1, %mul3A_30 : i32
    %add3A_32 = arith.constant 480 : i32
    %add3A_33 = arith.addi %mul3A_31, %add3A_32 : i32
    "tpu.region"() ({
      %run_scoped3A = tpu.sem_alloc : memref<!tpu.dma_semaphore, #tpu.memory_space<semaphore_mem>>
      %dma_start3A_238 = arith.constant 0 : i32
      %dma_start3A_239 = tpu.memref_slice %arg7[%add3A_33, %dma_start3A_238] : memref<10240x128xf32, #tpu.memory_space<vmem_shared>> -> memref<80x128xf32, #tpu.memory_space<vmem_shared>>
      %dma_start3A_240 = arith.constant 0 : i32
      %dma_start3A_241 = tpu.memref_slice %arg7[%add3A_33, %dma_start3A_240] : memref<10240x128xf32, #tpu.memory_space<vmem_shared>> -> memref<80x128xf32, #tpu.memory_space<vmem_shared>>
      tpu.enqueue_dma source(%arg11 : memref<80x128xf32, #tpu.memory_space<vmem>>) target(%dma_start3A_241 : memref<80x128xf32, #tpu.memory_space<vmem_shared>>) target_semaphore(%run_scoped3A : memref<!tpu.dma_semaphore, #tpu.memory_space<semaphore_mem>>)
      %dma_wait3A_242 = arith.constant 0 : i32
      %dma_wait3A_243 = tpu.memref_slice %arg7[%add3A_33, %dma_wait3A_242] : memref<10240x128xf32, #tpu.memory_space<vmem_shared>> -> memref<80x128xf32, #tpu.memory_space<vmem_shared>>
      %dma_wait3A_244 = arith.constant 0 : i32
      %dma_wait3A_245 = tpu.memref_slice %arg7[%add3A_33, %dma_wait3A_244] : memref<10240x128xf32, #tpu.memory_space<vmem_shared>> -> memref<80x128xf32, #tpu.memory_space<vmem_shared>>
      tpu.wait_dma2 semaphore(%run_scoped3A : memref<!tpu.dma_semaphore, #tpu.memory_space<semaphore_mem>>) src(%arg11 : memref<80x128xf32, #tpu.memory_space<vmem>>) dst(%dma_wait3A_245 : memref<80x128xf32, #tpu.memory_space<vmem_shared>>)
      tpu.yield
    }) : () -> ()
    %mul3A_34 = arith.constant 640 : i32
    %mul3A_35 = arith.muli %arg1, %mul3A_34 : i32
    %add3A_36 = arith.constant 560 : i32
    %add3A_37 = arith.addi %mul3A_35, %add3A_36 : i32
    "tpu.region"() ({
      %run_scoped3A = tpu.sem_alloc : memref<!tpu.dma_semaphore, #tpu.memory_space<semaphore_mem>>
      %dma_start3A_238 = arith.constant 0 : i32
      %dma_start3A_239 = tpu.memref_slice %arg7[%add3A_37, %dma_start3A_238] : memref<10240x128xf32, #tpu.memory_space<vmem_shared>> -> memref<80x128xf32, #tpu.memory_space<vmem_shared>>
      %dma_start3A_240 = arith.constant 0 : i32
      %dma_start3A_241 = tpu.memref_slice %arg7[%add3A_37, %dma_start3A_240] : memref<10240x128xf32, #tpu.memory_space<vmem_shared>> -> memref<80x128xf32, #tpu.memory_space<vmem_shared>>
      tpu.enqueue_dma source(%arg11 : memref<80x128xf32, #tpu.memory_space<vmem>>) target(%dma_start3A_241 : memref<80x128xf32, #tpu.memory_space<vmem_shared>>) target_semaphore(%run_scoped3A : memref<!tpu.dma_semaphore, #tpu.memory_space<semaphore_mem>>)
      %dma_wait3A_242 = arith.constant 0 : i32
      %dma_wait3A_243 = tpu.memref_slice %arg7[%add3A_37, %dma_wait3A_242] : memref<10240x128xf32, #tpu.memory_space<vmem_shared>> -> memref<80x128xf32, #tpu.memory_space<vmem_shared>>
      %dma_wait3A_244 = arith.constant 0 : i32
      %dma_wait3A_245 = tpu.memref_slice %arg7[%add3A_37, %dma_wait3A_244] : memref<10240x128xf32, #tpu.memory_space<vmem_shared>> -> memref<80x128xf32, #tpu.memory_space<vmem_shared>>
      tpu.wait_dma2 semaphore(%run_scoped3A : memref<!tpu.dma_semaphore, #tpu.memory_space<semaphore_mem>>) src(%arg11 : memref<80x128xf32, #tpu.memory_space<vmem>>) dst(%dma_wait3A_245 : memref<80x128xf32, #tpu.memory_space<vmem_shared>>)
      tpu.yield
    }) : () -> ()
    %barrier3A = arith.constant 0 : index
    tpu.barrier barrier_id(%barrier3A)
    %mul3A_38 = arith.constant 10000 : i32
    %mul3A_39 = arith.muli %add3A, %mul3A_38 : i32
    %add3A_40 = arith.constant 0 : i32
    %add3A_41 = arith.addi %mul3A_39, %add3A_40 : i32
    %dma_start3A = tpu.memref_slice %arg3[%add3A_41] : memref<320000xi32, #tpu.memory_space<hbm>> -> memref<80xi32, #tpu.memory_space<hbm>>
    %dma_start3A_42 = tpu.memref_slice %arg3[%add3A_41] : memref<320000xi32, #tpu.memory_space<hbm>> -> memref<80xi32, #tpu.memory_space<hbm>>
    tpu.enqueue_dma source(%dma_start3A_42 : memref<80xi32, #tpu.memory_space<hbm>>) target(%arg9 : memref<80xi32, #tpu.memory_space<vmem>>) target_semaphore(%arg14 : memref<!tpu.dma_semaphore, #tpu.memory_space<semaphore_mem>>)
    %dma_start3A_43 = arith.constant 0 : i32
    %dma_start3A_44 = tpu.memref_slice %arg8[%dma_start3A_43] : memref<10000xi32, #tpu.memory_space<vmem>> -> memref<80xi32, #tpu.memory_space<vmem>>
    %dma_start3A_45 = arith.constant 0 : i32
    %dma_start3A_46 = arith.constant 0 : i32
    %dma_start3A_47 = tpu.memref_slice %arg5[%dma_start3A_45, %dma_start3A_46] : memref<10000x128xf32, #tpu.memory_space<hbm>> -> memref<10000x128xf32, #tpu.memory_space<hbm>>
    tpu.enqueue_indirect_dma source(%dma_start3A_47 : memref<10000x128xf32, #tpu.memory_space<hbm>>) target(%arg11 : memref<80x128xf32, #tpu.memory_space<vmem>>) offsets(%dma_start3A_44 : memref<80xi32, #tpu.memory_space<vmem>>) semaphore(%arg14 : memref<!tpu.dma_semaphore, #tpu.memory_space<semaphore_mem>>)
    %mul3A_48 = arith.constant 10000 : i32
    %mul3A_49 = arith.muli %add3A, %mul3A_48 : i32
    %add3A_50 = arith.constant 0 : i32
    %add3A_51 = arith.addi %mul3A_49, %add3A_50 : i32
    %dma_start3A_52 = arith.constant 0 : i32
    %dma_start3A_53 = tpu.memref_slice %arg4[%add3A_51, %dma_start3A_52] : memref<320000x128xf32, #tpu.memory_space<hbm>> -> memref<80x128xf32, #tpu.memory_space<hbm>>
    %dma_start3A_54 = arith.constant 0 : i32
    %dma_start3A_55 = tpu.memref_slice %arg4[%add3A_51, %dma_start3A_54] : memref<320000x128xf32, #tpu.memory_space<hbm>> -> memref<80x128xf32, #tpu.memory_space<hbm>>
    tpu.enqueue_dma source(%dma_start3A_55 : memref<80x128xf32, #tpu.memory_space<hbm>>) target(%arg13 : memref<80x128xf32, #tpu.memory_space<vmem>>) target_semaphore(%arg16 : memref<!tpu.dma_semaphore, #tpu.memory_space<semaphore_mem>>)
    %mul3A_56 = arith.constant 10000 : i32
    %mul3A_57 = arith.muli %add3A, %mul3A_56 : i32
    %add3A_58 = arith.constant 80 : i32
    %add3A_59 = arith.addi %mul3A_57, %add3A_58 : i32
    %dma_start3A_60 = tpu.memref_slice %arg3[%add3A_59] : memref<320000xi32, #tpu.memory_space<hbm>> -> memref<80xi32, #tpu.memory_space<hbm>>
    %dma_start3A_61 = tpu.memref_slice %arg3[%add3A_59] : memref<320000xi32, #tpu.memory_space<hbm>> -> memref<80xi32, #tpu.memory_space<hbm>>
    tpu.enqueue_dma source(%dma_start3A_61 : memref<80xi32, #tpu.memory_space<hbm>>) target(%arg10 : memref<80xi32, #tpu.memory_space<vmem>>) target_semaphore(%arg15 : memref<!tpu.dma_semaphore, #tpu.memory_space<semaphore_mem>>)
    %dma_start3A_62 = arith.constant 80 : i32
    %dma_start3A_63 = tpu.memref_slice %arg8[%dma_start3A_62] : memref<10000xi32, #tpu.memory_space<vmem>> -> memref<80xi32, #tpu.memory_space<vmem>>
    %dma_start3A_64 = arith.constant 0 : i32
    %dma_start3A_65 = arith.constant 0 : i32
    %dma_start3A_66 = tpu.memref_slice %arg5[%dma_start3A_64, %dma_start3A_65] : memref<10000x128xf32, #tpu.memory_space<hbm>> -> memref<10000x128xf32, #tpu.memory_space<hbm>>
    tpu.enqueue_indirect_dma source(%dma_start3A_66 : memref<10000x128xf32, #tpu.memory_space<hbm>>) target(%arg12 : memref<80x128xf32, #tpu.memory_space<vmem>>) offsets(%dma_start3A_63 : memref<80xi32, #tpu.memory_space<vmem>>) semaphore(%arg15 : memref<!tpu.dma_semaphore, #tpu.memory_space<semaphore_mem>>)
    %scan3A_67 = arith.constant 0 : i32
    %scan3A_68 = arith.constant 0 : i32
    %scan3A_69 = arith.constant 61 : i32
    %scan3A_70 = arith.addi %scan3A_68, %scan3A_69 : i32
    %scan3A_71 = arith.constant 1 : i32
    scf.for %scan3A_238 = %scan3A_68 to %scan3A_70 step %scan3A_71  : i32 {
      %mul3A_239 = arith.constant 2 : i32
      %mul3A_240 = arith.muli %mul3A_239, %scan3A_238 : i32
      %dma_wait3A_241 = arith.constant 0 : i32
      %dma_wait3A_242 = tpu.memref_slice %arg3[%dma_wait3A_241] : memref<320000xi32, #tpu.memory_space<hbm>> -> memref<80xi32, #tpu.memory_space<hbm>>
      %dma_wait3A_243 = arith.constant 0 : i32
      %dma_wait3A_244 = tpu.memref_slice %arg3[%dma_wait3A_243] : memref<320000xi32, #tpu.memory_space<hbm>> -> memref<80xi32, #tpu.memory_space<hbm>>
      tpu.wait_dma2 semaphore(%arg14 : memref<!tpu.dma_semaphore, #tpu.memory_space<semaphore_mem>>) src(%dma_wait3A_244 : memref<80xi32, #tpu.memory_space<hbm>>) dst(%arg9 : memref<80xi32, #tpu.memory_space<vmem>>)
      %dma_wait3A_245 = arith.constant 0 : i32
      %dma_wait3A_246 = tpu.memref_slice %arg8[%dma_wait3A_245] : memref<10000xi32, #tpu.memory_space<vmem>> -> memref<80xi32, #tpu.memory_space<vmem>>
      %dma_wait3A_247 = arith.constant 0 : i32
      %dma_wait3A_248 = arith.constant 0 : i32
      %dma_wait3A_249 = tpu.memref_slice %arg5[%dma_wait3A_247, %dma_wait3A_248] : memref<10000x128xf32, #tpu.memory_space<hbm>> -> memref<10000x128xf32, #tpu.memory_space<hbm>>
      tpu.wait_indirect_dma semaphore(%arg14 : memref<!tpu.dma_semaphore, #tpu.memory_space<semaphore_mem>>) src(%dma_wait3A_249 : memref<10000x128xf32, #tpu.memory_space<hbm>>) dst(%arg11 : memref<80x128xf32, #tpu.memory_space<vmem>>)
      %dma_wait3A_250 = arith.constant 0 : i32
      %dma_wait3A_251 = arith.constant 0 : i32
      %dma_wait3A_252 = tpu.memref_slice %arg4[%dma_wait3A_250, %dma_wait3A_251] : memref<320000x128xf32, #tpu.memory_space<hbm>> -> memref<80x128xf32, #tpu.memory_space<hbm>>
      %dma_wait3A_253 = arith.constant 0 : i32
      %dma_wait3A_254 = arith.constant 0 : i32
      %dma_wait3A_255 = tpu.memref_slice %arg4[%dma_wait3A_253, %dma_wait3A_254] : memref<320000x128xf32, #tpu.memory_space<hbm>> -> memref<80x128xf32, #tpu.memory_space<hbm>>
      tpu.wait_dma2 semaphore(%arg16 : memref<!tpu.dma_semaphore, #tpu.memory_space<semaphore_mem>>) src(%dma_wait3A_255 : memref<80x128xf32, #tpu.memory_space<hbm>>) dst(%arg13 : memref<80x128xf32, #tpu.memory_space<vmem>>)
      %scan3A_256 = arith.constant 0 : i32
      %scan3A_257 = arith.constant 0 : i32
      %scan3A_258 = arith.constant 80 : i32
      %scan3A_259 = arith.addi %scan3A_257, %scan3A_258 : i32
      %scan3A_260 = arith.constant 1 : i32
      scf.for %scan3A_341 = %scan3A_257 to %scan3A_259 step %scan3A_260  : i32 {
        %get3A = arith.index_cast %scan3A_341 : i32 to index
        %get3A_342 = arith.constant 0 : index
        %get3A_343 = tpu.vector_load %arg13[%get3A, %get3A_342] {strides = array<i32>} : memref<80x128xf32, #tpu.memory_space<vmem>>, vector<1x16xf32>,
        %get3A_344 = vector.shape_cast %get3A_343 : vector<1x16xf32> to vector<16xf32>
        %swap3A = arith.index_cast %scan3A_341 : i32 to index
        %swap3A_345 = arith.constant 0 : index
        %swap3A_346 = tpu.vector_load %arg11[%swap3A, %swap3A_345] {strides = array<i32>} : memref<80x128xf32, #tpu.memory_space<vmem>>, vector<1x16xf32>,
        %swap3A_347 = vector.shape_cast %swap3A_346 : vector<1x16xf32> to vector<16xf32>
        %swap3A_348 = vector.shape_cast %get3A_344 : vector<16xf32> to vector<1x16xf32>
        tpu.vector_store %arg11[%swap3A, %swap3A_345], %swap3A_348 {add = true, strides = array<i32>} : memref<80x128xf32, #tpu.memory_space<vmem>>, vector<1x16xf32>,
        %get3A_349 = arith.index_cast %scan3A_341 : i32 to index
        %get3A_350 = arith.constant 16 : index
        %get3A_351 = tpu.vector_load %arg13[%get3A_349, %get3A_350] {strides = array<i32>} : memref<80x128xf32, #tpu.memory_space<vmem>>, vector<1x16xf32>,
        %get3A_352 = vector.shape_cast %get3A_351 : vector<1x16xf32> to vector<16xf32>
        %swap3A_353 = arith.index_cast %scan3A_341 : i32 to index
        %swap3A_354 = arith.constant 16 : index
        %swap3A_355 = tpu.vector_load %arg11[%swap3A_353, %swap3A_354] {strides = array<i32>} : memref<80x128xf32, #tpu.memory_space<vmem>>, vector<1x16xf32>,
        %swap3A_356 = vector.shape_cast %swap3A_355 : vector<1x16xf32> to vector<16xf32>
        %swap3A_357 = vector.shape_cast %get3A_352 : vector<16xf32> to vector<1x16xf32>
        tpu.vector_store %arg11[%swap3A_353, %swap3A_354], %swap3A_357 {add = true, strides = array<i32>} : memref<80x128xf32, #tpu.memory_space<vmem>>, vector<1x16xf32>,
        %get3A_358 = arith.index_cast %scan3A_341 : i32 to index
        %get3A_359 = arith.constant 32 : index
        %get3A_360 = tpu.vector_load %arg13[%get3A_358, %get3A_359] {strides = array<i32>} : memref<80x128xf32, #tpu.memory_space<vmem>>, vector<1x16xf32>,
        %get3A_361 = vector.shape_cast %get3A_360 : vector<1x16xf32> to vector<16xf32>
        %swap3A_362 = arith.index_cast %scan3A_341 : i32 to index
        %swap3A_363 = arith.constant 32 : index
        %swap3A_364 = tpu.vector_load %arg11[%swap3A_362, %swap3A_363] {strides = array<i32>} : memref<80x128xf32, #tpu.memory_space<vmem>>, vector<1x16xf32>,
        %swap3A_365 = vector.shape_cast %swap3A_364 : vector<1x16xf32> to vector<16xf32>
        %swap3A_366 = vector.shape_cast %get3A_361 : vector<16xf32> to vector<1x16xf32>
        tpu.vector_store %arg11[%swap3A_362, %swap3A_363], %swap3A_366 {add = true, strides = array<i32>} : memref<80x128xf32, #tpu.memory_space<vmem>>, vector<1x16xf32>,
        %get3A_367 = arith.index_cast %scan3A_341 : i32 to index
        %get3A_368 = arith.constant 48 : index
        %get3A_369 = tpu.vector_load %arg13[%get3A_367, %get3A_368] {strides = array<i32>} : memref<80x128xf32, #tpu.memory_space<vmem>>, vector<1x16xf32>,
        %get3A_370 = vector.shape_cast %get3A_369 : vector<1x16xf32> to vector<16xf32>
        %swap3A_371 = arith.index_cast %scan3A_341 : i32 to index
        %swap3A_372 = arith.constant 48 : index
        %swap3A_373 = tpu.vector_load %arg11[%swap3A_371, %swap3A_372] {strides = array<i32>} : memref<80x128xf32, #tpu.memory_space<vmem>>, vector<1x16xf32>,
        %swap3A_374 = vector.shape_cast %swap3A_373 : vector<1x16xf32> to vector<16xf32>
        %swap3A_375 = vector.shape_cast %get3A_370 : vector<16xf32> to vector<1x16xf32>
        tpu.vector_store %arg11[%swap3A_371, %swap3A_372], %swap3A_375 {add = true, strides = array<i32>} : memref<80x128xf32, #tpu.memory_space<vmem>>, vector<1x16xf32>,
        %get3A_376 = arith.index_cast %scan3A_341 : i32 to index
        %get3A_377 = arith.constant 64 : index
        %get3A_378 = tpu.vector_load %arg13[%get3A_376, %get3A_377] {strides = array<i32>} : memref<80x128xf32, #tpu.memory_space<vmem>>, vector<1x16xf32>,
        %get3A_379 = vector.shape_cast %get3A_378 : vector<1x16xf32> to vector<16xf32>
        %swap3A_380 = arith.index_cast %scan3A_341 : i32 to index
        %swap3A_381 = arith.constant 64 : index
        %swap3A_382 = tpu.vector_load %arg11[%swap3A_380, %swap3A_381] {strides = array<i32>} : memref<80x128xf32, #tpu.memory_space<vmem>>, vector<1x16xf32>,
        %swap3A_383 = vector.shape_cast %swap3A_382 : vector<1x16xf32> to vector<16xf32>
        %swap3A_384 = vector.shape_cast %get3A_379 : vector<16xf32> to vector<1x16xf32>
        tpu.vector_store %arg11[%swap3A_380, %swap3A_381], %swap3A_384 {add = true, strides = array<i32>} : memref<80x128xf32, #tpu.memory_space<vmem>>, vector<1x16xf32>,
        %get3A_385 = arith.index_cast %scan3A_341 : i32 to index
        %get3A_386 = arith.constant 80 : index
        %get3A_387 = tpu.vector_load %arg13[%get3A_385, %get3A_386] {strides = array<i32>} : memref<80x128xf32, #tpu.memory_space<vmem>>, vector<1x16xf32>,
        %get3A_388 = vector.shape_cast %get3A_387 : vector<1x16xf32> to vector<16xf32>
        %swap3A_389 = arith.index_cast %scan3A_341 : i32 to index
        %swap3A_390 = arith.constant 80 : index
        %swap3A_391 = tpu.vector_load %arg11[%swap3A_389, %swap3A_390] {strides = array<i32>} : memref<80x128xf32, #tpu.memory_space<vmem>>, vector<1x16xf32>,
        %swap3A_392 = vector.shape_cast %swap3A_391 : vector<1x16xf32> to vector<16xf32>
        %swap3A_393 = vector.shape_cast %get3A_388 : vector<16xf32> to vector<1x16xf32>
        tpu.vector_store %arg11[%swap3A_389, %swap3A_390], %swap3A_393 {add = true, strides = array<i32>} : memref<80x128xf32, #tpu.memory_space<vmem>>, vector<1x16xf32>,
        %get3A_394 = arith.index_cast %scan3A_341 : i32 to index
        %get3A_395 = arith.constant 96 : index
        %get3A_396 = tpu.vector_load %arg13[%get3A_394, %get3A_395] {strides = array<i32>} : memref<80x128xf32, #tpu.memory_space<vmem>>, vector<1x16xf32>,
        %get3A_397 = vector.shape_cast %get3A_396 : vector<1x16xf32> to vector<16xf32>
        %swap3A_398 = arith.index_cast %scan3A_341 : i32 to index
        %swap3A_399 = arith.constant 96 : index
        %swap3A_400 = tpu.vector_load %arg11[%swap3A_398, %swap3A_399] {strides = array<i32>} : memref<80x128xf32, #tpu.memory_space<vmem>>, vector<1x16xf32>,
        %swap3A_401 = vector.shape_cast %swap3A_400 : vector<1x16xf32> to vector<16xf32>
        %swap3A_402 = vector.shape_cast %get3A_397 : vector<16xf32> to vector<1x16xf32>
        tpu.vector_store %arg11[%swap3A_398, %swap3A_399], %swap3A_402 {add = true, strides = array<i32>} : memref<80x128xf32, #tpu.memory_space<vmem>>, vector<1x16xf32>,
        %get3A_403 = arith.index_cast %scan3A_341 : i32 to index
        %get3A_404 = arith.constant 112 : index
        %get3A_405 = tpu.vector_load %arg13[%get3A_403, %get3A_404] {strides = array<i32>} : memref<80x128xf32, #tpu.memory_space<vmem>>, vector<1x16xf32>,
        %get3A_406 = vector.shape_cast %get3A_405 : vector<1x16xf32> to vector<16xf32>
        %swap3A_407 = arith.index_cast %scan3A_341 : i32 to index
        %swap3A_408 = arith.constant 112 : index
        %swap3A_409 = tpu.vector_load %arg11[%swap3A_407, %swap3A_408] {strides = array<i32>} : memref<80x128xf32, #tpu.memory_space<vmem>>, vector<1x16xf32>,
        %swap3A_410 = vector.shape_cast %swap3A_409 : vector<1x16xf32> to vector<16xf32>
        %swap3A_411 = vector.shape_cast %get3A_406 : vector<16xf32> to vector<1x16xf32>
        tpu.vector_store %arg11[%swap3A_407, %swap3A_408], %swap3A_411 {add = true, strides = array<i32>} : memref<80x128xf32, #tpu.memory_space<vmem>>, vector<1x16xf32>,
      }
      %scan3A_261 = arith.constant 80 : i32
      %add3A_262 = arith.constant 1 : i32
      %add3A_263 = arith.addi %mul3A_240, %add3A_262 : i32
      %min3A_264 = arith.constant 124 : i32
      %min3A_265 = arith.minsi %add3A_263, %min3A_264 : i32
      %mul3A_266 = arith.constant 10000 : i32
      %mul3A_267 = arith.muli %add3A, %mul3A_266 : i32
      %mul3A_268 = arith.constant 80 : i32
      %mul3A_269 = arith.muli %min3A_265, %mul3A_268 : i32
      %add3A_270 = arith.addi %mul3A_267, %mul3A_269 : i32
      %dma_start3A_271 = arith.constant 0 : i32
      %dma_start3A_272 = tpu.memref_slice %arg4[%add3A_270, %dma_start3A_271] : memref<320000x128xf32, #tpu.memory_space<hbm>> -> memref<80x128xf32, #tpu.memory_space<hbm>>
      %dma_start3A_273 = arith.constant 0 : i32
      %dma_start3A_274 = tpu.memref_slice %arg4[%add3A_270, %dma_start3A_273] : memref<320000x128xf32, #tpu.memory_space<hbm>> -> memref<80x128xf32, #tpu.memory_space<hbm>>
      tpu.enqueue_dma source(%dma_start3A_274 : memref<80x128xf32, #tpu.memory_space<hbm>>) target(%arg13 : memref<80x128xf32, #tpu.memory_space<vmem>>) target_semaphore(%arg16 : memref<!tpu.dma_semaphore, #tpu.memory_space<semaphore_mem>>)
      "tpu.region"() ({
        %run_scoped3A = tpu.sem_alloc : memref<!tpu.dma_semaphore, #tpu.memory_space<semaphore_mem>>
        %dma_start3A_341 = arith.constant 0 : i32
        %dma_start3A_342 = arith.constant 0 : i32
        %dma_start3A_343 = tpu.memref_slice %arg7[%dma_start3A_341, %dma_start3A_342] : memref<10240x128xf32, #tpu.memory_space<vmem_shared>> -> memref<10240x128xf32, #tpu.memory_space<vmem_shared>>
        tpu.enqueue_indirect_dma source(%arg11 : memref<80x128xf32, #tpu.memory_space<vmem>>) target(%dma_start3A_343 : memref<10240x128xf32, #tpu.memory_space<vmem_shared>>) offsets(%arg9 : memref<80xi32, #tpu.memory_space<vmem>>) semaphore(%run_scoped3A : memref<!tpu.dma_semaphore, #tpu.memory_space<semaphore_mem>>) {add = true}
        %dma_wait3A_344 = arith.constant 0 : i32
        %dma_wait3A_345 = arith.constant 0 : i32
        %dma_wait3A_346 = tpu.memref_slice %arg7[%dma_wait3A_344, %dma_wait3A_345] : memref<10240x128xf32, #tpu.memory_space<vmem_shared>> -> memref<10240x128xf32, #tpu.memory_space<vmem_shared>>
        tpu.wait_indirect_dma semaphore(%run_scoped3A : memref<!tpu.dma_semaphore, #tpu.memory_space<semaphore_mem>>) src(%arg11 : memref<80x128xf32, #tpu.memory_space<vmem>>) dst(%dma_wait3A_346 : memref<10240x128xf32, #tpu.memory_space<vmem_shared>>)
        tpu.yield
      }) : () -> ()
      %add3A_275 = arith.constant 2 : i32
      %add3A_276 = arith.addi %mul3A_240, %add3A_275 : i32
      %mul3A_277 = arith.constant 10000 : i32
      %mul3A_278 = arith.muli %add3A, %mul3A_277 : i32
      %mul3A_279 = arith.constant 80 : i32
      %mul3A_280 = arith.muli %add3A_276, %mul3A_279 : i32
      %add3A_281 = arith.addi %mul3A_278, %mul3A_280 : i32
      %dma_start3A_282 = tpu.memref_slice %arg3[%add3A_281] : memref<320000xi32, #tpu.memory_space<hbm>> -> memref<80xi32, #tpu.memory_space<hbm>>
      %dma_start3A_283 = tpu.memref_slice %arg3[%add3A_281] : memref<320000xi32, #tpu.memory_space<hbm>> -> memref<80xi32, #tpu.memory_space<hbm>>
      tpu.enqueue_dma source(%dma_start3A_283 : memref<80xi32, #tpu.memory_space<hbm>>) target(%arg9 : memref<80xi32, #tpu.memory_space<vmem>>) target_semaphore(%arg14 : memref<!tpu.dma_semaphore, #tpu.memory_space<semaphore_mem>>)
      %mul3A_284 = arith.constant 80 : i32
      %mul3A_285 = arith.muli %add3A_276, %mul3A_284 : i32
      %dma_start3A_286 = tpu.memref_slice %arg8[%mul3A_285] : memref<10000xi32, #tpu.memory_space<vmem>> -> memref<80xi32, #tpu.memory_space<vmem>>
      %dma_start3A_287 = arith.constant 0 : i32
      %dma_start3A_288 = arith.constant 0 : i32
      %dma_start3A_289 = tpu.memref_slice %arg5[%dma_start3A_287, %dma_start3A_288] : memref<10000x128xf32, #tpu.memory_space<hbm>> -> memref<10000x128xf32, #tpu.memory_space<hbm>>
      tpu.enqueue_indirect_dma source(%dma_start3A_289 : memref<10000x128xf32, #tpu.memory_space<hbm>>) target(%arg11 : memref<80x128xf32, #tpu.memory_space<vmem>>) offsets(%dma_start3A_286 : memref<80xi32, #tpu.memory_space<vmem>>) semaphore(%arg14 : memref<!tpu.dma_semaphore, #tpu.memory_space<semaphore_mem>>)
      %add3A_290 = arith.constant 1 : i32
      %add3A_291 = arith.addi %mul3A_240, %add3A_290 : i32
      %dma_wait3A_292 = arith.constant 0 : i32
      %dma_wait3A_293 = tpu.memref_slice %arg3[%dma_wait3A_292] : memref<320000xi32, #tpu.memory_space<hbm>> -> memref<80xi32, #tpu.memory_space<hbm>>
      %dma_wait3A_294 = arith.constant 0 : i32
      %dma_wait3A_295 = tpu.memref_slice %arg3[%dma_wait3A_294] : memref<320000xi32, #tpu.memory_space<hbm>> -> memref<80xi32, #tpu.memory_space<hbm>>
      tpu.wait_dma2 semaphore(%arg15 : memref<!tpu.dma_semaphore, #tpu.memory_space<semaphore_mem>>) src(%dma_wait3A_295 : memref<80xi32, #tpu.memory_space<hbm>>) dst(%arg10 : memref<80xi32, #tpu.memory_space<vmem>>)
      %dma_wait3A_296 = arith.constant 0 : i32
      %dma_wait3A_297 = tpu.memref_slice %arg8[%dma_wait3A_296] : memref<10000xi32, #tpu.memory_space<vmem>> -> memref<80xi32, #tpu.memory_space<vmem>>
      %dma_wait3A_298 = arith.constant 0 : i32
      %dma_wait3A_299 = arith.constant 0 : i32
      %dma_wait3A_300 = tpu.memref_slice %arg5[%dma_wait3A_298, %dma_wait3A_299] : memref<10000x128xf32, #tpu.memory_space<hbm>> -> memref<10000x128xf32, #tpu.memory_space<hbm>>
      tpu.wait_indirect_dma semaphore(%arg15 : memref<!tpu.dma_semaphore, #tpu.memory_space<semaphore_mem>>) src(%dma_wait3A_300 : memref<10000x128xf32, #tpu.memory_space<hbm>>) dst(%arg12 : memref<80x128xf32, #tpu.memory_space<vmem>>)
      %dma_wait3A_301 = arith.constant 0 : i32
      %dma_wait3A_302 = arith.constant 0 : i32
      %dma_wait3A_303 = tpu.memref_slice %arg4[%dma_wait3A_301, %dma_wait3A_302] : memref<320000x128xf32, #tpu.memory_space<hbm>> -> memref<80x128xf32, #tpu.memory_space<hbm>>
      %dma_wait3A_304 = arith.constant 0 : i32
      %dma_wait3A_305 = arith.constant 0 : i32
      %dma_wait3A_306 = tpu.memref_slice %arg4[%dma_wait3A_304, %dma_wait3A_305] : memref<320000x128xf32, #tpu.memory_space<hbm>> -> memref<80x128xf32, #tpu.memory_space<hbm>>
      tpu.wait_dma2 semaphore(%arg16 : memref<!tpu.dma_semaphore, #tpu.memory_space<semaphore_mem>>) src(%dma_wait3A_306 : memref<80x128xf32, #tpu.memory_space<hbm>>) dst(%arg13 : memref<80x128xf32, #tpu.memory_space<vmem>>)
      %scan3A_307 = arith.constant 0 : i32
      %scan3A_308 = arith.constant 0 : i32
      %scan3A_309 = arith.constant 80 : i32
      %scan3A_310 = arith.addi %scan3A_308, %scan3A_309 : i32
      %scan3A_311 = arith.constant 1 : i32
      scf.for %scan3A_341 = %scan3A_308 to %scan3A_310 step %scan3A_311  : i32 {
        %get3A = arith.index_cast %scan3A_341 : i32 to index
        %get3A_342 = arith.constant 0 : index
        %get3A_343 = tpu.vector_load %arg13[%get3A, %get3A_342] {strides = array<i32>} : memref<80x128xf32, #tpu.memory_space<vmem>>, vector<1x16xf32>,
        %get3A_344 = vector.shape_cast %get3A_343 : vector<1x16xf32> to vector<16xf32>
        %swap3A = arith.index_cast %scan3A_341 : i32 to index
        %swap3A_345 = arith.constant 0 : index
        %swap3A_346 = tpu.vector_load %arg12[%swap3A, %swap3A_345] {strides = array<i32>} : memref<80x128xf32, #tpu.memory_space<vmem>>, vector<1x16xf32>,
        %swap3A_347 = vector.shape_cast %swap3A_346 : vector<1x16xf32> to vector<16xf32>
        %swap3A_348 = vector.shape_cast %get3A_344 : vector<16xf32> to vector<1x16xf32>
        tpu.vector_store %arg12[%swap3A, %swap3A_345], %swap3A_348 {add = true, strides = array<i32>} : memref<80x128xf32, #tpu.memory_space<vmem>>, vector<1x16xf32>,
        %get3A_349 = arith.index_cast %scan3A_341 : i32 to index
        %get3A_350 = arith.constant 16 : index
        %get3A_351 = tpu.vector_load %arg13[%get3A_349, %get3A_350] {strides = array<i32>} : memref<80x128xf32, #tpu.memory_space<vmem>>, vector<1x16xf32>,
        %get3A_352 = vector.shape_cast %get3A_351 : vector<1x16xf32> to vector<16xf32>
        %swap3A_353 = arith.index_cast %scan3A_341 : i32 to index
        %swap3A_354 = arith.constant 16 : index
        %swap3A_355 = tpu.vector_load %arg12[%swap3A_353, %swap3A_354] {strides = array<i32>} : memref<80x128xf32, #tpu.memory_space<vmem>>, vector<1x16xf32>,
        %swap3A_356 = vector.shape_cast %swap3A_355 : vector<1x16xf32> to vector<16xf32>
        %swap3A_357 = vector.shape_cast %get3A_352 : vector<16xf32> to vector<1x16xf32>
        tpu.vector_store %arg12[%swap3A_353, %swap3A_354], %swap3A_357 {add = true, strides = array<i32>} : memref<80x128xf32, #tpu.memory_space<vmem>>, vector<1x16xf32>,
        %get3A_358 = arith.index_cast %scan3A_341 : i32 to index
        %get3A_359 = arith.constant 32 : index
        %get3A_360 = tpu.vector_load %arg13[%get3A_358, %get3A_359] {strides = array<i32>} : memref<80x128xf32, #tpu.memory_space<vmem>>, vector<1x16xf32>,
        %get3A_361 = vector.shape_cast %get3A_360 : vector<1x16xf32> to vector<16xf32>
        %swap3A_362 = arith.index_cast %scan3A_341 : i32 to index
        %swap3A_363 = arith.constant 32 : index
        %swap3A_364 = tpu.vector_load %arg12[%swap3A_362, %swap3A_363] {strides = array<i32>} : memref<80x128xf32, #tpu.memory_space<vmem>>, vector<1x16xf32>,
        %swap3A_365 = vector.shape_cast %swap3A_364 : vector<1x16xf32> to vector<16xf32>
        %swap3A_366 = vector.shape_cast %get3A_361 : vector<16xf32> to vector<1x16xf32>
        tpu.vector_store %arg12[%swap3A_362, %swap3A_363], %swap3A_366 {add = true, strides = array<i32>} : memref<80x128xf32, #tpu.memory_space<vmem>>, vector<1x16xf32>,
        %get3A_367 = arith.index_cast %scan3A_341 : i32 to index
        %get3A_368 = arith.constant 48 : index
        %get3A_369 = tpu.vector_load %arg13[%get3A_367, %get3A_368] {strides = array<i32>} : memref<80x128xf32, #tpu.memory_space<vmem>>, vector<1x16xf32>,
        %get3A_370 = vector.shape_cast %get3A_369 : vector<1x16xf32> to vector<16xf32>
        %swap3A_371 = arith.index_cast %scan3A_341 : i32 to index
        %swap3A_372 = arith.constant 48 : index
        %swap3A_373 = tpu.vector_load %arg12[%swap3A_371, %swap3A_372] {strides = array<i32>} : memref<80x128xf32, #tpu.memory_space<vmem>>, vector<1x16xf32>,
        %swap3A_374 = vector.shape_cast %swap3A_373 : vector<1x16xf32> to vector<16xf32>
        %swap3A_375 = vector.shape_cast %get3A_370 : vector<16xf32> to vector<1x16xf32>
        tpu.vector_store %arg12[%swap3A_371, %swap3A_372], %swap3A_375 {add = true, strides = array<i32>} : memref<80x128xf32, #tpu.memory_space<vmem>>, vector<1x16xf32>,
        %get3A_376 = arith.index_cast %scan3A_341 : i32 to index
        %get3A_377 = arith.constant 64 : index
        %get3A_378 = tpu.vector_load %arg13[%get3A_376, %get3A_377] {strides = array<i32>} : memref<80x128xf32, #tpu.memory_space<vmem>>, vector<1x16xf32>,
        %get3A_379 = vector.shape_cast %get3A_378 : vector<1x16xf32> to vector<16xf32>
        %swap3A_380 = arith.index_cast %scan3A_341 : i32 to index
        %swap3A_381 = arith.constant 64 : index
        %swap3A_382 = tpu.vector_load %arg12[%swap3A_380, %swap3A_381] {strides = array<i32>} : memref<80x128xf32, #tpu.memory_space<vmem>>, vector<1x16xf32>,
        %swap3A_383 = vector.shape_cast %swap3A_382 : vector<1x16xf32> to vector<16xf32>
        %swap3A_384 = vector.shape_cast %get3A_379 : vector<16xf32> to vector<1x16xf32>
        tpu.vector_store %arg12[%swap3A_380, %swap3A_381], %swap3A_384 {add = true, strides = array<i32>} : memref<80x128xf32, #tpu.memory_space<vmem>>, vector<1x16xf32>,
        %get3A_385 = arith.index_cast %scan3A_341 : i32 to index
        %get3A_386 = arith.constant 80 : index
        %get3A_387 = tpu.vector_load %arg13[%get3A_385, %get3A_386] {strides = array<i32>} : memref<80x128xf32, #tpu.memory_space<vmem>>, vector<1x16xf32>,
        %get3A_388 = vector.shape_cast %get3A_387 : vector<1x16xf32> to vector<16xf32>
        %swap3A_389 = arith.index_cast %scan3A_341 : i32 to index
        %swap3A_390 = arith.constant 80 : index
        %swap3A_391 = tpu.vector_load %arg12[%swap3A_389, %swap3A_390] {strides = array<i32>} : memref<80x128xf32, #tpu.memory_space<vmem>>, vector<1x16xf32>,
        %swap3A_392 = vector.shape_cast %swap3A_391 : vector<1x16xf32> to vector<16xf32>
        %swap3A_393 = vector.shape_cast %get3A_388 : vector<16xf32> to vector<1x16xf32>
        tpu.vector_store %arg12[%swap3A_389, %swap3A_390], %swap3A_393 {add = true, strides = array<i32>} : memref<80x128xf32, #tpu.memory_space<vmem>>, vector<1x16xf32>,
        %get3A_394 = arith.index_cast %scan3A_341 : i32 to index
        %get3A_395 = arith.constant 96 : index
        %get3A_396 = tpu.vector_load %arg13[%get3A_394, %get3A_395] {strides = array<i32>} : memref<80x128xf32, #tpu.memory_space<vmem>>, vector<1x16xf32>,
        %get3A_397 = vector.shape_cast %get3A_396 : vector<1x16xf32> to vector<16xf32>
        %swap3A_398 = arith.index_cast %scan3A_341 : i32 to index
        %swap3A_399 = arith.constant 96 : index
        %swap3A_400 = tpu.vector_load %arg12[%swap3A_398, %swap3A_399] {strides = array<i32>} : memref<80x128xf32, #tpu.memory_space<vmem>>, vector<1x16xf32>,
        %swap3A_401 = vector.shape_cast %swap3A_400 : vector<1x16xf32> to vector<16xf32>
        %swap3A_402 = vector.shape_cast %get3A_397 : vector<16xf32> to vector<1x16xf32>
        tpu.vector_store %arg12[%swap3A_398, %swap3A_399], %swap3A_402 {add = true, strides = array<i32>} : memref<80x128xf32, #tpu.memory_space<vmem>>, vector<1x16xf32>,
        %get3A_403 = arith.index_cast %scan3A_341 : i32 to index
        %get3A_404 = arith.constant 112 : index
        %get3A_405 = tpu.vector_load %arg13[%get3A_403, %get3A_404] {strides = array<i32>} : memref<80x128xf32, #tpu.memory_space<vmem>>, vector<1x16xf32>,
        %get3A_406 = vector.shape_cast %get3A_405 : vector<1x16xf32> to vector<16xf32>
        %swap3A_407 = arith.index_cast %scan3A_341 : i32 to index
        %swap3A_408 = arith.constant 112 : index
        %swap3A_409 = tpu.vector_load %arg12[%swap3A_407, %swap3A_408] {strides = array<i32>} : memref<80x128xf32, #tpu.memory_space<vmem>>, vector<1x16xf32>,
        %swap3A_410 = vector.shape_cast %swap3A_409 : vector<1x16xf32> to vector<16xf32>
        %swap3A_411 = vector.shape_cast %get3A_406 : vector<16xf32> to vector<1x16xf32>
        tpu.vector_store %arg12[%swap3A_407, %swap3A_408], %swap3A_411 {add = true, strides = array<i32>} : memref<80x128xf32, #tpu.memory_space<vmem>>, vector<1x16xf32>,
      }
      %scan3A_312 = arith.constant 80 : i32
      %add3A_313 = arith.constant 1 : i32
      %add3A_314 = arith.addi %add3A_291, %add3A_313 : i32
      %min3A_315 = arith.constant 124 : i32
      %min3A_316 = arith.minsi %add3A_314, %min3A_315 : i32
      %mul3A_317 = arith.constant 10000 : i32
      %mul3A_318 = arith.muli %add3A, %mul3A_317 : i32
      %mul3A_319 = arith.constant 80 : i32
      %mul3A_320 = arith.muli %min3A_316, %mul3A_319 : i32
      %add3A_321 = arith.addi %mul3A_318, %mul3A_320 : i32
      %dma_start3A_322 = arith.constant 0 : i32
      %dma_start3A_323 = tpu.memref_slice %arg4[%add3A_321, %dma_start3A_322] : memref<320000x128xf32, #tpu.memory_space<hbm>> -> memref<80x128xf32, #tpu.memory_space<hbm>>
      %dma_start3A_324 = arith.constant 0 : i32
      %dma_start3A_325 = tpu.memref_slice %arg4[%add3A_321, %dma_start3A_324] : memref<320000x128xf32, #tpu.memory_space<hbm>> -> memref<80x128xf32, #tpu.memory_space<hbm>>
      tpu.enqueue_dma source(%dma_start3A_325 : memref<80x128xf32, #tpu.memory_space<hbm>>) target(%arg13 : memref<80x128xf32, #tpu.memory_space<vmem>>) target_semaphore(%arg16 : memref<!tpu.dma_semaphore, #tpu.memory_space<semaphore_mem>>)
      "tpu.region"() ({
        %run_scoped3A = tpu.sem_alloc : memref<!tpu.dma_semaphore, #tpu.memory_space<semaphore_mem>>
        %dma_start3A_341 = arith.constant 0 : i32
        %dma_start3A_342 = arith.constant 0 : i32
        %dma_start3A_343 = tpu.memref_slice %arg7[%dma_start3A_341, %dma_start3A_342] : memref<10240x128xf32, #tpu.memory_space<vmem_shared>> -> memref<10240x128xf32, #tpu.memory_space<vmem_shared>>
        tpu.enqueue_indirect_dma source(%arg12 : memref<80x128xf32, #tpu.memory_space<vmem>>) target(%dma_start3A_343 : memref<10240x128xf32, #tpu.memory_space<vmem_shared>>) offsets(%arg10 : memref<80xi32, #tpu.memory_space<vmem>>) semaphore(%run_scoped3A : memref<!tpu.dma_semaphore, #tpu.memory_space<semaphore_mem>>) {add = true}
        %dma_wait3A_344 = arith.constant 0 : i32
        %dma_wait3A_345 = arith.constant 0 : i32
        %dma_wait3A_346 = tpu.memref_slice %arg7[%dma_wait3A_344, %dma_wait3A_345] : memref<10240x128xf32, #tpu.memory_space<vmem_shared>> -> memref<10240x128xf32, #tpu.memory_space<vmem_shared>>
        tpu.wait_indirect_dma semaphore(%run_scoped3A : memref<!tpu.dma_semaphore, #tpu.memory_space<semaphore_mem>>) src(%arg12 : memref<80x128xf32, #tpu.memory_space<vmem>>) dst(%dma_wait3A_346 : memref<10240x128xf32, #tpu.memory_space<vmem_shared>>)
        tpu.yield
      }) : () -> ()
      %add3A_326 = arith.constant 3 : i32
      %add3A_327 = arith.addi %mul3A_240, %add3A_326 : i32
      %mul3A_328 = arith.constant 10000 : i32
      %mul3A_329 = arith.muli %add3A, %mul3A_328 : i32
      %mul3A_330 = arith.constant 80 : i32
      %mul3A_331 = arith.muli %add3A_327, %mul3A_330 : i32
      %add3A_332 = arith.addi %mul3A_329, %mul3A_331 : i32
      %dma_start3A_333 = tpu.memref_slice %arg3[%add3A_332] : memref<320000xi32, #tpu.memory_space<hbm>> -> memref<80xi32, #tpu.memory_space<hbm>>
      %dma_start3A_334 = tpu.memref_slice %arg3[%add3A_332] : memref<320000xi32, #tpu.memory_space<hbm>> -> memref<80xi32, #tpu.memory_space<hbm>>
      tpu.enqueue_dma source(%dma_start3A_334 : memref<80xi32, #tpu.memory_space<hbm>>) target(%arg10 : memref<80xi32, #tpu.memory_space<vmem>>) target_semaphore(%arg15 : memref<!tpu.dma_semaphore, #tpu.memory_space<semaphore_mem>>)
      %mul3A_335 = arith.constant 80 : i32
      %mul3A_336 = arith.muli %add3A_327, %mul3A_335 : i32
      %dma_start3A_337 = tpu.memref_slice %arg8[%mul3A_336] : memref<10000xi32, #tpu.memory_space<vmem>> -> memref<80xi32, #tpu.memory_space<vmem>>
      %dma_start3A_338 = arith.constant 0 : i32
      %dma_start3A_339 = arith.constant 0 : i32
      %dma_start3A_340 = tpu.memref_slice %arg5[%dma_start3A_338, %dma_start3A_339] : memref<10000x128xf32, #tpu.memory_space<hbm>> -> memref<10000x128xf32, #tpu.memory_space<hbm>>
      tpu.enqueue_indirect_dma source(%dma_start3A_340 : memref<10000x128xf32, #tpu.memory_space<hbm>>) target(%arg12 : memref<80x128xf32, #tpu.memory_space<vmem>>) offsets(%dma_start3A_337 : memref<80xi32, #tpu.memory_space<vmem>>) semaphore(%arg15 : memref<!tpu.dma_semaphore, #tpu.memory_space<semaphore_mem>>)
    }
    %scan3A_72 = arith.constant 61 : i32
    %dma_wait3A = arith.constant 0 : i32
    %dma_wait3A_73 = tpu.memref_slice %arg3[%dma_wait3A] : memref<320000xi32, #tpu.memory_space<hbm>> -> memref<80xi32, #tpu.memory_space<hbm>>
    %dma_wait3A_74 = arith.constant 0 : i32
    %dma_wait3A_75 = tpu.memref_slice %arg3[%dma_wait3A_74] : memref<320000xi32, #tpu.memory_space<hbm>> -> memref<80xi32, #tpu.memory_space<hbm>>
    tpu.wait_dma2 semaphore(%arg14 : memref<!tpu.dma_semaphore, #tpu.memory_space<semaphore_mem>>) src(%dma_wait3A_75 : memref<80xi32, #tpu.memory_space<hbm>>) dst(%arg9 : memref<80xi32, #tpu.memory_space<vmem>>)
    %dma_wait3A_76 = arith.constant 0 : i32
    %dma_wait3A_77 = tpu.memref_slice %arg8[%dma_wait3A_76] : memref<10000xi32, #tpu.memory_space<vmem>> -> memref<80xi32, #tpu.memory_space<vmem>>
    %dma_wait3A_78 = arith.constant 0 : i32
    %dma_wait3A_79 = arith.constant 0 : i32
    %dma_wait3A_80 = tpu.memref_slice %arg5[%dma_wait3A_78, %dma_wait3A_79] : memref<10000x128xf32, #tpu.memory_space<hbm>> -> memref<10000x128xf32, #tpu.memory_space<hbm>>
    tpu.wait_indirect_dma semaphore(%arg14 : memref<!tpu.dma_semaphore, #tpu.memory_space<semaphore_mem>>) src(%dma_wait3A_80 : memref<10000x128xf32, #tpu.memory_space<hbm>>) dst(%arg11 : memref<80x128xf32, #tpu.memory_space<vmem>>)
    %dma_wait3A_81 = arith.constant 0 : i32
    %dma_wait3A_82 = arith.constant 0 : i32
    %dma_wait3A_83 = tpu.memref_slice %arg4[%dma_wait3A_81, %dma_wait3A_82] : memref<320000x128xf32, #tpu.memory_space<hbm>> -> memref<80x128xf32, #tpu.memory_space<hbm>>
    %dma_wait3A_84 = arith.constant 0 : i32
    %dma_wait3A_85 = arith.constant 0 : i32
    %dma_wait3A_86 = tpu.memref_slice %arg4[%dma_wait3A_84, %dma_wait3A_85] : memref<320000x128xf32, #tpu.memory_space<hbm>> -> memref<80x128xf32, #tpu.memory_space<hbm>>
    tpu.wait_dma2 semaphore(%arg16 : memref<!tpu.dma_semaphore, #tpu.memory_space<semaphore_mem>>) src(%dma_wait3A_86 : memref<80x128xf32, #tpu.memory_space<hbm>>) dst(%arg13 : memref<80x128xf32, #tpu.memory_space<vmem>>)
    %scan3A_87 = arith.constant 0 : i32
    %scan3A_88 = arith.constant 0 : i32
    %scan3A_89 = arith.constant 80 : i32
    %scan3A_90 = arith.addi %scan3A_88, %scan3A_89 : i32
    %scan3A_91 = arith.constant 1 : i32
    scf.for %scan3A_238 = %scan3A_88 to %scan3A_90 step %scan3A_91  : i32 {
      %get3A = arith.index_cast %scan3A_238 : i32 to index
      %get3A_239 = arith.constant 0 : index
      %get3A_240 = tpu.vector_load %arg13[%get3A, %get3A_239] {strides = array<i32>} : memref<80x128xf32, #tpu.memory_space<vmem>>, vector<1x16xf32>,
      %get3A_241 = vector.shape_cast %get3A_240 : vector<1x16xf32> to vector<16xf32>
      %swap3A = arith.index_cast %scan3A_238 : i32 to index
      %swap3A_242 = arith.constant 0 : index
      %swap3A_243 = tpu.vector_load %arg11[%swap3A, %swap3A_242] {strides = array<i32>} : memref<80x128xf32, #tpu.memory_space<vmem>>, vector<1x16xf32>,
      %swap3A_244 = vector.shape_cast %swap3A_243 : vector<1x16xf32> to vector<16xf32>
      %swap3A_245 = vector.shape_cast %get3A_241 : vector<16xf32> to vector<1x16xf32>
      tpu.vector_store %arg11[%swap3A, %swap3A_242], %swap3A_245 {add = true, strides = array<i32>} : memref<80x128xf32, #tpu.memory_space<vmem>>, vector<1x16xf32>,
      %get3A_246 = arith.index_cast %scan3A_238 : i32 to index
      %get3A_247 = arith.constant 16 : index
      %get3A_248 = tpu.vector_load %arg13[%get3A_246, %get3A_247] {strides = array<i32>} : memref<80x128xf32, #tpu.memory_space<vmem>>, vector<1x16xf32>,
      %get3A_249 = vector.shape_cast %get3A_248 : vector<1x16xf32> to vector<16xf32>
      %swap3A_250 = arith.index_cast %scan3A_238 : i32 to index
      %swap3A_251 = arith.constant 16 : index
      %swap3A_252 = tpu.vector_load %arg11[%swap3A_250, %swap3A_251] {strides = array<i32>} : memref<80x128xf32, #tpu.memory_space<vmem>>, vector<1x16xf32>,
      %swap3A_253 = vector.shape_cast %swap3A_252 : vector<1x16xf32> to vector<16xf32>
      %swap3A_254 = vector.shape_cast %get3A_249 : vector<16xf32> to vector<1x16xf32>
      tpu.vector_store %arg11[%swap3A_250, %swap3A_251], %swap3A_254 {add = true, strides = array<i32>} : memref<80x128xf32, #tpu.memory_space<vmem>>, vector<1x16xf32>,
      %get3A_255 = arith.index_cast %scan3A_238 : i32 to index
      %get3A_256 = arith.constant 32 : index
      %get3A_257 = tpu.vector_load %arg13[%get3A_255, %get3A_256] {strides = array<i32>} : memref<80x128xf32, #tpu.memory_space<vmem>>, vector<1x16xf32>,
      %get3A_258 = vector.shape_cast %get3A_257 : vector<1x16xf32> to vector<16xf32>
      %swap3A_259 = arith.index_cast %scan3A_238 : i32 to index
      %swap3A_260 = arith.constant 32 : index
      %swap3A_261 = tpu.vector_load %arg11[%swap3A_259, %swap3A_260] {strides = array<i32>} : memref<80x128xf32, #tpu.memory_space<vmem>>, vector<1x16xf32>,
      %swap3A_262 = vector.shape_cast %swap3A_261 : vector<1x16xf32> to vector<16xf32>
      %swap3A_263 = vector.shape_cast %get3A_258 : vector<16xf32> to vector<1x16xf32>
      tpu.vector_store %arg11[%swap3A_259, %swap3A_260], %swap3A_263 {add = true, strides = array<i32>} : memref<80x128xf32, #tpu.memory_space<vmem>>, vector<1x16xf32>,
      %get3A_264 = arith.index_cast %scan3A_238 : i32 to index
      %get3A_265 = arith.constant 48 : index
      %get3A_266 = tpu.vector_load %arg13[%get3A_264, %get3A_265] {strides = array<i32>} : memref<80x128xf32, #tpu.memory_space<vmem>>, vector<1x16xf32>,
      %get3A_267 = vector.shape_cast %get3A_266 : vector<1x16xf32> to vector<16xf32>
      %swap3A_268 = arith.index_cast %scan3A_238 : i32 to index
      %swap3A_269 = arith.constant 48 : index
      %swap3A_270 = tpu.vector_load %arg11[%swap3A_268, %swap3A_269] {strides = array<i32>} : memref<80x128xf32, #tpu.memory_space<vmem>>, vector<1x16xf32>,
      %swap3A_271 = vector.shape_cast %swap3A_270 : vector<1x16xf32> to vector<16xf32>
      %swap3A_272 = vector.shape_cast %get3A_267 : vector<16xf32> to vector<1x16xf32>
      tpu.vector_store %arg11[%swap3A_268, %swap3A_269], %swap3A_272 {add = true, strides = array<i32>} : memref<80x128xf32, #tpu.memory_space<vmem>>, vector<1x16xf32>,
      %get3A_273 = arith.index_cast %scan3A_238 : i32 to index
      %get3A_274 = arith.constant 64 : index
      %get3A_275 = tpu.vector_load %arg13[%get3A_273, %get3A_274] {strides = array<i32>} : memref<80x128xf32, #tpu.memory_space<vmem>>, vector<1x16xf32>,
      %get3A_276 = vector.shape_cast %get3A_275 : vector<1x16xf32> to vector<16xf32>
      %swap3A_277 = arith.index_cast %scan3A_238 : i32 to index
      %swap3A_278 = arith.constant 64 : index
      %swap3A_279 = tpu.vector_load %arg11[%swap3A_277, %swap3A_278] {strides = array<i32>} : memref<80x128xf32, #tpu.memory_space<vmem>>, vector<1x16xf32>,
      %swap3A_280 = vector.shape_cast %swap3A_279 : vector<1x16xf32> to vector<16xf32>
      %swap3A_281 = vector.shape_cast %get3A_276 : vector<16xf32> to vector<1x16xf32>
      tpu.vector_store %arg11[%swap3A_277, %swap3A_278], %swap3A_281 {add = true, strides = array<i32>} : memref<80x128xf32, #tpu.memory_space<vmem>>, vector<1x16xf32>,
      %get3A_282 = arith.index_cast %scan3A_238 : i32 to index
      %get3A_283 = arith.constant 80 : index
      %get3A_284 = tpu.vector_load %arg13[%get3A_282, %get3A_283] {strides = array<i32>} : memref<80x128xf32, #tpu.memory_space<vmem>>, vector<1x16xf32>,
      %get3A_285 = vector.shape_cast %get3A_284 : vector<1x16xf32> to vector<16xf32>
      %swap3A_286 = arith.index_cast %scan3A_238 : i32 to index
      %swap3A_287 = arith.constant 80 : index
      %swap3A_288 = tpu.vector_load %arg11[%swap3A_286, %swap3A_287] {strides = array<i32>} : memref<80x128xf32, #tpu.memory_space<vmem>>, vector<1x16xf32>,
      %swap3A_289 = vector.shape_cast %swap3A_288 : vector<1x16xf32> to vector<16xf32>
      %swap3A_290 = vector.shape_cast %get3A_285 : vector<16xf32> to vector<1x16xf32>
      tpu.vector_store %arg11[%swap3A_286, %swap3A_287], %swap3A_290 {add = true, strides = array<i32>} : memref<80x128xf32, #tpu.memory_space<vmem>>, vector<1x16xf32>,
      %get3A_291 = arith.index_cast %scan3A_238 : i32 to index
      %get3A_292 = arith.constant 96 : index
      %get3A_293 = tpu.vector_load %arg13[%get3A_291, %get3A_292] {strides = array<i32>} : memref<80x128xf32, #tpu.memory_space<vmem>>, vector<1x16xf32>,
      %get3A_294 = vector.shape_cast %get3A_293 : vector<1x16xf32> to vector<16xf32>
      %swap3A_295 = arith.index_cast %scan3A_238 : i32 to index
      %swap3A_296 = arith.constant 96 : index
      %swap3A_297 = tpu.vector_load %arg11[%swap3A_295, %swap3A_296] {strides = array<i32>} : memref<80x128xf32, #tpu.memory_space<vmem>>, vector<1x16xf32>,
      %swap3A_298 = vector.shape_cast %swap3A_297 : vector<1x16xf32> to vector<16xf32>
      %swap3A_299 = vector.shape_cast %get3A_294 : vector<16xf32> to vector<1x16xf32>
      tpu.vector_store %arg11[%swap3A_295, %swap3A_296], %swap3A_299 {add = true, strides = array<i32>} : memref<80x128xf32, #tpu.memory_space<vmem>>, vector<1x16xf32>,
      %get3A_300 = arith.index_cast %scan3A_238 : i32 to index
      %get3A_301 = arith.constant 112 : index
      %get3A_302 = tpu.vector_load %arg13[%get3A_300, %get3A_301] {strides = array<i32>} : memref<80x128xf32, #tpu.memory_space<vmem>>, vector<1x16xf32>,
      %get3A_303 = vector.shape_cast %get3A_302 : vector<1x16xf32> to vector<16xf32>
      %swap3A_304 = arith.index_cast %scan3A_238 : i32 to index
      %swap3A_305 = arith.constant 112 : index
      %swap3A_306 = tpu.vector_load %arg11[%swap3A_304, %swap3A_305] {strides = array<i32>} : memref<80x128xf32, #tpu.memory_space<vmem>>, vector<1x16xf32>,
      %swap3A_307 = vector.shape_cast %swap3A_306 : vector<1x16xf32> to vector<16xf32>
      %swap3A_308 = vector.shape_cast %get3A_303 : vector<16xf32> to vector<1x16xf32>
      tpu.vector_store %arg11[%swap3A_304, %swap3A_305], %swap3A_308 {add = true, strides = array<i32>} : memref<80x128xf32, #tpu.memory_space<vmem>>, vector<1x16xf32>,
    }
    %scan3A_92 = arith.constant 80 : i32
    %min3A = arith.constant 123 : i32
    %min3A_93 = arith.constant 124 : i32
    %min3A_94 = arith.minsi %min3A, %min3A_93 : i32
    %mul3A_95 = arith.constant 10000 : i32
    %mul3A_96 = arith.muli %add3A, %mul3A_95 : i32
    %mul3A_97 = arith.constant 80 : i32
    %mul3A_98 = arith.muli %min3A_94, %mul3A_97 : i32
    %add3A_99 = arith.addi %mul3A_96, %mul3A_98 : i32
    %dma_start3A_100 = arith.constant 0 : i32
    %dma_start3A_101 = tpu.memref_slice %arg4[%add3A_99, %dma_start3A_100] : memref<320000x128xf32, #tpu.memory_space<hbm>> -> memref<80x128xf32, #tpu.memory_space<hbm>>
    %dma_start3A_102 = arith.constant 0 : i32
    %dma_start3A_103 = tpu.memref_slice %arg4[%add3A_99, %dma_start3A_102] : memref<320000x128xf32, #tpu.memory_space<hbm>> -> memref<80x128xf32, #tpu.memory_space<hbm>>
    tpu.enqueue_dma source(%dma_start3A_103 : memref<80x128xf32, #tpu.memory_space<hbm>>) target(%arg13 : memref<80x128xf32, #tpu.memory_space<vmem>>) target_semaphore(%arg16 : memref<!tpu.dma_semaphore, #tpu.memory_space<semaphore_mem>>)
    "tpu.region"() ({
      %run_scoped3A = tpu.sem_alloc : memref<!tpu.dma_semaphore, #tpu.memory_space<semaphore_mem>>
      %dma_start3A_238 = arith.constant 0 : i32
      %dma_start3A_239 = arith.constant 0 : i32
      %dma_start3A_240 = tpu.memref_slice %arg7[%dma_start3A_238, %dma_start3A_239] : memref<10240x128xf32, #tpu.memory_space<vmem_shared>> -> memref<10240x128xf32, #tpu.memory_space<vmem_shared>>
      tpu.enqueue_indirect_dma source(%arg11 : memref<80x128xf32, #tpu.memory_space<vmem>>) target(%dma_start3A_240 : memref<10240x128xf32, #tpu.memory_space<vmem_shared>>) offsets(%arg9 : memref<80xi32, #tpu.memory_space<vmem>>) semaphore(%run_scoped3A : memref<!tpu.dma_semaphore, #tpu.memory_space<semaphore_mem>>) {add = true}
      %dma_wait3A_241 = arith.constant 0 : i32
      %dma_wait3A_242 = arith.constant 0 : i32
      %dma_wait3A_243 = tpu.memref_slice %arg7[%dma_wait3A_241, %dma_wait3A_242] : memref<10240x128xf32, #tpu.memory_space<vmem_shared>> -> memref<10240x128xf32, #tpu.memory_space<vmem_shared>>
      tpu.wait_indirect_dma semaphore(%run_scoped3A : memref<!tpu.dma_semaphore, #tpu.memory_space<semaphore_mem>>) src(%arg11 : memref<80x128xf32, #tpu.memory_space<vmem>>) dst(%dma_wait3A_243 : memref<10240x128xf32, #tpu.memory_space<vmem_shared>>)
      tpu.yield
    }) : () -> ()
    %mul3A_104 = arith.constant 10000 : i32
    %mul3A_105 = arith.muli %add3A, %mul3A_104 : i32
    %add3A_106 = arith.constant 9920 : i32
    %add3A_107 = arith.addi %mul3A_105, %add3A_106 : i32
    %dma_start3A_108 = tpu.memref_slice %arg3[%add3A_107] : memref<320000xi32, #tpu.memory_space<hbm>> -> memref<80xi32, #tpu.memory_space<hbm>>
    %dma_start3A_109 = tpu.memref_slice %arg3[%add3A_107] : memref<320000xi32, #tpu.memory_space<hbm>> -> memref<80xi32, #tpu.memory_space<hbm>>
    tpu.enqueue_dma source(%dma_start3A_109 : memref<80xi32, #tpu.memory_space<hbm>>) target(%arg9 : memref<80xi32, #tpu.memory_space<vmem>>) target_semaphore(%arg14 : memref<!tpu.dma_semaphore, #tpu.memory_space<semaphore_mem>>)
    %dma_start3A_110 = arith.constant 9920 : i32
    %dma_start3A_111 = tpu.memref_slice %arg8[%dma_start3A_110] : memref<10000xi32, #tpu.memory_space<vmem>> -> memref<80xi32, #tpu.memory_space<vmem>>
    %dma_start3A_112 = arith.constant 0 : i32
    %dma_start3A_113 = arith.constant 0 : i32
    %dma_start3A_114 = tpu.memref_slice %arg5[%dma_start3A_112, %dma_start3A_113] : memref<10000x128xf32, #tpu.memory_space<hbm>> -> memref<10000x128xf32, #tpu.memory_space<hbm>>
    tpu.enqueue_indirect_dma source(%dma_start3A_114 : memref<10000x128xf32, #tpu.memory_space<hbm>>) target(%arg11 : memref<80x128xf32, #tpu.memory_space<vmem>>) offsets(%dma_start3A_111 : memref<80xi32, #tpu.memory_space<vmem>>) semaphore(%arg14 : memref<!tpu.dma_semaphore, #tpu.memory_space<semaphore_mem>>)
    %dma_wait3A_115 = arith.constant 0 : i32
    %dma_wait3A_116 = tpu.memref_slice %arg3[%dma_wait3A_115] : memref<320000xi32, #tpu.memory_space<hbm>> -> memref<80xi32, #tpu.memory_space<hbm>>
    %dma_wait3A_117 = arith.constant 0 : i32
    %dma_wait3A_118 = tpu.memref_slice %arg3[%dma_wait3A_117] : memref<320000xi32, #tpu.memory_space<hbm>> -> memref<80xi32, #tpu.memory_space<hbm>>
    tpu.wait_dma2 semaphore(%arg15 : memref<!tpu.dma_semaphore, #tpu.memory_space<semaphore_mem>>) src(%dma_wait3A_118 : memref<80xi32, #tpu.memory_space<hbm>>) dst(%arg10 : memref<80xi32, #tpu.memory_space<vmem>>)
    %dma_wait3A_119 = arith.constant 0 : i32
    %dma_wait3A_120 = tpu.memref_slice %arg8[%dma_wait3A_119] : memref<10000xi32, #tpu.memory_space<vmem>> -> memref<80xi32, #tpu.memory_space<vmem>>
    %dma_wait3A_121 = arith.constant 0 : i32
    %dma_wait3A_122 = arith.constant 0 : i32
    %dma_wait3A_123 = tpu.memref_slice %arg5[%dma_wait3A_121, %dma_wait3A_122] : memref<10000x128xf32, #tpu.memory_space<hbm>> -> memref<10000x128xf32, #tpu.memory_space<hbm>>
    tpu.wait_indirect_dma semaphore(%arg15 : memref<!tpu.dma_semaphore, #tpu.memory_space<semaphore_mem>>) src(%dma_wait3A_123 : memref<10000x128xf32, #tpu.memory_space<hbm>>) dst(%arg12 : memref<80x128xf32, #tpu.memory_space<vmem>>)
    %dma_wait3A_124 = arith.constant 0 : i32
    %dma_wait3A_125 = arith.constant 0 : i32
    %dma_wait3A_126 = tpu.memref_slice %arg4[%dma_wait3A_124, %dma_wait3A_125] : memref<320000x128xf32, #tpu.memory_space<hbm>> -> memref<80x128xf32, #tpu.memory_space<hbm>>
    %dma_wait3A_127 = arith.constant 0 : i32
    %dma_wait3A_128 = arith.constant 0 : i32
    %dma_wait3A_129 = tpu.memref_slice %arg4[%dma_wait3A_127, %dma_wait3A_128] : memref<320000x128xf32, #tpu.memory_space<hbm>> -> memref<80x128xf32, #tpu.memory_space<hbm>>
    tpu.wait_dma2 semaphore(%arg16 : memref<!tpu.dma_semaphore, #tpu.memory_space<semaphore_mem>>) src(%dma_wait3A_129 : memref<80x128xf32, #tpu.memory_space<hbm>>) dst(%arg13 : memref<80x128xf32, #tpu.memory_space<vmem>>)
    %scan3A_130 = arith.constant 0 : i32
    %scan3A_131 = arith.constant 0 : i32
    %scan3A_132 = arith.constant 80 : i32
    %scan3A_133 = arith.addi %scan3A_131, %scan3A_132 : i32
    %scan3A_134 = arith.constant 1 : i32
    scf.for %scan3A_238 = %scan3A_131 to %scan3A_133 step %scan3A_134  : i32 {
      %get3A = arith.index_cast %scan3A_238 : i32 to index
      %get3A_239 = arith.constant 0 : index
      %get3A_240 = tpu.vector_load %arg13[%get3A, %get3A_239] {strides = array<i32>} : memref<80x128xf32, #tpu.memory_space<vmem>>, vector<1x16xf32>,
      %get3A_241 = vector.shape_cast %get3A_240 : vector<1x16xf32> to vector<16xf32>
      %swap3A = arith.index_cast %scan3A_238 : i32 to index
      %swap3A_242 = arith.constant 0 : index
      %swap3A_243 = tpu.vector_load %arg12[%swap3A, %swap3A_242] {strides = array<i32>} : memref<80x128xf32, #tpu.memory_space<vmem>>, vector<1x16xf32>,
      %swap3A_244 = vector.shape_cast %swap3A_243 : vector<1x16xf32> to vector<16xf32>
      %swap3A_245 = vector.shape_cast %get3A_241 : vector<16xf32> to vector<1x16xf32>
      tpu.vector_store %arg12[%swap3A, %swap3A_242], %swap3A_245 {add = true, strides = array<i32>} : memref<80x128xf32, #tpu.memory_space<vmem>>, vector<1x16xf32>,
      %get3A_246 = arith.index_cast %scan3A_238 : i32 to index
      %get3A_247 = arith.constant 16 : index
      %get3A_248 = tpu.vector_load %arg13[%get3A_246, %get3A_247] {strides = array<i32>} : memref<80x128xf32, #tpu.memory_space<vmem>>, vector<1x16xf32>,
      %get3A_249 = vector.shape_cast %get3A_248 : vector<1x16xf32> to vector<16xf32>
      %swap3A_250 = arith.index_cast %scan3A_238 : i32 to index
      %swap3A_251 = arith.constant 16 : index
      %swap3A_252 = tpu.vector_load %arg12[%swap3A_250, %swap3A_251] {strides = array<i32>} : memref<80x128xf32, #tpu.memory_space<vmem>>, vector<1x16xf32>,
      %swap3A_253 = vector.shape_cast %swap3A_252 : vector<1x16xf32> to vector<16xf32>
      %swap3A_254 = vector.shape_cast %get3A_249 : vector<16xf32> to vector<1x16xf32>
      tpu.vector_store %arg12[%swap3A_250, %swap3A_251], %swap3A_254 {add = true, strides = array<i32>} : memref<80x128xf32, #tpu.memory_space<vmem>>, vector<1x16xf32>,
      %get3A_255 = arith.index_cast %scan3A_238 : i32 to index
      %get3A_256 = arith.constant 32 : index
      %get3A_257 = tpu.vector_load %arg13[%get3A_255, %get3A_256] {strides = array<i32>} : memref<80x128xf32, #tpu.memory_space<vmem>>, vector<1x16xf32>,
      %get3A_258 = vector.shape_cast %get3A_257 : vector<1x16xf32> to vector<16xf32>
      %swap3A_259 = arith.index_cast %scan3A_238 : i32 to index
      %swap3A_260 = arith.constant 32 : index
      %swap3A_261 = tpu.vector_load %arg12[%swap3A_259, %swap3A_260] {strides = array<i32>} : memref<80x128xf32, #tpu.memory_space<vmem>>, vector<1x16xf32>,
      %swap3A_262 = vector.shape_cast %swap3A_261 : vector<1x16xf32> to vector<16xf32>
      %swap3A_263 = vector.shape_cast %get3A_258 : vector<16xf32> to vector<1x16xf32>
      tpu.vector_store %arg12[%swap3A_259, %swap3A_260], %swap3A_263 {add = true, strides = array<i32>} : memref<80x128xf32, #tpu.memory_space<vmem>>, vector<1x16xf32>,
      %get3A_264 = arith.index_cast %scan3A_238 : i32 to index
      %get3A_265 = arith.constant 48 : index
      %get3A_266 = tpu.vector_load %arg13[%get3A_264, %get3A_265] {strides = array<i32>} : memref<80x128xf32, #tpu.memory_space<vmem>>, vector<1x16xf32>,
      %get3A_267 = vector.shape_cast %get3A_266 : vector<1x16xf32> to vector<16xf32>
      %swap3A_268 = arith.index_cast %scan3A_238 : i32 to index
      %swap3A_269 = arith.constant 48 : index
      %swap3A_270 = tpu.vector_load %arg12[%swap3A_268, %swap3A_269] {strides = array<i32>} : memref<80x128xf32, #tpu.memory_space<vmem>>, vector<1x16xf32>,
      %swap3A_271 = vector.shape_cast %swap3A_270 : vector<1x16xf32> to vector<16xf32>
      %swap3A_272 = vector.shape_cast %get3A_267 : vector<16xf32> to vector<1x16xf32>
      tpu.vector_store %arg12[%swap3A_268, %swap3A_269], %swap3A_272 {add = true, strides = array<i32>} : memref<80x128xf32, #tpu.memory_space<vmem>>, vector<1x16xf32>,
      %get3A_273 = arith.index_cast %scan3A_238 : i32 to index
      %get3A_274 = arith.constant 64 : index
      %get3A_275 = tpu.vector_load %arg13[%get3A_273, %get3A_274] {strides = array<i32>} : memref<80x128xf32, #tpu.memory_space<vmem>>, vector<1x16xf32>,
      %get3A_276 = vector.shape_cast %get3A_275 : vector<1x16xf32> to vector<16xf32>
      %swap3A_277 = arith.index_cast %scan3A_238 : i32 to index
      %swap3A_278 = arith.constant 64 : index
      %swap3A_279 = tpu.vector_load %arg12[%swap3A_277, %swap3A_278] {strides = array<i32>} : memref<80x128xf32, #tpu.memory_space<vmem>>, vector<1x16xf32>,
      %swap3A_280 = vector.shape_cast %swap3A_279 : vector<1x16xf32> to vector<16xf32>
      %swap3A_281 = vector.shape_cast %get3A_276 : vector<16xf32> to vector<1x16xf32>
      tpu.vector_store %arg12[%swap3A_277, %swap3A_278], %swap3A_281 {add = true, strides = array<i32>} : memref<80x128xf32, #tpu.memory_space<vmem>>, vector<1x16xf32>,
      %get3A_282 = arith.index_cast %scan3A_238 : i32 to index
      %get3A_283 = arith.constant 80 : index
      %get3A_284 = tpu.vector_load %arg13[%get3A_282, %get3A_283] {strides = array<i32>} : memref<80x128xf32, #tpu.memory_space<vmem>>, vector<1x16xf32>,
      %get3A_285 = vector.shape_cast %get3A_284 : vector<1x16xf32> to vector<16xf32>
      %swap3A_286 = arith.index_cast %scan3A_238 : i32 to index
      %swap3A_287 = arith.constant 80 : index
      %swap3A_288 = tpu.vector_load %arg12[%swap3A_286, %swap3A_287] {strides = array<i32>} : memref<80x128xf32, #tpu.memory_space<vmem>>, vector<1x16xf32>,
      %swap3A_289 = vector.shape_cast %swap3A_288 : vector<1x16xf32> to vector<16xf32>
      %swap3A_290 = vector.shape_cast %get3A_285 : vector<16xf32> to vector<1x16xf32>
      tpu.vector_store %arg12[%swap3A_286, %swap3A_287], %swap3A_290 {add = true, strides = array<i32>} : memref<80x128xf32, #tpu.memory_space<vmem>>, vector<1x16xf32>,
      %get3A_291 = arith.index_cast %scan3A_238 : i32 to index
      %get3A_292 = arith.constant 96 : index
      %get3A_293 = tpu.vector_load %arg13[%get3A_291, %get3A_292] {strides = array<i32>} : memref<80x128xf32, #tpu.memory_space<vmem>>, vector<1x16xf32>,
      %get3A_294 = vector.shape_cast %get3A_293 : vector<1x16xf32> to vector<16xf32>
      %swap3A_295 = arith.index_cast %scan3A_238 : i32 to index
      %swap3A_296 = arith.constant 96 : index
      %swap3A_297 = tpu.vector_load %arg12[%swap3A_295, %swap3A_296] {strides = array<i32>} : memref<80x128xf32, #tpu.memory_space<vmem>>, vector<1x16xf32>,
      %swap3A_298 = vector.shape_cast %swap3A_297 : vector<1x16xf32> to vector<16xf32>
      %swap3A_299 = vector.shape_cast %get3A_294 : vector<16xf32> to vector<1x16xf32>
      tpu.vector_store %arg12[%swap3A_295, %swap3A_296], %swap3A_299 {add = true, strides = array<i32>} : memref<80x128xf32, #tpu.memory_space<vmem>>, vector<1x16xf32>,
      %get3A_300 = arith.index_cast %scan3A_238 : i32 to index
      %get3A_301 = arith.constant 112 : index
      %get3A_302 = tpu.vector_load %arg13[%get3A_300, %get3A_301] {strides = array<i32>} : memref<80x128xf32, #tpu.memory_space<vmem>>, vector<1x16xf32>,
      %get3A_303 = vector.shape_cast %get3A_302 : vector<1x16xf32> to vector<16xf32>
      %swap3A_304 = arith.index_cast %scan3A_238 : i32 to index
      %swap3A_305 = arith.constant 112 : index
      %swap3A_306 = tpu.vector_load %arg12[%swap3A_304, %swap3A_305] {strides = array<i32>} : memref<80x128xf32, #tpu.memory_space<vmem>>, vector<1x16xf32>,
      %swap3A_307 = vector.shape_cast %swap3A_306 : vector<1x16xf32> to vector<16xf32>
      %swap3A_308 = vector.shape_cast %get3A_303 : vector<16xf32> to vector<1x16xf32>
      tpu.vector_store %arg12[%swap3A_304, %swap3A_305], %swap3A_308 {add = true, strides = array<i32>} : memref<80x128xf32, #tpu.memory_space<vmem>>, vector<1x16xf32>,
    }
    %scan3A_135 = arith.constant 80 : i32
    %min3A_136 = arith.constant 124 : i32
    %min3A_137 = arith.constant 124 : i32
    %min3A_138 = arith.minsi %min3A_136, %min3A_137 : i32
    %mul3A_139 = arith.constant 10000 : i32
    %mul3A_140 = arith.muli %add3A, %mul3A_139 : i32
    %mul3A_141 = arith.constant 80 : i32
    %mul3A_142 = arith.muli %min3A_138, %mul3A_141 : i32
    %add3A_143 = arith.addi %mul3A_140, %mul3A_142 : i32
    %dma_start3A_144 = arith.constant 0 : i32
    %dma_start3A_145 = tpu.memref_slice %arg4[%add3A_143, %dma_start3A_144] : memref<320000x128xf32, #tpu.memory_space<hbm>> -> memref<80x128xf32, #tpu.memory_space<hbm>>
    %dma_start3A_146 = arith.constant 0 : i32
    %dma_start3A_147 = tpu.memref_slice %arg4[%add3A_143, %dma_start3A_146] : memref<320000x128xf32, #tpu.memory_space<hbm>> -> memref<80x128xf32, #tpu.memory_space<hbm>>
    tpu.enqueue_dma source(%dma_start3A_147 : memref<80x128xf32, #tpu.memory_space<hbm>>) target(%arg13 : memref<80x128xf32, #tpu.memory_space<vmem>>) target_semaphore(%arg16 : memref<!tpu.dma_semaphore, #tpu.memory_space<semaphore_mem>>)
    "tpu.region"() ({
      %run_scoped3A = tpu.sem_alloc : memref<!tpu.dma_semaphore, #tpu.memory_space<semaphore_mem>>
      %dma_start3A_238 = arith.constant 0 : i32
      %dma_start3A_239 = arith.constant 0 : i32
      %dma_start3A_240 = tpu.memref_slice %arg7[%dma_start3A_238, %dma_start3A_239] : memref<10240x128xf32, #tpu.memory_space<vmem_shared>> -> memref<10240x128xf32, #tpu.memory_space<vmem_shared>>
      tpu.enqueue_indirect_dma source(%arg12 : memref<80x128xf32, #tpu.memory_space<vmem>>) target(%dma_start3A_240 : memref<10240x128xf32, #tpu.memory_space<vmem_shared>>) offsets(%arg10 : memref<80xi32, #tpu.memory_space<vmem>>) semaphore(%run_scoped3A : memref<!tpu.dma_semaphore, #tpu.memory_space<semaphore_mem>>) {add = true}
      %dma_wait3A_241 = arith.constant 0 : i32
      %dma_wait3A_242 = arith.constant 0 : i32
      %dma_wait3A_243 = tpu.memref_slice %arg7[%dma_wait3A_241, %dma_wait3A_242] : memref<10240x128xf32, #tpu.memory_space<vmem_shared>> -> memref<10240x128xf32, #tpu.memory_space<vmem_shared>>
      tpu.wait_indirect_dma semaphore(%run_scoped3A : memref<!tpu.dma_semaphore, #tpu.memory_space<semaphore_mem>>) src(%arg12 : memref<80x128xf32, #tpu.memory_space<vmem>>) dst(%dma_wait3A_243 : memref<10240x128xf32, #tpu.memory_space<vmem_shared>>)
      tpu.yield
    }) : () -> ()
    %dma_wait3A_148 = arith.constant 0 : i32
    %dma_wait3A_149 = tpu.memref_slice %arg3[%dma_wait3A_148] : memref<320000xi32, #tpu.memory_space<hbm>> -> memref<80xi32, #tpu.memory_space<hbm>>
    %dma_wait3A_150 = arith.constant 0 : i32
    %dma_wait3A_151 = tpu.memref_slice %arg3[%dma_wait3A_150] : memref<320000xi32, #tpu.memory_space<hbm>> -> memref<80xi32, #tpu.memory_space<hbm>>
    tpu.wait_dma2 semaphore(%arg14 : memref<!tpu.dma_semaphore, #tpu.memory_space<semaphore_mem>>) src(%dma_wait3A_151 : memref<80xi32, #tpu.memory_space<hbm>>) dst(%arg9 : memref<80xi32, #tpu.memory_space<vmem>>)
    %dma_wait3A_152 = arith.constant 0 : i32
    %dma_wait3A_153 = tpu.memref_slice %arg8[%dma_wait3A_152] : memref<10000xi32, #tpu.memory_space<vmem>> -> memref<80xi32, #tpu.memory_space<vmem>>
    %dma_wait3A_154 = arith.constant 0 : i32
    %dma_wait3A_155 = arith.constant 0 : i32
    %dma_wait3A_156 = tpu.memref_slice %arg5[%dma_wait3A_154, %dma_wait3A_155] : memref<10000x128xf32, #tpu.memory_space<hbm>> -> memref<10000x128xf32, #tpu.memory_space<hbm>>
    tpu.wait_indirect_dma semaphore(%arg14 : memref<!tpu.dma_semaphore, #tpu.memory_space<semaphore_mem>>) src(%dma_wait3A_156 : memref<10000x128xf32, #tpu.memory_space<hbm>>) dst(%arg11 : memref<80x128xf32, #tpu.memory_space<vmem>>)
    %dma_wait3A_157 = arith.constant 0 : i32
    %dma_wait3A_158 = arith.constant 0 : i32
    %dma_wait3A_159 = tpu.memref_slice %arg4[%dma_wait3A_157, %dma_wait3A_158] : memref<320000x128xf32, #tpu.memory_space<hbm>> -> memref<80x128xf32, #tpu.memory_space<hbm>>
    %dma_wait3A_160 = arith.constant 0 : i32
    %dma_wait3A_161 = arith.constant 0 : i32
    %dma_wait3A_162 = tpu.memref_slice %arg4[%dma_wait3A_160, %dma_wait3A_161] : memref<320000x128xf32, #tpu.memory_space<hbm>> -> memref<80x128xf32, #tpu.memory_space<hbm>>
    tpu.wait_dma2 semaphore(%arg16 : memref<!tpu.dma_semaphore, #tpu.memory_space<semaphore_mem>>) src(%dma_wait3A_162 : memref<80x128xf32, #tpu.memory_space<hbm>>) dst(%arg13 : memref<80x128xf32, #tpu.memory_space<vmem>>)
    %scan3A_163 = arith.constant 0 : i32
    %scan3A_164 = arith.constant 0 : i32
    %scan3A_165 = arith.constant 80 : i32
    %scan3A_166 = arith.addi %scan3A_164, %scan3A_165 : i32
    %scan3A_167 = arith.constant 1 : i32
    scf.for %scan3A_238 = %scan3A_164 to %scan3A_166 step %scan3A_167  : i32 {
      %get3A = arith.index_cast %scan3A_238 : i32 to index
      %get3A_239 = arith.constant 0 : index
      %get3A_240 = tpu.vector_load %arg13[%get3A, %get3A_239] {strides = array<i32>} : memref<80x128xf32, #tpu.memory_space<vmem>>, vector<1x16xf32>,
      %get3A_241 = vector.shape_cast %get3A_240 : vector<1x16xf32> to vector<16xf32>
      %swap3A = arith.index_cast %scan3A_238 : i32 to index
      %swap3A_242 = arith.constant 0 : index
      %swap3A_243 = tpu.vector_load %arg11[%swap3A, %swap3A_242] {strides = array<i32>} : memref<80x128xf32, #tpu.memory_space<vmem>>, vector<1x16xf32>,
      %swap3A_244 = vector.shape_cast %swap3A_243 : vector<1x16xf32> to vector<16xf32>
      %swap3A_245 = vector.shape_cast %get3A_241 : vector<16xf32> to vector<1x16xf32>
      tpu.vector_store %arg11[%swap3A, %swap3A_242], %swap3A_245 {add = true, strides = array<i32>} : memref<80x128xf32, #tpu.memory_space<vmem>>, vector<1x16xf32>,
      %get3A_246 = arith.index_cast %scan3A_238 : i32 to index
      %get3A_247 = arith.constant 16 : index
      %get3A_248 = tpu.vector_load %arg13[%get3A_246, %get3A_247] {strides = array<i32>} : memref<80x128xf32, #tpu.memory_space<vmem>>, vector<1x16xf32>,
      %get3A_249 = vector.shape_cast %get3A_248 : vector<1x16xf32> to vector<16xf32>
      %swap3A_250 = arith.index_cast %scan3A_238 : i32 to index
      %swap3A_251 = arith.constant 16 : index
      %swap3A_252 = tpu.vector_load %arg11[%swap3A_250, %swap3A_251] {strides = array<i32>} : memref<80x128xf32, #tpu.memory_space<vmem>>, vector<1x16xf32>,
      %swap3A_253 = vector.shape_cast %swap3A_252 : vector<1x16xf32> to vector<16xf32>
      %swap3A_254 = vector.shape_cast %get3A_249 : vector<16xf32> to vector<1x16xf32>
      tpu.vector_store %arg11[%swap3A_250, %swap3A_251], %swap3A_254 {add = true, strides = array<i32>} : memref<80x128xf32, #tpu.memory_space<vmem>>, vector<1x16xf32>,
      %get3A_255 = arith.index_cast %scan3A_238 : i32 to index
      %get3A_256 = arith.constant 32 : index
      %get3A_257 = tpu.vector_load %arg13[%get3A_255, %get3A_256] {strides = array<i32>} : memref<80x128xf32, #tpu.memory_space<vmem>>, vector<1x16xf32>,
      %get3A_258 = vector.shape_cast %get3A_257 : vector<1x16xf32> to vector<16xf32>
      %swap3A_259 = arith.index_cast %scan3A_238 : i32 to index
      %swap3A_260 = arith.constant 32 : index
      %swap3A_261 = tpu.vector_load %arg11[%swap3A_259, %swap3A_260] {strides = array<i32>} : memref<80x128xf32, #tpu.memory_space<vmem>>, vector<1x16xf32>,
      %swap3A_262 = vector.shape_cast %swap3A_261 : vector<1x16xf32> to vector<16xf32>
      %swap3A_263 = vector.shape_cast %get3A_258 : vector<16xf32> to vector<1x16xf32>
      tpu.vector_store %arg11[%swap3A_259, %swap3A_260], %swap3A_263 {add = true, strides = array<i32>} : memref<80x128xf32, #tpu.memory_space<vmem>>, vector<1x16xf32>,
      %get3A_264 = arith.index_cast %scan3A_238 : i32 to index
      %get3A_265 = arith.constant 48 : index
      %get3A_266 = tpu.vector_load %arg13[%get3A_264, %get3A_265] {strides = array<i32>} : memref<80x128xf32, #tpu.memory_space<vmem>>, vector<1x16xf32>,
      %get3A_267 = vector.shape_cast %get3A_266 : vector<1x16xf32> to vector<16xf32>
      %swap3A_268 = arith.index_cast %scan3A_238 : i32 to index
      %swap3A_269 = arith.constant 48 : index
      %swap3A_270 = tpu.vector_load %arg11[%swap3A_268, %swap3A_269] {strides = array<i32>} : memref<80x128xf32, #tpu.memory_space<vmem>>, vector<1x16xf32>,
      %swap3A_271 = vector.shape_cast %swap3A_270 : vector<1x16xf32> to vector<16xf32>
      %swap3A_272 = vector.shape_cast %get3A_267 : vector<16xf32> to vector<1x16xf32>
      tpu.vector_store %arg11[%swap3A_268, %swap3A_269], %swap3A_272 {add = true, strides = array<i32>} : memref<80x128xf32, #tpu.memory_space<vmem>>, vector<1x16xf32>,
      %get3A_273 = arith.index_cast %scan3A_238 : i32 to index
      %get3A_274 = arith.constant 64 : index
      %get3A_275 = tpu.vector_load %arg13[%get3A_273, %get3A_274] {strides = array<i32>} : memref<80x128xf32, #tpu.memory_space<vmem>>, vector<1x16xf32>,
      %get3A_276 = vector.shape_cast %get3A_275 : vector<1x16xf32> to vector<16xf32>
      %swap3A_277 = arith.index_cast %scan3A_238 : i32 to index
      %swap3A_278 = arith.constant 64 : index
      %swap3A_279 = tpu.vector_load %arg11[%swap3A_277, %swap3A_278] {strides = array<i32>} : memref<80x128xf32, #tpu.memory_space<vmem>>, vector<1x16xf32>,
      %swap3A_280 = vector.shape_cast %swap3A_279 : vector<1x16xf32> to vector<16xf32>
      %swap3A_281 = vector.shape_cast %get3A_276 : vector<16xf32> to vector<1x16xf32>
      tpu.vector_store %arg11[%swap3A_277, %swap3A_278], %swap3A_281 {add = true, strides = array<i32>} : memref<80x128xf32, #tpu.memory_space<vmem>>, vector<1x16xf32>,
      %get3A_282 = arith.index_cast %scan3A_238 : i32 to index
      %get3A_283 = arith.constant 80 : index
      %get3A_284 = tpu.vector_load %arg13[%get3A_282, %get3A_283] {strides = array<i32>} : memref<80x128xf32, #tpu.memory_space<vmem>>, vector<1x16xf32>,
      %get3A_285 = vector.shape_cast %get3A_284 : vector<1x16xf32> to vector<16xf32>
      %swap3A_286 = arith.index_cast %scan3A_238 : i32 to index
      %swap3A_287 = arith.constant 80 : index
      %swap3A_288 = tpu.vector_load %arg11[%swap3A_286, %swap3A_287] {strides = array<i32>} : memref<80x128xf32, #tpu.memory_space<vmem>>, vector<1x16xf32>,
      %swap3A_289 = vector.shape_cast %swap3A_288 : vector<1x16xf32> to vector<16xf32>
      %swap3A_290 = vector.shape_cast %get3A_285 : vector<16xf32> to vector<1x16xf32>
      tpu.vector_store %arg11[%swap3A_286, %swap3A_287], %swap3A_290 {add = true, strides = array<i32>} : memref<80x128xf32, #tpu.memory_space<vmem>>, vector<1x16xf32>,
      %get3A_291 = arith.index_cast %scan3A_238 : i32 to index
      %get3A_292 = arith.constant 96 : index
      %get3A_293 = tpu.vector_load %arg13[%get3A_291, %get3A_292] {strides = array<i32>} : memref<80x128xf32, #tpu.memory_space<vmem>>, vector<1x16xf32>,
      %get3A_294 = vector.shape_cast %get3A_293 : vector<1x16xf32> to vector<16xf32>
      %swap3A_295 = arith.index_cast %scan3A_238 : i32 to index
      %swap3A_296 = arith.constant 96 : index
      %swap3A_297 = tpu.vector_load %arg11[%swap3A_295, %swap3A_296] {strides = array<i32>} : memref<80x128xf32, #tpu.memory_space<vmem>>, vector<1x16xf32>,
      %swap3A_298 = vector.shape_cast %swap3A_297 : vector<1x16xf32> to vector<16xf32>
      %swap3A_299 = vector.shape_cast %get3A_294 : vector<16xf32> to vector<1x16xf32>
      tpu.vector_store %arg11[%swap3A_295, %swap3A_296], %swap3A_299 {add = true, strides = array<i32>} : memref<80x128xf32, #tpu.memory_space<vmem>>, vector<1x16xf32>,
      %get3A_300 = arith.index_cast %scan3A_238 : i32 to index
      %get3A_301 = arith.constant 112 : index
      %get3A_302 = tpu.vector_load %arg13[%get3A_300, %get3A_301] {strides = array<i32>} : memref<80x128xf32, #tpu.memory_space<vmem>>, vector<1x16xf32>,
      %get3A_303 = vector.shape_cast %get3A_302 : vector<1x16xf32> to vector<16xf32>
      %swap3A_304 = arith.index_cast %scan3A_238 : i32 to index
      %swap3A_305 = arith.constant 112 : index
      %swap3A_306 = tpu.vector_load %arg11[%swap3A_304, %swap3A_305] {strides = array<i32>} : memref<80x128xf32, #tpu.memory_space<vmem>>, vector<1x16xf32>,
      %swap3A_307 = vector.shape_cast %swap3A_306 : vector<1x16xf32> to vector<16xf32>
      %swap3A_308 = vector.shape_cast %get3A_303 : vector<16xf32> to vector<1x16xf32>
      tpu.vector_store %arg11[%swap3A_304, %swap3A_305], %swap3A_308 {add = true, strides = array<i32>} : memref<80x128xf32, #tpu.memory_space<vmem>>, vector<1x16xf32>,
    }
    %scan3A_168 = arith.constant 80 : i32
    %min3A_169 = arith.constant 125 : i32
    %min3A_170 = arith.constant 124 : i32
    %min3A_171 = arith.minsi %min3A_169, %min3A_170 : i32
    %mul3A_172 = arith.constant 10000 : i32
    %mul3A_173 = arith.muli %add3A, %mul3A_172 : i32
    %mul3A_174 = arith.constant 80 : i32
    %mul3A_175 = arith.muli %min3A_171, %mul3A_174 : i32
    %add3A_176 = arith.addi %mul3A_173, %mul3A_175 : i32
    %dma_start3A_177 = arith.constant 0 : i32
    %dma_start3A_178 = tpu.memref_slice %arg4[%add3A_176, %dma_start3A_177] : memref<320000x128xf32, #tpu.memory_space<hbm>> -> memref<80x128xf32, #tpu.memory_space<hbm>>
    %dma_start3A_179 = arith.constant 0 : i32
    %dma_start3A_180 = tpu.memref_slice %arg4[%add3A_176, %dma_start3A_179] : memref<320000x128xf32, #tpu.memory_space<hbm>> -> memref<80x128xf32, #tpu.memory_space<hbm>>
    tpu.enqueue_dma source(%dma_start3A_180 : memref<80x128xf32, #tpu.memory_space<hbm>>) target(%arg13 : memref<80x128xf32, #tpu.memory_space<vmem>>) target_semaphore(%arg16 : memref<!tpu.dma_semaphore, #tpu.memory_space<semaphore_mem>>)
    "tpu.region"() ({
      %run_scoped3A = tpu.sem_alloc : memref<!tpu.dma_semaphore, #tpu.memory_space<semaphore_mem>>
      %dma_start3A_238 = arith.constant 0 : i32
      %dma_start3A_239 = arith.constant 0 : i32
      %dma_start3A_240 = tpu.memref_slice %arg7[%dma_start3A_238, %dma_start3A_239] : memref<10240x128xf32, #tpu.memory_space<vmem_shared>> -> memref<10240x128xf32, #tpu.memory_space<vmem_shared>>
      tpu.enqueue_indirect_dma source(%arg11 : memref<80x128xf32, #tpu.memory_space<vmem>>) target(%dma_start3A_240 : memref<10240x128xf32, #tpu.memory_space<vmem_shared>>) offsets(%arg9 : memref<80xi32, #tpu.memory_space<vmem>>) semaphore(%run_scoped3A : memref<!tpu.dma_semaphore, #tpu.memory_space<semaphore_mem>>) {add = true}
      %dma_wait3A_241 = arith.constant 0 : i32
      %dma_wait3A_242 = arith.constant 0 : i32
      %dma_wait3A_243 = tpu.memref_slice %arg7[%dma_wait3A_241, %dma_wait3A_242] : memref<10240x128xf32, #tpu.memory_space<vmem_shared>> -> memref<10240x128xf32, #tpu.memory_space<vmem_shared>>
      tpu.wait_indirect_dma semaphore(%run_scoped3A : memref<!tpu.dma_semaphore, #tpu.memory_space<semaphore_mem>>) src(%arg11 : memref<80x128xf32, #tpu.memory_space<vmem>>) dst(%dma_wait3A_243 : memref<10240x128xf32, #tpu.memory_space<vmem_shared>>)
      tpu.yield
    }) : () -> ()
    %barrier3A_181 = arith.constant 0 : index
    tpu.barrier barrier_id(%barrier3A_181)
    %mul3A_182 = arith.constant 640 : i32
    %mul3A_183 = arith.muli %arg1, %mul3A_182 : i32
    %add3A_184 = arith.constant 0 : i32
    %add3A_185 = arith.addi %mul3A_183, %add3A_184 : i32
    "tpu.region"() ({
      %run_scoped3A = tpu.sem_alloc : memref<!tpu.dma_semaphore, #tpu.memory_space<semaphore_mem>>
      %dma_start3A_238 = arith.constant 0 : i32
      %dma_start3A_239 = tpu.memref_slice %arg7[%add3A_185, %dma_start3A_238] : memref<10240x128xf32, #tpu.memory_space<vmem_shared>> -> memref<80x128xf32, #tpu.memory_space<vmem_shared>>
      %dma_start3A_240 = arith.constant 0 : i32
      %dma_start3A_241 = tpu.memref_slice %arg7[%add3A_185, %dma_start3A_240] : memref<10240x128xf32, #tpu.memory_space<vmem_shared>> -> memref<80x128xf32, #tpu.memory_space<vmem_shared>>
      tpu.enqueue_dma source(%dma_start3A_241 : memref<80x128xf32, #tpu.memory_space<vmem_shared>>) target(%arg11 : memref<80x128xf32, #tpu.memory_space<vmem>>) target_semaphore(%run_scoped3A : memref<!tpu.dma_semaphore, #tpu.memory_space<semaphore_mem>>)
      %dma_wait3A_242 = arith.constant 0 : i32
      %dma_wait3A_243 = tpu.memref_slice %arg7[%add3A_185, %dma_wait3A_242] : memref<10240x128xf32, #tpu.memory_space<vmem_shared>> -> memref<80x128xf32, #tpu.memory_space<vmem_shared>>
      %dma_wait3A_244 = arith.constant 0 : i32
      %dma_wait3A_245 = tpu.memref_slice %arg7[%add3A_185, %dma_wait3A_244] : memref<10240x128xf32, #tpu.memory_space<vmem_shared>> -> memref<80x128xf32, #tpu.memory_space<vmem_shared>>
      tpu.wait_dma2 semaphore(%run_scoped3A : memref<!tpu.dma_semaphore, #tpu.memory_space<semaphore_mem>>) src(%dma_wait3A_245 : memref<80x128xf32, #tpu.memory_space<vmem_shared>>) dst(%arg11 : memref<80x128xf32, #tpu.memory_space<vmem>>)
      tpu.yield
    }) : () -> ()
    %mul3A_186 = arith.constant 10240 : i32
    %mul3A_187 = arith.muli %arg0, %mul3A_186 : i32
    %add3A_188 = arith.addi %mul3A_187, %add3A_185 : i32
    "tpu.region"() ({
      %run_scoped3A = tpu.sem_alloc : memref<!tpu.dma_semaphore, #tpu.memory_space<semaphore_mem>>
      %dma_start3A_238 = arith.constant 0 : i32
      %dma_start3A_239 = tpu.memref_slice %arg6[%add3A_188, %dma_start3A_238] : memref<20480x128xf32, #tpu.memory_space<hbm>> -> memref<80x128xf32, #tpu.memory_space<hbm>>
      %dma_start3A_240 = arith.constant 0 : i32
      %dma_start3A_241 = tpu.memref_slice %arg6[%add3A_188, %dma_start3A_240] : memref<20480x128xf32, #tpu.memory_space<hbm>> -> memref<80x128xf32, #tpu.memory_space<hbm>>
      tpu.enqueue_dma source(%arg11 : memref<80x128xf32, #tpu.memory_space<vmem>>) target(%dma_start3A_241 : memref<80x128xf32, #tpu.memory_space<hbm>>) target_semaphore(%run_scoped3A : memref<!tpu.dma_semaphore, #tpu.memory_space<semaphore_mem>>)
      %dma_wait3A_242 = arith.constant 0 : i32
      %dma_wait3A_243 = tpu.memref_slice %arg6[%add3A_188, %dma_wait3A_242] : memref<20480x128xf32, #tpu.memory_space<hbm>> -> memref<80x128xf32, #tpu.memory_space<hbm>>
      %dma_wait3A_244 = arith.constant 0 : i32
      %dma_wait3A_245 = tpu.memref_slice %arg6[%add3A_188, %dma_wait3A_244] : memref<20480x128xf32, #tpu.memory_space<hbm>> -> memref<80x128xf32, #tpu.memory_space<hbm>>
      tpu.wait_dma2 semaphore(%run_scoped3A : memref<!tpu.dma_semaphore, #tpu.memory_space<semaphore_mem>>) src(%arg11 : memref<80x128xf32, #tpu.memory_space<vmem>>) dst(%dma_wait3A_245 : memref<80x128xf32, #tpu.memory_space<hbm>>)
      tpu.yield
    }) : () -> ()
    %mul3A_189 = arith.constant 640 : i32
    %mul3A_190 = arith.muli %arg1, %mul3A_189 : i32
    %add3A_191 = arith.constant 80 : i32
    %add3A_192 = arith.addi %mul3A_190, %add3A_191 : i32
    "tpu.region"() ({
      %run_scoped3A = tpu.sem_alloc : memref<!tpu.dma_semaphore, #tpu.memory_space<semaphore_mem>>
      %dma_start3A_238 = arith.constant 0 : i32
      %dma_start3A_239 = tpu.memref_slice %arg7[%add3A_192, %dma_start3A_238] : memref<10240x128xf32, #tpu.memory_space<vmem_shared>> -> memref<80x128xf32, #tpu.memory_space<vmem_shared>>
      %dma_start3A_240 = arith.constant 0 : i32
      %dma_start3A_241 = tpu.memref_slice %arg7[%add3A_192, %dma_start3A_240] : memref<10240x128xf32, #tpu.memory_space<vmem_shared>> -> memref<80x128xf32, #tpu.memory_space<vmem_shared>>
      tpu.enqueue_dma source(%dma_start3A_241 : memref<80x128xf32, #tpu.memory_space<vmem_shared>>) target(%arg11 : memref<80x128xf32, #tpu.memory_space<vmem>>) target_semaphore(%run_scoped3A : memref<!tpu.dma_semaphore, #tpu.memory_space<semaphore_mem>>)
      %dma_wait3A_242 = arith.constant 0 : i32
      %dma_wait3A_243 = tpu.memref_slice %arg7[%add3A_192, %dma_wait3A_242] : memref<10240x128xf32, #tpu.memory_space<vmem_shared>> -> memref<80x128xf32, #tpu.memory_space<vmem_shared>>
      %dma_wait3A_244 = arith.constant 0 : i32
      %dma_wait3A_245 = tpu.memref_slice %arg7[%add3A_192, %dma_wait3A_244] : memref<10240x128xf32, #tpu.memory_space<vmem_shared>> -> memref<80x128xf32, #tpu.memory_space<vmem_shared>>
      tpu.wait_dma2 semaphore(%run_scoped3A : memref<!tpu.dma_semaphore, #tpu.memory_space<semaphore_mem>>) src(%dma_wait3A_245 : memref<80x128xf32, #tpu.memory_space<vmem_shared>>) dst(%arg11 : memref<80x128xf32, #tpu.memory_space<vmem>>)
      tpu.yield
    }) : () -> ()
    %mul3A_193 = arith.constant 10240 : i32
    %mul3A_194 = arith.muli %arg0, %mul3A_193 : i32
    %add3A_195 = arith.addi %mul3A_194, %add3A_192 : i32
    "tpu.region"() ({
      %run_scoped3A = tpu.sem_alloc : memref<!tpu.dma_semaphore, #tpu.memory_space<semaphore_mem>>
      %dma_start3A_238 = arith.constant 0 : i32
      %dma_start3A_239 = tpu.memref_slice %arg6[%add3A_195, %dma_start3A_238] : memref<20480x128xf32, #tpu.memory_space<hbm>> -> memref<80x128xf32, #tpu.memory_space<hbm>>
      %dma_start3A_240 = arith.constant 0 : i32
      %dma_start3A_241 = tpu.memref_slice %arg6[%add3A_195, %dma_start3A_240] : memref<20480x128xf32, #tpu.memory_space<hbm>> -> memref<80x128xf32, #tpu.memory_space<hbm>>
      tpu.enqueue_dma source(%arg11 : memref<80x128xf32, #tpu.memory_space<vmem>>) target(%dma_start3A_241 : memref<80x128xf32, #tpu.memory_space<hbm>>) target_semaphore(%run_scoped3A : memref<!tpu.dma_semaphore, #tpu.memory_space<semaphore_mem>>)
      %dma_wait3A_242 = arith.constant 0 : i32
      %dma_wait3A_243 = tpu.memref_slice %arg6[%add3A_195, %dma_wait3A_242] : memref<20480x128xf32, #tpu.memory_space<hbm>> -> memref<80x128xf32, #tpu.memory_space<hbm>>
      %dma_wait3A_244 = arith.constant 0 : i32
      %dma_wait3A_245 = tpu.memref_slice %arg6[%add3A_195, %dma_wait3A_244] : memref<20480x128xf32, #tpu.memory_space<hbm>> -> memref<80x128xf32, #tpu.memory_space<hbm>>
      tpu.wait_dma2 semaphore(%run_scoped3A : memref<!tpu.dma_semaphore, #tpu.memory_space<semaphore_mem>>) src(%arg11 : memref<80x128xf32, #tpu.memory_space<vmem>>) dst(%dma_wait3A_245 : memref<80x128xf32, #tpu.memory_space<hbm>>)
      tpu.yield
    }) : () -> ()
    %mul3A_196 = arith.constant 640 : i32
    %mul3A_197 = arith.muli %arg1, %mul3A_196 : i32
    %add3A_198 = arith.constant 160 : i32
    %add3A_199 = arith.addi %mul3A_197, %add3A_198 : i32
    "tpu.region"() ({
      %run_scoped3A = tpu.sem_alloc : memref<!tpu.dma_semaphore, #tpu.memory_space<semaphore_mem>>
      %dma_start3A_238 = arith.constant 0 : i32
      %dma_start3A_239 = tpu.memref_slice %arg7[%add3A_199, %dma_start3A_238] : memref<10240x128xf32, #tpu.memory_space<vmem_shared>> -> memref<80x128xf32, #tpu.memory_space<vmem_shared>>
      %dma_start3A_240 = arith.constant 0 : i32
      %dma_start3A_241 = tpu.memref_slice %arg7[%add3A_199, %dma_start3A_240] : memref<10240x128xf32, #tpu.memory_space<vmem_shared>> -> memref<80x128xf32, #tpu.memory_space<vmem_shared>>
      tpu.enqueue_dma source(%dma_start3A_241 : memref<80x128xf32, #tpu.memory_space<vmem_shared>>) target(%arg11 : memref<80x128xf32, #tpu.memory_space<vmem>>) target_semaphore(%run_scoped3A : memref<!tpu.dma_semaphore, #tpu.memory_space<semaphore_mem>>)
      %dma_wait3A_242 = arith.constant 0 : i32
      %dma_wait3A_243 = tpu.memref_slice %arg7[%add3A_199, %dma_wait3A_242] : memref<10240x128xf32, #tpu.memory_space<vmem_shared>> -> memref<80x128xf32, #tpu.memory_space<vmem_shared>>
      %dma_wait3A_244 = arith.constant 0 : i32
      %dma_wait3A_245 = tpu.memref_slice %arg7[%add3A_199, %dma_wait3A_244] : memref<10240x128xf32, #tpu.memory_space<vmem_shared>> -> memref<80x128xf32, #tpu.memory_space<vmem_shared>>
      tpu.wait_dma2 semaphore(%run_scoped3A : memref<!tpu.dma_semaphore, #tpu.memory_space<semaphore_mem>>) src(%dma_wait3A_245 : memref<80x128xf32, #tpu.memory_space<vmem_shared>>) dst(%arg11 : memref<80x128xf32, #tpu.memory_space<vmem>>)
      tpu.yield
    }) : () -> ()
    %mul3A_200 = arith.constant 10240 : i32
    %mul3A_201 = arith.muli %arg0, %mul3A_200 : i32
    %add3A_202 = arith.addi %mul3A_201, %add3A_199 : i32
    "tpu.region"() ({
      %run_scoped3A = tpu.sem_alloc : memref<!tpu.dma_semaphore, #tpu.memory_space<semaphore_mem>>
      %dma_start3A_238 = arith.constant 0 : i32
      %dma_start3A_239 = tpu.memref_slice %arg6[%add3A_202, %dma_start3A_238] : memref<20480x128xf32, #tpu.memory_space<hbm>> -> memref<80x128xf32, #tpu.memory_space<hbm>>
      %dma_start3A_240 = arith.constant 0 : i32
      %dma_start3A_241 = tpu.memref_slice %arg6[%add3A_202, %dma_start3A_240] : memref<20480x128xf32, #tpu.memory_space<hbm>> -> memref<80x128xf32, #tpu.memory_space<hbm>>
      tpu.enqueue_dma source(%arg11 : memref<80x128xf32, #tpu.memory_space<vmem>>) target(%dma_start3A_241 : memref<80x128xf32, #tpu.memory_space<hbm>>) target_semaphore(%run_scoped3A : memref<!tpu.dma_semaphore, #tpu.memory_space<semaphore_mem>>)
      %dma_wait3A_242 = arith.constant 0 : i32
      %dma_wait3A_243 = tpu.memref_slice %arg6[%add3A_202, %dma_wait3A_242] : memref<20480x128xf32, #tpu.memory_space<hbm>> -> memref<80x128xf32, #tpu.memory_space<hbm>>
      %dma_wait3A_244 = arith.constant 0 : i32
      %dma_wait3A_245 = tpu.memref_slice %arg6[%add3A_202, %dma_wait3A_244] : memref<20480x128xf32, #tpu.memory_space<hbm>> -> memref<80x128xf32, #tpu.memory_space<hbm>>
      tpu.wait_dma2 semaphore(%run_scoped3A : memref<!tpu.dma_semaphore, #tpu.memory_space<semaphore_mem>>) src(%arg11 : memref<80x128xf32, #tpu.memory_space<vmem>>) dst(%dma_wait3A_245 : memref<80x128xf32, #tpu.memory_space<hbm>>)
      tpu.yield
    }) : () -> ()
    %mul3A_203 = arith.constant 640 : i32
    %mul3A_204 = arith.muli %arg1, %mul3A_203 : i32
    %add3A_205 = arith.constant 240 : i32
    %add3A_206 = arith.addi %mul3A_204, %add3A_205 : i32
    "tpu.region"() ({
      %run_scoped3A = tpu.sem_alloc : memref<!tpu.dma_semaphore, #tpu.memory_space<semaphore_mem>>
      %dma_start3A_238 = arith.constant 0 : i32
      %dma_start3A_239 = tpu.memref_slice %arg7[%add3A_206, %dma_start3A_238] : memref<10240x128xf32, #tpu.memory_space<vmem_shared>> -> memref<80x128xf32, #tpu.memory_space<vmem_shared>>
      %dma_start3A_240 = arith.constant 0 : i32
      %dma_start3A_241 = tpu.memref_slice %arg7[%add3A_206, %dma_start3A_240] : memref<10240x128xf32, #tpu.memory_space<vmem_shared>> -> memref<80x128xf32, #tpu.memory_space<vmem_shared>>
      tpu.enqueue_dma source(%dma_start3A_241 : memref<80x128xf32, #tpu.memory_space<vmem_shared>>) target(%arg11 : memref<80x128xf32, #tpu.memory_space<vmem>>) target_semaphore(%run_scoped3A : memref<!tpu.dma_semaphore, #tpu.memory_space<semaphore_mem>>)
      %dma_wait3A_242 = arith.constant 0 : i32
      %dma_wait3A_243 = tpu.memref_slice %arg7[%add3A_206, %dma_wait3A_242] : memref<10240x128xf32, #tpu.memory_space<vmem_shared>> -> memref<80x128xf32, #tpu.memory_space<vmem_shared>>
      %dma_wait3A_244 = arith.constant 0 : i32
      %dma_wait3A_245 = tpu.memref_slice %arg7[%add3A_206, %dma_wait3A_244] : memref<10240x128xf32, #tpu.memory_space<vmem_shared>> -> memref<80x128xf32, #tpu.memory_space<vmem_shared>>
      tpu.wait_dma2 semaphore(%run_scoped3A : memref<!tpu.dma_semaphore, #tpu.memory_space<semaphore_mem>>) src(%dma_wait3A_245 : memref<80x128xf32, #tpu.memory_space<vmem_shared>>) dst(%arg11 : memref<80x128xf32, #tpu.memory_space<vmem>>)
      tpu.yield
    }) : () -> ()
    %mul3A_207 = arith.constant 10240 : i32
    %mul3A_208 = arith.muli %arg0, %mul3A_207 : i32
    %add3A_209 = arith.addi %mul3A_208, %add3A_206 : i32
    "tpu.region"() ({
      %run_scoped3A = tpu.sem_alloc : memref<!tpu.dma_semaphore, #tpu.memory_space<semaphore_mem>>
      %dma_start3A_238 = arith.constant 0 : i32
      %dma_start3A_239 = tpu.memref_slice %arg6[%add3A_209, %dma_start3A_238] : memref<20480x128xf32, #tpu.memory_space<hbm>> -> memref<80x128xf32, #tpu.memory_space<hbm>>
      %dma_start3A_240 = arith.constant 0 : i32
      %dma_start3A_241 = tpu.memref_slice %arg6[%add3A_209, %dma_start3A_240] : memref<20480x128xf32, #tpu.memory_space<hbm>> -> memref<80x128xf32, #tpu.memory_space<hbm>>
      tpu.enqueue_dma source(%arg11 : memref<80x128xf32, #tpu.memory_space<vmem>>) target(%dma_start3A_241 : memref<80x128xf32, #tpu.memory_space<hbm>>) target_semaphore(%run_scoped3A : memref<!tpu.dma_semaphore, #tpu.memory_space<semaphore_mem>>)
      %dma_wait3A_242 = arith.constant 0 : i32
      %dma_wait3A_243 = tpu.memref_slice %arg6[%add3A_209, %dma_wait3A_242] : memref<20480x128xf32, #tpu.memory_space<hbm>> -> memref<80x128xf32, #tpu.memory_space<hbm>>
      %dma_wait3A_244 = arith.constant 0 : i32
      %dma_wait3A_245 = tpu.memref_slice %arg6[%add3A_209, %dma_wait3A_244] : memref<20480x128xf32, #tpu.memory_space<hbm>> -> memref<80x128xf32, #tpu.memory_space<hbm>>
      tpu.wait_dma2 semaphore(%run_scoped3A : memref<!tpu.dma_semaphore, #tpu.memory_space<semaphore_mem>>) src(%arg11 : memref<80x128xf32, #tpu.memory_space<vmem>>) dst(%dma_wait3A_245 : memref<80x128xf32, #tpu.memory_space<hbm>>)
      tpu.yield
    }) : () -> ()
    %mul3A_210 = arith.constant 640 : i32
    %mul3A_211 = arith.muli %arg1, %mul3A_210 : i32
    %add3A_212 = arith.constant 320 : i32
    %add3A_213 = arith.addi %mul3A_211, %add3A_212 : i32
    "tpu.region"() ({
      %run_scoped3A = tpu.sem_alloc : memref<!tpu.dma_semaphore, #tpu.memory_space<semaphore_mem>>
      %dma_start3A_238 = arith.constant 0 : i32
      %dma_start3A_239 = tpu.memref_slice %arg7[%add3A_213, %dma_start3A_238] : memref<10240x128xf32, #tpu.memory_space<vmem_shared>> -> memref<80x128xf32, #tpu.memory_space<vmem_shared>>
      %dma_start3A_240 = arith.constant 0 : i32
      %dma_start3A_241 = tpu.memref_slice %arg7[%add3A_213, %dma_start3A_240] : memref<10240x128xf32, #tpu.memory_space<vmem_shared>> -> memref<80x128xf32, #tpu.memory_space<vmem_shared>>
      tpu.enqueue_dma source(%dma_start3A_241 : memref<80x128xf32, #tpu.memory_space<vmem_shared>>) target(%arg11 : memref<80x128xf32, #tpu.memory_space<vmem>>) target_semaphore(%run_scoped3A : memref<!tpu.dma_semaphore, #tpu.memory_space<semaphore_mem>>)
      %dma_wait3A_242 = arith.constant 0 : i32
      %dma_wait3A_243 = tpu.memref_slice %arg7[%add3A_213, %dma_wait3A_242] : memref<10240x128xf32, #tpu.memory_space<vmem_shared>> -> memref<80x128xf32, #tpu.memory_space<vmem_shared>>
      %dma_wait3A_244 = arith.constant 0 : i32
      %dma_wait3A_245 = tpu.memref_slice %arg7[%add3A_213, %dma_wait3A_244] : memref<10240x128xf32, #tpu.memory_space<vmem_shared>> -> memref<80x128xf32, #tpu.memory_space<vmem_shared>>
      tpu.wait_dma2 semaphore(%run_scoped3A : memref<!tpu.dma_semaphore, #tpu.memory_space<semaphore_mem>>) src(%dma_wait3A_245 : memref<80x128xf32, #tpu.memory_space<vmem_shared>>) dst(%arg11 : memref<80x128xf32, #tpu.memory_space<vmem>>)
      tpu.yield
    }) : () -> ()
    %mul3A_214 = arith.constant 10240 : i32
    %mul3A_215 = arith.muli %arg0, %mul3A_214 : i32
    %add3A_216 = arith.addi %mul3A_215, %add3A_213 : i32
    "tpu.region"() ({
      %run_scoped3A = tpu.sem_alloc : memref<!tpu.dma_semaphore, #tpu.memory_space<semaphore_mem>>
      %dma_start3A_238 = arith.constant 0 : i32
      %dma_start3A_239 = tpu.memref_slice %arg6[%add3A_216, %dma_start3A_238] : memref<20480x128xf32, #tpu.memory_space<hbm>> -> memref<80x128xf32, #tpu.memory_space<hbm>>
      %dma_start3A_240 = arith.constant 0 : i32
      %dma_start3A_241 = tpu.memref_slice %arg6[%add3A_216, %dma_start3A_240] : memref<20480x128xf32, #tpu.memory_space<hbm>> -> memref<80x128xf32, #tpu.memory_space<hbm>>
      tpu.enqueue_dma source(%arg11 : memref<80x128xf32, #tpu.memory_space<vmem>>) target(%dma_start3A_241 : memref<80x128xf32, #tpu.memory_space<hbm>>) target_semaphore(%run_scoped3A : memref<!tpu.dma_semaphore, #tpu.memory_space<semaphore_mem>>)
      %dma_wait3A_242 = arith.constant 0 : i32
      %dma_wait3A_243 = tpu.memref_slice %arg6[%add3A_216, %dma_wait3A_242] : memref<20480x128xf32, #tpu.memory_space<hbm>> -> memref<80x128xf32, #tpu.memory_space<hbm>>
      %dma_wait3A_244 = arith.constant 0 : i32
      %dma_wait3A_245 = tpu.memref_slice %arg6[%add3A_216, %dma_wait3A_244] : memref<20480x128xf32, #tpu.memory_space<hbm>> -> memref<80x128xf32, #tpu.memory_space<hbm>>
      tpu.wait_dma2 semaphore(%run_scoped3A : memref<!tpu.dma_semaphore, #tpu.memory_space<semaphore_mem>>) src(%arg11 : memref<80x128xf32, #tpu.memory_space<vmem>>) dst(%dma_wait3A_245 : memref<80x128xf32, #tpu.memory_space<hbm>>)
      tpu.yield
    }) : () -> ()
    %mul3A_217 = arith.constant 640 : i32
    %mul3A_218 = arith.muli %arg1, %mul3A_217 : i32
    %add3A_219 = arith.constant 400 : i32
    %add3A_220 = arith.addi %mul3A_218, %add3A_219 : i32
    "tpu.region"() ({
      %run_scoped3A = tpu.sem_alloc : memref<!tpu.dma_semaphore, #tpu.memory_space<semaphore_mem>>
      %dma_start3A_238 = arith.constant 0 : i32
      %dma_start3A_239 = tpu.memref_slice %arg7[%add3A_220, %dma_start3A_238] : memref<10240x128xf32, #tpu.memory_space<vmem_shared>> -> memref<80x128xf32, #tpu.memory_space<vmem_shared>>
      %dma_start3A_240 = arith.constant 0 : i32
      %dma_start3A_241 = tpu.memref_slice %arg7[%add3A_220, %dma_start3A_240] : memref<10240x128xf32, #tpu.memory_space<vmem_shared>> -> memref<80x128xf32, #tpu.memory_space<vmem_shared>>
      tpu.enqueue_dma source(%dma_start3A_241 : memref<80x128xf32, #tpu.memory_space<vmem_shared>>) target(%arg11 : memref<80x128xf32, #tpu.memory_space<vmem>>) target_semaphore(%run_scoped3A : memref<!tpu.dma_semaphore, #tpu.memory_space<semaphore_mem>>)
      %dma_wait3A_242 = arith.constant 0 : i32
      %dma_wait3A_243 = tpu.memref_slice %arg7[%add3A_220, %dma_wait3A_242] : memref<10240x128xf32, #tpu.memory_space<vmem_shared>> -> memref<80x128xf32, #tpu.memory_space<vmem_shared>>
      %dma_wait3A_244 = arith.constant 0 : i32
      %dma_wait3A_245 = tpu.memref_slice %arg7[%add3A_220, %dma_wait3A_244] : memref<10240x128xf32, #tpu.memory_space<vmem_shared>> -> memref<80x128xf32, #tpu.memory_space<vmem_shared>>
      tpu.wait_dma2 semaphore(%run_scoped3A : memref<!tpu.dma_semaphore, #tpu.memory_space<semaphore_mem>>) src(%dma_wait3A_245 : memref<80x128xf32, #tpu.memory_space<vmem_shared>>) dst(%arg11 : memref<80x128xf32, #tpu.memory_space<vmem>>)
      tpu.yield
    }) : () -> ()
    %mul3A_221 = arith.constant 10240 : i32
    %mul3A_222 = arith.muli %arg0, %mul3A_221 : i32
    %add3A_223 = arith.addi %mul3A_222, %add3A_220 : i32
    "tpu.region"() ({
      %run_scoped3A = tpu.sem_alloc : memref<!tpu.dma_semaphore, #tpu.memory_space<semaphore_mem>>
      %dma_start3A_238 = arith.constant 0 : i32
      %dma_start3A_239 = tpu.memref_slice %arg6[%add3A_223, %dma_start3A_238] : memref<20480x128xf32, #tpu.memory_space<hbm>> -> memref<80x128xf32, #tpu.memory_space<hbm>>
      %dma_start3A_240 = arith.constant 0 : i32
      %dma_start3A_241 = tpu.memref_slice %arg6[%add3A_223, %dma_start3A_240] : memref<20480x128xf32, #tpu.memory_space<hbm>> -> memref<80x128xf32, #tpu.memory_space<hbm>>
      tpu.enqueue_dma source(%arg11 : memref<80x128xf32, #tpu.memory_space<vmem>>) target(%dma_start3A_241 : memref<80x128xf32, #tpu.memory_space<hbm>>) target_semaphore(%run_scoped3A : memref<!tpu.dma_semaphore, #tpu.memory_space<semaphore_mem>>)
      %dma_wait3A_242 = arith.constant 0 : i32
      %dma_wait3A_243 = tpu.memref_slice %arg6[%add3A_223, %dma_wait3A_242] : memref<20480x128xf32, #tpu.memory_space<hbm>> -> memref<80x128xf32, #tpu.memory_space<hbm>>
      %dma_wait3A_244 = arith.constant 0 : i32
      %dma_wait3A_245 = tpu.memref_slice %arg6[%add3A_223, %dma_wait3A_244] : memref<20480x128xf32, #tpu.memory_space<hbm>> -> memref<80x128xf32, #tpu.memory_space<hbm>>
      tpu.wait_dma2 semaphore(%run_scoped3A : memref<!tpu.dma_semaphore, #tpu.memory_space<semaphore_mem>>) src(%arg11 : memref<80x128xf32, #tpu.memory_space<vmem>>) dst(%dma_wait3A_245 : memref<80x128xf32, #tpu.memory_space<hbm>>)
      tpu.yield
    }) : () -> ()
    %mul3A_224 = arith.constant 640 : i32
    %mul3A_225 = arith.muli %arg1, %mul3A_224 : i32
    %add3A_226 = arith.constant 480 : i32
    %add3A_227 = arith.addi %mul3A_225, %add3A_226 : i32
    "tpu.region"() ({
      %run_scoped3A = tpu.sem_alloc : memref<!tpu.dma_semaphore, #tpu.memory_space<semaphore_mem>>
      %dma_start3A_238 = arith.constant 0 : i32
      %dma_start3A_239 = tpu.memref_slice %arg7[%add3A_227, %dma_start3A_238] : memref<10240x128xf32, #tpu.memory_space<vmem_shared>> -> memref<80x128xf32, #tpu.memory_space<vmem_shared>>
      %dma_start3A_240 = arith.constant 0 : i32
      %dma_start3A_241 = tpu.memref_slice %arg7[%add3A_227, %dma_start3A_240] : memref<10240x128xf32, #tpu.memory_space<vmem_shared>> -> memref<80x128xf32, #tpu.memory_space<vmem_shared>>
      tpu.enqueue_dma source(%dma_start3A_241 : memref<80x128xf32, #tpu.memory_space<vmem_shared>>) target(%arg11 : memref<80x128xf32, #tpu.memory_space<vmem>>) target_semaphore(%run_scoped3A : memref<!tpu.dma_semaphore, #tpu.memory_space<semaphore_mem>>)
      %dma_wait3A_242 = arith.constant 0 : i32
      %dma_wait3A_243 = tpu.memref_slice %arg7[%add3A_227, %dma_wait3A_242] : memref<10240x128xf32, #tpu.memory_space<vmem_shared>> -> memref<80x128xf32, #tpu.memory_space<vmem_shared>>
      %dma_wait3A_244 = arith.constant 0 : i32
      %dma_wait3A_245 = tpu.memref_slice %arg7[%add3A_227, %dma_wait3A_244] : memref<10240x128xf32, #tpu.memory_space<vmem_shared>> -> memref<80x128xf32, #tpu.memory_space<vmem_shared>>
      tpu.wait_dma2 semaphore(%run_scoped3A : memref<!tpu.dma_semaphore, #tpu.memory_space<semaphore_mem>>) src(%dma_wait3A_245 : memref<80x128xf32, #tpu.memory_space<vmem_shared>>) dst(%arg11 : memref<80x128xf32, #tpu.memory_space<vmem>>)
      tpu.yield
    }) : () -> ()
    %mul3A_228 = arith.constant 10240 : i32
    %mul3A_229 = arith.muli %arg0, %mul3A_228 : i32
    %add3A_230 = arith.addi %mul3A_229, %add3A_227 : i32
    "tpu.region"() ({
      %run_scoped3A = tpu.sem_alloc : memref<!tpu.dma_semaphore, #tpu.memory_space<semaphore_mem>>
      %dma_start3A_238 = arith.constant 0 : i32
      %dma_start3A_239 = tpu.memref_slice %arg6[%add3A_230, %dma_start3A_238] : memref<20480x128xf32, #tpu.memory_space<hbm>> -> memref<80x128xf32, #tpu.memory_space<hbm>>
      %dma_start3A_240 = arith.constant 0 : i32
      %dma_start3A_241 = tpu.memref_slice %arg6[%add3A_230, %dma_start3A_240] : memref<20480x128xf32, #tpu.memory_space<hbm>> -> memref<80x128xf32, #tpu.memory_space<hbm>>
      tpu.enqueue_dma source(%arg11 : memref<80x128xf32, #tpu.memory_space<vmem>>) target(%dma_start3A_241 : memref<80x128xf32, #tpu.memory_space<hbm>>) target_semaphore(%run_scoped3A : memref<!tpu.dma_semaphore, #tpu.memory_space<semaphore_mem>>)
      %dma_wait3A_242 = arith.constant 0 : i32
      %dma_wait3A_243 = tpu.memref_slice %arg6[%add3A_230, %dma_wait3A_242] : memref<20480x128xf32, #tpu.memory_space<hbm>> -> memref<80x128xf32, #tpu.memory_space<hbm>>
      %dma_wait3A_244 = arith.constant 0 : i32
      %dma_wait3A_245 = tpu.memref_slice %arg6[%add3A_230, %dma_wait3A_244] : memref<20480x128xf32, #tpu.memory_space<hbm>> -> memref<80x128xf32, #tpu.memory_space<hbm>>
      tpu.wait_dma2 semaphore(%run_scoped3A : memref<!tpu.dma_semaphore, #tpu.memory_space<semaphore_mem>>) src(%arg11 : memref<80x128xf32, #tpu.memory_space<vmem>>) dst(%dma_wait3A_245 : memref<80x128xf32, #tpu.memory_space<hbm>>)
      tpu.yield
    }) : () -> ()
    %mul3A_231 = arith.constant 640 : i32
    %mul3A_232 = arith.muli %arg1, %mul3A_231 : i32
    %add3A_233 = arith.constant 560 : i32
    %add3A_234 = arith.addi %mul3A_232, %add3A_233 : i32
    "tpu.region"() ({
      %run_scoped3A = tpu.sem_alloc : memref<!tpu.dma_semaphore, #tpu.memory_space<semaphore_mem>>
      %dma_start3A_238 = arith.constant 0 : i32
      %dma_start3A_239 = tpu.memref_slice %arg7[%add3A_234, %dma_start3A_238] : memref<10240x128xf32, #tpu.memory_space<vmem_shared>> -> memref<80x128xf32, #tpu.memory_space<vmem_shared>>
      %dma_start3A_240 = arith.constant 0 : i32
      %dma_start3A_241 = tpu.memref_slice %arg7[%add3A_234, %dma_start3A_240] : memref<10240x128xf32, #tpu.memory_space<vmem_shared>> -> memref<80x128xf32, #tpu.memory_space<vmem_shared>>
      tpu.enqueue_dma source(%dma_start3A_241 : memref<80x128xf32, #tpu.memory_space<vmem_shared>>) target(%arg11 : memref<80x128xf32, #tpu.memory_space<vmem>>) target_semaphore(%run_scoped3A : memref<!tpu.dma_semaphore, #tpu.memory_space<semaphore_mem>>)
      %dma_wait3A_242 = arith.constant 0 : i32
      %dma_wait3A_243 = tpu.memref_slice %arg7[%add3A_234, %dma_wait3A_242] : memref<10240x128xf32, #tpu.memory_space<vmem_shared>> -> memref<80x128xf32, #tpu.memory_space<vmem_shared>>
      %dma_wait3A_244 = arith.constant 0 : i32
      %dma_wait3A_245 = tpu.memref_slice %arg7[%add3A_234, %dma_wait3A_244] : memref<10240x128xf32, #tpu.memory_space<vmem_shared>> -> memref<80x128xf32, #tpu.memory_space<vmem_shared>>
      tpu.wait_dma2 semaphore(%run_scoped3A : memref<!tpu.dma_semaphore, #tpu.memory_space<semaphore_mem>>) src(%dma_wait3A_245 : memref<80x128xf32, #tpu.memory_space<vmem_shared>>) dst(%arg11 : memref<80x128xf32, #tpu.memory_space<vmem>>)
      tpu.yield
    }) : () -> ()
    %mul3A_235 = arith.constant 10240 : i32
    %mul3A_236 = arith.muli %arg0, %mul3A_235 : i32
    %add3A_237 = arith.addi %mul3A_236, %add3A_234 : i32
    "tpu.region"() ({
      %run_scoped3A = tpu.sem_alloc : memref<!tpu.dma_semaphore, #tpu.memory_space<semaphore_mem>>
      %dma_start3A_238 = arith.constant 0 : i32
      %dma_start3A_239 = tpu.memref_slice %arg6[%add3A_237, %dma_start3A_238] : memref<20480x128xf32, #tpu.memory_space<hbm>> -> memref<80x128xf32, #tpu.memory_space<hbm>>
      %dma_start3A_240 = arith.constant 0 : i32
      %dma_start3A_241 = tpu.memref_slice %arg6[%add3A_237, %dma_start3A_240] : memref<20480x128xf32, #tpu.memory_space<hbm>> -> memref<80x128xf32, #tpu.memory_space<hbm>>
      tpu.enqueue_dma source(%arg11 : memref<80x128xf32, #tpu.memory_space<vmem>>) target(%dma_start3A_241 : memref<80x128xf32, #tpu.memory_space<hbm>>) target_semaphore(%run_scoped3A : memref<!tpu.dma_semaphore, #tpu.memory_space<semaphore_mem>>)
      %dma_wait3A_242 = arith.constant 0 : i32
      %dma_wait3A_243 = tpu.memref_slice %arg6[%add3A_237, %dma_wait3A_242] : memref<20480x128xf32, #tpu.memory_space<hbm>> -> memref<80x128xf32, #tpu.memory_space<hbm>>
      %dma_wait3A_244 = arith.constant 0 : i32
      %dma_wait3A_245 = tpu.memref_slice %arg6[%add3A_237, %dma_wait3A_244] : memref<20480x128xf32, #tpu.memory_space<hbm>> -> memref<80x128xf32, #tpu.memory_space<hbm>>
      tpu.wait_dma2 semaphore(%run_scoped3A : memref<!tpu.dma_semaphore, #tpu.memory_space<semaphore_mem>>) src(%arg11 : memref<80x128xf32, #tpu.memory_space<vmem>>) dst(%dma_wait3A_245 : memref<80x128xf32, #tpu.memory_space<hbm>>)
      tpu.yield
    }) : () -> ()
    return
  }
}

module attributes {stable_mosaic.version = 14 : i64} {
  func.func @_proj_body(%arg0: i32, %arg1: memref<1000x128xf32, #tpu.memory_space<vmem>>, %arg2: memref<128x128xf32, #tpu.memory_space<vmem>>, %arg3: memref<1x128xf32, #tpu.memory_space<vmem>>, %arg4: memref<4000x16xf32, #tpu.memory_space<vmem>>, %arg5: memref<16x128xf32, #tpu.memory_space<vmem>>, %arg6: memref<1000x128xf32, #tpu.memory_space<vmem>>, %arg7: memref<4000x128xf32, #tpu.memory_space<vmem>>) attributes {dimension_semantics = [#tpu.dimension_semantics<arbitrary>], iteration_bounds = array<i64: 90>, scalar_prefetch = 0 : i64, scratch_operands = 0 : i64, tpu.core_type = #tpu.core_type<tc>, window_params = [{transform_indices = @transform_0, window_bounds = array<i64: 1000, 128>}, {pipeline_mode = #tpu.pipeline_mode<synchronous>, transform_indices = @transform_1, window_bounds = array<i64: 128, 128>}, {pipeline_mode = #tpu.pipeline_mode<synchronous>, transform_indices = @transform_2, window_bounds = array<i64: 1, 128>}, {transform_indices = @transform_3, window_bounds = array<i64: 4000, 16>}, {pipeline_mode = #tpu.pipeline_mode<synchronous>, transform_indices = @transform_4, window_bounds = array<i64: 16, 128>}, {transform_indices = @transform_5, window_bounds = array<i64: 1000, 128>}, {transform_indices = @transform_6, window_bounds = array<i64: 4000, 128>}]} {
    %lt3A = arith.constant 10 : i32
    %lt3A_0 = arith.cmpi slt, %arg0, %lt3A : i32
    %convert_element_type3A = arith.extui %lt3A_0 : i1 to i32
    %cond3A = arith.constant 0 : i32
    %cond3A_1 = arith.cmpi ne, %convert_element_type3A, %cond3A : i32
    scf.if %cond3A_1 {
      %get3A = arith.constant 0 : index
      %get3A_6 = arith.constant 0 : index
      %get3A_7 = vector.load %arg1[%get3A, %get3A_6] : memref<1000x128xf32, #tpu.memory_space<vmem>>, vector<1000x128xf32>
      %get3A_8 = arith.constant 0 : index
      %get3A_9 = arith.constant 0 : index
      %get3A_10 = vector.load %arg2[%get3A_8, %get3A_9] : memref<128x128xf32, #tpu.memory_space<vmem>>, vector<128x128xf32>
      %dot_general3A = arith.constant dense<0.000000e+00> : vector<1000x128xf32>
      %dot_general3A_11 = tpu.matmul %get3A_7, %get3A_10, %dot_general3A {dimension_numbers = #tpu.dot_dimension_numbers<[1], [0], [0], [1], [0, 0, 1, 1], [], []>, transpose_lhs_hint = false} : vector<1000x128xf32>, vector<128x128xf32>, vector<1000x128xf32> -> vector<1000x128xf32>
      %get3A_12 = arith.constant 0 : index
      %get3A_13 = arith.constant 0 : index
      %get3A_14 = vector.load %arg3[%get3A_12, %get3A_13] : memref<1x128xf32, #tpu.memory_space<vmem>>, vector<1x128xf32>
      %add3A = vector.broadcast %get3A_14 : vector<1x128xf32> to vector<1000x128xf32>
      %add3A_15 = arith.addf %dot_general3A_11, %add3A : vector<1000x128xf32>
      %swap3A = arith.constant 0 : index
      %swap3A_16 = arith.constant 0 : index
      %swap3A_17 = vector.load %arg6[%swap3A, %swap3A_16] : memref<1000x128xf32, #tpu.memory_space<vmem>>, vector<1000x128xf32>
      tpu.vector_store %arg6[%swap3A, %swap3A_16], %add3A_15 {strides = array<i32>} : memref<1000x128xf32, #tpu.memory_space<vmem>>, vector<1000x128xf32>,
    } else {
    }
    %ge3A = arith.constant 10 : i32
    %ge3A_2 = arith.cmpi sge, %arg0, %ge3A : i32
    %convert_element_type3A_3 = arith.extui %ge3A_2 : i1 to i32
    %cond3A_4 = arith.constant 0 : i32
    %cond3A_5 = arith.cmpi ne, %convert_element_type3A_3, %cond3A_4 : i32
    scf.if %cond3A_5 {
      %get3A = arith.constant 0 : index
      %get3A_6 = arith.constant 0 : index
      %get3A_7 = vector.load %arg4[%get3A, %get3A_6] : memref<4000x16xf32, #tpu.memory_space<vmem>>, vector<4000x16xf32>
      %get3A_8 = arith.constant 0 : index
      %get3A_9 = arith.constant 0 : index
      %get3A_10 = vector.load %arg5[%get3A_8, %get3A_9] : memref<16x128xf32, #tpu.memory_space<vmem>>, vector<16x128xf32>
      %dot_general3A = arith.constant dense<0.000000e+00> : vector<4000x128xf32>
      %dot_general3A_11 = tpu.matmul %get3A_7, %get3A_10, %dot_general3A {dimension_numbers = #tpu.dot_dimension_numbers<[1], [0], [0], [1], [0, 0, 1, 1], [], []>, transpose_lhs_hint = false} : vector<4000x16xf32>, vector<16x128xf32>, vector<4000x128xf32> -> vector<4000x128xf32>
      %swap3A = arith.constant 0 : index
      %swap3A_12 = arith.constant 0 : index
      %swap3A_13 = vector.load %arg7[%swap3A, %swap3A_12] : memref<4000x128xf32, #tpu.memory_space<vmem>>, vector<4000x128xf32>
      tpu.vector_store %arg7[%swap3A, %swap3A_12], %dot_general3A_11 {strides = array<i32>} : memref<4000x128xf32, #tpu.memory_space<vmem>>, vector<4000x128xf32>,
    } else {
    }
    return
  }
  func.func @transform_0(%arg0: i32) -> (i32, i32) {
    %min3A = arith.constant 9 : i32
    %min3A_0 = arith.minsi %arg0, %min3A : i32
    %c0_i32 = arith.constant 0 : i32
    %c0_i32_1 = arith.constant 0 : i32
    return %min3A_0, %c0_i32 : i32, i32
  }
  func.func @transform_1(%arg0: i32) -> (i32, i32) {
    %c0_i32 = arith.constant 0 : i32
    %c0_i32_0 = arith.constant 0 : i32
    %c0_i32_1 = arith.constant 0 : i32
    return %c0_i32, %c0_i32_0 : i32, i32
  }
  func.func @transform_2(%arg0: i32) -> (i32, i32) {
    %c0_i32 = arith.constant 0 : i32
    %c0_i32_0 = arith.constant 0 : i32
    %c0_i32_1 = arith.constant 0 : i32
    return %c0_i32, %c0_i32_0 : i32, i32
  }
  func.func @transform_3(%arg0: i32) -> (i32, i32) {
    %sub3A = arith.constant 10 : i32
    %sub3A_0 = arith.subi %arg0, %sub3A : i32
    %max3A = arith.constant 0 : i32
    %max3A_1 = arith.maxsi %sub3A_0, %max3A : i32
    %c0_i32 = arith.constant 0 : i32
    %c0_i32_2 = arith.constant 0 : i32
    return %max3A_1, %c0_i32 : i32, i32
  }
  func.func @transform_4(%arg0: i32) -> (i32, i32) {
    %c0_i32 = arith.constant 0 : i32
    %c0_i32_0 = arith.constant 0 : i32
    %c0_i32_1 = arith.constant 0 : i32
    return %c0_i32, %c0_i32_0 : i32, i32
  }
  func.func @transform_5(%arg0: i32) -> (i32, i32) {
    %min3A = arith.constant 9 : i32
    %min3A_0 = arith.minsi %arg0, %min3A : i32
    %c0_i32 = arith.constant 0 : i32
    %c0_i32_1 = arith.constant 0 : i32
    return %min3A_0, %c0_i32 : i32, i32
  }
  func.func @transform_6(%arg0: i32) -> (i32, i32) {
    %sub3A = arith.constant 10 : i32
    %sub3A_0 = arith.subi %arg0, %sub3A : i32
    %max3A = arith.constant 0 : i32
    %max3A_1 = arith.maxsi %sub3A_0, %max3A : i32
    %c0_i32 = arith.constant 0 : i32
    %c0_i32_2 = arith.constant 0 : i32
    return %max3A_1, %c0_i32 : i32, i32
  }
}

module attributes {stable_mosaic.version = 14 : i64} {
  func.func @_comb_body(%arg0: i32, %arg1: memref<80x128xf32, #tpu.memory_space<vmem>>, %arg2: memref<80x128xf32, #tpu.memory_space<vmem>>, %arg3: memref<80x128xf32, #tpu.memory_space<vmem>>, %arg4: memref<80x128xf32, #tpu.memory_space<vmem>>, %arg5: memref<80x256xf32, #tpu.memory_space<vmem>>) attributes {dimension_semantics = [#tpu.dimension_semantics<arbitrary>], iteration_bounds = array<i64: 125>, scalar_prefetch = 0 : i64, scratch_operands = 0 : i64, tpu.core_type = #tpu.core_type<tc>, window_params = [{transform_indices = @transform_0, window_bounds = array<i64: 80, 128>}, {transform_indices = @transform_1, window_bounds = array<i64: 80, 128>}, {transform_indices = @transform_2, window_bounds = array<i64: 80, 128>}, {transform_indices = @transform_3, window_bounds = array<i64: 80, 128>}, {transform_indices = @transform_4, window_bounds = array<i64: 80, 256>}]} {
    %get3A = arith.constant 0 : index
    %get3A_0 = arith.constant 0 : index
    %get3A_1 = vector.load %arg1[%get3A, %get3A_0] : memref<80x128xf32, #tpu.memory_space<vmem>>, vector<80x128xf32>
    %get3A_2 = arith.constant 0 : index
    %get3A_3 = arith.constant 0 : index
    %get3A_4 = vector.load %arg2[%get3A_2, %get3A_3] : memref<80x128xf32, #tpu.memory_space<vmem>>, vector<80x128xf32>
    %add3A = arith.addf %get3A_1, %get3A_4 : vector<80x128xf32>
    %neg3A = arith.constant 0.000000e+00 : f32
    %neg3A_5 = vector.broadcast %neg3A : f32 to vector<80x128xf32>
    %neg3A_6 = arith.subf %neg3A_5, %add3A : vector<80x128xf32>
    %max3A = arith.constant 0.000000e+00 : f32
    %max3A_7 = vector.broadcast %max3A : f32 to vector<80x128xf32>
    %max3A_8 = arith.maximumf %neg3A_6, %max3A_7 : vector<80x128xf32>
    %swap3A = arith.constant 0 : index
    %swap3A_9 = arith.constant 0 : index
    %swap3A_10 = vector.load %arg4[%swap3A, %swap3A_9] : memref<80x128xf32, #tpu.memory_space<vmem>>, vector<80x128xf32>
    tpu.vector_store %arg4[%swap3A, %swap3A_9], %max3A_8 {strides = array<i32>} : memref<80x128xf32, #tpu.memory_space<vmem>>, vector<80x128xf32>,
    %swap3A_11 = arith.constant 0 : index
    %swap3A_12 = arith.constant 0 : index
    %swap3A_13 = vector.load %arg5[%swap3A_11, %swap3A_12] : memref<80x256xf32, #tpu.memory_space<vmem>>, vector<80x128xf32>
    tpu.vector_store %arg5[%swap3A_11, %swap3A_12], %neg3A_6 {strides = array<i32>} : memref<80x256xf32, #tpu.memory_space<vmem>>, vector<80x128xf32>,
    %get3A_14 = arith.constant 0 : index
    %get3A_15 = arith.constant 0 : index
    %get3A_16 = vector.load %arg3[%get3A_14, %get3A_15] : memref<80x128xf32, #tpu.memory_space<vmem>>, vector<80x128xf32>
    %swap3A_17 = arith.constant 0 : index
    %swap3A_18 = arith.constant 128 : index
    %swap3A_19 = vector.load %arg5[%swap3A_17, %swap3A_18] : memref<80x256xf32, #tpu.memory_space<vmem>>, vector<80x128xf32>
    tpu.vector_store %arg5[%swap3A_17, %swap3A_18], %get3A_16 {strides = array<i32>} : memref<80x256xf32, #tpu.memory_space<vmem>>, vector<80x128xf32>,
    return
  }
  func.func @transform_0(%arg0: i32) -> (i32, i32) {
    %c0_i32 = arith.constant 0 : i32
    %c0_i32_0 = arith.constant 0 : i32
    return %arg0, %c0_i32 : i32, i32
  }
  func.func @transform_1(%arg0: i32) -> (i32, i32) {
    %add3A = arith.constant 128 : i32
    %add3A_0 = arith.addi %arg0, %add3A : i32
    %c0_i32 = arith.constant 0 : i32
    %c0_i32_1 = arith.constant 0 : i32
    return %add3A_0, %c0_i32 : i32, i32
  }
  func.func @transform_2(%arg0: i32) -> (i32, i32) {
    %c0_i32 = arith.constant 0 : i32
    %c0_i32_0 = arith.constant 0 : i32
    return %arg0, %c0_i32 : i32, i32
  }
  func.func @transform_3(%arg0: i32) -> (i32, i32) {
    %c0_i32 = arith.constant 0 : i32
    %c0_i32_0 = arith.constant 0 : i32
    return %arg0, %c0_i32 : i32, i32
  }
  func.func @transform_4(%arg0: i32) -> (i32, i32) {
    %c0_i32 = arith.constant 0 : i32
    %c0_i32_0 = arith.constant 0 : i32
    return %arg0, %c0_i32 : i32, i32
  }
}

</mosaic_0001>

<sc_bundles>
// kernel: kernel.6.cloned.1.call-start
scs
__scs_entry_jumppad:
0x0: {  	(pc) =	sbr.rel $0x88, $3  }
0x1: {  	(tag) =	ssettag $0x0;
	lr =	simm.s32 $0x1  }
0x2: {  	[smem:$0x3F9C] =	sst lr;
	_ =	strace $0xD0000000  }
0x3: {  	_ = 	snop  }
0x4: {  	_ = 	snop  }
0x5: {  	_ = 	snop  }
0x6: {  	_ = 	snop  }
0x7: {  	_ = 	snop  }
__scs_overlays_trampoline_lowered:
0x8: {  	[smem:$0x3FAB] =	sst s0  }
0x9: {  	[smem:$0x3FAC] =	sst s1  }
0xa: {  	[smem:$0x3FAD] =	sst s2  }
0xb: {  	[smem:$0x3FAE] =	sst s3  }
0xc: {  	[smem:$0x3FAF] =	sst s4  }
0xd: {  	[smem:$0x3FB0] =	sst s5  }
0xe: {  	[smem:$0x3FB1] =	sst s6  }
0xf: {  	[smem:$0x3FB2] =	sst s7  }
0x10: {  	[smem:$0x3FB3] =	sst s8  }
0x11: {  	[smem:$0x3FB4] =	sst s9;
	s0 =	simm.s32 @!p0 $0x0  }
0x12: {  	s1 =	sld [smem:$0x3F9A];
	s0 =	simm.s32 @p0 $0x1  }
0x13: {  	[smem:$0x3FB5] =	sst s0;
	s0 =	simm.s32 @!p1 $0x0  }
0x14: {  	s2 =	sld [smem:$0x3F99];
	s0 =	simm.s32 @p1 $0x1  }
0x15: {  	[smem:$0x3FB6] =	sst s0;
	s0 =	simm.s32 @!p2 $0x0  }
0x16: {  	s3 =	sld [smem:$0x3FDB];
	s0 =	simm.s32 @p2 $0x1  }
0x17: {  	s4 =	simm.s32 $0x1BF5;
	[smem:$0x3FB8] =	sst s0  }
0x18: {  	s0 =	sld [smem:$0x3F9B];
	_ =	swait.ge [sflag:s4], $0x0  }
0x19: {  	s7 =	sld [smem:$0x3F9C]  }
0x1a: {  	s8 =	sadd.s32 $0xFFFFE003, lr  }
0x1b: {  	s9 =	sadd.s32 $0xFFFFFEF7, lr;
	s5 =	simm.s32 $0xFFFFFFFF;
	p2 =	slt.u32 s8, $0xFFFFF086  }
0x1c: {  	p1 =	slt.u32 s9, $0xF7A;
	s5 =	simm.s32 @!p2 $0x0  }
0x1d: {  	s5 =	simm.s32 @p1 $0x1;
	p0 =	seq.s32 s7, s2  }
0x1e: {  	s7 =	smul.u32 @!p0 $0xF7A, s2;
	p2 =	seq.s32 @!p0 s5, $0x0  }
0x1f: {  	s9 =	smul.u32 $0xF7A, s1;
	s8 =	simm.s32 @!p0 $0x1BF5;
	p2 =	por !p2, p0  }
0x20: {  	[sflag:s8] =	ssyncset.s32 @!p0 $0xFFFFF086;
	s6 =	sadd.s32 @!p0 s3, s7;
	s7 =	simm.s32 @!p0 $0x108  }
0x21: {  	s3 =	sadd.s32 s3, s9;
	s6 =	sadd.s32 @!p0 $0x88, s6;
	s7 =	simm.s32 @p2 $0x1082  }
0x22: {  	[simem:s7], [sflag:s8] =	dma.local @!p0 [hbm:s6], $0xF7A  }
0x23: {  	s9 =	sor.u32 $0xD0000000, s2;
	s6 =	simm.s32 $0x108;
	_ =	swait.ge @!p0 [sflag:s8], $0x0  }
0x24: {  	s3 =	sadd.s32 $0x88, s3;
	s6 =	simm.s32 @!p1 $0x1082;
	[sflag:s4] =	ssyncset.s32 $0xFFFFF086  }
0x25: {  	[simem:s6], [sflag:s4] =	dma.local [hbm:s3], $0xF7A  }
0x26: {  	[smem:$0x3F9C] =	sst s1;
	(tag) =	ssettag s2;
	_ =	strace s9  }
0x27: {  	s1 =	sld [smem:$0x3FAC]  }
0x28: {  	s2 =	sld [smem:$0x3FAD]  }
0x29: {  	s4 =	sld [smem:$0x3FAF]  }
0x2a: {  	p0 =	seq.s32 s5, $0x0;
	s5 =	sld [smem:$0x3FB0]  }
0x2b: {  	s6 =	sld [smem:$0x3FB1]  }
0x2c: {  	s7 =	sld [smem:$0x3FB2]  }
0x2d: {  	s3 =	simm.s32 $0x108;
	s8 =	sld [smem:$0x3FB3]  }
0x2e: {  	s3 =	simm.s32 @!p0 $0x1082;
	s9 =	sld [smem:$0x3FB4]  }
0x2f: {  	lr =	sadd.s32 s0, s3;
	s0 =	sld [smem:$0x3FAB]  }
0x30: {  	s3 =	sld [smem:$0x3FAE]  }
0x31: {  	[smem:$0x3FB7] =	sst s10  }
0x32: {  	s10 =	sld [smem:$0x3FB5];
	_ =	sdelay $0x3  }
0x33: {  	p0 =	seq.s32 s10, $0x1;
	s10 =	sld [smem:$0x3FB7];
	_ =	sdelay $0x3  }
0x34: {  	[smem:$0x3FB7] =	sst s10  }
0x35: {  	s10 =	sld [smem:$0x3FB6];
	_ =	sdelay $0x3  }
0x36: {  	p1 =	seq.s32 s10, $0x1;
	s10 =	sld [smem:$0x3FB7];
	_ =	sdelay $0x3  }
0x37: {  	[smem:$0x3FB7] =	sst s10  }
0x38: {  	s10 =	sld [smem:$0x3FB8]  }
0x39: {  	_ = 	snop;
	(pc) =	sbr.ind lr, $3  }
0x3a: {  	_ = 	snop  }
0x3b: {  	_ = 	snop  }
0x3c: {  	p2 =	seq.s32 s10, $0x1;
	s10 =	sld [smem:$0x3FB7]  }
0x3d: {  	_ =	shalt  }
0x3e: {  	_ =	shalt  }
0x3f: {  	_ =	shalt  }
0x40: {  	_ =	shalt  }
0x41: {  	_ =	shalt  }
0x42: {  	_ =	shalt  }
0x43: {  	_ =	shalt  }
0x44: {  	_ =	shalt  }
0x45: {  	_ =	shalt  }
0x46: {  	_ =	shalt  }
0x47: {  	_ =	shalt  }
0x48: {  	_ =	shalt  }
0x49: {  	_ =	shalt  }
0x4a: {  	_ =	shalt  }
0x4b: {  	_ =	shalt  }
0x4c: {  	_ =	shalt  }
0x4d: {  	_ =	shalt  }
0x4e: {  	_ =	shalt  }
0x4f: {  	_ =	shalt  }
0x50: {  	_ =	shalt  }
0x51: {  	_ =	shalt  }
0x52: {  	_ =	shalt  }
0x53: {  	_ =	shalt  }
0x54: {  	_ =	shalt  }
0x55: {  	_ =	shalt  }
0x56: {  	_ =	shalt  }
0x57: {  	_ =	shalt  }
0x58: {  	_ =	shalt  }
0x59: {  	_ =	shalt  }
0x5a: {  	_ =	shalt  }
0x5b: {  	_ =	shalt  }
0x5c: {  	_ =	shalt  }
0x5d: {  	_ =	shalt  }
0x5e: {  	_ =	shalt  }
0x5f: {  	_ =	shalt  }
0x60: {  	_ =	shalt  }
0x61: {  	_ =	shalt  }
0x62: {  	_ =	shalt  }
0x63: {  	_ =	shalt  }
0x64: {  	_ =	shalt  }
0x65: {  	_ =	shalt  }
0x66: {  	_ =	shalt  }
0x67: {  	_ =	shalt  }
0x68: {  	_ =	shalt  }
0x69: {  	_ =	shalt  }
0x6a: {  	_ =	shalt  }
0x6b: {  	_ =	shalt  }
0x6c: {  	_ =	shalt  }
0x6d: {  	_ =	shalt  }
0x6e: {  	_ =	shalt  }
0x6f: {  	_ =	shalt  }
0x70: {  	_ =	shalt  }
0x71: {  	_ =	shalt  }
0x72: {  	_ =	shalt  }
0x73: {  	_ =	shalt  }
0x74: {  	_ =	shalt  }
0x75: {  	_ =	shalt  }
0x76: {  	_ =	shalt  }
0x77: {  	_ =	shalt  }
0x78: {  	_ =	shalt  }
0x79: {  	_ =	shalt  }
0x7a: {  	_ =	shalt  }
0x7b: {  	_ =	shalt  }
0x7c: {  	_ =	shalt  }
0x7d: {  	_ =	shalt  }
0x7e: {  	_ =	shalt  }
0x7f: {  	_ =	shalt  }
0x80: {  	_ =	shalt  }
0x81: {  	_ =	shalt  }
0x82: {  	_ =	shalt  }
0x83: {  	_ =	shalt  }
0x84: {  	_ =	shalt  }
0x85: {  	_ =	shalt  }
0x86: {  	_ =	shalt  }
0x87: {  	_ =	shalt  }
.Lfunc_end0:
.L_simem_size_0:
called_computation_lowered:
.L_overlay_start_0:
0x88: {  	s2 =	sld [smem:$0x3FD9]  }
0x89: {  	s3 =	sld [smem:$0x3FFE];
	_ =	sdelay $0x1  }
0x8a: {  	s1 =	srdreg.scid  }
0x8b: {  	s0 =	sand.u32 $0x1, s1  }
0x8c: {  	s14 =	sshll.u32 s0, $0xA;
	s2 =	sadd.s32 s3, s2  }
0x8d: {  	s2 =	sadd.s32 s2, s14  }
0x8e: {  	[smem:$0x3FC3] =	sst s2  }
0x8f: {  	_ = 	snop  }
0x90: {  	s2 =	sld [smem:$0x3FD0];
	_ =	sdelay $0x2  }
0x91: {  	s15 =	simm.s32 $0xA;
	s4 =	simm.s32 $0x10  }
0x92: {  	[smem:s4], [sflag:s15] =	dma.local [hbm:s2], $0x1  }
0x93: {  	_ =	swait.eq [sflag:s15], $0x1  }
0x94: {  	s16 =	sld [smem:$0x10];
	[sflag:s15] =	ssyncset.done $0x0  }
0x95: {  	s17 =	sld [smem:$0x11];
	[sflag:s15] =	ssyncadd.s32 $0xFFFFFFFF  }
0x96: {  	s18 =	sld [smem:$0x12];
	(tm) =	ssettm $0x1  }
0x97: {  	s5 =	sld [smem:$0x3FFB];
	_ =	sdelay $0x3  }
0x98: {  	_ =	strace s5  }
0x99: {  	s5 =	sld [smem:$0x3FFC];
	_ =	sdelay $0x3  }
0x9a: {  	_ =	strace s5  }
0x9b: {  	s5 =	sld [smem:$0x3FFD];
	_ =	sdelay $0x3  }
0x9c: {  	_ =	strace s5  }
0x9d: {  	_ =	strace $0x8FFFFFFF  }
0x9e: {  	s19 =	sld [smem:$0x3FDB];
	_ =	sdelay $0x1  }
0x9f: {  	s6 =	simm.s32 $_scs_section_size  }
0xa0: {  	s7 =	simm.s32 $_size__tile_overlayer_lowered;
	s8 =	simm.s32 $_tile_overlayer_lowered  }
0xa1: {  	s22 =	simm.s32 $0x1BFF;
	s21 =	sshll.u32 s8, $0x1;
	s5 =	sadd.s32 s6, s19  }
0xa2: {  	s9 =	simm.s32 $0x0;
	s20 =	sshll.u32 s7, $0x1;
	s7 =	sadd.s32 s21, s5  }
0xa3: {  	[timem:s9], [sflag:s22] =	dma.local [hbm:s7], s20  }
0xa4: {  	_ =	swait.ge [sflag:s22], s20  }
0xa5: {  	s6 =	ssub.s32 $0x0, s20;
	[sflag:s22] =	ssyncset.done $0x0  }
0xa6: {  	[sflag:s22] =	ssyncadd.s32 s6;
	_ =	sdelay $0x1  }
0xa7: {  	s23 =	simm.s32 $0x1B8B  }
0xa8: {  	_ =	swait.ge [sflag:s23], $0x1  }
0xa9: {  	[sflag:s23] =	ssyncset.done $0x0  }
0xaa: {  	s25 =	simm.s32 $0x1B8E;
	s24 =	sld [smem:$0x3FFE];
	[sflag:s23] =	ssyncadd.s32 $0xFFFFFFFF  }
0xab: {  	s26 =	simm.s32 $execute0_lowered;
	[smem:$0x3FD2] =	sst s25  }
0xac: {  	s7 =	sshll.u32 s26, $0x1;
	_ =	strace $0x80000046;
	[dreg:$0x1] =	wrdreg $0xFFFFFFFF  }
0xad: {  	s28 =	simm.s32 $_size_execute0_lowered;
	s5 =	sadd.s32 s5, s7;
	[dreg:$0x0] =	wrdreg $0x0  }
0xae: {  	s7 =	sshll.u32 s28, $0x1;
	[dreg:$0x2] =	wrdreg s5  }
0xaf: {  	[dreg:$0x3] =	wrdreg s7  }
0xb0: {  	[dreg:$0x4] =	wrdreg $0xC0  }
0xb1: {  	_ =	task [dreg:s9], $0x5FFFF  }
0xb2: {  	[dreg:$0x1] =	wrdreg $0xFFFFFFFF  }
0xb3: {  	[dreg:$0x0] =	wrdreg $0x60  }
0xb4: {  	[dreg:$0x2] =	wrdreg s24  }
0xb5: {  	[dreg:$0x3] =	wrdreg s17  }
0xb6: {  	[dreg:$0x4] =	wrdreg s16  }
0xb7: {  	[dreg:$0x5] =	wrdreg s18  }
0xb8: {  	[dreg:$0x6] =	wrdreg $0x0  }
0xb9: {  	[dreg:$0x7] =	wrdreg $0x9  }
0xba: {  	_ =	task.clear_ibuf [dreg:s9], $0x8FFFF;
	_ =	strace $0x90000046  }
0xbb: {  	s29 =	simm.s32 $0x9;
	_ =	strace $0x80000048  }
0xbc: {  	_ =	swait.ge [sflag:s29], $0x1  }
0xbd: {  	[sflag:s29] =	ssyncadd.s32 $0xFFFFFFFF  }
0xbe: {  	_ =	strace $0x90000048  }
0xbf: {  	_ =	sfence  }
0xc0: {  	s30 =	sld [smem:$0x0];
	_ =	sdelay $0x2  }
0xc1: {  	s31 =	sshll.u32 s1, $0xD;
	s1 =	sshrl.u32 s1, $0x2  }
0xc2: {  	s3 =	sand.u32 $0x4000, s31;
	s1 =	sadd.s32 s1, s30  }
0xc3: {  	s0 =	sor.u32 s3, s0;
	s1 =	sshll.u32 s1, $0x11  }
0xc4: {  	s0 =	sor.u32 s1, s0  }
0xc5: {  	s0 =	sadd.s32 $0x8F2B, s0  }
0xc6: {  	[sflag:s0] =	ssyncadd.remote.s32 $0x1  }
0xc7: {  	_ =	sfence.sel $0xFFFF  }
0xc8: {  	[dreg:$0x0] =	wrdreg $0xFFFFFFFF;
	(pc) =	sbr.abs _section_cstart, $3  }
0xc9: {  	[dreg:$0x1] =	wrdreg $0xFFFFFFFF  }
0xca: {  	_ =	task.clear_ibuf [dreg:s9], $0x2FFFF;
	_ =	strace $0x9FFFFFFF  }
0xcb: {  	(tm) =	ssettm $0x7FFFFFFF  }
tec
execute0_lowered:
.L_overlay_start_1:
0x0: {  	(tag) =	ssettag $0x1  }
0x1: {  	s6 =	rddreg [dreg:$0x0]  }
0x2: {  	s1 =	rddreg [dreg:$0x1]  }
0x3: {  	s2 =	rddreg [dreg:$0x2]  }
0x4: {  	s0 =	srdreg.scid;
	s7 =	rddreg [dreg:$0x3]  }
0x5: {  	s20 =	stileid.u32;
	s4 =	rddreg [dreg:$0x4];
	s5 =	simm.s32 $0x0  }
0x6: {  	s29 =	simm.s32 $0x0;
	s8 =	sand.u32 $0x1, s0;
	s15 =	sshll.u32 s20, $0x1  }
0x7: {  	s16 =	sshrl.u32 s20, $0x2;
	s11 =	smul.u32 $0x280, s20;
	[smem:$0x7FF] =	sst s5  }
0x8: {  	s3 =	sor.u32 s8, s15;
	s0 =	smul.u32 $0x13C00, s16;
	s10 =	ssub.s32 $0x2, s8  }
0x9: {  	s8 =	smul.u32 $0x2800, s8;
	s9 =	sshll.u32 s3, $0x7;
	s17 =	sshrl.u32 s10, $0x1  }
0xa: {  	s13 =	sadd.s32 $0xF0, s11;
	s15 =	sadd.s32 $0x140, s11;
	s16 =	sadd.s32 $0x190, s11  }
0xb: {  	s9 =	sand.u32 $0x380, s9;
	s14 =	sadd.s32 s11, s8;
	s21 =	sadd.s32 s8, s13  }
0xc: {  	s25 =	sadd.s32 s8, s16;
	s0 =	sor.u32 s0, s9;
	s9 =	sor.u32 $0x50, s11  }
0xd: {  	s14 =	sshll.u32 s14, $0x4;
	s22 =	sshll.u32 s21, $0x4;
	s21 =	smul.u32 $0x50000, s20  }
0xe: {  	s12 =	sshrl.u32 s0, $0x3;
	s0 =	ssub.s32 s10, s17;
	s10 =	sadd.s32 $0xA0, s11  }
0xf: {  	s17 =	sadd.s32 $0x1E0, s11;
	s18 =	sadd.s32 s8, s9;
	s14 =	sadd.s32 s7, s14  }
0x10: {  	s11 =	sadd.s32 $0x230, s11;
	s18 =	sshll.u32 s18, $0x4;
	[dreg:$0x6] =	wrdreg s14  }
0x11: {  	s19 =	sadd.s32 s8, s10;
	s26 =	sadd.s32 s8, s17;
	s0 =	smax.u32 s0, $0x1  }
0x12: {  	s18 =	sadd.s32 s7, s18;
	s14 =	sshll.u32 s19, $0x4;
	s19 =	sadd.s32 s8, s15  }
0x13: {  	s8 =	sadd.s32 s8, s11;
	[dreg:$0x7] =	wrdreg s18;
	s14 =	sadd.s32 s7, s14  }
0x14: {  	s23 =	sshll.u32 s19, $0x4;
	s19 =	sshll.u32 s26, $0x4;
	s8 =	sshll.u32 s8, $0x4  }
0x15: {  	s26 =	sshll.u32 s10, $0x7;
	s10 =	sshll.u32 s17, $0x7;
	[dreg:$0x8] =	wrdreg s14  }
0x16: {  	s14 =	sadd.s32 s7, s22;
	s24 =	sadd.s32 s7, s23;
	s22 =	sadd.s32 s12, s6  }
0x17: {  	s12 =	sshll.u32 s11, $0x7;
	s11 =	simm.s32 $0x1B880;
	[dreg:$0x9] =	wrdreg s14  }
0x18: {  	[dreg:$0xa] =	wrdreg s24;
	s14 =	sshll.u32 s25, $0x4;
	s23 =	sadd.s32 $0x1800, s22  }
0x19: {  	s24 =	sshrl.u32 s21, $0x2;
	s25 =	sshll.u32 s9, $0x7;
	s9 =	sshll.u32 s16, $0x7  }
0x1a: {  	s22 =	smul.u32 $0x2710, s3;
	s14 =	sadd.s32 s7, s14;
	s30 =	sadd.s32 s24, s4  }
0x1b: {  	s31 =	sadd.s32 s25, s4;
	s21 =	sadd.s32 s9, s4;
	s24 =	sadd.s32 s12, s4  }
0x1c: {  	s9 =	simm.s32 $0x16780;
	s12 =	simm.s32 $0x16800;
	[dreg:$0xb] =	wrdreg s14  }
0x1d: {  	s14 =	sadd.s32 s7, s19;
	s7 =	sadd.s32 s7, s8;
	s8 =	sshll.u32 s15, $0x7  }
0x1e: {  	s15 =	sshrl.u32 s22, $0x3;
	s28 =	sadd.s32 $0x50, s22;
	[dreg:$0xc] =	wrdreg s14  }
0x1f: {  	s18 =	sadd.s32 $0x26C0, s22;
	[dreg:$0xd] =	wrdreg s7;
	s14 =	sadd.s32 $0xB600, s6  }
0x20: {  	s6 =	sadd.s32 s26, s4;
	s7 =	sshll.u32 s13, $0x7;
	s13 =	smul.u32 $0x27100, s3  }
0x21: {  	s20 =	sadd.s32 s8, s4;
	s3 =	smul.u32 $0x138800, s3;
	s17 =	sshrl.u32 s28, $0x3  }
0x22: {  	s19 =	sshrl.u32 s18, $0x3;
	_ =	strace $0x80000047;
	[dreg:$0xe] =	wrdreg s23  }
0x23: {  	s26 =	sshll.u32 s18, $0x4;
	s8 =	simm.s32 $0x16880;
	[dreg:$0xf] =	wrdreg s6  }
0x24: {  	s6 =	sadd.s32 s7, s4;
	s23 =	sadd.s32 s10, s4;
	s25 =	sadd.s32 s1, s19  }
0x25: {  	[dreg:$0x16] =	wrdreg s0;
	s7 =	simm.s32 $0x4;
	s10 =	simm.s32 $0x50  }
0x26: {  	[dreg:$0x10] =	wrdreg s6;
	s6 =	sadd.s32 s1, s15;
	s16 =	sadd.s32 s14, s13  }
0x27: {  	s3 =	sshrl.u32 s3, $0x3;
	[dreg:$0x15] =	wrdreg s25;
	s13 =	simm.s32 $0x19080  }
0x28: {  	s15 =	simm.s32 $0x1;
	s25 =	simm.s32 $0x3;
	[dreg:$0x11] =	wrdreg s6  }
0x29: {  	[dreg:$0x12] =	wrdreg s16;
	s6 =	sadd.s32 s1, s17;
	s3 =	sadd.s32 s14, s3  }
0x2a: {  	s17 =	simm.s32 $0x14000;
	[dreg:$0x13] =	wrdreg s6;
	s3 =	sadd.s32 $0x26700, s3  }
0x2b: {  	v0 =	vimm.f32 $0.0e+00;
	[dreg:$0x14] =	wrdreg s3;
	s3 =	sadd.s32 s14, s26;
	s26 =	simm.s32 $0x2  }
.LBB2_1:
0x2c: {  	s0 =	rddreg [dreg:$0xe];
	s6 =	simm.s32 $0x80;
	s16 =	simm.s32 $0x400  }
0x2d: {  	[tilespmem:s17], [sflag:$0x4] =	stream.strided.gather [hbm4b:s0+s6], $0x2780, s16, s6, $0x38;
	[tilespmem:$0x1E080] =	vst v63  }
0x2e: {  	_ =	swait.ge [sflag:s7], $0x2780  }
0x2f: {  	[sflag:s7] =	ssyncset.done $0x0  }
0x30: {  	s0 =	simm.s32 $0x0;
	s6 =	simm.s32 $0x200;
	[sflag:s7] =	ssyncadd.s32 $0xFFFFD880  }
.LBB2_2:
0x31: {  	p0 =	sne.s32 s6, $0x9E00;
	[tilespmem:s0+$0x168F0] =	vst v0  }
0x32: {  	[tilespmem:s0+$0x16880] =	vst v0  }
0x33: {  	[tilespmem:s0+$0x16890] =	vst v0  }
.Ltmp0:
0x34: {  	[tilespmem:s0+$0x168A0] =	vst v0;
	(pc) =	sbr.rel @p0 .LBB2_2-.Ltmp0, $4  }
0x35: {  	[tilespmem:s0+$0x168B0] =	vst v0  }
0x36: {  	[tilespmem:s0+$0x168C0] =	vst v0  }
0x37: {  	[tilespmem:s0+$0x168D0] =	vst v0  }
0x38: {  	[tilespmem:s0+$0x168E0] =	vst v0;
	s0 =	sshra.s32 s6, $0x2;
	s6 =	sadd.s32 $0x200, s6  }
0x39: {  	[tilespmem:s0+$0x168F0] =	vst v0  }
0x3a: {  	[tilespmem:s0+$0x16880] =	vst v0  }
0x3b: {  	[tilespmem:s0+$0x16890] =	vst v0  }
0x3c: {  	[tilespmem:s0+$0x168A0] =	vst v0  }
0x3d: {  	[tilespmem:s0+$0x168B0] =	vst v0  }
0x3e: {  	[tilespmem:s0+$0x168C0] =	vst v0  }
0x3f: {  	[tilespmem:s0+$0x168D0] =	vst v0  }
0x40: {  	[tilespmem:s0+$0x168E0] =	vst v0  }
0x41: {  	[spmem:s30] =	stream.linear.scatter [tilespmem:s8], [sflag:$0x4], $0x2800, $0x38;
	[tilespmem:$0x1E080] =	vst v63  }
0x42: {  	_ =	swait.ge [sflag:s7], $0x2800  }
0x43: {  	[sflag:s7] =	ssyncset.done $0x0  }
0x44: {  	[sflag:s7] =	ssyncadd.s32 $0xFFFFD800  }
0x45: {  	[spmem:s31] =	stream.linear.scatter [tilespmem:s8], [sflag:$0x4], $0x2800, $0x38;
	[tilespmem:$0x1E080] =	vst v63  }
0x46: {  	_ =	swait.ge [sflag:s7], $0x2800  }
0x47: {  	[sflag:s7] =	ssyncset.done $0x0  }
0x48: {  	s19 =	smov.u32 s31;
	s31 =	rddreg [dreg:$0xf];
	[sflag:s7] =	ssyncadd.s32 $0xFFFFD800  }
0x49: {  	[spmem:s31] =	stream.linear.scatter [tilespmem:s8], [sflag:$0x4], $0x2800, $0x38;
	[tilespmem:$0x1E080] =	vst v63  }
0x4a: {  	_ =	swait.ge [sflag:s7], $0x2800  }
0x4b: {  	[sflag:s7] =	ssyncset.done $0x0  }
0x4c: {  	s6 =	rddreg [dreg:$0x10];
	[sflag:s7] =	ssyncadd.s32 $0xFFFFD800  }
0x4d: {  	[spmem:s6] =	stream.linear.scatter [tilespmem:s8], [sflag:$0x4], $0x2800, $0x38;
	[tilespmem:$0x1E080] =	vst v63  }
0x4e: {  	_ =	swait.ge [sflag:s7], $0x2800  }
0x4f: {  	[sflag:s7] =	ssyncset.done $0x0  }
0x50: {  	[sflag:s7] =	ssyncadd.s32 $0xFFFFD800  }
0x51: {  	[spmem:s20] =	stream.linear.scatter [tilespmem:s8], [sflag:$0x4], $0x2800, $0x38;
	[tilespmem:$0x1E080] =	vst v63  }
0x52: {  	_ =	swait.ge [sflag:s7], $0x2800  }
0x53: {  	[sflag:s7] =	ssyncset.done $0x0  }
0x54: {  	[sflag:s7] =	ssyncadd.s32 $0xFFFFD800  }
0x55: {  	[spmem:s21] =	stream.linear.scatter [tilespmem:s8], [sflag:$0x4], $0x2800, $0x38;
	[tilespmem:$0x1E080] =	vst v63  }
0x56: {  	_ =	swait.ge [sflag:s7], $0x2800  }
0x57: {  	[sflag:s7] =	ssyncset.done $0x0  }
0x58: {  	[sflag:s7] =	ssyncadd.s32 $0xFFFFD800  }
0x59: {  	[spmem:s23] =	stream.linear.scatter [tilespmem:s8], [sflag:$0x4], $0x2800, $0x38;
	[tilespmem:$0x1E080] =	vst v63  }
0x5a: {  	_ =	swait.ge [sflag:s7], $0x2800  }
0x5b: {  	[sflag:s7] =	ssyncset.done $0x0  }
0x5c: {  	[sflag:s7] =	ssyncadd.s32 $0xFFFFD800  }
0x5d: {  	[spmem:s24] =	stream.linear.scatter [tilespmem:s8], [sflag:$0x4], $0x2800, $0x38;
	[tilespmem:$0x1E080] =	vst v63  }
0x5e: {  	_ =	swait.ge [sflag:s7], $0x2800  }
0x5f: {  	[sflag:s7] =	ssyncset.done $0x0  }
0x60: {  	[sflag:s7] =	ssyncadd.s32 $0xFFFFD800  }
0x61: {  	[bflag:$0x0] =	sbarrier.arrive $0xFFFF  }
0x62: {  	s6 =	simm.s32 $0x0;
	s16 =	rddreg [dreg:$0x11]  }
0x63: {  	[tilespmem:s9], [sflag:$0x1] =	stream.linear.gather [hbm4b:s16+s6], $0x50, $0x38;
	[tilespmem:$0x1E080] =	vst v63  }
0x64: {  	_ = 	snop  }
0x65: {  	[tilespmem:s8], [sflag:$0x1] =	stream.indirect.gather [hbm4b:s2+s10], $0x80, s17, s10, $0xb8;
	[tilespmem:$0x1E080] =	vst v63  }
0x66: {  	s17 =	rddreg [dreg:$0x12]  }
0x67: {  	[tilespmem:s11], [sflag:$0x3] =	stream.linear.gather [hbm4b:s17+s6], $0x2800, $0x38;
	[tilespmem:$0x1E080] =	vst v63  }
0x68: {  	s18 =	smov.u32 s30;
	s30 =	rddreg [dreg:$0x13]  }
0x69: {  	[tilespmem:s12], [sflag:$0x2] =	stream.linear.gather [hbm4b:s30+s6], $0x50, $0x38;
	[tilespmem:$0x1E080] =	vst v63  }
0x6a: {  	s31 =	simm.s32 $0x14050  }
0x6b: {  	[tilespmem:s13], [sflag:$0x2] =	stream.indirect.gather [hbm4b:s2+s10], $0x80, s31, s10, $0xb8;
	[tilespmem:$0x1E080] =	vst v63  }
.LBB2_4:
0x6c: {  	_ =	swait.ge [sflag:s15], $0x50  }
0x6d: {  	[sflag:s15] =	ssyncset.done $0x0  }
0x6e: {  	[sflag:s15] =	ssyncadd.s32 $0xFFFFFFB0  }
0x6f: {  	_ =	swait.ge [sflag:s15], $0x2800  }
0x70: {  	[sflag:s15] =	ssyncset.done $0x0  }
0x71: {  	[sflag:s15] =	ssyncadd.s32 $0xFFFFD800  }
0x72: {  	_ =	swait.ge [sflag:s25], $0x2800  }
0x73: {  	[sflag:s25] =	ssyncset.done $0x0  }
0x74: {  	s0 =	simm.s32 $0x0;
	s16 =	simm.s32 $0x200;
	[sflag:s25] =	ssyncadd.s32 $0xFFFFD800  }
.LBB2_5:
0x75: {  	p0 =	sne.s32 s16, $0x9E00;
	v1 =	vld [tilespmem:s0+$0x1B8F0]  }
0x76: {  	v2 =	vld [tilespmem:s0+$0x1B880]  }
0x77: {  	v3 =	vld [tilespmem:s0+$0x1B890]  }
0x78: {  	v4 =	vld [tilespmem:s0+$0x1B8A0]  }
0x79: {  	v5 =	vld [tilespmem:s0+$0x1B8B0]  }
0x7a: {  	[tilespmem:s0+$0x168F0] =	vst.add.f32.msk $0xffff, v1  }
0x7b: {  	v1 =	vld [tilespmem:s0+$0x1B8C0]  }
0x7c: {  	v6 =	vld [tilespmem:s0+$0x1B8D0]  }
0x7d: {  	v7 =	vld [tilespmem:s0+$0x1B8E0]  }
0x7e: {  	[tilespmem:s0+$0x16880] =	vst.add.f32.msk $0xffff, v2  }
0x7f: {  	[tilespmem:s0+$0x16890] =	vst.add.f32.msk $0xffff, v3  }
.Ltmp1:
0x80: {  	[tilespmem:s0+$0x168A0] =	vst.add.f32.msk $0xffff, v4;
	(pc) =	sbr.rel @p0 .LBB2_5-.Ltmp1, $4  }
0x81: {  	[tilespmem:s0+$0x168B0] =	vst.add.f32.msk $0xffff, v5  }
0x82: {  	[tilespmem:s0+$0x168C0] =	vst.add.f32.msk $0xffff, v1  }
0x83: {  	[tilespmem:s0+$0x168D0] =	vst.add.f32.msk $0xffff, v6  }
0x84: {  	[tilespmem:s0+$0x168E0] =	vst.add.f32.msk $0xffff, v7;
	s0 =	sshra.s32 s16, $0x2;
	s16 =	sadd.s32 $0x200, s16  }
0x85: {  	v1 =	vld [tilespmem:s0+$0x1B8F0]  }
0x86: {  	v2 =	vld [tilespmem:s0+$0x1B880]  }
0x87: {  	v3 =	vld [tilespmem:s0+$0x1B890]  }
0x88: {  	v4 =	vld [tilespmem:s0+$0x1B8A0]  }
0x89: {  	v5 =	vld [tilespmem:s0+$0x1B8B0]  }
0x8a: {  	v6 =	vld [tilespmem:s0+$0x1B8D0]  }
0x8b: {  	v7 =	vld [tilespmem:s0+$0x1B8E0]  }
0x8c: {  	[tilespmem:s0+$0x168F0] =	vst.add.f32.msk $0xffff, v1  }
0x8d: {  	v1 =	vld [tilespmem:s0+$0x1B8C0]  }
0x8e: {  	[tilespmem:s0+$0x16880] =	vst.add.f32.msk $0xffff, v2  }
0x8f: {  	[tilespmem:s0+$0x16890] =	vst.add.f32.msk $0xffff, v3  }
0x90: {  	s30 =	smul.u32 $0xA0, s6;
	[tilespmem:s0+$0x168A0] =	vst.add.f32.msk $0xffff, v4  }
0x91: {  	[tilespmem:s0+$0x168B0] =	vst.add.f32.msk $0xffff, v5  }
0x92: {  	s16 =	sadd.s32 s28, s30;
	[tilespmem:s0+$0x168D0] =	vst.add.f32.msk $0xffff, v6  }
0x93: {  	s16 =	sshll.u32 s16, $0x4;
	[tilespmem:s0+$0x168E0] =	vst.add.f32.msk $0xffff, v7  }
0x94: {  	s17 =	sadd.s32 s14, s16;
	s16 =	simm.s32 $0x0;
	[tilespmem:s0+$0x168C0] =	vst.add.f32.msk $0xffff, v1  }
0x95: {  	[tilespmem:s11], [sflag:$0x3] =	stream.linear.gather [hbm4b:s17+s16], $0x2800, $0x38;
	[tilespmem:$0x1E080] =	vst v63  }
0x96: {  	s31 =	sadd.s32 s22, s30  }
0x97: {  	[spmem:s4] =	stream.indirect.scatter.add.f32 [tilespmem:s8], [sflag:$0x4], $0x80, s9, s10, $0xb8;
	[tilespmem:$0x1E080] =	vst v63  }
0x98: {  	s0 =	sadd.s32 $0xA0, s31;
	_ =	swait.ge [sflag:s7], $0x2800  }
0x99: {  	s17 =	sshrl.u32 s0, $0x3;
	[sflag:s7] =	ssyncset.done $0x0  }
0x9a: {  	s17 =	sadd.s32 s1, s17;
	[sflag:s7] =	ssyncadd.s32 $0xFFFFD800  }
0x9b: {  	[tilespmem:s9], [sflag:$0x1] =	stream.linear.gather [hbm4b:s17+s16], $0x50, $0x38;
	[tilespmem:$0x1E080] =	vst v63  }
0x9c: {  	s17 =	sadd.s32 $0x140A0, s30  }
0x9d: {  	[tilespmem:s8], [sflag:$0x1] =	stream.indirect.gather [hbm4b:s2+s10], $0x80, s17, s10, $0xb8;
	[tilespmem:$0x1E080] =	vst v63  }
0x9e: {  	_ =	swait.ge [sflag:s26], $0x50  }
0x9f: {  	[sflag:s26] =	ssyncset.done $0x0  }
0xa0: {  	[sflag:s26] =	ssyncadd.s32 $0xFFFFFFB0  }
0xa1: {  	_ =	swait.ge [sflag:s26], $0x2800  }
0xa2: {  	[sflag:s26] =	ssyncset.done $0x0  }
0xa3: {  	[sflag:s26] =	ssyncadd.s32 $0xFFFFD800  }
0xa4: {  	_ =	swait.ge [sflag:s25], $0x2800  }
0xa5: {  	[sflag:s25] =	ssyncset.done $0x0  }
0xa6: {  	s16 =	simm.s32 $0x0;
	s17 =	simm.s32 $0x200;
	[sflag:s25] =	ssyncadd.s32 $0xFFFFD800  }
.LBB2_7:
0xa7: {  	p0 =	sne.s32 s17, $0x9E00;
	v1 =	vld [tilespmem:s16+$0x1B8F0]  }
0xa8: {  	v2 =	vld [tilespmem:s16+$0x1B880]  }
0xa9: {  	v3 =	vld [tilespmem:s16+$0x1B890]  }
0xaa: {  	v4 =	vld [tilespmem:s16+$0x1B8A0]  }
0xab: {  	v5 =	vld [tilespmem:s16+$0x1B8B0]  }
0xac: {  	[tilespmem:s16+$0x190F0] =	vst.add.f32.msk $0xffff, v1  }
0xad: {  	v1 =	vld [tilespmem:s16+$0x1B8C0]  }
0xae: {  	v6 =	vld [tilespmem:s16+$0x1B8D0]  }
0xaf: {  	v7 =	vld [tilespmem:s16+$0x1B8E0]  }
0xb0: {  	[tilespmem:s16+$0x19080] =	vst.add.f32.msk $0xffff, v2  }
0xb1: {  	[tilespmem:s16+$0x19090] =	vst.add.f32.msk $0xffff, v3  }
.Ltmp2:
0xb2: {  	[tilespmem:s16+$0x190A0] =	vst.add.f32.msk $0xffff, v4;
	(pc) =	sbr.rel @p0 .LBB2_7-.Ltmp2, $4  }
0xb3: {  	[tilespmem:s16+$0x190B0] =	vst.add.f32.msk $0xffff, v5  }
0xb4: {  	[tilespmem:s16+$0x190C0] =	vst.add.f32.msk $0xffff, v1  }
0xb5: {  	[tilespmem:s16+$0x190D0] =	vst.add.f32.msk $0xffff, v6  }
0xb6: {  	[tilespmem:s16+$0x190E0] =	vst.add.f32.msk $0xffff, v7;
	s16 =	sshra.s32 s17, $0x2;
	s17 =	sadd.s32 $0x200, s17  }
0xb7: {  	v1 =	vld [tilespmem:s16+$0x1B8F0]  }
0xb8: {  	v2 =	vld [tilespmem:s16+$0x1B880]  }
0xb9: {  	v3 =	vld [tilespmem:s16+$0x1B890]  }
0xba: {  	v4 =	vld [tilespmem:s16+$0x1B8A0]  }
0xbb: {  	v5 =	vld [tilespmem:s16+$0x1B8B0]  }
0xbc: {  	v6 =	vld [tilespmem:s16+$0x1B8D0]  }
0xbd: {  	v7 =	vld [tilespmem:s16+$0x1B8E0]  }
0xbe: {  	[tilespmem:s16+$0x190F0] =	vst.add.f32.msk $0xffff, v1  }
0xbf: {  	v1 =	vld [tilespmem:s16+$0x1B8C0]  }
0xc0: {  	[tilespmem:s16+$0x19080] =	vst.add.f32.msk $0xffff, v2  }
0xc1: {  	[tilespmem:s16+$0x19090] =	vst.add.f32.msk $0xffff, v3  }
0xc2: {  	[tilespmem:s16+$0x190A0] =	vst.add.f32.msk $0xffff, v4  }
0xc3: {  	[tilespmem:s16+$0x190B0] =	vst.add.f32.msk $0xffff, v5  }
0xc4: {  	[tilespmem:s16+$0x190D0] =	vst.add.f32.msk $0xffff, v6  }
0xc5: {  	s0 =	sshll.u32 s0, $0x4;
	[tilespmem:s16+$0x190E0] =	vst.add.f32.msk $0xffff, v7  }
0xc6: {  	s0 =	sadd.s32 s14, s0;
	[tilespmem:s16+$0x190C0] =	vst.add.f32.msk $0xffff, v1  }
0xc7: {  	[tilespmem:s11], [sflag:$0x3] =	stream.linear.gather [hbm4b:s0+s5], $0x2800, $0x38;
	[tilespmem:$0x1E080] =	vst v63  }
0xc8: {  	s6 =	sadd.s32 $0x1, s6  }
0xc9: {  	[spmem:s4] =	stream.indirect.scatter.add.f32 [tilespmem:s13], [sflag:$0x4], $0x80, s12, s10, $0xb8;
	[tilespmem:$0x1E080] =	vst v63  }
0xca: {  	s17 =	sshrl.u32 s31, $0x3;
	p0 =	sne.s32 s6, $0x3D;
	_ =	swait.ge [sflag:s7], $0x2800  }
.Ltmp3:
0xcb: {  	s0 =	sadd.s32 s1, s17;
	[sflag:s7] =	ssyncset.done $0x0;
	(pc) =	sbr.rel @p0 .LBB2_4-.Ltmp3, $4  }
0xcc: {  	s0 =	sadd.s32 $0x1E, s0;
	[sflag:s7] =	ssyncadd.s32 $0xFFFFD800  }
0xcd: {  	[tilespmem:s12], [sflag:$0x2] =	stream.linear.gather [hbm4b:s0+s5], $0x50, $0x38;
	[tilespmem:$0x1E080] =	vst v63  }
0xce: {  	s31 =	sadd.s32 $0x140F0, s30  }
0xcf: {  	[tilespmem:s13], [sflag:$0x2] =	stream.indirect.gather [hbm4b:s2+s10], $0x80, s31, s10, $0xb8;
	[tilespmem:$0x1E080] =	vst v63  }
0xd0: {  	_ =	swait.ge [sflag:s15], $0x50  }
0xd1: {  	[sflag:s15] =	ssyncset.done $0x0  }
0xd2: {  	[sflag:s15] =	ssyncadd.s32 $0xFFFFFFB0  }
0xd3: {  	_ =	swait.ge [sflag:s15], $0x2800  }
0xd4: {  	[sflag:s15] =	ssyncset.done $0x0  }
0xd5: {  	[sflag:s15] =	ssyncadd.s32 $0xFFFFD800  }
0xd6: {  	_ =	swait.ge [sflag:s25], $0x2800  }
0xd7: {  	[sflag:s25] =	ssyncset.done $0x0  }
0xd8: {  	s0 =	simm.s32 $0x0;
	s6 =	simm.s32 $0x200;
	[sflag:s25] =	ssyncadd.s32 $0xFFFFD800  }
.LBB2_10:
0xd9: {  	p0 =	sne.s32 s6, $0x9E00;
	v1 =	vld [tilespmem:s0+$0x1B8F0]  }
0xda: {  	v2 =	vld [tilespmem:s0+$0x1B880]  }
0xdb: {  	v3 =	vld [tilespmem:s0+$0x1B890]  }
0xdc: {  	v4 =	vld [tilespmem:s0+$0x1B8A0]  }
0xdd: {  	v5 =	vld [tilespmem:s0+$0x1B8B0]  }
0xde: {  	[tilespmem:s0+$0x168F0] =	vst.add.f32.msk $0xffff, v1  }
0xdf: {  	v1 =	vld [tilespmem:s0+$0x1B8C0]  }
0xe0: {  	v6 =	vld [tilespmem:s0+$0x1B8D0]  }
0xe1: {  	v7 =	vld [tilespmem:s0+$0x1B8E0]  }
0xe2: {  	[tilespmem:s0+$0x16880] =	vst.add.f32.msk $0xffff, v2  }
0xe3: {  	[tilespmem:s0+$0x16890] =	vst.add.f32.msk $0xffff, v3  }
.Ltmp4:
0xe4: {  	[tilespmem:s0+$0x168A0] =	vst.add.f32.msk $0xffff, v4;
	(pc) =	sbr.rel @p0 .LBB2_10-.Ltmp4, $4  }
0xe5: {  	[tilespmem:s0+$0x168B0] =	vst.add.f32.msk $0xffff, v5  }
0xe6: {  	[tilespmem:s0+$0x168C0] =	vst.add.f32.msk $0xffff, v1  }
0xe7: {  	[tilespmem:s0+$0x168D0] =	vst.add.f32.msk $0xffff, v6  }
0xe8: {  	[tilespmem:s0+$0x168E0] =	vst.add.f32.msk $0xffff, v7;
	s0 =	sshra.s32 s6, $0x2;
	s6 =	sadd.s32 $0x200, s6  }
0xe9: {  	v1 =	vld [tilespmem:s0+$0x1B8F0]  }
0xea: {  	v2 =	vld [tilespmem:s0+$0x1B880]  }
0xeb: {  	v3 =	vld [tilespmem:s0+$0x1B890]  }
0xec: {  	v4 =	vld [tilespmem:s0+$0x1B8A0]  }
0xed: {  	v5 =	vld [tilespmem:s0+$0x1B8B0]  }
0xee: {  	v6 =	vld [tilespmem:s0+$0x1B8D0]  }
0xef: {  	v7 =	vld [tilespmem:s0+$0x1B8E0]  }
0xf0: {  	[tilespmem:s0+$0x168F0] =	vst.add.f32.msk $0xffff, v1  }
0xf1: {  	v1 =	vld [tilespmem:s0+$0x1B8C0]  }
0xf2: {  	[tilespmem:s0+$0x16880] =	vst.add.f32.msk $0xffff, v2  }
0xf3: {  	[tilespmem:s0+$0x16890] =	vst.add.f32.msk $0xffff, v3  }
0xf4: {  	[tilespmem:s0+$0x168A0] =	vst.add.f32.msk $0xffff, v4  }
0xf5: {  	[tilespmem:s0+$0x168B0] =	vst.add.f32.msk $0xffff, v5  }
0xf6: {  	[tilespmem:s0+$0x168D0] =	vst.add.f32.msk $0xffff, v6  }
0xf7: {  	[tilespmem:s0+$0x168E0] =	vst.add.f32.msk $0xffff, v7  }
0xf8: {  	s17 =	simm.s32 $0x0;
	s6 =	rddreg [dreg:$0x14];
	[tilespmem:s0+$0x168C0] =	vst.add.f32.msk $0xffff, v1  }
0xf9: {  	[tilespmem:s11], [sflag:$0x3] =	stream.linear.gather [hbm4b:s6+s17], $0x2800, $0x38;
	[tilespmem:$0x1E080] =	vst v63  }
0xfa: {  	_ = 	snop  }
0xfb: {  	[spmem:s4] =	stream.indirect.scatter.add.f32 [tilespmem:s8], [sflag:$0x4], $0x80, s9, s10, $0xb8;
	[tilespmem:$0x1E080] =	vst v63  }
0xfc: {  	_ =	swait.ge [sflag:s7], $0x2800  }
0xfd: {  	[sflag:s7] =	ssyncset.done $0x0  }
0xfe: {  	s16 =	rddreg [dreg:$0x15];
	[sflag:s7] =	ssyncadd.s32 $0xFFFFD800  }
0xff: {  	[tilespmem:s9], [sflag:$0x1] =	stream.linear.gather [hbm4b:s16+s17], $0x50, $0x38;
	[tilespmem:$0x1E080] =	vst v63  }
0x100: {  	s17 =	simm.s32 $0x166C0  }
0x101: {  	[tilespmem:s8], [sflag:$0x1] =	stream.indirect.gather [hbm4b:s2+s10], $0x80, s17, s10, $0xb8;
	[tilespmem:$0x1E080] =	vst v63  }
0x102: {  	_ =	swait.ge [sflag:s26], $0x50  }
0x103: {  	[sflag:s26] =	ssyncset.done $0x0  }
0x104: {  	[sflag:s26] =	ssyncadd.s32 $0xFFFFFFB0  }
0x105: {  	_ =	swait.ge [sflag:s26], $0x2800  }
0x106: {  	[sflag:s26] =	ssyncset.done $0x0  }
0x107: {  	[sflag:s26] =	ssyncadd.s32 $0xFFFFD800  }
0x108: {  	s30 =	smov.u32 s18;
	_ =	swait.ge [sflag:s25], $0x2800  }
0x109: {  	s31 =	smov.u32 s19;
	s0 =	simm.s32 $0x0;
	[sflag:s25] =	ssyncset.done $0x0  }
0x10a: {  	s6 =	simm.s32 $0x200;
	s17 =	simm.s32 $0x14000;
	[sflag:s25] =	ssyncadd.s32 $0xFFFFD800  }
.LBB2_12:
0x10b: {  	p0 =	sne.s32 s6, $0x9E00;
	v1 =	vld [tilespmem:s0+$0x1B8F0]  }
0x10c: {  	v2 =	vld [tilespmem:s0+$0x1B880]  }
0x10d: {  	v3 =	vld [tilespmem:s0+$0x1B890]  }
0x10e: {  	v4 =	vld [tilespmem:s0+$0x1B8A0]  }
0x10f: {  	v5 =	vld [tilespmem:s0+$0x1B8B0]  }
0x110: {  	[tilespmem:s0+$0x190F0] =	vst.add.f32.msk $0xffff, v1  }
0x111: {  	v1 =	vld [tilespmem:s0+$0x1B8C0]  }
0x112: {  	v6 =	vld [tilespmem:s0+$0x1B8D0]  }
0x113: {  	v7 =	vld [tilespmem:s0+$0x1B8E0]  }
0x114: {  	[tilespmem:s0+$0x19080] =	vst.add.f32.msk $0xffff, v2  }
0x115: {  	[tilespmem:s0+$0x19090] =	vst.add.f32.msk $0xffff, v3  }
.Ltmp5:
0x116: {  	[tilespmem:s0+$0x190A0] =	vst.add.f32.msk $0xffff, v4;
	(pc) =	sbr.rel @p0 .LBB2_12-.Ltmp5, $4  }
0x117: {  	[tilespmem:s0+$0x190B0] =	vst.add.f32.msk $0xffff, v5  }
0x118: {  	[tilespmem:s0+$0x190C0] =	vst.add.f32.msk $0xffff, v1  }
0x119: {  	[tilespmem:s0+$0x190D0] =	vst.add.f32.msk $0xffff, v6  }
0x11a: {  	[tilespmem:s0+$0x190E0] =	vst.add.f32.msk $0xffff, v7;
	s0 =	sshra.s32 s6, $0x2;
	s6 =	sadd.s32 $0x200, s6  }
0x11b: {  	v1 =	vld [tilespmem:s0+$0x1B8F0]  }
0x11c: {  	v2 =	vld [tilespmem:s0+$0x1B880]  }
0x11d: {  	v3 =	vld [tilespmem:s0+$0x1B890]  }
0x11e: {  	v4 =	vld [tilespmem:s0+$0x1B8A0]  }
0x11f: {  	v5 =	vld [tilespmem:s0+$0x1B8B0]  }
0x120: {  	v6 =	vld [tilespmem:s0+$0x1B8D0]  }
0x121: {  	v7 =	vld [tilespmem:s0+$0x1B8E0]  }
0x122: {  	[tilespmem:s0+$0x190F0] =	vst.add.f32.msk $0xffff, v1  }
0x123: {  	v1 =	vld [tilespmem:s0+$0x1B8C0]  }
0x124: {  	[tilespmem:s0+$0x19080] =	vst.add.f32.msk $0xffff, v2  }
0x125: {  	[tilespmem:s0+$0x19090] =	vst.add.f32.msk $0xffff, v3  }
0x126: {  	[tilespmem:s0+$0x190A0] =	vst.add.f32.msk $0xffff, v4  }
0x127: {  	[tilespmem:s0+$0x190B0] =	vst.add.f32.msk $0xffff, v5  }
0x128: {  	[tilespmem:s0+$0x190D0] =	vst.add.f32.msk $0xffff, v6  }
0x129: {  	[tilespmem:s0+$0x190E0] =	vst.add.f32.msk $0xffff, v7  }
0x12a: {  	s19 =	simm.s32 $0x0;
	[tilespmem:s0+$0x190C0] =	vst.add.f32.msk $0xffff, v1  }
0x12b: {  	[tilespmem:s11], [sflag:$0x3] =	stream.linear.gather [hbm4b:s3+s19], $0x2800, $0x38;
	[tilespmem:$0x1E080] =	vst v63  }
0x12c: {  	_ = 	snop  }
0x12d: {  	[spmem:s4] =	stream.indirect.scatter.add.f32 [tilespmem:s13], [sflag:$0x4], $0x80, s12, s10, $0xb8;
	[tilespmem:$0x1E080] =	vst v63  }
0x12e: {  	_ =	swait.ge [sflag:s7], $0x2800  }
0x12f: {  	[sflag:s7] =	ssyncset.done $0x0  }
0x130: {  	[sflag:s7] =	ssyncadd.s32 $0xFFFFD800  }
0x131: {  	_ =	swait.ge [sflag:s15], $0x50  }
0x132: {  	[sflag:s15] =	ssyncset.done $0x0  }
0x133: {  	[sflag:s15] =	ssyncadd.s32 $0xFFFFFFB0  }
0x134: {  	_ =	swait.ge [sflag:s15], $0x2800  }
0x135: {  	[sflag:s15] =	ssyncset.done $0x0  }
0x136: {  	[sflag:s15] =	ssyncadd.s32 $0xFFFFD800  }
0x137: {  	_ =	swait.ge [sflag:s25], $0x2800  }
0x138: {  	[sflag:s25] =	ssyncset.done $0x0  }
0x139: {  	s6 =	simm.s32 $0x200;
	s0 =	simm.s32 $0x0;
	[sflag:s25] =	ssyncadd.s32 $0xFFFFD800  }
.LBB2_14:
0x13a: {  	p0 =	sne.s32 s6, $0x9E00;
	v1 =	vld [tilespmem:s0+$0x1B8F0]  }
0x13b: {  	v2 =	vld [tilespmem:s0+$0x1B880]  }
0x13c: {  	v3 =	vld [tilespmem:s0+$0x1B890]  }
0x13d: {  	v4 =	vld [tilespmem:s0+$0x1B8A0]  }
0x13e: {  	v5 =	vld [tilespmem:s0+$0x1B8B0]  }
0x13f: {  	[tilespmem:s0+$0x168F0] =	vst.add.f32.msk $0xffff, v1  }
0x140: {  	v1 =	vld [tilespmem:s0+$0x1B8C0]  }
0x141: {  	v6 =	vld [tilespmem:s0+$0x1B8D0]  }
0x142: {  	v7 =	vld [tilespmem:s0+$0x1B8E0]  }
0x143: {  	[tilespmem:s0+$0x16880] =	vst.add.f32.msk $0xffff, v2  }
0x144: {  	[tilespmem:s0+$0x16890] =	vst.add.f32.msk $0xffff, v3  }
.Ltmp6:
0x145: {  	[tilespmem:s0+$0x168A0] =	vst.add.f32.msk $0xffff, v4;
	(pc) =	sbr.rel @p0 .LBB2_14-.Ltmp6, $4  }
0x146: {  	[tilespmem:s0+$0x168B0] =	vst.add.f32.msk $0xffff, v5  }
0x147: {  	[tilespmem:s0+$0x168C0] =	vst.add.f32.msk $0xffff, v1  }
0x148: {  	[tilespmem:s0+$0x168D0] =	vst.add.f32.msk $0xffff, v6  }
0x149: {  	[tilespmem:s0+$0x168E0] =	vst.add.f32.msk $0xffff, v7;
	s0 =	sshra.s32 s6, $0x2;
	s6 =	sadd.s32 $0x200, s6  }
0x14a: {  	v1 =	vld [tilespmem:s0+$0x1B8F0]  }
0x14b: {  	v2 =	vld [tilespmem:s0+$0x1B880]  }
0x14c: {  	v3 =	vld [tilespmem:s0+$0x1B890]  }
0x14d: {  	v4 =	vld [tilespmem:s0+$0x1B8A0]  }
0x14e: {  	v5 =	vld [tilespmem:s0+$0x1B8B0]  }
0x14f: {  	v6 =	vld [tilespmem:s0+$0x1B8D0]  }
0x150: {  	v7 =	vld [tilespmem:s0+$0x1B8E0]  }
0x151: {  	[tilespmem:s0+$0x168F0] =	vst.add.f32.msk $0xffff, v1  }
0x152: {  	v1 =	vld [tilespmem:s0+$0x1B8C0]  }
0x153: {  	[tilespmem:s0+$0x16880] =	vst.add.f32.msk $0xffff, v2  }
0x154: {  	[tilespmem:s0+$0x16890] =	vst.add.f32.msk $0xffff, v3  }
0x155: {  	[tilespmem:s0+$0x168A0] =	vst.add.f32.msk $0xffff, v4  }
0x156: {  	[tilespmem:s0+$0x168B0] =	vst.add.f32.msk $0xffff, v5  }
0x157: {  	[tilespmem:s0+$0x168D0] =	vst.add.f32.msk $0xffff, v6  }
0x158: {  	[tilespmem:s0+$0x168E0] =	vst.add.f32.msk $0xffff, v7  }
0x159: {  	[tilespmem:s0+$0x168C0] =	vst.add.f32.msk $0xffff, v1  }
0x15a: {  	[tilespmem:s11], [sflag:$0x3] =	stream.linear.gather [hbm4b:s3+s5], $0x2800, $0x38;
	[tilespmem:$0x1E080] =	vst v63  }
0x15b: {  	_ = 	snop  }
0x15c: {  	[spmem:s4] =	stream.indirect.scatter.add.f32 [tilespmem:s8], [sflag:$0x4], $0x80, s9, s10, $0xb8;
	[tilespmem:$0x1E080] =	vst v63  }
0x15d: {  	_ =	swait.ge [sflag:s7], $0x2800  }
0x15e: {  	[sflag:s7] =	ssyncset.done $0x0  }
0x15f: {  	[sflag:s7] =	ssyncadd.s32 $0xFFFFD800  }
0x160: {  	[bflag:$0x0] =	sbarrier.arrive $0xFFFF  }
0x161: {  	[tilespmem:s8], [sflag:$0x4] =	stream.linear.gather [spmem:s30], $0x2800, $0x38;
	[tilespmem:$0x1E080] =	vst v63  }
0x162: {  	_ =	swait.ge [sflag:s7], $0x2800  }
0x163: {  	[sflag:s7] =	ssyncset.done $0x0  }
0x164: {  	s16 =	rddreg [dreg:$0x6];
	[sflag:s7] =	ssyncadd.s32 $0xFFFFD800  }
0x165: {  	[hbm4b:s16+s5] =	stream.linear.scatter [tilespmem:s8], [sflag:$0x4], $0x2800, $0x38;
	[tilespmem:$0x1E080] =	vst v63  }
0x166: {  	_ =	swait.ge [sflag:s7], $0x2800  }
0x167: {  	[sflag:s7] =	ssyncset.done $0x0  }
0x168: {  	[sflag:s7] =	ssyncadd.s32 $0xFFFFD800  }
0x169: {  	[tilespmem:s8], [sflag:$0x4] =	stream.linear.gather [spmem:s31], $0x2800, $0x38;
	[tilespmem:$0x1E080] =	vst v63  }
0x16a: {  	_ =	swait.ge [sflag:s7], $0x2800  }
0x16b: {  	[sflag:s7] =	ssyncset.done $0x0  }
0x16c: {  	s18 =	rddreg [dreg:$0x7];
	[sflag:s7] =	ssyncadd.s32 $0xFFFFD800  }
0x16d: {  	[hbm4b:s18+s5] =	stream.linear.scatter [tilespmem:s8], [sflag:$0x4], $0x2800, $0x38;
	[tilespmem:$0x1E080] =	vst v63  }
0x16e: {  	_ =	swait.ge [sflag:s7], $0x2800  }
0x16f: {  	[sflag:s7] =	ssyncset.done $0x0  }
0x170: {  	s19 =	rddreg [dreg:$0xf];
	[sflag:s7] =	ssyncadd.s32 $0xFFFFD800  }
0x171: {  	[tilespmem:s8], [sflag:$0x4] =	stream.linear.gather [spmem:s19], $0x2800, $0x38;
	[tilespmem:$0x1E080] =	vst v63  }
0x172: {  	_ =	swait.ge [sflag:s7], $0x2800  }
0x173: {  	[sflag:s7] =	ssyncset.done $0x0  }
0x174: {  	s6 =	rddreg [dreg:$0x8];
	[sflag:s7] =	ssyncadd.s32 $0xFFFFD800  }
0x175: {  	[hbm4b:s6+s5] =	stream.linear.scatter [tilespmem:s8], [sflag:$0x4], $0x2800, $0x38;
	[tilespmem:$0x1E080] =	vst v63  }
0x176: {  	_ =	swait.ge [sflag:s7], $0x2800  }
0x177: {  	[sflag:s7] =	ssyncset.done $0x0  }
0x178: {  	s16 =	rddreg [dreg:$0x10];
	[sflag:s7] =	ssyncadd.s32 $0xFFFFD800  }
0x179: {  	[tilespmem:s8], [sflag:$0x4] =	stream.linear.gather [spmem:s16], $0x2800, $0x38;
	[tilespmem:$0x1E080] =	vst v63  }
0x17a: {  	_ =	swait.ge [sflag:s7], $0x2800  }
0x17b: {  	[sflag:s7] =	ssyncset.done $0x0  }
0x17c: {  	s18 =	rddreg [dreg:$0x9];
	[sflag:s7] =	ssyncadd.s32 $0xFFFFD800  }
0x17d: {  	[hbm4b:s18+s5] =	stream.linear.scatter [tilespmem:s8], [sflag:$0x4], $0x2800, $0x38;
	[tilespmem:$0x1E080] =	vst v63  }
0x17e: {  	_ =	swait.ge [sflag:s7], $0x2800  }
0x17f: {  	[sflag:s7] =	ssyncset.done $0x0  }
0x180: {  	[sflag:s7] =	ssyncadd.s32 $0xFFFFD800  }
0x181: {  	[tilespmem:s8], [sflag:$0x4] =	stream.linear.gather [spmem:s20], $0x2800, $0x38;
	[tilespmem:$0x1E080] =	vst v63  }
0x182: {  	_ =	swait.ge [sflag:s7], $0x2800  }
0x183: {  	[sflag:s7] =	ssyncset.done $0x0  }
0x184: {  	s19 =	rddreg [dreg:$0xa];
	[sflag:s7] =	ssyncadd.s32 $0xFFFFD800  }
0x185: {  	[hbm4b:s19+s5] =	stream.linear.scatter [tilespmem:s8], [sflag:$0x4], $0x2800, $0x38;
	[tilespmem:$0x1E080] =	vst v63  }
0x186: {  	_ =	swait.ge [sflag:s7], $0x2800  }
0x187: {  	[sflag:s7] =	ssyncset.done $0x0  }
0x188: {  	[sflag:s7] =	ssyncadd.s32 $0xFFFFD800  }
0x189: {  	[tilespmem:s8], [sflag:$0x4] =	stream.linear.gather [spmem:s21], $0x2800, $0x38;
	[tilespmem:$0x1E080] =	vst v63  }
0x18a: {  	_ =	swait.ge [sflag:s7], $0x2800  }
0x18b: {  	[sflag:s7] =	ssyncset.done $0x0  }
0x18c: {  	s6 =	rddreg [dreg:$0xb];
	[sflag:s7] =	ssyncadd.s32 $0xFFFFD800  }
0x18d: {  	[hbm4b:s6+s5] =	stream.linear.scatter [tilespmem:s8], [sflag:$0x4], $0x2800, $0x38;
	[tilespmem:$0x1E080] =	vst v63  }
0x18e: {  	_ =	swait.ge [sflag:s7], $0x2800  }
0x18f: {  	[sflag:s7] =	ssyncset.done $0x0  }
0x190: {  	[sflag:s7] =	ssyncadd.s32 $0xFFFFD800  }
0x191: {  	[tilespmem:s8], [sflag:$0x4] =	stream.linear.gather [spmem:s23], $0x2800, $0x38;
	[tilespmem:$0x1E080] =	vst v63  }
0x192: {  	_ =	swait.ge [sflag:s7], $0x2800  }
0x193: {  	[sflag:s7] =	ssyncset.done $0x0  }
0x194: {  	s16 =	rddreg [dreg:$0xc];
	[sflag:s7] =	ssyncadd.s32 $0xFFFFD800  }
0x195: {  	[hbm4b:s16+s5] =	stream.linear.scatter [tilespmem:s8], [sflag:$0x4], $0x2800, $0x38;
	[tilespmem:$0x1E080] =	vst v63  }
0x196: {  	_ =	swait.ge [sflag:s7], $0x2800  }
0x197: {  	[sflag:s7] =	ssyncset.done $0x0  }
0x198: {  	[sflag:s7] =	ssyncadd.s32 $0xFFFFD800  }
0x199: {  	[tilespmem:s8], [sflag:$0x4] =	stream.linear.gather [spmem:s24], $0x2800, $0x38;
	[tilespmem:$0x1E080] =	vst v63  }
0x19a: {  	_ =	swait.ge [sflag:s7], $0x2800  }
0x19b: {  	[sflag:s7] =	ssyncset.done $0x0  }
0x19c: {  	s18 =	rddreg [dreg:$0xd];
	[sflag:s7] =	ssyncadd.s32 $0xFFFFD800  }
0x19d: {  	[hbm4b:s18+s5] =	stream.linear.scatter [tilespmem:s8], [sflag:$0x4], $0x2800, $0x38;
	[tilespmem:$0x1E080] =	vst v63  }
0x19e: {  	_ =	swait.ge [sflag:s7], $0x2800  }
0x19f: {  	s29 =	sadd.s32 $0x1, s29;
	s19 =	rddreg [dreg:$0x16]  }
0x1a0: {  	p0 =	sne.s32 s29, s19  }
.Ltmp7:
0x1a1: {  	_ = 	snop;
	(pc) =	sbr.rel @p0 .LBB2_1-.Ltmp7, $3  }
0x1a2: {  	_ =	sdelay $0x1  }
0x1a3: {  	[sflag:s7] =	ssyncset.done $0x0  }
0x1a4: {  	[sflag:s7] =	ssyncadd.s32 $0xFFFFD800  }
0x1a5: {  	_ =	sfence.sel $0x180000  }
0x1a6: {  	[bflag:$0x0] =	sbarrier.arrive $0xFFFF  }
0x1a7: {  	_ =	strace $0x90000047  }
0x1a8: {  	s0 =	stileid.u32;
	[bflag:$0x2] =	sbarrier.arrive $0xFFFF  }
0x1a9: {  	p0 =	sne.s32 s0, $0x0;
	s0 =	rddreg [dreg:$0x5]  }
0x1aa: {  	s0 =	sadd.s32 @!p0 $0x100000, s0  }
0x1ab: {  	[sflag:s0] =	ssyncadd.tile.s32 @!p0 $0x1;
	_ =	shalt  }
.Lfunc_end2:
_tile_overlayer_lowered:
.L_overlay_start_2:
0x1ac: {  	(tag) =	ssettag $0x2  }
0x1ad: {  	s0 =	rddreg [dreg:$0x0];
	s2 =	stileid.u32  }
0x1ae: {  	s1 =	rddreg [dreg:$0x1];
	p0 =	sne.s32 s2, $0x0  }
0x1af: {  	s3 =	rddreg [dreg:$0x2];
	[bflag:$0x3] =	sbarrier.arrive $0xFFFF;
	s2 =	simm.s32 @!p0 $0x1C04  }
0x1b0: {  	[timem:s3], [sflag:s2] =	dma.local @!p0 [hbm:s0], s1  }
0x1b1: {  	s0 =	simm.s32 @!p0 $0x4  }
0x1b2: {  	_ =	swait.ge @!p0 [sflag:s0], s1  }
0x1b3: {  	s1 =	ssub.s32 @!p0 $0x0, s1;
	[sflag:s0] =	ssyncset.done @!p0 $0x0  }
0x1b4: {  	[sflag:s0] =	ssyncadd.s32 @!p0 s1  }
0x1b5: {  	[bflag:$0x3] =	sbarrier.arrive $0xFFFF  }
0x1b6: {  	_ =	shalt  }

// kernel: kernel.9.cloned.1.call-start
scs
__scs_entry_jumppad:
0x0: {  	(pc) =	sbr.rel $0x88, $3  }
0x1: {  	(tag) =	ssettag $0x0;
	lr =	simm.s32 $0x1  }
0x2: {  	[smem:$0x3F9C] =	sst lr;
	_ =	strace $0xD0000000  }
0x3: {  	_ = 	snop  }
0x4: {  	_ = 	snop  }
0x5: {  	_ = 	snop  }
0x6: {  	_ = 	snop  }
0x7: {  	_ = 	snop  }
__scs_overlays_trampoline_lowered:
0x8: {  	[smem:$0x3FAB] =	sst s0  }
0x9: {  	[smem:$0x3FAC] =	sst s1  }
0xa: {  	[smem:$0x3FAD] =	sst s2  }
0xb: {  	[smem:$0x3FAE] =	sst s3  }
0xc: {  	[smem:$0x3FAF] =	sst s4  }
0xd: {  	[smem:$0x3FB0] =	sst s5  }
0xe: {  	[smem:$0x3FB1] =	sst s6  }
0xf: {  	[smem:$0x3FB2] =	sst s7  }
0x10: {  	[smem:$0x3FB3] =	sst s8  }
0x11: {  	[smem:$0x3FB4] =	sst s9;
	s0 =	simm.s32 @!p0 $0x0  }
0x12: {  	s1 =	sld [smem:$0x3F9A];
	s0 =	simm.s32 @p0 $0x1  }
0x13: {  	[smem:$0x3FB5] =	sst s0;
	s0 =	simm.s32 @!p1 $0x0  }
0x14: {  	s2 =	sld [smem:$0x3F99];
	s0 =	simm.s32 @p1 $0x1  }
0x15: {  	[smem:$0x3FB6] =	sst s0;
	s0 =	simm.s32 @!p2 $0x0  }
0x16: {  	s3 =	sld [smem:$0x3FDB];
	s0 =	simm.s32 @p2 $0x1  }
0x17: {  	s4 =	simm.s32 $0x1BF5;
	[smem:$0x3FB8] =	sst s0  }
0x18: {  	s0 =	sld [smem:$0x3F9B];
	_ =	swait.ge [sflag:s4], $0x0  }
0x19: {  	s7 =	sld [smem:$0x3F9C]  }
0x1a: {  	s8 =	sadd.s32 $0xFFFFE003, lr  }
0x1b: {  	s9 =	sadd.s32 $0xFFFFFEF7, lr;
	s5 =	simm.s32 $0xFFFFFFFF;
	p2 =	slt.u32 s8, $0xFFFFF086  }
0x1c: {  	p1 =	slt.u32 s9, $0xF7A;
	s5 =	simm.s32 @!p2 $0x0  }
0x1d: {  	s5 =	simm.s32 @p1 $0x1;
	p0 =	seq.s32 s7, s2  }
0x1e: {  	s7 =	smul.u32 @!p0 $0xF7A, s2;
	p2 =	seq.s32 @!p0 s5, $0x0  }
0x1f: {  	s9 =	smul.u32 $0xF7A, s1;
	s8 =	simm.s32 @!p0 $0x1BF5;
	p2 =	por !p2, p0  }
0x20: {  	[sflag:s8] =	ssyncset.s32 @!p0 $0xFFFFF086;
	s6 =	sadd.s32 @!p0 s3, s7;
	s7 =	simm.s32 @!p0 $0x108  }
0x21: {  	s3 =	sadd.s32 s3, s9;
	s6 =	sadd.s32 @!p0 $0x88, s6;
	s7 =	simm.s32 @p2 $0x1082  }
0x22: {  	[simem:s7], [sflag:s8] =	dma.local @!p0 [hbm:s6], $0xF7A  }
0x23: {  	s9 =	sor.u32 $0xD0000000, s2;
	s6 =	simm.s32 $0x108;
	_ =	swait.ge @!p0 [sflag:s8], $0x0  }
0x24: {  	s3 =	sadd.s32 $0x88, s3;
	s6 =	simm.s32 @!p1 $0x1082;
	[sflag:s4] =	ssyncset.s32 $0xFFFFF086  }
0x25: {  	[simem:s6], [sflag:s4] =	dma.local [hbm:s3], $0xF7A  }
0x26: {  	[smem:$0x3F9C] =	sst s1;
	(tag) =	ssettag s2;
	_ =	strace s9  }
0x27: {  	s1 =	sld [smem:$0x3FAC]  }
0x28: {  	s2 =	sld [smem:$0x3FAD]  }
0x29: {  	s4 =	sld [smem:$0x3FAF]  }
0x2a: {  	p0 =	seq.s32 s5, $0x0;
	s5 =	sld [smem:$0x3FB0]  }
0x2b: {  	s6 =	sld [smem:$0x3FB1]  }
0x2c: {  	s7 =	sld [smem:$0x3FB2]  }
0x2d: {  	s3 =	simm.s32 $0x108;
	s8 =	sld [smem:$0x3FB3]  }
0x2e: {  	s3 =	simm.s32 @!p0 $0x1082;
	s9 =	sld [smem:$0x3FB4]  }
0x2f: {  	lr =	sadd.s32 s0, s3;
	s0 =	sld [smem:$0x3FAB]  }
0x30: {  	s3 =	sld [smem:$0x3FAE]  }
0x31: {  	[smem:$0x3FB7] =	sst s10  }
0x32: {  	s10 =	sld [smem:$0x3FB5];
	_ =	sdelay $0x3  }
0x33: {  	p0 =	seq.s32 s10, $0x1;
	s10 =	sld [smem:$0x3FB7];
	_ =	sdelay $0x3  }
0x34: {  	[smem:$0x3FB7] =	sst s10  }
0x35: {  	s10 =	sld [smem:$0x3FB6];
	_ =	sdelay $0x3  }
0x36: {  	p1 =	seq.s32 s10, $0x1;
	s10 =	sld [smem:$0x3FB7];
	_ =	sdelay $0x3  }
0x37: {  	[smem:$0x3FB7] =	sst s10  }
0x38: {  	s10 =	sld [smem:$0x3FB8]  }
0x39: {  	_ = 	snop;
	(pc) =	sbr.ind lr, $3  }
0x3a: {  	_ = 	snop  }
0x3b: {  	_ = 	snop  }
0x3c: {  	p2 =	seq.s32 s10, $0x1;
	s10 =	sld [smem:$0x3FB7]  }
0x3d: {  	_ =	shalt  }
0x3e: {  	_ =	shalt  }
0x3f: {  	_ =	shalt  }
0x40: {  	_ =	shalt  }
0x41: {  	_ =	shalt  }
0x42: {  	_ =	shalt  }
0x43: {  	_ =	shalt  }
0x44: {  	_ =	shalt  }
0x45: {  	_ =	shalt  }
0x46: {  	_ =	shalt  }
0x47: {  	_ =	shalt  }
0x48: {  	_ =	shalt  }
0x49: {  	_ =	shalt  }
0x4a: {  	_ =	shalt  }
0x4b: {  	_ =	shalt  }
0x4c: {  	_ =	shalt  }
0x4d: {  	_ =	shalt  }
0x4e: {  	_ =	shalt  }
0x4f: {  	_ =	shalt  }
0x50: {  	_ =	shalt  }
0x51: {  	_ =	shalt  }
0x52: {  	_ =	shalt  }
0x53: {  	_ =	shalt  }
0x54: {  	_ =	shalt  }
0x55: {  	_ =	shalt  }
0x56: {  	_ =	shalt  }
0x57: {  	_ =	shalt  }
0x58: {  	_ =	shalt  }
0x59: {  	_ =	shalt  }
0x5a: {  	_ =	shalt  }
0x5b: {  	_ =	shalt  }
0x5c: {  	_ =	shalt  }
0x5d: {  	_ =	shalt  }
0x5e: {  	_ =	shalt  }
0x5f: {  	_ =	shalt  }
0x60: {  	_ =	shalt  }
0x61: {  	_ =	shalt  }
0x62: {  	_ =	shalt  }
0x63: {  	_ =	shalt  }
0x64: {  	_ =	shalt  }
0x65: {  	_ =	shalt  }
0x66: {  	_ =	shalt  }
0x67: {  	_ =	shalt  }
0x68: {  	_ =	shalt  }
0x69: {  	_ =	shalt  }
0x6a: {  	_ =	shalt  }
0x6b: {  	_ =	shalt  }
0x6c: {  	_ =	shalt  }
0x6d: {  	_ =	shalt  }
0x6e: {  	_ =	shalt  }
0x6f: {  	_ =	shalt  }
0x70: {  	_ =	shalt  }
0x71: {  	_ =	shalt  }
0x72: {  	_ =	shalt  }
0x73: {  	_ =	shalt  }
0x74: {  	_ =	shalt  }
0x75: {  	_ =	shalt  }
0x76: {  	_ =	shalt  }
0x77: {  	_ =	shalt  }
0x78: {  	_ =	shalt  }
0x79: {  	_ =	shalt  }
0x7a: {  	_ =	shalt  }
0x7b: {  	_ =	shalt  }
0x7c: {  	_ =	shalt  }
0x7d: {  	_ =	shalt  }
0x7e: {  	_ =	shalt  }
0x7f: {  	_ =	shalt  }
0x80: {  	_ =	shalt  }
0x81: {  	_ =	shalt  }
0x82: {  	_ =	shalt  }
0x83: {  	_ =	shalt  }
0x84: {  	_ =	shalt  }
0x85: {  	_ =	shalt  }
0x86: {  	_ =	shalt  }
0x87: {  	_ =	shalt  }
.Lfunc_end0:
.L_simem_size_0:
called_computation.1_lowered:
.L_overlay_start_0:
0x88: {  	s2 =	sld [smem:$0x3FD9]  }
0x89: {  	s3 =	sld [smem:$0x3FFE];
	_ =	sdelay $0x1  }
0x8a: {  	s1 =	srdreg.scid  }
0x8b: {  	s0 =	sand.u32 $0x1, s1  }
0x8c: {  	s14 =	sshll.u32 s0, $0xA;
	s2 =	sadd.s32 s3, s2  }
0x8d: {  	s2 =	sadd.s32 s2, s14  }
0x8e: {  	[smem:$0x3FC3] =	sst s2  }
0x8f: {  	_ = 	snop  }
0x90: {  	s2 =	sld [smem:$0x3FD0];
	_ =	sdelay $0x2  }
0x91: {  	s15 =	simm.s32 $0xA;
	s4 =	simm.s32 $0x10  }
0x92: {  	[smem:s4], [sflag:s15] =	dma.local [hbm:s2], $0x1  }
0x93: {  	_ =	swait.eq [sflag:s15], $0x1  }
0x94: {  	[sflag:s15] =	ssyncset.done $0x0  }
0x95: {  	s16 =	sld [smem:$0x11];
	[sflag:s15] =	ssyncadd.s32 $0xFFFFFFFF  }
0x96: {  	s17 =	sld [smem:$0x12];
	(tm) =	ssettm $0x1  }
0x97: {  	s18 =	sld [smem:$0x3FFB];
	_ =	sdelay $0x3  }
0x98: {  	_ =	strace s18  }
0x99: {  	s4 =	sld [smem:$0x3FFC];
	_ =	sdelay $0x3  }
0x9a: {  	_ =	strace s4  }
0x9b: {  	s4 =	sld [smem:$0x3FFD];
	_ =	sdelay $0x3  }
0x9c: {  	_ =	strace s4  }
0x9d: {  	_ =	strace $0x8FFFFFFF  }
0x9e: {  	s19 =	sld [smem:$0x3FDB];
	_ =	sdelay $0x1  }
0x9f: {  	s5 =	simm.s32 $_scs_section_size  }
0xa0: {  	s6 =	simm.s32 $_size__tile_overlayer_lowered;
	s7 =	simm.s32 $_tile_overlayer_lowered  }
0xa1: {  	s22 =	simm.s32 $0x1BFF;
	s21 =	sshll.u32 s7, $0x1;
	s4 =	sadd.s32 s5, s19  }
0xa2: {  	s8 =	simm.s32 $0x0;
	s20 =	sshll.u32 s6, $0x1;
	s6 =	sadd.s32 s21, s4  }
0xa3: {  	[timem:s8], [sflag:s22] =	dma.local [hbm:s6], s20  }
0xa4: {  	_ =	swait.ge [sflag:s22], s20  }
0xa5: {  	s5 =	ssub.s32 $0x0, s20;
	[sflag:s22] =	ssyncset.done $0x0  }
0xa6: {  	[sflag:s22] =	ssyncadd.s32 s5;
	_ =	sdelay $0x1  }
0xa7: {  	s23 =	simm.s32 $0x1B8B  }
0xa8: {  	_ =	swait.ge [sflag:s23], $0x1  }
0xa9: {  	[sflag:s23] =	ssyncset.done $0x0  }
0xaa: {  	s25 =	simm.s32 $0x1B8E;
	s24 =	sld [smem:$0x3FFE];
	[sflag:s23] =	ssyncadd.s32 $0xFFFFFFFF  }
0xab: {  	s26 =	simm.s32 $execute0_lowered;
	[smem:$0x3FD2] =	sst s25  }
0xac: {  	s6 =	sshll.u32 s26, $0x1;
	_ =	strace $0x80000049;
	[dreg:$0x1] =	wrdreg $0xFFFFFFFF  }
0xad: {  	s28 =	simm.s32 $_size_execute0_lowered;
	s4 =	sadd.s32 s4, s6;
	[dreg:$0x0] =	wrdreg $0x0  }
0xae: {  	s6 =	sshll.u32 s28, $0x1;
	[dreg:$0x2] =	wrdreg s4  }
0xaf: {  	[dreg:$0x3] =	wrdreg s6  }
0xb0: {  	[dreg:$0x4] =	wrdreg $0xC0  }
0xb1: {  	_ =	task [dreg:s8], $0x5FFFF  }
0xb2: {  	[dreg:$0x1] =	wrdreg $0xFFFFFFFF  }
0xb3: {  	[dreg:$0x0] =	wrdreg $0x60  }
0xb4: {  	[dreg:$0x2] =	wrdreg s24  }
0xb5: {  	[dreg:$0x3] =	wrdreg s16  }
0xb6: {  	[dreg:$0x4] =	wrdreg s17  }
0xb7: {  	[dreg:$0x5] =	wrdreg $0x9  }
0xb8: {  	_ =	task.clear_ibuf [dreg:s8], $0x6FFFF;
	_ =	strace $0x90000049  }
0xb9: {  	s29 =	simm.s32 $0x9;
	_ =	strace $0x8000004B  }
0xba: {  	_ =	swait.ge [sflag:s29], $0x1  }
0xbb: {  	[sflag:s29] =	ssyncadd.s32 $0xFFFFFFFF  }
0xbc: {  	_ =	strace $0x9000004B  }
0xbd: {  	_ =	sfence  }
0xbe: {  	s30 =	sld [smem:$0x0];
	_ =	sdelay $0x2  }
0xbf: {  	s31 =	sshll.u32 s1, $0xD;
	s1 =	sshrl.u32 s1, $0x2  }
0xc0: {  	s3 =	sand.u32 $0x4000, s31;
	s1 =	sadd.s32 s1, s30  }
0xc1: {  	s0 =	sor.u32 s3, s0;
	s1 =	sshll.u32 s1, $0x11  }
0xc2: {  	s0 =	sor.u32 s1, s0  }
0xc3: {  	s0 =	sadd.s32 $0x8F2B, s0  }
0xc4: {  	[sflag:s0] =	ssyncadd.remote.s32 $0x1  }
0xc5: {  	_ =	sfence.sel $0xFFFF  }
0xc6: {  	[dreg:$0x0] =	wrdreg $0xFFFFFFFF;
	(pc) =	sbr.abs _section_cstart, $3  }
0xc7: {  	[dreg:$0x1] =	wrdreg $0xFFFFFFFF  }
0xc8: {  	_ =	task.clear_ibuf [dreg:s8], $0x2FFFF;
	_ =	strace $0x9FFFFFFF  }
0xc9: {  	(tm) =	ssettm $0x7FFFFFFF  }
tec
execute0_lowered:
.L_overlay_start_1:
0x0: {  	(tag) =	ssettag $0x1  }
0x1: {  	s0 =	srdreg.scid  }
0x2: {  	s3 =	stileid.u32;
	s2 =	rddreg [dreg:$0x0]  }
0x3: {  	s10 =	rddreg [dreg:$0x1];
	s30 =	simm.s32 $0x4F00;
	s31 =	simm.s32 $0x5700  }
0x4: {  	s28 =	simm.s32 $0xF700;
	s9 =	simm.s32 $0x12700;
	s29 =	simm.s32 $0xA700  }
0x5: {  	s0 =	sand.u32 $0x1, s0;
	s1 =	sshll.u32 s3, $0x1;
	s3 =	sshrl.u32 s3, $0x2  }
0x6: {  	s11 =	sadd.s32 $0xB600, s2;
	s1 =	sor.u32 s0, s1;
	s3 =	smul.u32 $0x13C00, s3  }
0x7: {  	s17 =	rddreg [dreg:$0x2];
	s6 =	sadd.s32 $0x4F7400, s2;
	s8 =	smul.u32 $0x138800, s1  }
0x8: {  	s0 =	ssub.s32 $0x2, s0;
	s4 =	sshll.u32 s1, $0x7;
	s12 =	smul.u32 $0x27100, s1  }
0x9: {  	s7 =	sshrl.u32 s0, $0x1;
	s15 =	smul.u32 $0x2710, s1;
	s5 =	sand.u32 $0x380, s4  }
0xa: {  	s4 =	simm.s32 $0x0;
	s0 =	ssub.s32 s0, s7;
	s7 =	simm.s32 $0x7700  }
0xb: {  	s3 =	sor.u32 s3, s5;
	[smem:$0x7FF] =	sst s4;
	s16 =	sadd.s32 s11, s12  }
0xc: {  	s20 =	sadd.s32 s10, s12;
	_ =	strace $0x8000004A;
	[dreg:$0x6] =	wrdreg s16  }
0xd: {  	s14 =	sshrl.u32 s8, $0x3;
	s24 =	sadd.s32 $0xA0, s15;
	[dreg:$0x8] =	wrdreg s20  }
0xe: {  	s0 =	smax.u32 s0, $0x1;
	s8 =	simm.s32 $0x7F00;
	[dreg:$0x11] =	wrdreg s11  }
0xf: {  	s5 =	simm.s32 $0x11F00;
	s3 =	sshrl.u32 s3, $0x3;
	[dreg:$0x12] =	wrdreg s15  }
0x10: {  	s18 =	sadd.s32 $0x500, s14;
	s21 =	sadd.s32 s11, s14;
	[dreg:$0xd] =	wrdreg s24  }
0x11: {  	s25 =	sadd.s32 $0x26C00, s14;
	[dreg:$0x10] =	wrdreg s0;
	s14 =	simm.s32 $0x9700  }
0x12: {  	s20 =	simm.s32 $0xEF00;
	s15 =	simm.s32 $0x11700;
	s16 =	simm.s32 $0x12F00  }
0x13: {  	s3 =	sadd.s32 s3, s2;
	s19 =	sadd.s32 s11, s18;
	s2 =	sadd.s32 s17, s12  }
0x14: {  	s22 =	sadd.s32 $0xA00, s21;
	s23 =	sadd.s32 s10, s18;
	[dreg:$0x7] =	wrdreg s19  }
0x15: {  	s1 =	sadd.s32 s17, s18;
	s26 =	sadd.s32 s10, s25;
	[dreg:$0x9] =	wrdreg s2  }
0x16: {  	s10 =	simm.s32 $0x8700;
	s11 =	simm.s32 $0x8F00;
	[dreg:$0xa] =	wrdreg s22  }
0x17: {  	s12 =	simm.s32 $0x10700;
	s18 =	simm.s32 $0x13700;
	[dreg:$0xb] =	wrdreg s23  }
0x18: {  	s13 =	sadd.s32 $0x1800, s3;
	s3 =	sadd.s32 $0x4ED600, s3;
	[dreg:$0xc] =	wrdreg s1  }
0x19: {  	[dreg:$0xe] =	wrdreg s26;
	s1 =	sadd.s32 s17, s25;
	s25 =	simm.s32 $0x5F00  }
0x1a: {  	v2 =	vlaneseq.u32;
	s26 =	simm.s32 $0x6700;
	s22 =	simm.s32 $0x6F00;
	[dreg:$0x4] =	wrdreg s13  }
0x1b: {  	vm0 =	vmmov $0xffff;
	v1 =	vshrl.u32 v2, $0x3;
	s23 =	simm.s32 $0xFF00;
	s19 =	simm.s32 $0x9F00;
	[dreg:$0x5] =	wrdreg s3  }
0x1c: {  	v0 =	vand.u32 $0x7, v2;
	v2 =	vor.u32 $0x8, v2;
	v1 =	vmul.u32 $0x8, v1;
	s2 =	simm.s32 $0x0;
	[dreg:$0xf] =	wrdreg s1;
	s13 =	simm.s32 $0x10F00  }
.LBB2_1:
0x1d: {  	[dreg:$0x13] =	wrdreg s2  }
0x1e: {  	s0 =	rddreg [dreg:$0x4]  }
0x1f: {  	s1 =	simm.s32 $0x80;
	s2 =	simm.s32 $0x400;
	s3 =	simm.s32 $0x5  }
0x20: {  	[tilespmem:s4], [sflag:$0x5] =	stream.strided.gather [hbm4b:s0+s1], $0x2780, s2, s1, $0x38;
	[tilespmem:$0x1DF00] =	vst v63  }
0x21: {  	_ =	swait.ge [sflag:s3], $0x2780  }
0x22: {  	[sflag:s3] =	ssyncset.done $0x0  }
0x23: {  	s21 =	simm.s32 $0x2780;
	s24 =	rddreg [dreg:$0x5];
	[sflag:s3] =	ssyncadd.s32 $0xFFFFD880  }
0x24: {  	[tilespmem:s21], [sflag:$0x5] =	stream.strided.gather [hbm4b:s24+s1], $0x2780, s2, s1, $0x38;
	[tilespmem:$0x1DF00] =	vst v63  }
0x25: {  	_ =	swait.ge [sflag:s3], $0x2780  }
0x26: {  	[sflag:s3] =	ssyncset.done $0x0  }
0x27: {  	s24 =	simm.s32 $0x18F00;
	s21 =	rddreg [dreg:$0x6];
	[sflag:s3] =	ssyncadd.s32 $0xFFFFD880  }
0x28: {  	[tilespmem:s24], [sflag:$0x1] =	stream.linear.gather [hbm4b:s21+s4], $0x2800, $0x38;
	[tilespmem:$0x1DF00] =	vst v63  }
0x29: {  	v3 =	vld [tilespmem:$0x0];
	_ =	sdelay $0x4  }
0x2a: {  	v4 =	vshll.u32 v3, $0x1  }
0x2b: {  	v3 =	vand.u32 $0x7, v3;
	v4 =	vand.u32 $0xFFFFFFF0, v4  }
0x2c: {  	v3 =	vor.u32 v3, v4  }
0x2d: {  	v4 =	vperm.xlane v3, v0;
	_ =	sdelay $0x1  }
0x2e: {  	v3 =	vperm.xlane v3, v2;
	v4 =	vadd.s32 v1, v4;
	_ =	sdelay $0x1  }
0x2f: {  	v3 =	vadd.s32 v1, v3;
	_ =	sdelay $0x2  }
0x30: {  	[tilespmem:s30], [sflag:$0x1] =	stream.indirect_vreg.gather [hbm4b:s6+s4], $0x80, v4, vm0, $0xb8;
	[tilespmem:$0x1DF00] =	vst v63  }
0x31: {  	_ = 	snop  }
0x32: {  	[tilespmem:s31], [sflag:$0x1] =	stream.indirect_vreg.gather [hbm4b:s6+s4], $0x80, v3, vm0, $0xb8;
	[tilespmem:$0x1DF00] =	vst v63  }
0x33: {  	v3 =	vld [tilespmem:$0x10];
	_ =	sdelay $0x4  }
0x34: {  	v4 =	vshll.u32 v3, $0x1  }
0x35: {  	v3 =	vand.u32 $0x7, v3;
	v4 =	vand.u32 $0xFFFFFFF0, v4  }
0x36: {  	v3 =	vor.u32 v3, v4  }
0x37: {  	v4 =	vperm.xlane v3, v0;
	_ =	sdelay $0x1  }
0x38: {  	v3 =	vperm.xlane v3, v2;
	v4 =	vadd.s32 v1, v4;
	_ =	sdelay $0x1  }
0x39: {  	v3 =	vadd.s32 v1, v3;
	_ =	sdelay $0x2  }
0x3a: {  	[tilespmem:s25], [sflag:$0x1] =	stream.indirect_vreg.gather [hbm4b:s6+s4], $0x80, v4, vm0, $0xb8;
	[tilespmem:$0x1DF00] =	vst v63  }
0x3b: {  	_ = 	snop  }
0x3c: {  	[tilespmem:s26], [sflag:$0x1] =	stream.indirect_vreg.gather [hbm4b:s6+s4], $0x80, v3, vm0, $0xb8;
	[tilespmem:$0x1DF00] =	vst v63  }
0x3d: {  	v3 =	vld [tilespmem:$0x20];
	_ =	sdelay $0x4  }
0x3e: {  	v4 =	vshll.u32 v3, $0x1  }
0x3f: {  	v3 =	vand.u32 $0x7, v3;
	v4 =	vand.u32 $0xFFFFFFF0, v4  }
0x40: {  	v3 =	vor.u32 v3, v4  }
0x41: {  	v4 =	vperm.xlane v3, v0;
	_ =	sdelay $0x1  }
0x42: {  	v3 =	vperm.xlane v3, v2;
	v4 =	vadd.s32 v1, v4;
	_ =	sdelay $0x1  }
0x43: {  	v3 =	vadd.s32 v1, v3;
	_ =	sdelay $0x2  }
0x44: {  	[tilespmem:s22], [sflag:$0x1] =	stream.indirect_vreg.gather [hbm4b:s6+s4], $0x80, v4, vm0, $0xb8;
	[tilespmem:$0x1DF00] =	vst v63  }
0x45: {  	_ = 	snop  }
0x46: {  	[tilespmem:s7], [sflag:$0x1] =	stream.indirect_vreg.gather [hbm4b:s6+s4], $0x80, v3, vm0, $0xb8;
	[tilespmem:$0x1DF00] =	vst v63  }
0x47: {  	v3 =	vld [tilespmem:$0x30];
	_ =	sdelay $0x4  }
0x48: {  	v4 =	vshll.u32 v3, $0x1  }
0x49: {  	v3 =	vand.u32 $0x7, v3;
	v4 =	vand.u32 $0xFFFFFFF0, v4  }
0x4a: {  	v3 =	vor.u32 v3, v4  }
0x4b: {  	v4 =	vperm.xlane v3, v0;
	_ =	sdelay $0x1  }
0x4c: {  	v3 =	vperm.xlane v3, v2;
	v4 =	vadd.s32 v1, v4;
	_ =	sdelay $0x1  }
0x4d: {  	v3 =	vadd.s32 v1, v3;
	_ =	sdelay $0x2  }
0x4e: {  	[tilespmem:s8], [sflag:$0x1] =	stream.indirect_vreg.gather [hbm4b:s6+s4], $0x80, v4, vm0, $0xb8;
	[tilespmem:$0x1DF00] =	vst v63  }
0x4f: {  	_ = 	snop  }
0x50: {  	[tilespmem:s10], [sflag:$0x1] =	stream.indirect_vreg.gather [hbm4b:s6+s4], $0x80, v3, vm0, $0xb8;
	[tilespmem:$0x1DF00] =	vst v63  }
0x51: {  	v3 =	vld [tilespmem:$0x40];
	_ =	sdelay $0x4  }
0x52: {  	v4 =	vshll.u32 v3, $0x1  }
0x53: {  	v3 =	vand.u32 $0x7, v3;
	v4 =	vand.u32 $0xFFFFFFF0, v4  }
0x54: {  	v3 =	vor.u32 v3, v4  }
0x55: {  	v4 =	vperm.xlane v3, v0;
	_ =	sdelay $0x1  }
0x56: {  	v3 =	vperm.xlane v3, v2;
	v4 =	vadd.s32 v1, v4;
	_ =	sdelay $0x1  }
0x57: {  	v3 =	vadd.s32 v1, v3;
	_ =	sdelay $0x2  }
0x58: {  	[tilespmem:s11], [sflag:$0x1] =	stream.indirect_vreg.gather [hbm4b:s6+s4], $0x80, v4, vm0, $0xb8;
	[tilespmem:$0x1DF00] =	vst v63  }
0x59: {  	_ = 	snop  }
0x5a: {  	[tilespmem:s14], [sflag:$0x1] =	stream.indirect_vreg.gather [hbm4b:s6+s4], $0x80, v3, vm0, $0xb8;
	[tilespmem:$0x1DF00] =	vst v63  }
0x5b: {  	v3 =	vld [tilespmem:$0x2780];
	_ =	sdelay $0x4  }
0x5c: {  	v4 =	vshll.u32 v3, $0x1  }
0x5d: {  	v3 =	vand.u32 $0x7, v3;
	v4 =	vand.u32 $0xFFFFFFF0, v4  }
0x5e: {  	v3 =	vor.u32 v3, v4  }
0x5f: {  	v4 =	vperm.xlane v3, v0;
	_ =	sdelay $0x1  }
0x60: {  	v3 =	vperm.xlane v3, v2;
	v4 =	vadd.s32 v1, v4;
	_ =	sdelay $0x1  }
0x61: {  	v3 =	vadd.s32 v1, v3;
	_ =	sdelay $0x2  }
0x62: {  	[tilespmem:s20], [sflag:$0x1] =	stream.indirect_vreg.gather [hbm4b:s6+s4], $0x80, v4, vm0, $0xb8;
	[tilespmem:$0x1DF00] =	vst v63  }
0x63: {  	_ = 	snop  }
0x64: {  	[tilespmem:s28], [sflag:$0x1] =	stream.indirect_vreg.gather [hbm4b:s6+s4], $0x80, v3, vm0, $0xb8;
	[tilespmem:$0x1DF00] =	vst v63  }
0x65: {  	v3 =	vld [tilespmem:$0x2790];
	_ =	sdelay $0x4  }
0x66: {  	v4 =	vshll.u32 v3, $0x1  }
0x67: {  	v3 =	vand.u32 $0x7, v3;
	v4 =	vand.u32 $0xFFFFFFF0, v4  }
0x68: {  	v3 =	vor.u32 v3, v4  }
0x69: {  	v4 =	vperm.xlane v3, v0;
	_ =	sdelay $0x1  }
0x6a: {  	v3 =	vperm.xlane v3, v2;
	v4 =	vadd.s32 v1, v4;
	_ =	sdelay $0x1  }
0x6b: {  	v3 =	vadd.s32 v1, v3;
	_ =	sdelay $0x2  }
0x6c: {  	[tilespmem:s23], [sflag:$0x1] =	stream.indirect_vreg.gather [hbm4b:s6+s4], $0x80, v4, vm0, $0xb8;
	[tilespmem:$0x1DF00] =	vst v63  }
0x6d: {  	_ = 	snop  }
0x6e: {  	[tilespmem:s12], [sflag:$0x1] =	stream.indirect_vreg.gather [hbm4b:s6+s4], $0x80, v3, vm0, $0xb8;
	[tilespmem:$0x1DF00] =	vst v63  }
0x6f: {  	v3 =	vld [tilespmem:$0x27A0];
	_ =	sdelay $0x4  }
0x70: {  	v4 =	vshll.u32 v3, $0x1  }
0x71: {  	v3 =	vand.u32 $0x7, v3;
	v4 =	vand.u32 $0xFFFFFFF0, v4  }
0x72: {  	v3 =	vor.u32 v3, v4  }
0x73: {  	v4 =	vperm.xlane v3, v0;
	_ =	sdelay $0x1  }
0x74: {  	v3 =	vperm.xlane v3, v2;
	v4 =	vadd.s32 v1, v4;
	_ =	sdelay $0x1  }
0x75: {  	v3 =	vadd.s32 v1, v3;
	_ =	sdelay $0x2  }
0x76: {  	[tilespmem:s13], [sflag:$0x1] =	stream.indirect_vreg.gather [hbm4b:s6+s4], $0x80, v4, vm0, $0xb8;
	[tilespmem:$0x1DF00] =	vst v63  }
0x77: {  	_ = 	snop  }
0x78: {  	[tilespmem:s15], [sflag:$0x1] =	stream.indirect_vreg.gather [hbm4b:s6+s4], $0x80, v3, vm0, $0xb8;
	[tilespmem:$0x1DF00] =	vst v63  }
0x79: {  	v3 =	vld [tilespmem:$0x27B0];
	_ =	sdelay $0x4  }
0x7a: {  	v4 =	vshll.u32 v3, $0x1  }
0x7b: {  	v3 =	vand.u32 $0x7, v3;
	v4 =	vand.u32 $0xFFFFFFF0, v4  }
0x7c: {  	v3 =	vor.u32 v3, v4  }
0x7d: {  	v4 =	vperm.xlane v3, v0;
	_ =	sdelay $0x1  }
0x7e: {  	v3 =	vperm.xlane v3, v2;
	v4 =	vadd.s32 v1, v4;
	_ =	sdelay $0x1  }
0x7f: {  	v3 =	vadd.s32 v1, v3;
	_ =	sdelay $0x2  }
0x80: {  	[tilespmem:s5], [sflag:$0x1] =	stream.indirect_vreg.gather [hbm4b:s6+s4], $0x80, v4, vm0, $0xb8;
	[tilespmem:$0x1DF00] =	vst v63  }
0x81: {  	_ = 	snop  }
0x82: {  	[tilespmem:s9], [sflag:$0x1] =	stream.indirect_vreg.gather [hbm4b:s6+s4], $0x80, v3, vm0, $0xb8;
	[tilespmem:$0x1DF00] =	vst v63  }
0x83: {  	v3 =	vld [tilespmem:$0x27C0];
	_ =	sdelay $0x4  }
0x84: {  	v4 =	vshll.u32 v3, $0x1  }
0x85: {  	v3 =	vand.u32 $0x7, v3;
	v4 =	vand.u32 $0xFFFFFFF0, v4  }
0x86: {  	v3 =	vor.u32 v3, v4  }
0x87: {  	v4 =	vperm.xlane v3, v0;
	_ =	sdelay $0x1  }
0x88: {  	v3 =	vperm.xlane v3, v2;
	v4 =	vadd.s32 v1, v4;
	_ =	sdelay $0x1  }
0x89: {  	v3 =	vadd.s32 v1, v3;
	_ =	sdelay $0x2  }
0x8a: {  	[tilespmem:s16], [sflag:$0x1] =	stream.indirect_vreg.gather [hbm4b:s6+s4], $0x80, v4, vm0, $0xb8;
	[tilespmem:$0x1DF00] =	vst v63  }
0x8b: {  	_ = 	snop  }
0x8c: {  	[tilespmem:s18], [sflag:$0x1] =	stream.indirect_vreg.gather [hbm4b:s6+s4], $0x80, v3, vm0, $0xb8;
	[tilespmem:$0x1DF00] =	vst v63  }
0x8d: {  	s2 =	rddreg [dreg:$0x7];
	s3 =	simm.s32 $0x1B700  }
0x8e: {  	[tilespmem:s3], [sflag:$0x2] =	stream.linear.gather [hbm4b:s2+s4], $0x2800, $0x38;
	[tilespmem:$0x1DF00] =	vst v63  }
0x8f: {  	v3 =	vld [tilespmem:$0x50];
	_ =	sdelay $0x4  }
0x90: {  	v4 =	vshll.u32 v3, $0x1  }
0x91: {  	v3 =	vand.u32 $0x7, v3;
	v4 =	vand.u32 $0xFFFFFFF0, v4  }
0x92: {  	v3 =	vor.u32 v3, v4  }
0x93: {  	v4 =	vperm.xlane v3, v0;
	_ =	sdelay $0x1  }
0x94: {  	v3 =	vperm.xlane v3, v2;
	v4 =	vadd.s32 v1, v4;
	_ =	sdelay $0x1  }
0x95: {  	v3 =	vadd.s32 v1, v3;
	_ =	sdelay $0x2  }
0x96: {  	[tilespmem:s19], [sflag:$0x2] =	stream.indirect_vreg.gather [hbm4b:s6+s4], $0x80, v4, vm0, $0xb8;
	[tilespmem:$0x1DF00] =	vst v63  }
0x97: {  	_ = 	snop  }
0x98: {  	[tilespmem:s29], [sflag:$0x2] =	stream.indirect_vreg.gather [hbm4b:s6+s4], $0x80, v3, vm0, $0xb8;
	[tilespmem:$0x1DF00] =	vst v63  }
0x99: {  	v3 =	vld [tilespmem:$0x60];
	_ =	sdelay $0x4  }
0x9a: {  	v4 =	vshll.u32 v3, $0x1  }
0x9b: {  	v3 =	vand.u32 $0x7, v3;
	v4 =	vand.u32 $0xFFFFFFF0, v4  }
0x9c: {  	v3 =	vor.u32 v3, v4  }
0x9d: {  	v4 =	vperm.xlane v3, v0;
	_ =	sdelay $0x1  }
0x9e: {  	v3 =	vperm.xlane v3, v2;
	v4 =	vadd.s32 v1, v4;
	_ =	sdelay $0x1  }
0x9f: {  	v3 =	vadd.s32 v1, v3;
	_ =	sdelay $0x1  }
0xa0: {  	s5 =	simm.s32 $0xAF00  }
0xa1: {  	[tilespmem:s5], [sflag:$0x2] =	stream.indirect_vreg.gather [hbm4b:s6+s4], $0x80, v4, vm0, $0xb8;
	[tilespmem:$0x1DF00] =	vst v63  }
0xa2: {  	s7 =	simm.s32 $0xB700  }
0xa3: {  	[tilespmem:s7], [sflag:$0x2] =	stream.indirect_vreg.gather [hbm4b:s6+s4], $0x80, v3, vm0, $0xb8;
	[tilespmem:$0x1DF00] =	vst v63  }
0xa4: {  	v3 =	vld [tilespmem:$0x70];
	_ =	sdelay $0x4  }
0xa5: {  	v4 =	vshll.u32 v3, $0x1  }
0xa6: {  	v3 =	vand.u32 $0x7, v3;
	v4 =	vand.u32 $0xFFFFFFF0, v4  }
0xa7: {  	v3 =	vor.u32 v3, v4  }
0xa8: {  	v4 =	vperm.xlane v3, v0;
	_ =	sdelay $0x1  }
0xa9: {  	v3 =	vperm.xlane v3, v2;
	v4 =	vadd.s32 v1, v4;
	_ =	sdelay $0x1  }
0xaa: {  	v3 =	vadd.s32 v1, v3;
	_ =	sdelay $0x1  }
0xab: {  	s8 =	simm.s32 $0xBF00  }
0xac: {  	[tilespmem:s8], [sflag:$0x2] =	stream.indirect_vreg.gather [hbm4b:s6+s4], $0x80, v4, vm0, $0xb8;
	[tilespmem:$0x1DF00] =	vst v63  }
0xad: {  	s9 =	simm.s32 $0xC700  }
0xae: {  	[tilespmem:s9], [sflag:$0x2] =	stream.indirect_vreg.gather [hbm4b:s6+s4], $0x80, v3, vm0, $0xb8;
	[tilespmem:$0x1DF00] =	vst v63  }
0xaf: {  	v3 =	vld [tilespmem:$0x80];
	_ =	sdelay $0x4  }
0xb0: {  	v4 =	vshll.u32 v3, $0x1  }
0xb1: {  	v3 =	vand.u32 $0x7, v3;
	v4 =	vand.u32 $0xFFFFFFF0, v4  }
0xb2: {  	v3 =	vor.u32 v3, v4  }
0xb3: {  	v4 =	vperm.xlane v3, v0;
	_ =	sdelay $0x1  }
0xb4: {  	v3 =	vperm.xlane v3, v2;
	v4 =	vadd.s32 v1, v4;
	_ =	sdelay $0x1  }
0xb5: {  	v3 =	vadd.s32 v1, v3;
	_ =	sdelay $0x1  }
0xb6: {  	s10 =	simm.s32 $0xCF00  }
0xb7: {  	[tilespmem:s10], [sflag:$0x2] =	stream.indirect_vreg.gather [hbm4b:s6+s4], $0x80, v4, vm0, $0xb8;
	[tilespmem:$0x1DF00] =	vst v63  }
0xb8: {  	s11 =	simm.s32 $0xD700  }
0xb9: {  	[tilespmem:s11], [sflag:$0x2] =	stream.indirect_vreg.gather [hbm4b:s6+s4], $0x80, v3, vm0, $0xb8;
	[tilespmem:$0x1DF00] =	vst v63  }
0xba: {  	v3 =	vld [tilespmem:$0x90];
	_ =	sdelay $0x4  }
0xbb: {  	v4 =	vshll.u32 v3, $0x1  }
0xbc: {  	v3 =	vand.u32 $0x7, v3;
	v4 =	vand.u32 $0xFFFFFFF0, v4  }
0xbd: {  	v3 =	vor.u32 v3, v4  }
0xbe: {  	v4 =	vperm.xlane v3, v0;
	_ =	sdelay $0x1  }
0xbf: {  	v3 =	vperm.xlane v3, v2;
	v4 =	vadd.s32 v1, v4;
	_ =	sdelay $0x1  }
0xc0: {  	v3 =	vadd.s32 v1, v3;
	_ =	sdelay $0x1  }
0xc1: {  	s12 =	simm.s32 $0xDF00  }
0xc2: {  	[tilespmem:s12], [sflag:$0x2] =	stream.indirect_vreg.gather [hbm4b:s6+s4], $0x80, v4, vm0, $0xb8;
	[tilespmem:$0x1DF00] =	vst v63  }
0xc3: {  	s13 =	simm.s32 $0xE700  }
0xc4: {  	[tilespmem:s13], [sflag:$0x2] =	stream.indirect_vreg.gather [hbm4b:s6+s4], $0x80, v3, vm0, $0xb8;
	[tilespmem:$0x1DF00] =	vst v63  }
0xc5: {  	v3 =	vld [tilespmem:$0x27D0];
	_ =	sdelay $0x4  }
0xc6: {  	v4 =	vshll.u32 v3, $0x1  }
0xc7: {  	v3 =	vand.u32 $0x7, v3;
	v4 =	vand.u32 $0xFFFFFFF0, v4  }
0xc8: {  	v3 =	vor.u32 v3, v4  }
0xc9: {  	v4 =	vperm.xlane v3, v0;
	_ =	sdelay $0x1  }
0xca: {  	v3 =	vperm.xlane v3, v2;
	v4 =	vadd.s32 v1, v4;
	_ =	sdelay $0x1  }
0xcb: {  	v3 =	vadd.s32 v1, v3;
	_ =	sdelay $0x1  }
0xcc: {  	s14 =	simm.s32 $0x13F00  }
0xcd: {  	[tilespmem:s14], [sflag:$0x2] =	stream.indirect_vreg.gather [hbm4b:s6+s4], $0x80, v4, vm0, $0xb8;
	[tilespmem:$0x1DF00] =	vst v63  }
0xce: {  	s15 =	simm.s32 $0x14700  }
0xcf: {  	[tilespmem:s15], [sflag:$0x2] =	stream.indirect_vreg.gather [hbm4b:s6+s4], $0x80, v3, vm0, $0xb8;
	[tilespmem:$0x1DF00] =	vst v63  }
0xd0: {  	v3 =	vld [tilespmem:$0x27E0];
	_ =	sdelay $0x4  }
0xd1: {  	v4 =	vshll.u32 v3, $0x1  }
0xd2: {  	v3 =	vand.u32 $0x7, v3;
	v4 =	vand.u32 $0xFFFFFFF0, v4  }
0xd3: {  	v3 =	vor.u32 v3, v4  }
0xd4: {  	v4 =	vperm.xlane v3, v0;
	_ =	sdelay $0x1  }
0xd5: {  	v3 =	vperm.xlane v3, v2;
	v4 =	vadd.s32 v1, v4;
	_ =	sdelay $0x1  }
0xd6: {  	v3 =	vadd.s32 v1, v3;
	_ =	sdelay $0x1  }
0xd7: {  	s16 =	simm.s32 $0x14F00  }
0xd8: {  	[tilespmem:s16], [sflag:$0x2] =	stream.indirect_vreg.gather [hbm4b:s6+s4], $0x80, v4, vm0, $0xb8;
	[tilespmem:$0x1DF00] =	vst v63  }
0xd9: {  	s18 =	simm.s32 $0x15700  }
0xda: {  	[tilespmem:s18], [sflag:$0x2] =	stream.indirect_vreg.gather [hbm4b:s6+s4], $0x80, v3, vm0, $0xb8;
	[tilespmem:$0x1DF00] =	vst v63  }
0xdb: {  	v3 =	vld [tilespmem:$0x27F0];
	_ =	sdelay $0x4  }
0xdc: {  	v4 =	vshll.u32 v3, $0x1  }
0xdd: {  	v3 =	vand.u32 $0x7, v3;
	v4 =	vand.u32 $0xFFFFFFF0, v4  }
0xde: {  	v3 =	vor.u32 v3, v4  }
0xdf: {  	v4 =	vperm.xlane v3, v0;
	_ =	sdelay $0x1  }
0xe0: {  	v3 =	vperm.xlane v3, v2;
	v4 =	vadd.s32 v1, v4;
	_ =	sdelay $0x1  }
0xe1: {  	v3 =	vadd.s32 v1, v3;
	_ =	sdelay $0x1  }
0xe2: {  	s19 =	simm.s32 $0x15F00  }
0xe3: {  	[tilespmem:s19], [sflag:$0x2] =	stream.indirect_vreg.gather [hbm4b:s6+s4], $0x80, v4, vm0, $0xb8;
	[tilespmem:$0x1DF00] =	vst v63  }
0xe4: {  	s20 =	simm.s32 $0x16700  }
0xe5: {  	[tilespmem:s20], [sflag:$0x2] =	stream.indirect_vreg.gather [hbm4b:s6+s4], $0x80, v3, vm0, $0xb8;
	[tilespmem:$0x1DF00] =	vst v63  }
0xe6: {  	v3 =	vld [tilespmem:$0x2800];
	_ =	sdelay $0x4  }
0xe7: {  	v4 =	vshll.u32 v3, $0x1  }
0xe8: {  	v3 =	vand.u32 $0x7, v3;
	v4 =	vand.u32 $0xFFFFFFF0, v4  }
0xe9: {  	v3 =	vor.u32 v3, v4  }
0xea: {  	v4 =	vperm.xlane v3, v0;
	_ =	sdelay $0x1  }
0xeb: {  	v3 =	vperm.xlane v3, v2;
	v4 =	vadd.s32 v1, v4;
	_ =	sdelay $0x1  }
0xec: {  	v3 =	vadd.s32 v1, v3;
	_ =	sdelay $0x1  }
0xed: {  	s21 =	simm.s32 $0x16F00  }
0xee: {  	[tilespmem:s21], [sflag:$0x2] =	stream.indirect_vreg.gather [hbm4b:s6+s4], $0x80, v4, vm0, $0xb8;
	[tilespmem:$0x1DF00] =	vst v63  }
0xef: {  	s22 =	simm.s32 $0x17700  }
0xf0: {  	[tilespmem:s22], [sflag:$0x2] =	stream.indirect_vreg.gather [hbm4b:s6+s4], $0x80, v3, vm0, $0xb8;
	[tilespmem:$0x1DF00] =	vst v63  }
0xf1: {  	v3 =	vld [tilespmem:$0x2810];
	_ =	sdelay $0x4  }
0xf2: {  	v4 =	vshll.u32 v3, $0x1  }
0xf3: {  	v3 =	vand.u32 $0x7, v3;
	v4 =	vand.u32 $0xFFFFFFF0, v4  }
0xf4: {  	v3 =	vor.u32 v3, v4  }
0xf5: {  	v4 =	vperm.xlane v3, v0;
	_ =	sdelay $0x1  }
0xf6: {  	v3 =	vperm.xlane v3, v2;
	v4 =	vadd.s32 v1, v4;
	_ =	sdelay $0x1  }
0xf7: {  	v3 =	vadd.s32 v1, v3;
	_ =	sdelay $0x1  }
0xf8: {  	s23 =	simm.s32 $0x17F00  }
0xf9: {  	[tilespmem:s23], [sflag:$0x2] =	stream.indirect_vreg.gather [hbm4b:s6+s4], $0x80, v4, vm0, $0xb8;
	[tilespmem:$0x1DF00] =	vst v63  }
0xfa: {  	s24 =	simm.s32 $0x18700;
	s25 =	simm.s32 $0x1  }
0xfb: {  	[tilespmem:s24], [sflag:$0x2] =	stream.indirect_vreg.gather [hbm4b:s6+s4], $0x80, v3, vm0, $0xb8;
	[tilespmem:$0x1DF00] =	vst v63  }
0xfc: {  	_ =	swait.ge [sflag:s25], $0x2800  }
0xfd: {  	[sflag:s25] =	ssyncset.done $0x0  }
0xfe: {  	[sflag:s25] =	ssyncadd.s32 $0xFFFFD800  }
0xff: {  	_ =	swait.ge [sflag:s25], $0x5000  }
0x100: {  	[sflag:s25] =	ssyncset.done $0x0  }
0x101: {  	[sflag:s25] =	ssyncadd.s32 $0xFFFFB000  }
0x102: {  	_ =	swait.ge [sflag:s25], $0x5000  }
0x103: {  	s26 =	sand.u32 $0x7800, s4;
	s29 =	sand.u32 $0x380, s4;
	[sflag:s25] =	ssyncset.done $0x0  }
0x104: {  	s2 =	sor.u32 s29, s26;
	[sflag:s25] =	ssyncadd.s32 $0xFFFFB000  }
0x105: {  	s3 =	simm.s32 $0x18F40;
	v3 =	vld [tilespmem:s2+$0xF300]  }
0x106: {  	v4 =	vld [tilespmem:s3+$0xFFFFFFC0]  }
0x107: {  	v5 =	vld [tilespmem:s2+$0x5300];
	_ =	sdelay $0x3  }
0x108: {  	v3 =	vadd.f32 v3, v4  }
0x109: {  	v4 =	vadd.f32 v5, v4;
	v5 =	vld [tilespmem:s2+$0xF310]  }
0x10a: {  	[tilespmem:s2+$0x4F00] =	vst.add.f32.msk $0xffff, v3  }
0x10b: {  	[tilespmem:s2+$0xEF00] =	vst.add.f32.msk $0xffff, v4  }
0x10c: {  	v3 =	vld [tilespmem:s3+$0xFFFFFFD0]  }
0x10d: {  	v6 =	vld [tilespmem:s2+$0x5310];
	_ =	sdelay $0x3  }
0x10e: {  	v4 =	vadd.f32 v5, v3  }
0x10f: {  	v3 =	vadd.f32 v6, v3;
	v6 =	vld [tilespmem:s2+$0xF320]  }
0x110: {  	[tilespmem:s2+$0x4F10] =	vst.add.f32.msk $0xffff, v4  }
0x111: {  	[tilespmem:s2+$0xEF10] =	vst.add.f32.msk $0xffff, v3  }
0x112: {  	v3 =	vld [tilespmem:s3+$0xFFFFFFE0]  }
0x113: {  	v5 =	vld [tilespmem:s2+$0x5320];
	_ =	sdelay $0x3  }
0x114: {  	v4 =	vadd.f32 v6, v3  }
0x115: {  	v3 =	vadd.f32 v5, v3;
	v5 =	vld [tilespmem:s2+$0xF330]  }
0x116: {  	[tilespmem:s2+$0x4F20] =	vst.add.f32.msk $0xffff, v4  }
0x117: {  	[tilespmem:s2+$0xEF20] =	vst.add.f32.msk $0xffff, v3  }
0x118: {  	v3 =	vld [tilespmem:s3+$0xFFFFFFF0]  }
0x119: {  	v6 =	vld [tilespmem:s2+$0x5330];
	_ =	sdelay $0x3  }
0x11a: {  	v4 =	vadd.f32 v5, v3  }
0x11b: {  	v3 =	vadd.f32 v6, v3;
	v6 =	vld [tilespmem:s2+$0xF340]  }
0x11c: {  	[tilespmem:s2+$0x4F30] =	vst.add.f32.msk $0xffff, v4  }
0x11d: {  	[tilespmem:s2+$0xEF30] =	vst.add.f32.msk $0xffff, v3  }
0x11e: {  	v3 =	vld [tilespmem:s3+$0x0]  }
0x11f: {  	v5 =	vld [tilespmem:s2+$0x5340];
	_ =	sdelay $0x3  }
0x120: {  	v4 =	vadd.f32 v6, v3  }
0x121: {  	v3 =	vadd.f32 v5, v3;
	v5 =	vld [tilespmem:s2+$0xF350]  }
0x122: {  	[tilespmem:s2+$0x4F40] =	vst.add.f32.msk $0xffff, v4  }
0x123: {  	[tilespmem:s2+$0xEF40] =	vst.add.f32.msk $0xffff, v3  }
0x124: {  	v4 =	vld [tilespmem:s3+$0x10]  }
0x125: {  	v6 =	vld [tilespmem:s2+$0x5350];
	_ =	sdelay $0x3  }
0x126: {  	v3 =	vld [tilespmem:s2+$0x5360];
	v5 =	vadd.f32 v5, v4  }
0x127: {  	v6 =	vadd.f32 v6, v4;
	v4 =	vld [tilespmem:s2+$0xF360]  }
0x128: {  	[tilespmem:s2+$0x4F50] =	vst.add.f32.msk $0xffff, v5  }
0x129: {  	[tilespmem:s2+$0xEF50] =	vst.add.f32.msk $0xffff, v6  }
0x12a: {  	s28 =	simm.s32 $0x0;
	s26 =	simm.s32 $0x80;
	s25 =	simm.s32 $0x18F40;
	v5 =	vld [tilespmem:s3+$0x20]  }
.LBB2_2:
0x12b: {  	_ = 	snop  }
0x12c: {  	p0 =	sne.s32 s26, $0x2780;
	s28 =	sadd.s32 $0x100, s28;
	s3 =	sadd.s32 $0x80, s3  }
0x12d: {  	s1 =	smov.u32 s26;
	s26 =	sadd.s32 $0x80, s26;
	_ =	sdelay $0x1  }
0x12e: {  	v4 =	vadd.f32 v4, v5;
	v3 =	vadd.f32 v3, v5;
	v5 =	vld [tilespmem:s2+$0x5370]  }
0x12f: {  	v6 =	vld [tilespmem:s2+$0xF370]  }
0x130: {  	[tilespmem:s2+$0x4F60] =	vst.add.f32.msk $0xffff, v4  }
0x131: {  	[tilespmem:s2+$0xEF60] =	vst.add.f32.msk $0xffff, v3  }
0x132: {  	s29 =	sand.u32 $0x7800, s28;
	s1 =	sand.u32 $0x380, s1;
	v3 =	vld [tilespmem:s25+$0x30];
	s25 =	smov.u32 s3  }
0x133: {  	s1 =	sor.u32 s1, s29;
	_ =	sdelay $0x2  }
0x134: {  	v4 =	vld [tilespmem:s1+$0xF300]  }
0x135: {  	v6 =	vadd.f32 v6, v3;
	v3 =	vadd.f32 v5, v3  }
0x136: {  	v5 =	vld [tilespmem:s1+$0x5300]  }
0x137: {  	[tilespmem:s2+$0x4F70] =	vst.add.f32.msk $0xffff, v6  }
0x138: {  	[tilespmem:s2+$0xEF70] =	vst.add.f32.msk $0xffff, v3;
	s2 =	smov.u32 s1  }
0x139: {  	v3 =	vld [tilespmem:s3+$0xFFFFFFC0];
	_ =	sdelay $0x4  }
0x13a: {  	v4 =	vadd.f32 v4, v3;
	v3 =	vadd.f32 v5, v3;
	v5 =	vld [tilespmem:s2+$0x5310]  }
0x13b: {  	v6 =	vld [tilespmem:s2+$0xF310]  }
0x13c: {  	[tilespmem:s2+$0x4F00] =	vst.add.f32.msk $0xffff, v4  }
0x13d: {  	[tilespmem:s2+$0xEF00] =	vst.add.f32.msk $0xffff, v3  }
0x13e: {  	v3 =	vld [tilespmem:s3+$0xFFFFFFD0];
	_ =	sdelay $0x4  }
0x13f: {  	v4 =	vadd.f32 v6, v3;
	v3 =	vadd.f32 v5, v3;
	v5 =	vld [tilespmem:s2+$0x5320]  }
0x140: {  	v6 =	vld [tilespmem:s2+$0xF320]  }
0x141: {  	[tilespmem:s2+$0x4F10] =	vst.add.f32.msk $0xffff, v4  }
0x142: {  	[tilespmem:s2+$0xEF10] =	vst.add.f32.msk $0xffff, v3  }
0x143: {  	v3 =	vld [tilespmem:s3+$0xFFFFFFE0];
	_ =	sdelay $0x4  }
0x144: {  	v4 =	vadd.f32 v6, v3;
	v3 =	vadd.f32 v5, v3;
	v5 =	vld [tilespmem:s2+$0x5330]  }
0x145: {  	v6 =	vld [tilespmem:s2+$0xF330]  }
0x146: {  	[tilespmem:s2+$0x4F20] =	vst.add.f32.msk $0xffff, v4  }
0x147: {  	[tilespmem:s2+$0xEF20] =	vst.add.f32.msk $0xffff, v3  }
0x148: {  	v3 =	vld [tilespmem:s3+$0xFFFFFFF0];
	_ =	sdelay $0x4  }
0x149: {  	v4 =	vadd.f32 v6, v3;
	v3 =	vadd.f32 v5, v3;
	v5 =	vld [tilespmem:s2+$0x5340]  }
0x14a: {  	v6 =	vld [tilespmem:s2+$0xF340]  }
0x14b: {  	[tilespmem:s2+$0x4F30] =	vst.add.f32.msk $0xffff, v4  }
0x14c: {  	[tilespmem:s2+$0xEF30] =	vst.add.f32.msk $0xffff, v3  }
0x14d: {  	v3 =	vld [tilespmem:s3+$0x0];
	_ =	sdelay $0x4  }
0x14e: {  	v4 =	vadd.f32 v6, v3;
	v3 =	vadd.f32 v5, v3;
	v5 =	vld [tilespmem:s2+$0x5350]  }
0x14f: {  	v6 =	vld [tilespmem:s2+$0xF350]  }
0x150: {  	[tilespmem:s2+$0x4F40] =	vst.add.f32.msk $0xffff, v4  }
0x151: {  	[tilespmem:s2+$0xEF40] =	vst.add.f32.msk $0xffff, v3  }
0x152: {  	v3 =	vld [tilespmem:s3+$0x10];
	_ =	sdelay $0x4  }
.Ltmp0:
0x153: {  	v6 =	vadd.f32 v6, v3;
	v5 =	vadd.f32 v5, v3;
	v3 =	vld [tilespmem:s2+$0x5360];
	(pc) =	sbr.rel @p0 .LBB2_2-.Ltmp0, $4  }
0x154: {  	v4 =	vld [tilespmem:s2+$0xF360]  }
0x155: {  	[tilespmem:s2+$0x4F50] =	vst.add.f32.msk $0xffff, v6  }
0x156: {  	[tilespmem:s2+$0xEF50] =	vst.add.f32.msk $0xffff, v5  }
0x157: {  	v5 =	vld [tilespmem:s3+$0x20]  }
0x158: {  	_ =	sdelay $0x3  }
0x159: {  	v4 =	vadd.f32 v4, v5  }
0x15a: {  	v3 =	vadd.f32 v3, v5;
	v5 =	vld [tilespmem:s2+$0xF370]  }
0x15b: {  	[tilespmem:s2+$0x4F60] =	vst.add.f32.msk $0xffff, v4  }
0x15c: {  	[tilespmem:s2+$0xEF60] =	vst.add.f32.msk $0xffff, v3  }
0x15d: {  	v3 =	vld [tilespmem:s25+$0x30]  }
0x15e: {  	v6 =	vld [tilespmem:s2+$0x5370];
	_ =	sdelay $0x3  }
0x15f: {  	v4 =	vadd.f32 v5, v3  }
0x160: {  	v3 =	vadd.f32 v6, v3  }
0x161: {  	[tilespmem:s2+$0x4F70] =	vst.add.f32.msk $0xffff, v4  }
0x162: {  	s0 =	rddreg [dreg:$0x8];
	[tilespmem:s2+$0xEF70] =	vst.add.f32.msk $0xffff, v3;
	s2 =	simm.s32 $0x0  }
0x163: {  	[hbm4b:s0+s2] =	stream.linear.scatter [tilespmem:s30], [sflag:$0x3], $0x400, $0x38;
	[tilespmem:$0x1DF00] =	vst v63  }
0x164: {  	s1 =	sadd.s32 $0x80, s0  }
0x165: {  	[hbm4b:s1+s2] =	stream.linear.scatter [tilespmem:s31], [sflag:$0x3], $0x400, $0x38;
	[tilespmem:$0x1DF00] =	vst v63  }
0x166: {  	s3 =	simm.s32 $0x5F00;
	s24 =	sadd.s32 $0x100, s0  }
0x167: {  	[hbm4b:s24+s2] =	stream.linear.scatter [tilespmem:s3], [sflag:$0x3], $0x400, $0x38;
	[tilespmem:$0x1DF00] =	vst v63  }
0x168: {  	s21 =	simm.s32 $0x6700;
	s25 =	sadd.s32 $0x180, s0  }
0x169: {  	[hbm4b:s25+s2] =	stream.linear.scatter [tilespmem:s21], [sflag:$0x3], $0x400, $0x38;
	[tilespmem:$0x1DF00] =	vst v63  }
0x16a: {  	s7 =	simm.s32 $0x6F00;
	s26 =	sadd.s32 $0x200, s0  }
0x16b: {  	[hbm4b:s26+s2] =	stream.linear.scatter [tilespmem:s7], [sflag:$0x3], $0x400, $0x38;
	[tilespmem:$0x1DF00] =	vst v63  }
0x16c: {  	s8 =	simm.s32 $0x7700;
	s29 =	sadd.s32 $0x280, s0  }
0x16d: {  	[hbm4b:s29+s2] =	stream.linear.scatter [tilespmem:s8], [sflag:$0x3], $0x400, $0x38;
	[tilespmem:$0x1DF00] =	vst v63  }
0x16e: {  	s10 =	simm.s32 $0x7F00;
	s5 =	sadd.s32 $0x300, s0  }
0x16f: {  	[hbm4b:s5+s2] =	stream.linear.scatter [tilespmem:s10], [sflag:$0x3], $0x400, $0x38;
	[tilespmem:$0x1DF00] =	vst v63  }
0x170: {  	s11 =	simm.s32 $0x8700;
	s9 =	sadd.s32 $0x380, s0  }
0x171: {  	[hbm4b:s9+s2] =	stream.linear.scatter [tilespmem:s11], [sflag:$0x3], $0x400, $0x38;
	[tilespmem:$0x1DF00] =	vst v63  }
0x172: {  	s14 =	simm.s32 $0x8F00;
	s12 =	sadd.s32 $0x400, s0  }
0x173: {  	[hbm4b:s12+s2] =	stream.linear.scatter [tilespmem:s14], [sflag:$0x3], $0x400, $0x38;
	[tilespmem:$0x1DF00] =	vst v63  }
0x174: {  	s20 =	simm.s32 $0x9700;
	s13 =	sadd.s32 $0x480, s0  }
0x175: {  	[hbm4b:s13+s2] =	stream.linear.scatter [tilespmem:s20], [sflag:$0x3], $0x400, $0x38;
	[tilespmem:$0x1DF00] =	vst v63  }
0x176: {  	s22 =	simm.s32 $0xEF00;
	s0 =	rddreg [dreg:$0x9]  }
0x177: {  	[hbm4b:s0+s2] =	stream.linear.scatter [tilespmem:s22], [sflag:$0x3], $0x400, $0x38;
	[tilespmem:$0x1DF00] =	vst v63  }
0x178: {  	s23 =	simm.s32 $0xF700;
	s15 =	sadd.s32 $0x80, s0  }
0x179: {  	[hbm4b:s15+s2] =	stream.linear.scatter [tilespmem:s23], [sflag:$0x3], $0x400, $0x38;
	[tilespmem:$0x1DF00] =	vst v63  }
0x17a: {  	s16 =	sadd.s32 $0x100, s0;
	s12 =	simm.s32 $0xFF00  }
0x17b: {  	[hbm4b:s16+s2] =	stream.linear.scatter [tilespmem:s12], [sflag:$0x3], $0x400, $0x38;
	[tilespmem:$0x1DF00] =	vst v63  }
0x17c: {  	s18 =	sadd.s32 $0x180, s0;
	s13 =	simm.s32 $0x10700  }
0x17d: {  	[hbm4b:s18+s2] =	stream.linear.scatter [tilespmem:s13], [sflag:$0x3], $0x400, $0x38;
	[tilespmem:$0x1DF00] =	vst v63  }
0x17e: {  	s19 =	sadd.s32 $0x200, s0;
	s15 =	simm.s32 $0x10F00  }
0x17f: {  	[hbm4b:s19+s2] =	stream.linear.scatter [tilespmem:s15], [sflag:$0x3], $0x400, $0x38;
	[tilespmem:$0x1DF00] =	vst v63  }
0x180: {  	s24 =	sadd.s32 $0x280, s0;
	s5 =	simm.s32 $0x11700  }
0x181: {  	[hbm4b:s24+s2] =	stream.linear.scatter [tilespmem:s5], [sflag:$0x3], $0x400, $0x38;
	[tilespmem:$0x1DF00] =	vst v63  }
0x182: {  	s25 =	sadd.s32 $0x300, s0;
	s9 =	simm.s32 $0x11F00  }
0x183: {  	[hbm4b:s25+s2] =	stream.linear.scatter [tilespmem:s9], [sflag:$0x3], $0x400, $0x38;
	[tilespmem:$0x1DF00] =	vst v63  }
0x184: {  	s26 =	sadd.s32 $0x380, s0;
	s16 =	simm.s32 $0x12700  }
0x185: {  	[hbm4b:s26+s2] =	stream.linear.scatter [tilespmem:s16], [sflag:$0x3], $0x400, $0x38;
	[tilespmem:$0x1DF00] =	vst v63  }
0x186: {  	s29 =	sadd.s32 $0x400, s0;
	s18 =	simm.s32 $0x12F00  }
0x187: {  	[hbm4b:s29+s2] =	stream.linear.scatter [tilespmem:s18], [sflag:$0x3], $0x400, $0x38;
	[tilespmem:$0x1DF00] =	vst v63  }
0x188: {  	s0 =	sadd.s32 $0x480, s0;
	s19 =	simm.s32 $0x13700;
	s24 =	simm.s32 $0x3  }
0x189: {  	[hbm4b:s0+s2] =	stream.linear.scatter [tilespmem:s19], [sflag:$0x3], $0x400, $0x38;
	[tilespmem:$0x1DF00] =	vst v63  }
0x18a: {  	_ =	swait.ge [sflag:s24], $0x2800  }
0x18b: {  	[sflag:s24] =	ssyncset.done $0x0  }
0x18c: {  	[sflag:s24] =	ssyncadd.s32 $0xFFFFD800  }
0x18d: {  	_ =	swait.ge [sflag:s24], $0x2800  }
0x18e: {  	[sflag:s24] =	ssyncset.done $0x0  }
0x18f: {  	s26 =	simm.s32 $0x18F00;
	s25 =	rddreg [dreg:$0xa];
	[sflag:s24] =	ssyncadd.s32 $0xFFFFD800  }
0x190: {  	[tilespmem:s26], [sflag:$0x1] =	stream.linear.gather [hbm4b:s25+s2], $0x2800, $0x38;
	[tilespmem:$0x1DF00] =	vst v63  }
0x191: {  	v3 =	vld [tilespmem:$0xA0];
	_ =	sdelay $0x4  }
0x192: {  	v4 =	vshll.u32 v3, $0x1  }
0x193: {  	v3 =	vand.u32 $0x7, v3;
	v4 =	vand.u32 $0xFFFFFFF0, v4  }
0x194: {  	v3 =	vor.u32 v3, v4  }
0x195: {  	v4 =	vperm.xlane v3, v0;
	_ =	sdelay $0x1  }
0x196: {  	v3 =	vperm.xlane v3, v2;
	v4 =	vadd.s32 v1, v4;
	_ =	sdelay $0x1  }
0x197: {  	v3 =	vadd.s32 v1, v3;
	_ =	sdelay $0x2  }
0x198: {  	[tilespmem:s30], [sflag:$0x1] =	stream.indirect_vreg.gather [hbm4b:s6+s2], $0x80, v4, vm0, $0xb8;
	[tilespmem:$0x1DF00] =	vst v63  }
0x199: {  	_ = 	snop  }
0x19a: {  	[tilespmem:s31], [sflag:$0x1] =	stream.indirect_vreg.gather [hbm4b:s6+s2], $0x80, v3, vm0, $0xb8;
	[tilespmem:$0x1DF00] =	vst v63  }
0x19b: {  	v3 =	vld [tilespmem:$0xB0];
	_ =	sdelay $0x4  }
0x19c: {  	v4 =	vshll.u32 v3, $0x1  }
0x19d: {  	v3 =	vand.u32 $0x7, v3;
	v4 =	vand.u32 $0xFFFFFFF0, v4  }
0x19e: {  	v3 =	vor.u32 v3, v4  }
0x19f: {  	v4 =	vperm.xlane v3, v0;
	_ =	sdelay $0x1  }
0x1a0: {  	v3 =	vperm.xlane v3, v2;
	v4 =	vadd.s32 v1, v4;
	_ =	sdelay $0x1  }
0x1a1: {  	v3 =	vadd.s32 v1, v3;
	_ =	sdelay $0x2  }
0x1a2: {  	[tilespmem:s3], [sflag:$0x1] =	stream.indirect_vreg.gather [hbm4b:s6+s2], $0x80, v4, vm0, $0xb8;
	[tilespmem:$0x1DF00] =	vst v63  }
0x1a3: {  	_ = 	snop  }
0x1a4: {  	[tilespmem:s21], [sflag:$0x1] =	stream.indirect_vreg.gather [hbm4b:s6+s2], $0x80, v3, vm0, $0xb8;
	[tilespmem:$0x1DF00] =	vst v63  }
0x1a5: {  	v3 =	vld [tilespmem:$0xC0];
	_ =	sdelay $0x4  }
0x1a6: {  	v4 =	vshll.u32 v3, $0x1  }
0x1a7: {  	v3 =	vand.u32 $0x7, v3;
	v4 =	vand.u32 $0xFFFFFFF0, v4  }
0x1a8: {  	v3 =	vor.u32 v3, v4  }
0x1a9: {  	v4 =	vperm.xlane v3, v0;
	_ =	sdelay $0x1  }
0x1aa: {  	v3 =	vperm.xlane v3, v2;
	v4 =	vadd.s32 v1, v4;
	_ =	sdelay $0x1  }
0x1ab: {  	v3 =	vadd.s32 v1, v3;
	_ =	sdelay $0x2  }
0x1ac: {  	[tilespmem:s7], [sflag:$0x1] =	stream.indirect_vreg.gather [hbm4b:s6+s2], $0x80, v4, vm0, $0xb8;
	[tilespmem:$0x1DF00] =	vst v63  }
0x1ad: {  	_ = 	snop  }
0x1ae: {  	[tilespmem:s8], [sflag:$0x1] =	stream.indirect_vreg.gather [hbm4b:s6+s2], $0x80, v3, vm0, $0xb8;
	[tilespmem:$0x1DF00] =	vst v63  }
0x1af: {  	v3 =	vld [tilespmem:$0xD0];
	_ =	sdelay $0x4  }
0x1b0: {  	v4 =	vshll.u32 v3, $0x1  }
0x1b1: {  	v3 =	vand.u32 $0x7, v3;
	v4 =	vand.u32 $0xFFFFFFF0, v4  }
0x1b2: {  	v3 =	vor.u32 v3, v4  }
0x1b3: {  	v4 =	vperm.xlane v3, v0;
	_ =	sdelay $0x1  }
0x1b4: {  	v3 =	vperm.xlane v3, v2;
	v4 =	vadd.s32 v1, v4;
	_ =	sdelay $0x1  }
0x1b5: {  	v3 =	vadd.s32 v1, v3;
	_ =	sdelay $0x2  }
0x1b6: {  	[tilespmem:s10], [sflag:$0x1] =	stream.indirect_vreg.gather [hbm4b:s6+s2], $0x80, v4, vm0, $0xb8;
	[tilespmem:$0x1DF00] =	vst v63  }
0x1b7: {  	_ = 	snop  }
0x1b8: {  	[tilespmem:s11], [sflag:$0x1] =	stream.indirect_vreg.gather [hbm4b:s6+s2], $0x80, v3, vm0, $0xb8;
	[tilespmem:$0x1DF00] =	vst v63  }
0x1b9: {  	v3 =	vld [tilespmem:$0xE0];
	_ =	sdelay $0x4  }
0x1ba: {  	v4 =	vshll.u32 v3, $0x1  }
0x1bb: {  	v3 =	vand.u32 $0x7, v3;
	v4 =	vand.u32 $0xFFFFFFF0, v4  }
0x1bc: {  	v3 =	vor.u32 v3, v4  }
0x1bd: {  	v4 =	vperm.xlane v3, v0;
	_ =	sdelay $0x1  }
0x1be: {  	v3 =	vperm.xlane v3, v2;
	v4 =	vadd.s32 v1, v4;
	_ =	sdelay $0x1  }
0x1bf: {  	v3 =	vadd.s32 v1, v3;
	_ =	sdelay $0x2  }
0x1c0: {  	[tilespmem:s14], [sflag:$0x1] =	stream.indirect_vreg.gather [hbm4b:s6+s2], $0x80, v4, vm0, $0xb8;
	[tilespmem:$0x1DF00] =	vst v63  }
0x1c1: {  	_ = 	snop  }
0x1c2: {  	[tilespmem:s20], [sflag:$0x1] =	stream.indirect_vreg.gather [hbm4b:s6+s2], $0x80, v3, vm0, $0xb8;
	[tilespmem:$0x1DF00] =	vst v63  }
0x1c3: {  	v3 =	vld [tilespmem:$0x2820];
	_ =	sdelay $0x4  }
0x1c4: {  	v4 =	vshll.u32 v3, $0x1  }
0x1c5: {  	v3 =	vand.u32 $0x7, v3;
	v4 =	vand.u32 $0xFFFFFFF0, v4  }
0x1c6: {  	v3 =	vor.u32 v3, v4  }
0x1c7: {  	v4 =	vperm.xlane v3, v0;
	_ =	sdelay $0x1  }
0x1c8: {  	v3 =	vperm.xlane v3, v2;
	v4 =	vadd.s32 v1, v4;
	_ =	sdelay $0x1  }
0x1c9: {  	v3 =	vadd.s32 v1, v3;
	_ =	sdelay $0x2  }
0x1ca: {  	[tilespmem:s22], [sflag:$0x1] =	stream.indirect_vreg.gather [hbm4b:s6+s2], $0x80, v4, vm0, $0xb8;
	[tilespmem:$0x1DF00] =	vst v63  }
0x1cb: {  	_ = 	snop  }
0x1cc: {  	[tilespmem:s23], [sflag:$0x1] =	stream.indirect_vreg.gather [hbm4b:s6+s2], $0x80, v3, vm0, $0xb8;
	[tilespmem:$0x1DF00] =	vst v63  }
0x1cd: {  	v3 =	vld [tilespmem:$0x2830];
	_ =	sdelay $0x4  }
0x1ce: {  	v4 =	vshll.u32 v3, $0x1  }
0x1cf: {  	v3 =	vand.u32 $0x7, v3;
	v4 =	vand.u32 $0xFFFFFFF0, v4  }
0x1d0: {  	v3 =	vor.u32 v3, v4  }
0x1d1: {  	v4 =	vperm.xlane v3, v0;
	_ =	sdelay $0x1  }
0x1d2: {  	v3 =	vperm.xlane v3, v2;
	v4 =	vadd.s32 v1, v4;
	_ =	sdelay $0x1  }
0x1d3: {  	v3 =	vadd.s32 v1, v3;
	_ =	sdelay $0x2  }
0x1d4: {  	[tilespmem:s12], [sflag:$0x1] =	stream.indirect_vreg.gather [hbm4b:s6+s2], $0x80, v4, vm0, $0xb8;
	[tilespmem:$0x1DF00] =	vst v63  }
0x1d5: {  	_ = 	snop  }
0x1d6: {  	[tilespmem:s13], [sflag:$0x1] =	stream.indirect_vreg.gather [hbm4b:s6+s2], $0x80, v3, vm0, $0xb8;
	[tilespmem:$0x1DF00] =	vst v63  }
0x1d7: {  	v3 =	vld [tilespmem:$0x2840];
	_ =	sdelay $0x4  }
0x1d8: {  	v4 =	vshll.u32 v3, $0x1  }
0x1d9: {  	v3 =	vand.u32 $0x7, v3;
	v4 =	vand.u32 $0xFFFFFFF0, v4  }
0x1da: {  	v3 =	vor.u32 v3, v4  }
0x1db: {  	v4 =	vperm.xlane v3, v0;
	_ =	sdelay $0x1  }
0x1dc: {  	v3 =	vperm.xlane v3, v2;
	v4 =	vadd.s32 v1, v4;
	_ =	sdelay $0x1  }
0x1dd: {  	v3 =	vadd.s32 v1, v3;
	_ =	sdelay $0x2  }
0x1de: {  	[tilespmem:s15], [sflag:$0x1] =	stream.indirect_vreg.gather [hbm4b:s6+s2], $0x80, v4, vm0, $0xb8;
	[tilespmem:$0x1DF00] =	vst v63  }
0x1df: {  	_ = 	snop  }
0x1e0: {  	[tilespmem:s5], [sflag:$0x1] =	stream.indirect_vreg.gather [hbm4b:s6+s2], $0x80, v3, vm0, $0xb8;
	[tilespmem:$0x1DF00] =	vst v63  }
0x1e1: {  	v3 =	vld [tilespmem:$0x2850];
	_ =	sdelay $0x4  }
0x1e2: {  	v4 =	vshll.u32 v3, $0x1  }
0x1e3: {  	v3 =	vand.u32 $0x7, v3;
	v4 =	vand.u32 $0xFFFFFFF0, v4  }
0x1e4: {  	v3 =	vor.u32 v3, v4  }
0x1e5: {  	v4 =	vperm.xlane v3, v0;
	_ =	sdelay $0x1  }
0x1e6: {  	v3 =	vperm.xlane v3, v2;
	v4 =	vadd.s32 v1, v4;
	_ =	sdelay $0x1  }
0x1e7: {  	v3 =	vadd.s32 v1, v3;
	_ =	sdelay $0x2  }
0x1e8: {  	[tilespmem:s9], [sflag:$0x1] =	stream.indirect_vreg.gather [hbm4b:s6+s2], $0x80, v4, vm0, $0xb8;
	[tilespmem:$0x1DF00] =	vst v63  }
0x1e9: {  	_ = 	snop  }
0x1ea: {  	[tilespmem:s16], [sflag:$0x1] =	stream.indirect_vreg.gather [hbm4b:s6+s2], $0x80, v3, vm0, $0xb8;
	[tilespmem:$0x1DF00] =	vst v63  }
0x1eb: {  	v3 =	vld [tilespmem:$0x2860];
	_ =	sdelay $0x4  }
0x1ec: {  	v4 =	vshll.u32 v3, $0x1  }
0x1ed: {  	v3 =	vand.u32 $0x7, v3;
	v4 =	vand.u32 $0xFFFFFFF0, v4  }
0x1ee: {  	v3 =	vor.u32 v3, v4  }
0x1ef: {  	v4 =	vperm.xlane v3, v0;
	_ =	sdelay $0x1  }
0x1f0: {  	v3 =	vperm.xlane v3, v2;
	v4 =	vadd.s32 v1, v4;
	_ =	sdelay $0x1  }
0x1f1: {  	v3 =	vadd.s32 v1, v3;
	_ =	sdelay $0x2  }
0x1f2: {  	[tilespmem:s18], [sflag:$0x1] =	stream.indirect_vreg.gather [hbm4b:s6+s2], $0x80, v4, vm0, $0xb8;
	[tilespmem:$0x1DF00] =	vst v63  }
0x1f3: {  	s29 =	simm.s32 $0x2  }
0x1f4: {  	[tilespmem:s19], [sflag:$0x1] =	stream.indirect_vreg.gather [hbm4b:s6+s2], $0x80, v3, vm0, $0xb8;
	[tilespmem:$0x1DF00] =	vst v63  }
0x1f5: {  	_ =	swait.ge [sflag:s29], $0x2800  }
0x1f6: {  	[sflag:s29] =	ssyncset.done $0x0  }
0x1f7: {  	[sflag:s29] =	ssyncadd.s32 $0xFFFFD800  }
0x1f8: {  	_ =	swait.ge [sflag:s29], $0x5000  }
0x1f9: {  	[sflag:s29] =	ssyncset.done $0x0  }
0x1fa: {  	[sflag:s29] =	ssyncadd.s32 $0xFFFFB000  }
0x1fb: {  	_ =	swait.ge [sflag:s29], $0x5000  }
0x1fc: {  	s30 =	sand.u32 $0x7800, s2;
	s31 =	sand.u32 $0x380, s2;
	[sflag:s29] =	ssyncset.done $0x0  }
0x1fd: {  	s3 =	sor.u32 s31, s30;
	[sflag:s29] =	ssyncadd.s32 $0xFFFFB000  }
0x1fe: {  	s25 =	simm.s32 $0x1B740;
	v3 =	vld [tilespmem:s3+$0x14300]  }
0x1ff: {  	v4 =	vld [tilespmem:s25+$0xFFFFFFC0]  }
0x200: {  	v5 =	vld [tilespmem:s3+$0xA300];
	_ =	sdelay $0x3  }
0x201: {  	v3 =	vadd.f32 v3, v4  }
0x202: {  	v4 =	vadd.f32 v5, v4;
	v5 =	vld [tilespmem:s3+$0x14310]  }
0x203: {  	[tilespmem:s3+$0x9F00] =	vst.add.f32.msk $0xffff, v3  }
0x204: {  	[tilespmem:s3+$0x13F00] =	vst.add.f32.msk $0xffff, v4  }
0x205: {  	v3 =	vld [tilespmem:s25+$0xFFFFFFD0]  }
0x206: {  	v6 =	vld [tilespmem:s3+$0xA310];
	_ =	sdelay $0x3  }
0x207: {  	v4 =	vadd.f32 v5, v3  }
0x208: {  	v3 =	vadd.f32 v6, v3;
	v6 =	vld [tilespmem:s3+$0x14320]  }
0x209: {  	[tilespmem:s3+$0x9F10] =	vst.add.f32.msk $0xffff, v4  }
0x20a: {  	[tilespmem:s3+$0x13F10] =	vst.add.f32.msk $0xffff, v3  }
0x20b: {  	v3 =	vld [tilespmem:s25+$0xFFFFFFE0]  }
0x20c: {  	v5 =	vld [tilespmem:s3+$0xA320];
	_ =	sdelay $0x3  }
0x20d: {  	v4 =	vadd.f32 v6, v3  }
0x20e: {  	v3 =	vadd.f32 v5, v3;
	v5 =	vld [tilespmem:s3+$0x14330]  }
0x20f: {  	[tilespmem:s3+$0x9F20] =	vst.add.f32.msk $0xffff, v4  }
0x210: {  	[tilespmem:s3+$0x13F20] =	vst.add.f32.msk $0xffff, v3  }
0x211: {  	v3 =	vld [tilespmem:s25+$0xFFFFFFF0]  }
0x212: {  	v6 =	vld [tilespmem:s3+$0xA330];
	_ =	sdelay $0x3  }
0x213: {  	v4 =	vadd.f32 v5, v3  }
0x214: {  	v3 =	vadd.f32 v6, v3;
	v6 =	vld [tilespmem:s3+$0x14340]  }
0x215: {  	[tilespmem:s3+$0x9F30] =	vst.add.f32.msk $0xffff, v4  }
0x216: {  	[tilespmem:s3+$0x13F30] =	vst.add.f32.msk $0xffff, v3  }
0x217: {  	v3 =	vld [tilespmem:s25+$0x0]  }
0x218: {  	v5 =	vld [tilespmem:s3+$0xA340];
	_ =	sdelay $0x3  }
0x219: {  	v4 =	vadd.f32 v6, v3  }
0x21a: {  	v3 =	vadd.f32 v5, v3;
	v5 =	vld [tilespmem:s3+$0x14350]  }
0x21b: {  	[tilespmem:s3+$0x9F40] =	vst.add.f32.msk $0xffff, v4  }
0x21c: {  	[tilespmem:s3+$0x13F40] =	vst.add.f32.msk $0xffff, v3  }
0x21d: {  	v4 =	vld [tilespmem:s25+$0x10]  }
0x21e: {  	v6 =	vld [tilespmem:s3+$0xA350];
	_ =	sdelay $0x3  }
0x21f: {  	v3 =	vld [tilespmem:s3+$0xA360];
	v5 =	vadd.f32 v5, v4  }
0x220: {  	v6 =	vadd.f32 v6, v4;
	v4 =	vld [tilespmem:s3+$0x14360]  }
0x221: {  	[tilespmem:s3+$0x9F50] =	vst.add.f32.msk $0xffff, v5  }
0x222: {  	[tilespmem:s3+$0x13F50] =	vst.add.f32.msk $0xffff, v6  }
0x223: {  	s28 =	simm.s32 $0x80;
	s26 =	simm.s32 $0x1B740;
	v5 =	vld [tilespmem:s25+$0x20]  }
.LBB2_4:
0x224: {  	_ = 	snop  }
0x225: {  	p0 =	sne.s32 s28, $0x2780;
	s2 =	sadd.s32 $0x100, s2;
	s25 =	sadd.s32 $0x80, s25  }
0x226: {  	s1 =	smov.u32 s28;
	s28 =	sadd.s32 $0x80, s28;
	_ =	sdelay $0x1  }
0x227: {  	v4 =	vadd.f32 v4, v5;
	v3 =	vadd.f32 v3, v5;
	v5 =	vld [tilespmem:s3+$0xA370]  }
0x228: {  	v6 =	vld [tilespmem:s3+$0x14370]  }
0x229: {  	[tilespmem:s3+$0x9F60] =	vst.add.f32.msk $0xffff, v4  }
0x22a: {  	[tilespmem:s3+$0x13F60] =	vst.add.f32.msk $0xffff, v3  }
0x22b: {  	s29 =	sand.u32 $0x7800, s2;
	s1 =	sand.u32 $0x380, s1;
	v3 =	vld [tilespmem:s26+$0x30];
	s26 =	smov.u32 s25  }
0x22c: {  	s1 =	sor.u32 s1, s29;
	_ =	sdelay $0x2  }
0x22d: {  	v4 =	vld [tilespmem:s1+$0x14300]  }
0x22e: {  	v6 =	vadd.f32 v6, v3;
	v3 =	vadd.f32 v5, v3  }
0x22f: {  	v5 =	vld [tilespmem:s1+$0xA300]  }
0x230: {  	[tilespmem:s3+$0x9F70] =	vst.add.f32.msk $0xffff, v6  }
0x231: {  	[tilespmem:s3+$0x13F70] =	vst.add.f32.msk $0xffff, v3;
	s3 =	smov.u32 s1  }
0x232: {  	v3 =	vld [tilespmem:s25+$0xFFFFFFC0];
	_ =	sdelay $0x4  }
0x233: {  	v4 =	vadd.f32 v4, v3;
	v3 =	vadd.f32 v5, v3;
	v5 =	vld [tilespmem:s3+$0xA310]  }
0x234: {  	v6 =	vld [tilespmem:s3+$0x14310]  }
0x235: {  	[tilespmem:s3+$0x9F00] =	vst.add.f32.msk $0xffff, v4  }
0x236: {  	[tilespmem:s3+$0x13F00] =	vst.add.f32.msk $0xffff, v3  }
0x237: {  	v3 =	vld [tilespmem:s25+$0xFFFFFFD0];
	_ =	sdelay $0x4  }
0x238: {  	v4 =	vadd.f32 v6, v3;
	v3 =	vadd.f32 v5, v3;
	v5 =	vld [tilespmem:s3+$0xA320]  }
0x239: {  	v6 =	vld [tilespmem:s3+$0x14320]  }
0x23a: {  	[tilespmem:s3+$0x9F10] =	vst.add.f32.msk $0xffff, v4  }
0x23b: {  	[tilespmem:s3+$0x13F10] =	vst.add.f32.msk $0xffff, v3  }
0x23c: {  	v3 =	vld [tilespmem:s25+$0xFFFFFFE0];
	_ =	sdelay $0x4  }
0x23d: {  	v4 =	vadd.f32 v6, v3;
	v3 =	vadd.f32 v5, v3;
	v5 =	vld [tilespmem:s3+$0xA330]  }
0x23e: {  	v6 =	vld [tilespmem:s3+$0x14330]  }
0x23f: {  	[tilespmem:s3+$0x9F20] =	vst.add.f32.msk $0xffff, v4  }
0x240: {  	[tilespmem:s3+$0x13F20] =	vst.add.f32.msk $0xffff, v3  }
0x241: {  	v3 =	vld [tilespmem:s25+$0xFFFFFFF0];
	_ =	sdelay $0x4  }
0x242: {  	v4 =	vadd.f32 v6, v3;
	v3 =	vadd.f32 v5, v3;
	v5 =	vld [tilespmem:s3+$0xA340]  }
0x243: {  	v6 =	vld [tilespmem:s3+$0x14340]  }
0x244: {  	[tilespmem:s3+$0x9F30] =	vst.add.f32.msk $0xffff, v4  }
0x245: {  	[tilespmem:s3+$0x13F30] =	vst.add.f32.msk $0xffff, v3  }
0x246: {  	v3 =	vld [tilespmem:s25+$0x0];
	_ =	sdelay $0x4  }
0x247: {  	v4 =	vadd.f32 v6, v3;
	v3 =	vadd.f32 v5, v3;
	v5 =	vld [tilespmem:s3+$0xA350]  }
0x248: {  	v6 =	vld [tilespmem:s3+$0x14350]  }
0x249: {  	[tilespmem:s3+$0x9F40] =	vst.add.f32.msk $0xffff, v4  }
0x24a: {  	[tilespmem:s3+$0x13F40] =	vst.add.f32.msk $0xffff, v3  }
0x24b: {  	v3 =	vld [tilespmem:s25+$0x10];
	_ =	sdelay $0x4  }
.Ltmp1:
0x24c: {  	v6 =	vadd.f32 v6, v3;
	v5 =	vadd.f32 v5, v3;
	v3 =	vld [tilespmem:s3+$0xA360];
	(pc) =	sbr.rel @p0 .LBB2_4-.Ltmp1, $4  }
0x24d: {  	v4 =	vld [tilespmem:s3+$0x14360]  }
0x24e: {  	[tilespmem:s3+$0x9F50] =	vst.add.f32.msk $0xffff, v6  }
0x24f: {  	[tilespmem:s3+$0x13F50] =	vst.add.f32.msk $0xffff, v5  }
0x250: {  	v5 =	vld [tilespmem:s25+$0x20]  }
0x251: {  	_ =	sdelay $0x3  }
0x252: {  	v4 =	vadd.f32 v4, v5  }
0x253: {  	v62 =	vld [tilespmem:s3+$0x14370];
	v3 =	vadd.f32 v3, v5  }
0x254: {  	[tilespmem:s3+$0x9F60] =	vst.add.f32.msk $0xffff, v4  }
0x255: {  	[tilespmem:s3+$0x13F60] =	vst.add.f32.msk $0xffff, v3  }
0x256: {  	v3 =	vld [tilespmem:s26+$0x30]  }
0x257: {  	v6 =	vld [tilespmem:s3+$0xA370];
	_ =	sdelay $0x3  }
0x258: {  	v63 =	vadd.f32 v62, v3  }
0x259: {  	v3 =	vadd.f32 v6, v3  }
0x25a: {  	[tilespmem:s3+$0x9F70] =	vst.add.f32.msk $0xffff, v63  }
0x25b: {  	s25 =	simm.s32 $0x0;
	s0 =	rddreg [dreg:$0xb];
	s19 =	simm.s32 $0x9F00;
	[tilespmem:s3+$0x13F70] =	vst.add.f32.msk $0xffff, v3  }
0x25c: {  	[hbm4b:s0+s25] =	stream.linear.scatter [tilespmem:s19], [sflag:$0x4], $0x400, $0x38;
	[tilespmem:$0x1DF00] =	vst v63  }
0x25d: {  	s29 =	simm.s32 $0xA700;
	s1 =	sadd.s32 $0x80, s0  }
0x25e: {  	[hbm4b:s1+s25] =	stream.linear.scatter [tilespmem:s29], [sflag:$0x4], $0x400, $0x38;
	[tilespmem:$0x1DF00] =	vst v63  }
0x25f: {  	s5 =	simm.s32 $0xAF00;
	s12 =	sadd.s32 $0x100, s0  }
0x260: {  	[hbm4b:s12+s25] =	stream.linear.scatter [tilespmem:s5], [sflag:$0x4], $0x400, $0x38;
	[tilespmem:$0x1DF00] =	vst v63  }
0x261: {  	s7 =	simm.s32 $0xB700;
	s13 =	sadd.s32 $0x180, s0  }
0x262: {  	[hbm4b:s13+s25] =	stream.linear.scatter [tilespmem:s7], [sflag:$0x4], $0x400, $0x38;
	[tilespmem:$0x1DF00] =	vst v63  }
0x263: {  	s8 =	simm.s32 $0xBF00;
	s14 =	sadd.s32 $0x200, s0  }
0x264: {  	[hbm4b:s14+s25] =	stream.linear.scatter [tilespmem:s8], [sflag:$0x4], $0x400, $0x38;
	[tilespmem:$0x1DF00] =	vst v63  }
0x265: {  	s9 =	simm.s32 $0xC700;
	s15 =	sadd.s32 $0x280, s0  }
0x266: {  	[hbm4b:s15+s25] =	stream.linear.scatter [tilespmem:s9], [sflag:$0x4], $0x400, $0x38;
	[tilespmem:$0x1DF00] =	vst v63  }
0x267: {  	s10 =	simm.s32 $0xCF00;
	s16 =	sadd.s32 $0x300, s0  }
0x268: {  	[hbm4b:s16+s25] =	stream.linear.scatter [tilespmem:s10], [sflag:$0x4], $0x400, $0x38;
	[tilespmem:$0x1DF00] =	vst v63  }
0x269: {  	s11 =	simm.s32 $0xD700;
	s18 =	sadd.s32 $0x380, s0  }
0x26a: {  	[hbm4b:s18+s25] =	stream.linear.scatter [tilespmem:s11], [sflag:$0x4], $0x400, $0x38;
	[tilespmem:$0x1DF00] =	vst v63  }
0x26b: {  	s20 =	sadd.s32 $0x400, s0;
	s12 =	simm.s32 $0xDF00  }
0x26c: {  	[hbm4b:s20+s25] =	stream.linear.scatter [tilespmem:s12], [sflag:$0x4], $0x400, $0x38;
	[tilespmem:$0x1DF00] =	vst v63  }
0x26d: {  	s21 =	sadd.s32 $0x480, s0;
	s13 =	simm.s32 $0xE700  }
0x26e: {  	[hbm4b:s21+s25] =	stream.linear.scatter [tilespmem:s13], [sflag:$0x4], $0x400, $0x38;
	[tilespmem:$0x1DF00] =	vst v63  }
0x26f: {  	s0 =	rddreg [dreg:$0xc];
	s14 =	simm.s32 $0x13F00  }
0x270: {  	[hbm4b:s0+s25] =	stream.linear.scatter [tilespmem:s14], [sflag:$0x4], $0x400, $0x38;
	[tilespmem:$0x1DF00] =	vst v63  }
0x271: {  	s22 =	sadd.s32 $0x80, s0;
	s15 =	simm.s32 $0x14700  }
0x272: {  	[hbm4b:s22+s25] =	stream.linear.scatter [tilespmem:s15], [sflag:$0x4], $0x400, $0x38;
	[tilespmem:$0x1DF00] =	vst v63  }
0x273: {  	s23 =	sadd.s32 $0x100, s0;
	s16 =	simm.s32 $0x14F00  }
0x274: {  	[hbm4b:s23+s25] =	stream.linear.scatter [tilespmem:s16], [sflag:$0x4], $0x400, $0x38;
	[tilespmem:$0x1DF00] =	vst v63  }
0x275: {  	s24 =	sadd.s32 $0x180, s0;
	s18 =	simm.s32 $0x15700  }
0x276: {  	[hbm4b:s24+s25] =	stream.linear.scatter [tilespmem:s18], [sflag:$0x4], $0x400, $0x38;
	[tilespmem:$0x1DF00] =	vst v63  }
0x277: {  	s26 =	sadd.s32 $0x200, s0;
	s20 =	simm.s32 $0x15F00  }
0x278: {  	[hbm4b:s26+s25] =	stream.linear.scatter [tilespmem:s20], [sflag:$0x4], $0x400, $0x38;
	[tilespmem:$0x1DF00] =	vst v63  }
0x279: {  	s2 =	sadd.s32 $0x280, s0;
	s22 =	simm.s32 $0x16700  }
0x27a: {  	[hbm4b:s2+s25] =	stream.linear.scatter [tilespmem:s22], [sflag:$0x4], $0x400, $0x38;
	[tilespmem:$0x1DF00] =	vst v63  }
0x27b: {  	s3 =	sadd.s32 $0x300, s0;
	s23 =	simm.s32 $0x16F00  }
0x27c: {  	[hbm4b:s3+s25] =	stream.linear.scatter [tilespmem:s23], [sflag:$0x4], $0x400, $0x38;
	[tilespmem:$0x1DF00] =	vst v63  }
0x27d: {  	s28 =	simm.s32 $0x17700;
	s21 =	sadd.s32 $0x380, s0  }
0x27e: {  	[hbm4b:s21+s25] =	stream.linear.scatter [tilespmem:s28], [sflag:$0x4], $0x400, $0x38;
	[tilespmem:$0x1DF00] =	vst v63  }
0x27f: {  	s30 =	simm.s32 $0x17F00;
	s24 =	sadd.s32 $0x400, s0  }
0x280: {  	[hbm4b:s24+s25] =	stream.linear.scatter [tilespmem:s30], [sflag:$0x4], $0x400, $0x38;
	[tilespmem:$0x1DF00] =	vst v63  }
0x281: {  	s31 =	simm.s32 $0x18700;
	s26 =	sadd.s32 $0x480, s0;
	s2 =	simm.s32 $0x0  }
0x282: {  	[hbm4b:s26+s25] =	stream.linear.scatter [tilespmem:s31], [sflag:$0x4], $0x400, $0x38;
	[tilespmem:$0x1DF00] =	vst v63  }
.LBB2_6:
0x283: {  	s24 =	simm.s32 $0x4  }
0x284: {  	_ =	swait.ge [sflag:s24], $0x2800  }
0x285: {  	[sflag:s24] =	ssyncset.done $0x0  }
0x286: {  	s26 =	smul.u32 $0xA0, s2;
	[sflag:s24] =	ssyncadd.s32 $0xFFFFD800  }
0x287: {  	_ =	swait.ge [sflag:s24], $0x2800  }
0x288: {  	s1 =	sadd.s32 $0xF0, s26;
	s0 =	rddreg [dreg:$0x12]  }
0x289: {  	s1 =	sadd.s32 s0, s1  }
0x28a: {  	[sflag:s24] =	ssyncset.done $0x0;
	s3 =	sshll.u32 s1, $0x4;
	s1 =	rddreg [dreg:$0x11]  }
0x28b: {  	s21 =	simm.s32 $0x1B700;
	[sflag:s24] =	ssyncadd.s32 $0xFFFFD800;
	s1 =	sadd.s32 s1, s3  }
0x28c: {  	[tilespmem:s21], [sflag:$0x2] =	stream.linear.gather [hbm4b:s1+s25], $0x2800, $0x38;
	[tilespmem:$0x1DF00] =	vst v63  }
0x28d: {  	v3 =	vld [tilespmem:s26+$0xF0];
	_ =	sdelay $0x4  }
0x28e: {  	v4 =	vshll.u32 v3, $0x1  }
0x28f: {  	v3 =	vand.u32 $0x7, v3;
	v4 =	vand.u32 $0xFFFFFFF0, v4  }
0x290: {  	v3 =	vor.u32 v3, v4  }
0x291: {  	v4 =	vperm.xlane v3, v0;
	_ =	sdelay $0x1  }
0x292: {  	v3 =	vperm.xlane v3, v2;
	v4 =	vadd.s32 v1, v4;
	_ =	sdelay $0x1  }
0x293: {  	v3 =	vadd.s32 v1, v3;
	_ =	sdelay $0x2  }
0x294: {  	[tilespmem:s19], [sflag:$0x2] =	stream.indirect_vreg.gather [hbm4b:s6+s25], $0x80, v4, vm0, $0xb8;
	[tilespmem:$0x1DF00] =	vst v63  }
0x295: {  	_ = 	snop  }
0x296: {  	[tilespmem:s29], [sflag:$0x2] =	stream.indirect_vreg.gather [hbm4b:s6+s25], $0x80, v3, vm0, $0xb8;
	[tilespmem:$0x1DF00] =	vst v63  }
0x297: {  	v3 =	vld [tilespmem:s26+$0x100];
	_ =	sdelay $0x4  }
0x298: {  	v4 =	vshll.u32 v3, $0x1  }
0x299: {  	v3 =	vand.u32 $0x7, v3;
	v4 =	vand.u32 $0xFFFFFFF0, v4  }
0x29a: {  	v3 =	vor.u32 v3, v4  }
0x29b: {  	v4 =	vperm.xlane v3, v0;
	_ =	sdelay $0x1  }
0x29c: {  	v3 =	vperm.xlane v3, v2;
	v4 =	vadd.s32 v1, v4;
	_ =	sdelay $0x1  }
0x29d: {  	v3 =	vadd.s32 v1, v3;
	_ =	sdelay $0x2  }
0x29e: {  	[tilespmem:s5], [sflag:$0x2] =	stream.indirect_vreg.gather [hbm4b:s6+s25], $0x80, v4, vm0, $0xb8;
	[tilespmem:$0x1DF00] =	vst v63  }
0x29f: {  	_ = 	snop  }
0x2a0: {  	[tilespmem:s7], [sflag:$0x2] =	stream.indirect_vreg.gather [hbm4b:s6+s25], $0x80, v3, vm0, $0xb8;
	[tilespmem:$0x1DF00] =	vst v63  }
0x2a1: {  	v3 =	vld [tilespmem:s26+$0x110];
	_ =	sdelay $0x4  }
0x2a2: {  	v4 =	vshll.u32 v3, $0x1  }
0x2a3: {  	v3 =	vand.u32 $0x7, v3;
	v4 =	vand.u32 $0xFFFFFFF0, v4  }
0x2a4: {  	v3 =	vor.u32 v3, v4  }
0x2a5: {  	v4 =	vperm.xlane v3, v0;
	_ =	sdelay $0x1  }
0x2a6: {  	v3 =	vperm.xlane v3, v2;
	v4 =	vadd.s32 v1, v4;
	_ =	sdelay $0x1  }
0x2a7: {  	v3 =	vadd.s32 v1, v3;
	_ =	sdelay $0x2  }
0x2a8: {  	[tilespmem:s8], [sflag:$0x2] =	stream.indirect_vreg.gather [hbm4b:s6+s25], $0x80, v4, vm0, $0xb8;
	[tilespmem:$0x1DF00] =	vst v63  }
0x2a9: {  	_ = 	snop  }
0x2aa: {  	[tilespmem:s9], [sflag:$0x2] =	stream.indirect_vreg.gather [hbm4b:s6+s25], $0x80, v3, vm0, $0xb8;
	[tilespmem:$0x1DF00] =	vst v63  }
0x2ab: {  	v3 =	vld [tilespmem:s26+$0x120];
	_ =	sdelay $0x4  }
0x2ac: {  	v4 =	vshll.u32 v3, $0x1  }
0x2ad: {  	v3 =	vand.u32 $0x7, v3;
	v4 =	vand.u32 $0xFFFFFFF0, v4  }
0x2ae: {  	v3 =	vor.u32 v3, v4  }
0x2af: {  	v4 =	vperm.xlane v3, v0;
	_ =	sdelay $0x1  }
0x2b0: {  	v3 =	vperm.xlane v3, v2;
	v4 =	vadd.s32 v1, v4;
	_ =	sdelay $0x1  }
0x2b1: {  	v3 =	vadd.s32 v1, v3;
	_ =	sdelay $0x2  }
0x2b2: {  	[tilespmem:s10], [sflag:$0x2] =	stream.indirect_vreg.gather [hbm4b:s6+s25], $0x80, v4, vm0, $0xb8;
	[tilespmem:$0x1DF00] =	vst v63  }
0x2b3: {  	_ = 	snop  }
0x2b4: {  	[tilespmem:s11], [sflag:$0x2] =	stream.indirect_vreg.gather [hbm4b:s6+s25], $0x80, v3, vm0, $0xb8;
	[tilespmem:$0x1DF00] =	vst v63  }
0x2b5: {  	v3 =	vld [tilespmem:s26+$0x130];
	_ =	sdelay $0x4  }
0x2b6: {  	v4 =	vshll.u32 v3, $0x1  }
0x2b7: {  	v3 =	vand.u32 $0x7, v3;
	v4 =	vand.u32 $0xFFFFFFF0, v4  }
0x2b8: {  	v3 =	vor.u32 v3, v4  }
0x2b9: {  	v4 =	vperm.xlane v3, v0;
	_ =	sdelay $0x1  }
0x2ba: {  	v3 =	vperm.xlane v3, v2;
	v4 =	vadd.s32 v1, v4;
	_ =	sdelay $0x1  }
0x2bb: {  	v3 =	vadd.s32 v1, v3;
	_ =	sdelay $0x2  }
0x2bc: {  	[tilespmem:s12], [sflag:$0x2] =	stream.indirect_vreg.gather [hbm4b:s6+s25], $0x80, v4, vm0, $0xb8;
	[tilespmem:$0x1DF00] =	vst v63  }
0x2bd: {  	_ = 	snop  }
0x2be: {  	[tilespmem:s13], [sflag:$0x2] =	stream.indirect_vreg.gather [hbm4b:s6+s25], $0x80, v3, vm0, $0xb8;
	[tilespmem:$0x1DF00] =	vst v63  }
0x2bf: {  	v3 =	vld [tilespmem:s26+$0x2870];
	_ =	sdelay $0x4  }
0x2c0: {  	v4 =	vshll.u32 v3, $0x1  }
0x2c1: {  	v3 =	vand.u32 $0x7, v3;
	v4 =	vand.u32 $0xFFFFFFF0, v4  }
0x2c2: {  	v3 =	vor.u32 v3, v4  }
0x2c3: {  	v4 =	vperm.xlane v3, v0;
	_ =	sdelay $0x1  }
0x2c4: {  	v3 =	vperm.xlane v3, v2;
	v4 =	vadd.s32 v1, v4;
	_ =	sdelay $0x1  }
0x2c5: {  	v3 =	vadd.s32 v1, v3;
	_ =	sdelay $0x2  }
0x2c6: {  	[tilespmem:s14], [sflag:$0x2] =	stream.indirect_vreg.gather [hbm4b:s6+s25], $0x80, v4, vm0, $0xb8;
	[tilespmem:$0x1DF00] =	vst v63  }
0x2c7: {  	_ = 	snop  }
0x2c8: {  	[tilespmem:s15], [sflag:$0x2] =	stream.indirect_vreg.gather [hbm4b:s6+s25], $0x80, v3, vm0, $0xb8;
	[tilespmem:$0x1DF00] =	vst v63  }
0x2c9: {  	v3 =	vld [tilespmem:s26+$0x2880];
	_ =	sdelay $0x4  }
0x2ca: {  	v4 =	vshll.u32 v3, $0x1  }
0x2cb: {  	v3 =	vand.u32 $0x7, v3;
	v4 =	vand.u32 $0xFFFFFFF0, v4  }
0x2cc: {  	v3 =	vor.u32 v3, v4  }
0x2cd: {  	v4 =	vperm.xlane v3, v0;
	_ =	sdelay $0x1  }
0x2ce: {  	v3 =	vperm.xlane v3, v2;
	v4 =	vadd.s32 v1, v4;
	_ =	sdelay $0x1  }
0x2cf: {  	v3 =	vadd.s32 v1, v3;
	_ =	sdelay $0x2  }
0x2d0: {  	[tilespmem:s16], [sflag:$0x2] =	stream.indirect_vreg.gather [hbm4b:s6+s25], $0x80, v4, vm0, $0xb8;
	[tilespmem:$0x1DF00] =	vst v63  }
0x2d1: {  	_ = 	snop  }
0x2d2: {  	[tilespmem:s18], [sflag:$0x2] =	stream.indirect_vreg.gather [hbm4b:s6+s25], $0x80, v3, vm0, $0xb8;
	[tilespmem:$0x1DF00] =	vst v63  }
0x2d3: {  	v3 =	vld [tilespmem:s26+$0x2890];
	_ =	sdelay $0x4  }
0x2d4: {  	v4 =	vshll.u32 v3, $0x1  }
0x2d5: {  	v3 =	vand.u32 $0x7, v3;
	v4 =	vand.u32 $0xFFFFFFF0, v4  }
0x2d6: {  	v3 =	vor.u32 v3, v4  }
0x2d7: {  	v4 =	vperm.xlane v3, v0;
	_ =	sdelay $0x1  }
0x2d8: {  	v3 =	vperm.xlane v3, v2;
	v4 =	vadd.s32 v1, v4;
	_ =	sdelay $0x1  }
0x2d9: {  	v3 =	vadd.s32 v1, v3;
	_ =	sdelay $0x2  }
0x2da: {  	[tilespmem:s20], [sflag:$0x2] =	stream.indirect_vreg.gather [hbm4b:s6+s25], $0x80, v4, vm0, $0xb8;
	[tilespmem:$0x1DF00] =	vst v63  }
0x2db: {  	_ = 	snop  }
0x2dc: {  	[tilespmem:s22], [sflag:$0x2] =	stream.indirect_vreg.gather [hbm4b:s6+s25], $0x80, v3, vm0, $0xb8;
	[tilespmem:$0x1DF00] =	vst v63  }
0x2dd: {  	v3 =	vld [tilespmem:s26+$0x28A0];
	_ =	sdelay $0x4  }
0x2de: {  	v4 =	vshll.u32 v3, $0x1  }
0x2df: {  	v3 =	vand.u32 $0x7, v3;
	v4 =	vand.u32 $0xFFFFFFF0, v4  }
0x2e0: {  	v3 =	vor.u32 v3, v4  }
0x2e1: {  	v4 =	vperm.xlane v3, v0;
	_ =	sdelay $0x1  }
0x2e2: {  	v3 =	vperm.xlane v3, v2;
	v4 =	vadd.s32 v1, v4;
	_ =	sdelay $0x1  }
0x2e3: {  	v3 =	vadd.s32 v1, v3;
	_ =	sdelay $0x2  }
0x2e4: {  	[tilespmem:s23], [sflag:$0x2] =	stream.indirect_vreg.gather [hbm4b:s6+s25], $0x80, v4, vm0, $0xb8;
	[tilespmem:$0x1DF00] =	vst v63  }
0x2e5: {  	_ = 	snop  }
0x2e6: {  	[tilespmem:s28], [sflag:$0x2] =	stream.indirect_vreg.gather [hbm4b:s6+s25], $0x80, v3, vm0, $0xb8;
	[tilespmem:$0x1DF00] =	vst v63  }
0x2e7: {  	v3 =	vld [tilespmem:s26+$0x28B0];
	_ =	sdelay $0x4  }
0x2e8: {  	v4 =	vshll.u32 v3, $0x1  }
0x2e9: {  	v3 =	vand.u32 $0x7, v3;
	v4 =	vand.u32 $0xFFFFFFF0, v4  }
0x2ea: {  	v3 =	vor.u32 v3, v4  }
0x2eb: {  	v4 =	vperm.xlane v3, v0;
	_ =	sdelay $0x1  }
0x2ec: {  	v3 =	vperm.xlane v3, v2;
	v4 =	vadd.s32 v1, v4;
	_ =	sdelay $0x1  }
0x2ed: {  	v3 =	vadd.s32 v1, v3;
	_ =	sdelay $0x2  }
0x2ee: {  	[tilespmem:s30], [sflag:$0x2] =	stream.indirect_vreg.gather [hbm4b:s6+s25], $0x80, v4, vm0, $0xb8;
	[tilespmem:$0x1DF00] =	vst v63  }
0x2ef: {  	s23 =	simm.s32 $0x1  }
0x2f0: {  	[tilespmem:s31], [sflag:$0x2] =	stream.indirect_vreg.gather [hbm4b:s6+s25], $0x80, v3, vm0, $0xb8;
	[tilespmem:$0x1DF00] =	vst v63  }
0x2f1: {  	_ =	swait.ge [sflag:s23], $0x2800  }
0x2f2: {  	[sflag:s23] =	ssyncset.done $0x0  }
0x2f3: {  	[sflag:s23] =	ssyncadd.s32 $0xFFFFD800  }
0x2f4: {  	_ =	swait.ge [sflag:s23], $0x5000  }
0x2f5: {  	[sflag:s23] =	ssyncset.done $0x0  }
0x2f6: {  	[sflag:s23] =	ssyncadd.s32 $0xFFFFB000  }
0x2f7: {  	_ =	swait.ge [sflag:s23], $0x5000  }
0x2f8: {  	s24 =	sand.u32 $0x7800, s25;
	s28 =	sand.u32 $0x380, s25;
	[sflag:s23] =	ssyncset.done $0x0  }
0x2f9: {  	s28 =	sor.u32 s28, s24;
	[sflag:s23] =	ssyncadd.s32 $0xFFFFB000  }
0x2fa: {  	s29 =	simm.s32 $0x18F40;
	v3 =	vld [tilespmem:s28+$0xF300]  }
0x2fb: {  	v4 =	vld [tilespmem:s29+$0xFFFFFFC0]  }
0x2fc: {  	v5 =	vld [tilespmem:s28+$0x5300];
	_ =	sdelay $0x3  }
0x2fd: {  	v3 =	vadd.f32 v3, v4  }
0x2fe: {  	v4 =	vadd.f32 v5, v4;
	v5 =	vld [tilespmem:s28+$0xF310]  }
0x2ff: {  	[tilespmem:s28+$0x4F00] =	vst.add.f32.msk $0xffff, v3  }
0x300: {  	[tilespmem:s28+$0xEF00] =	vst.add.f32.msk $0xffff, v4  }
0x301: {  	v3 =	vld [tilespmem:s29+$0xFFFFFFD0]  }
0x302: {  	v6 =	vld [tilespmem:s28+$0x5310];
	_ =	sdelay $0x3  }
0x303: {  	v4 =	vadd.f32 v5, v3  }
0x304: {  	v3 =	vadd.f32 v6, v3;
	v6 =	vld [tilespmem:s28+$0xF320]  }
0x305: {  	[tilespmem:s28+$0x4F10] =	vst.add.f32.msk $0xffff, v4  }
0x306: {  	[tilespmem:s28+$0xEF10] =	vst.add.f32.msk $0xffff, v3  }
0x307: {  	v3 =	vld [tilespmem:s29+$0xFFFFFFE0]  }
0x308: {  	v5 =	vld [tilespmem:s28+$0x5320];
	_ =	sdelay $0x3  }
0x309: {  	v4 =	vadd.f32 v6, v3  }
0x30a: {  	v3 =	vadd.f32 v5, v3;
	v5 =	vld [tilespmem:s28+$0xF330]  }
0x30b: {  	[tilespmem:s28+$0x4F20] =	vst.add.f32.msk $0xffff, v4  }
0x30c: {  	[tilespmem:s28+$0xEF20] =	vst.add.f32.msk $0xffff, v3  }
0x30d: {  	v3 =	vld [tilespmem:s29+$0xFFFFFFF0]  }
0x30e: {  	v6 =	vld [tilespmem:s28+$0x5330];
	_ =	sdelay $0x3  }
0x30f: {  	v4 =	vadd.f32 v5, v3  }
0x310: {  	v3 =	vadd.f32 v6, v3;
	v6 =	vld [tilespmem:s28+$0xF340]  }
0x311: {  	[tilespmem:s28+$0x4F30] =	vst.add.f32.msk $0xffff, v4  }
0x312: {  	[tilespmem:s28+$0xEF30] =	vst.add.f32.msk $0xffff, v3  }
0x313: {  	v3 =	vld [tilespmem:s29+$0x0]  }
0x314: {  	v5 =	vld [tilespmem:s28+$0x5340];
	_ =	sdelay $0x3  }
0x315: {  	v4 =	vadd.f32 v6, v3  }
0x316: {  	v3 =	vadd.f32 v5, v3;
	v5 =	vld [tilespmem:s28+$0xF350]  }
0x317: {  	[tilespmem:s28+$0x4F40] =	vst.add.f32.msk $0xffff, v4  }
0x318: {  	[tilespmem:s28+$0xEF40] =	vst.add.f32.msk $0xffff, v3  }
0x319: {  	v4 =	vld [tilespmem:s29+$0x10]  }
0x31a: {  	v6 =	vld [tilespmem:s28+$0x5350];
	_ =	sdelay $0x3  }
0x31b: {  	v3 =	vld [tilespmem:s28+$0x5360];
	v5 =	vadd.f32 v5, v4  }
0x31c: {  	v6 =	vadd.f32 v6, v4;
	v4 =	vld [tilespmem:s28+$0xF360]  }
0x31d: {  	[tilespmem:s28+$0x4F50] =	vst.add.f32.msk $0xffff, v5  }
0x31e: {  	[tilespmem:s28+$0xEF50] =	vst.add.f32.msk $0xffff, v6  }
0x31f: {  	s1 =	simm.s32 $0x0;
	s30 =	simm.s32 $0x18F40;
	s31 =	simm.s32 $0x80;
	v5 =	vld [tilespmem:s29+$0x20]  }
.LBB2_7:
0x320: {  	_ = 	snop  }
0x321: {  	p0 =	sne.s32 s31, $0x2780;
	s1 =	sadd.s32 $0x100, s1;
	s29 =	sadd.s32 $0x80, s29  }
0x322: {  	s0 =	smov.u32 s31;
	s31 =	sadd.s32 $0x80, s31;
	_ =	sdelay $0x1  }
0x323: {  	v4 =	vadd.f32 v4, v5;
	v3 =	vadd.f32 v3, v5;
	v5 =	vld [tilespmem:s28+$0x5370]  }
0x324: {  	v6 =	vld [tilespmem:s28+$0xF370]  }
0x325: {  	[tilespmem:s28+$0x4F60] =	vst.add.f32.msk $0xffff, v4  }
0x326: {  	[tilespmem:s28+$0xEF60] =	vst.add.f32.msk $0xffff, v3  }
0x327: {  	s24 =	sand.u32 $0x7800, s1;
	s0 =	sand.u32 $0x380, s0;
	v3 =	vld [tilespmem:s30+$0x30];
	s30 =	smov.u32 s29  }
0x328: {  	s0 =	sor.u32 s0, s24;
	_ =	sdelay $0x2  }
0x329: {  	v4 =	vld [tilespmem:s0+$0xF300]  }
0x32a: {  	v6 =	vadd.f32 v6, v3;
	v3 =	vadd.f32 v5, v3  }
0x32b: {  	v5 =	vld [tilespmem:s0+$0x5300]  }
0x32c: {  	[tilespmem:s28+$0x4F70] =	vst.add.f32.msk $0xffff, v6  }
0x32d: {  	[tilespmem:s28+$0xEF70] =	vst.add.f32.msk $0xffff, v3;
	s28 =	smov.u32 s0  }
0x32e: {  	v3 =	vld [tilespmem:s29+$0xFFFFFFC0];
	_ =	sdelay $0x4  }
0x32f: {  	v4 =	vadd.f32 v4, v3;
	v3 =	vadd.f32 v5, v3;
	v5 =	vld [tilespmem:s28+$0x5310]  }
0x330: {  	v6 =	vld [tilespmem:s28+$0xF310]  }
0x331: {  	[tilespmem:s28+$0x4F00] =	vst.add.f32.msk $0xffff, v4  }
0x332: {  	[tilespmem:s28+$0xEF00] =	vst.add.f32.msk $0xffff, v3  }
0x333: {  	v3 =	vld [tilespmem:s29+$0xFFFFFFD0];
	_ =	sdelay $0x4  }
0x334: {  	v4 =	vadd.f32 v6, v3;
	v3 =	vadd.f32 v5, v3;
	v5 =	vld [tilespmem:s28+$0x5320]  }
0x335: {  	v6 =	vld [tilespmem:s28+$0xF320]  }
0x336: {  	[tilespmem:s28+$0x4F10] =	vst.add.f32.msk $0xffff, v4  }
0x337: {  	[tilespmem:s28+$0xEF10] =	vst.add.f32.msk $0xffff, v3  }
0x338: {  	v3 =	vld [tilespmem:s29+$0xFFFFFFE0];
	_ =	sdelay $0x4  }
0x339: {  	v4 =	vadd.f32 v6, v3;
	v3 =	vadd.f32 v5, v3;
	v5 =	vld [tilespmem:s28+$0x5330]  }
0x33a: {  	v6 =	vld [tilespmem:s28+$0xF330]  }
0x33b: {  	[tilespmem:s28+$0x4F20] =	vst.add.f32.msk $0xffff, v4  }
0x33c: {  	[tilespmem:s28+$0xEF20] =	vst.add.f32.msk $0xffff, v3  }
0x33d: {  	v3 =	vld [tilespmem:s29+$0xFFFFFFF0];
	_ =	sdelay $0x4  }
0x33e: {  	v4 =	vadd.f32 v6, v3;
	v3 =	vadd.f32 v5, v3;
	v5 =	vld [tilespmem:s28+$0x5340]  }
0x33f: {  	v6 =	vld [tilespmem:s28+$0xF340]  }
0x340: {  	[tilespmem:s28+$0x4F30] =	vst.add.f32.msk $0xffff, v4  }
0x341: {  	[tilespmem:s28+$0xEF30] =	vst.add.f32.msk $0xffff, v3  }
0x342: {  	v3 =	vld [tilespmem:s29+$0x0];
	_ =	sdelay $0x4  }
0x343: {  	v4 =	vadd.f32 v6, v3;
	v3 =	vadd.f32 v5, v3;
	v5 =	vld [tilespmem:s28+$0x5350]  }
0x344: {  	v6 =	vld [tilespmem:s28+$0xF350]  }
0x345: {  	[tilespmem:s28+$0x4F40] =	vst.add.f32.msk $0xffff, v4  }
0x346: {  	[tilespmem:s28+$0xEF40] =	vst.add.f32.msk $0xffff, v3  }
0x347: {  	v3 =	vld [tilespmem:s29+$0x10];
	_ =	sdelay $0x4  }
.Ltmp2:
0x348: {  	v6 =	vadd.f32 v6, v3;
	v5 =	vadd.f32 v5, v3;
	v3 =	vld [tilespmem:s28+$0x5360];
	(pc) =	sbr.rel @p0 .LBB2_7-.Ltmp2, $4  }
0x349: {  	v4 =	vld [tilespmem:s28+$0xF360]  }
0x34a: {  	[tilespmem:s28+$0x4F50] =	vst.add.f32.msk $0xffff, v6  }
0x34b: {  	[tilespmem:s28+$0xEF50] =	vst.add.f32.msk $0xffff, v5  }
0x34c: {  	v5 =	vld [tilespmem:s29+$0x20]  }
0x34d: {  	_ =	sdelay $0x3  }
0x34e: {  	v4 =	vadd.f32 v4, v5  }
0x34f: {  	v3 =	vadd.f32 v3, v5;
	v5 =	vld [tilespmem:s28+$0xF370]  }
0x350: {  	[tilespmem:s28+$0x4F60] =	vst.add.f32.msk $0xffff, v4  }
0x351: {  	[tilespmem:s28+$0xEF60] =	vst.add.f32.msk $0xffff, v3  }
0x352: {  	v3 =	vld [tilespmem:s30+$0x30]  }
0x353: {  	v6 =	vld [tilespmem:s28+$0x5370];
	_ =	sdelay $0x3  }
0x354: {  	s0 =	rddreg [dreg:$0xd];
	v4 =	vadd.f32 v5, v3  }
0x355: {  	s0 =	sadd.s32 s26, s0;
	v3 =	vadd.f32 v6, v3  }
0x356: {  	s1 =	rddreg [dreg:$0x1];
	s0 =	sshll.u32 s0, $0x4;
	[tilespmem:s28+$0x4F70] =	vst.add.f32.msk $0xffff, v4  }
0x357: {  	s29 =	simm.s32 $0x4F00;
	s1 =	sadd.s32 s1, s0;
	[tilespmem:s28+$0xEF70] =	vst.add.f32.msk $0xffff, v3;
	s28 =	simm.s32 $0x0  }
0x358: {  	[hbm4b:s1+s28] =	stream.linear.scatter [tilespmem:s29], [sflag:$0x3], $0x400, $0x38;
	[tilespmem:$0x1DF00] =	vst v63  }
0x359: {  	s24 =	sadd.s32 $0x80, s1;
	s30 =	simm.s32 $0x5700  }
0x35a: {  	[hbm4b:s24+s28] =	stream.linear.scatter [tilespmem:s30], [sflag:$0x3], $0x400, $0x38;
	[tilespmem:$0x1DF00] =	vst v63  }
0x35b: {  	s31 =	simm.s32 $0x5F00;
	s10 =	sadd.s32 $0x100, s1  }
0x35c: {  	[hbm4b:s10+s28] =	stream.linear.scatter [tilespmem:s31], [sflag:$0x3], $0x400, $0x38;
	[tilespmem:$0x1DF00] =	vst v63  }
0x35d: {  	s22 =	simm.s32 $0x6700;
	s11 =	sadd.s32 $0x180, s1  }
0x35e: {  	[hbm4b:s11+s28] =	stream.linear.scatter [tilespmem:s22], [sflag:$0x3], $0x400, $0x38;
	[tilespmem:$0x1DF00] =	vst v63  }
0x35f: {  	s7 =	simm.s32 $0x6F00;
	s12 =	sadd.s32 $0x200, s1  }
0x360: {  	[hbm4b:s12+s28] =	stream.linear.scatter [tilespmem:s7], [sflag:$0x3], $0x400, $0x38;
	[tilespmem:$0x1DF00] =	vst v63  }
0x361: {  	s8 =	simm.s32 $0x7700;
	s13 =	sadd.s32 $0x280, s1  }
0x362: {  	[hbm4b:s13+s28] =	stream.linear.scatter [tilespmem:s8], [sflag:$0x3], $0x400, $0x38;
	[tilespmem:$0x1DF00] =	vst v63  }
0x363: {  	s14 =	sadd.s32 $0x300, s1;
	s10 =	simm.s32 $0x7F00  }
0x364: {  	[hbm4b:s14+s28] =	stream.linear.scatter [tilespmem:s10], [sflag:$0x3], $0x400, $0x38;
	[tilespmem:$0x1DF00] =	vst v63  }
0x365: {  	s15 =	sadd.s32 $0x380, s1;
	s11 =	simm.s32 $0x8700  }
0x366: {  	[hbm4b:s15+s28] =	stream.linear.scatter [tilespmem:s11], [sflag:$0x3], $0x400, $0x38;
	[tilespmem:$0x1DF00] =	vst v63  }
0x367: {  	s16 =	sadd.s32 $0x400, s1;
	s14 =	simm.s32 $0x8F00  }
0x368: {  	[hbm4b:s16+s28] =	stream.linear.scatter [tilespmem:s14], [sflag:$0x3], $0x400, $0x38;
	[tilespmem:$0x1DF00] =	vst v63  }
0x369: {  	s20 =	simm.s32 $0x9700;
	s1 =	sadd.s32 $0x480, s1  }
0x36a: {  	[hbm4b:s1+s28] =	stream.linear.scatter [tilespmem:s20], [sflag:$0x3], $0x400, $0x38;
	[tilespmem:$0x1DF00] =	vst v63  }
0x36b: {  	s21 =	simm.s32 $0xEF00;
	s0 =	sadd.s32 s17, s0  }
0x36c: {  	[hbm4b:s0+s28] =	stream.linear.scatter [tilespmem:s21], [sflag:$0x3], $0x400, $0x38;
	[tilespmem:$0x1DF00] =	vst v63  }
0x36d: {  	s23 =	simm.s32 $0xF700;
	s18 =	sadd.s32 $0x80, s0  }
0x36e: {  	[hbm4b:s18+s28] =	stream.linear.scatter [tilespmem:s23], [sflag:$0x3], $0x400, $0x38;
	[tilespmem:$0x1DF00] =	vst v63  }
0x36f: {  	s19 =	sadd.s32 $0x100, s0;
	s12 =	simm.s32 $0xFF00  }
0x370: {  	[hbm4b:s19+s28] =	stream.linear.scatter [tilespmem:s12], [sflag:$0x3], $0x400, $0x38;
	[tilespmem:$0x1DF00] =	vst v63  }
0x371: {  	s24 =	sadd.s32 $0x180, s0;
	s13 =	simm.s32 $0x10700  }
0x372: {  	[hbm4b:s24+s28] =	stream.linear.scatter [tilespmem:s13], [sflag:$0x3], $0x400, $0x38;
	[tilespmem:$0x1DF00] =	vst v63  }
0x373: {  	s5 =	sadd.s32 $0x200, s0;
	s15 =	simm.s32 $0x10F00  }
0x374: {  	[hbm4b:s5+s28] =	stream.linear.scatter [tilespmem:s15], [sflag:$0x3], $0x400, $0x38;
	[tilespmem:$0x1DF00] =	vst v63  }
0x375: {  	s9 =	sadd.s32 $0x280, s0;
	s5 =	simm.s32 $0x11700  }
0x376: {  	[hbm4b:s9+s28] =	stream.linear.scatter [tilespmem:s5], [sflag:$0x3], $0x400, $0x38;
	[tilespmem:$0x1DF00] =	vst v63  }
0x377: {  	s16 =	sadd.s32 $0x300, s0;
	s9 =	simm.s32 $0x11F00  }
0x378: {  	[hbm4b:s16+s28] =	stream.linear.scatter [tilespmem:s9], [sflag:$0x3], $0x400, $0x38;
	[tilespmem:$0x1DF00] =	vst v63  }
0x379: {  	s18 =	sadd.s32 $0x380, s0;
	s16 =	simm.s32 $0x12700  }
0x37a: {  	[hbm4b:s18+s28] =	stream.linear.scatter [tilespmem:s16], [sflag:$0x3], $0x400, $0x38;
	[tilespmem:$0x1DF00] =	vst v63  }
0x37b: {  	s19 =	sadd.s32 $0x400, s0;
	s18 =	simm.s32 $0x12F00  }
0x37c: {  	[hbm4b:s19+s28] =	stream.linear.scatter [tilespmem:s18], [sflag:$0x3], $0x400, $0x38;
	[tilespmem:$0x1DF00] =	vst v63  }
0x37d: {  	s0 =	sadd.s32 $0x480, s0;
	s24 =	simm.s32 $0x3;
	s19 =	simm.s32 $0x13700  }
0x37e: {  	[hbm4b:s0+s28] =	stream.linear.scatter [tilespmem:s19], [sflag:$0x3], $0x400, $0x38;
	[tilespmem:$0x1DF00] =	vst v63  }
0x37f: {  	_ =	swait.ge [sflag:s24], $0x2800  }
0x380: {  	[sflag:s24] =	ssyncset.done $0x0  }
0x381: {  	[sflag:s24] =	ssyncadd.s32 $0xFFFFD800  }
0x382: {  	_ =	swait.ge [sflag:s24], $0x2800  }
0x383: {  	s0 =	sadd.s32 $0x140, s26;
	s1 =	rddreg [dreg:$0x12]  }
0x384: {  	[sflag:s24] =	ssyncset.done $0x0;
	s0 =	sadd.s32 s1, s0  }
0x385: {  	[sflag:s24] =	ssyncadd.s32 $0xFFFFD800;
	s24 =	rddreg [dreg:$0x11];
	s0 =	sshll.u32 s0, $0x4  }
0x386: {  	s0 =	sadd.s32 s24, s0;
	s24 =	simm.s32 $0x18F00  }
0x387: {  	[tilespmem:s24], [sflag:$0x1] =	stream.linear.gather [hbm4b:s0+s28], $0x2800, $0x38;
	[tilespmem:$0x1DF00] =	vst v63  }
0x388: {  	v3 =	vld [tilespmem:s26+$0x140];
	_ =	sdelay $0x4  }
0x389: {  	v4 =	vshll.u32 v3, $0x1  }
0x38a: {  	v3 =	vand.u32 $0x7, v3;
	v4 =	vand.u32 $0xFFFFFFF0, v4  }
0x38b: {  	v3 =	vor.u32 v3, v4  }
0x38c: {  	v4 =	vperm.xlane v3, v0;
	_ =	sdelay $0x1  }
0x38d: {  	v3 =	vperm.xlane v3, v2;
	v4 =	vadd.s32 v1, v4;
	_ =	sdelay $0x1  }
0x38e: {  	v3 =	vadd.s32 v1, v3;
	_ =	sdelay $0x2  }
0x38f: {  	[tilespmem:s29], [sflag:$0x1] =	stream.indirect_vreg.gather [hbm4b:s6+s28], $0x80, v4, vm0, $0xb8;
	[tilespmem:$0x1DF00] =	vst v63  }
0x390: {  	_ = 	snop  }
0x391: {  	[tilespmem:s30], [sflag:$0x1] =	stream.indirect_vreg.gather [hbm4b:s6+s28], $0x80, v3, vm0, $0xb8;
	[tilespmem:$0x1DF00] =	vst v63  }
0x392: {  	v3 =	vld [tilespmem:s26+$0x150];
	_ =	sdelay $0x4  }
0x393: {  	v4 =	vshll.u32 v3, $0x1  }
0x394: {  	v3 =	vand.u32 $0x7, v3;
	v4 =	vand.u32 $0xFFFFFFF0, v4  }
0x395: {  	v3 =	vor.u32 v3, v4  }
0x396: {  	v4 =	vperm.xlane v3, v0;
	_ =	sdelay $0x1  }
0x397: {  	v3 =	vperm.xlane v3, v2;
	v4 =	vadd.s32 v1, v4;
	_ =	sdelay $0x1  }
0x398: {  	v3 =	vadd.s32 v1, v3;
	_ =	sdelay $0x2  }
0x399: {  	[tilespmem:s31], [sflag:$0x1] =	stream.indirect_vreg.gather [hbm4b:s6+s28], $0x80, v4, vm0, $0xb8;
	[tilespmem:$0x1DF00] =	vst v63  }
0x39a: {  	_ = 	snop  }
0x39b: {  	[tilespmem:s22], [sflag:$0x1] =	stream.indirect_vreg.gather [hbm4b:s6+s28], $0x80, v3, vm0, $0xb8;
	[tilespmem:$0x1DF00] =	vst v63  }
0x39c: {  	v3 =	vld [tilespmem:s26+$0x160];
	_ =	sdelay $0x4  }
0x39d: {  	v4 =	vshll.u32 v3, $0x1  }
0x39e: {  	v3 =	vand.u32 $0x7, v3;
	v4 =	vand.u32 $0xFFFFFFF0, v4  }
0x39f: {  	v3 =	vor.u32 v3, v4  }
0x3a0: {  	v4 =	vperm.xlane v3, v0;
	_ =	sdelay $0x1  }
0x3a1: {  	v3 =	vperm.xlane v3, v2;
	v4 =	vadd.s32 v1, v4;
	_ =	sdelay $0x1  }
0x3a2: {  	v3 =	vadd.s32 v1, v3;
	_ =	sdelay $0x2  }
0x3a3: {  	[tilespmem:s7], [sflag:$0x1] =	stream.indirect_vreg.gather [hbm4b:s6+s28], $0x80, v4, vm0, $0xb8;
	[tilespmem:$0x1DF00] =	vst v63  }
0x3a4: {  	_ = 	snop  }
0x3a5: {  	[tilespmem:s8], [sflag:$0x1] =	stream.indirect_vreg.gather [hbm4b:s6+s28], $0x80, v3, vm0, $0xb8;
	[tilespmem:$0x1DF00] =	vst v63  }
0x3a6: {  	v3 =	vld [tilespmem:s26+$0x170];
	_ =	sdelay $0x4  }
0x3a7: {  	v4 =	vshll.u32 v3, $0x1  }
0x3a8: {  	v3 =	vand.u32 $0x7, v3;
	v4 =	vand.u32 $0xFFFFFFF0, v4  }
0x3a9: {  	v3 =	vor.u32 v3, v4  }
0x3aa: {  	v4 =	vperm.xlane v3, v0;
	_ =	sdelay $0x1  }
0x3ab: {  	v3 =	vperm.xlane v3, v2;
	v4 =	vadd.s32 v1, v4;
	_ =	sdelay $0x1  }
0x3ac: {  	v3 =	vadd.s32 v1, v3;
	_ =	sdelay $0x2  }
0x3ad: {  	[tilespmem:s10], [sflag:$0x1] =	stream.indirect_vreg.gather [hbm4b:s6+s28], $0x80, v4, vm0, $0xb8;
	[tilespmem:$0x1DF00] =	vst v63  }
0x3ae: {  	_ = 	snop  }
0x3af: {  	[tilespmem:s11], [sflag:$0x1] =	stream.indirect_vreg.gather [hbm4b:s6+s28], $0x80, v3, vm0, $0xb8;
	[tilespmem:$0x1DF00] =	vst v63  }
0x3b0: {  	v3 =	vld [tilespmem:s26+$0x180];
	_ =	sdelay $0x4  }
0x3b1: {  	v4 =	vshll.u32 v3, $0x1  }
0x3b2: {  	v3 =	vand.u32 $0x7, v3;
	v4 =	vand.u32 $0xFFFFFFF0, v4  }
0x3b3: {  	v3 =	vor.u32 v3, v4  }
0x3b4: {  	v4 =	vperm.xlane v3, v0;
	_ =	sdelay $0x1  }
0x3b5: {  	v3 =	vperm.xlane v3, v2;
	v4 =	vadd.s32 v1, v4;
	_ =	sdelay $0x1  }
0x3b6: {  	v3 =	vadd.s32 v1, v3;
	_ =	sdelay $0x2  }
0x3b7: {  	[tilespmem:s14], [sflag:$0x1] =	stream.indirect_vreg.gather [hbm4b:s6+s28], $0x80, v4, vm0, $0xb8;
	[tilespmem:$0x1DF00] =	vst v63  }
0x3b8: {  	_ = 	snop  }
0x3b9: {  	[tilespmem:s20], [sflag:$0x1] =	stream.indirect_vreg.gather [hbm4b:s6+s28], $0x80, v3, vm0, $0xb8;
	[tilespmem:$0x1DF00] =	vst v63  }
0x3ba: {  	v3 =	vld [tilespmem:s26+$0x28C0];
	_ =	sdelay $0x4  }
0x3bb: {  	v4 =	vshll.u32 v3, $0x1  }
0x3bc: {  	v3 =	vand.u32 $0x7, v3;
	v4 =	vand.u32 $0xFFFFFFF0, v4  }
0x3bd: {  	v3 =	vor.u32 v3, v4  }
0x3be: {  	v4 =	vperm.xlane v3, v0;
	_ =	sdelay $0x1  }
0x3bf: {  	v3 =	vperm.xlane v3, v2;
	v4 =	vadd.s32 v1, v4;
	_ =	sdelay $0x1  }
0x3c0: {  	v3 =	vadd.s32 v1, v3;
	_ =	sdelay $0x2  }
0x3c1: {  	[tilespmem:s21], [sflag:$0x1] =	stream.indirect_vreg.gather [hbm4b:s6+s28], $0x80, v4, vm0, $0xb8;
	[tilespmem:$0x1DF00] =	vst v63  }
0x3c2: {  	_ = 	snop  }
0x3c3: {  	[tilespmem:s23], [sflag:$0x1] =	stream.indirect_vreg.gather [hbm4b:s6+s28], $0x80, v3, vm0, $0xb8;
	[tilespmem:$0x1DF00] =	vst v63  }
0x3c4: {  	v3 =	vld [tilespmem:s26+$0x28D0];
	_ =	sdelay $0x4  }
0x3c5: {  	v4 =	vshll.u32 v3, $0x1  }
0x3c6: {  	v3 =	vand.u32 $0x7, v3;
	v4 =	vand.u32 $0xFFFFFFF0, v4  }
0x3c7: {  	v3 =	vor.u32 v3, v4  }
0x3c8: {  	v4 =	vperm.xlane v3, v0;
	_ =	sdelay $0x1  }
0x3c9: {  	v3 =	vperm.xlane v3, v2;
	v4 =	vadd.s32 v1, v4;
	_ =	sdelay $0x1  }
0x3ca: {  	v3 =	vadd.s32 v1, v3;
	_ =	sdelay $0x2  }
0x3cb: {  	[tilespmem:s12], [sflag:$0x1] =	stream.indirect_vreg.gather [hbm4b:s6+s28], $0x80, v4, vm0, $0xb8;
	[tilespmem:$0x1DF00] =	vst v63  }
0x3cc: {  	_ = 	snop  }
0x3cd: {  	[tilespmem:s13], [sflag:$0x1] =	stream.indirect_vreg.gather [hbm4b:s6+s28], $0x80, v3, vm0, $0xb8;
	[tilespmem:$0x1DF00] =	vst v63  }
0x3ce: {  	v3 =	vld [tilespmem:s26+$0x28E0];
	_ =	sdelay $0x4  }
0x3cf: {  	v4 =	vshll.u32 v3, $0x1  }
0x3d0: {  	v3 =	vand.u32 $0x7, v3;
	v4 =	vand.u32 $0xFFFFFFF0, v4  }
0x3d1: {  	v3 =	vor.u32 v3, v4  }
0x3d2: {  	v4 =	vperm.xlane v3, v0;
	_ =	sdelay $0x1  }
0x3d3: {  	v3 =	vperm.xlane v3, v2;
	v4 =	vadd.s32 v1, v4;
	_ =	sdelay $0x1  }
0x3d4: {  	v3 =	vadd.s32 v1, v3;
	_ =	sdelay $0x2  }
0x3d5: {  	[tilespmem:s15], [sflag:$0x1] =	stream.indirect_vreg.gather [hbm4b:s6+s28], $0x80, v4, vm0, $0xb8;
	[tilespmem:$0x1DF00] =	vst v63  }
0x3d6: {  	_ = 	snop  }
0x3d7: {  	[tilespmem:s5], [sflag:$0x1] =	stream.indirect_vreg.gather [hbm4b:s6+s28], $0x80, v3, vm0, $0xb8;
	[tilespmem:$0x1DF00] =	vst v63  }
0x3d8: {  	v3 =	vld [tilespmem:s26+$0x28F0];
	_ =	sdelay $0x4  }
0x3d9: {  	v4 =	vshll.u32 v3, $0x1  }
0x3da: {  	v3 =	vand.u32 $0x7, v3;
	v4 =	vand.u32 $0xFFFFFFF0, v4  }
0x3db: {  	v3 =	vor.u32 v3, v4  }
0x3dc: {  	v4 =	vperm.xlane v3, v0;
	_ =	sdelay $0x1  }
0x3dd: {  	v3 =	vperm.xlane v3, v2;
	v4 =	vadd.s32 v1, v4;
	_ =	sdelay $0x1  }
0x3de: {  	v3 =	vadd.s32 v1, v3;
	_ =	sdelay $0x2  }
0x3df: {  	[tilespmem:s9], [sflag:$0x1] =	stream.indirect_vreg.gather [hbm4b:s6+s28], $0x80, v4, vm0, $0xb8;
	[tilespmem:$0x1DF00] =	vst v63  }
0x3e0: {  	_ = 	snop  }
0x3e1: {  	[tilespmem:s16], [sflag:$0x1] =	stream.indirect_vreg.gather [hbm4b:s6+s28], $0x80, v3, vm0, $0xb8;
	[tilespmem:$0x1DF00] =	vst v63  }
0x3e2: {  	v3 =	vld [tilespmem:s26+$0x2900];
	_ =	sdelay $0x4  }
0x3e3: {  	v4 =	vshll.u32 v3, $0x1  }
0x3e4: {  	v3 =	vand.u32 $0x7, v3;
	v4 =	vand.u32 $0xFFFFFFF0, v4  }
0x3e5: {  	v3 =	vor.u32 v3, v4  }
0x3e6: {  	v4 =	vperm.xlane v3, v0;
	_ =	sdelay $0x1  }
0x3e7: {  	v3 =	vperm.xlane v3, v2;
	v4 =	vadd.s32 v1, v4;
	_ =	sdelay $0x1  }
0x3e8: {  	v3 =	vadd.s32 v1, v3;
	_ =	sdelay $0x2  }
0x3e9: {  	[tilespmem:s18], [sflag:$0x1] =	stream.indirect_vreg.gather [hbm4b:s6+s28], $0x80, v4, vm0, $0xb8;
	[tilespmem:$0x1DF00] =	vst v63  }
0x3ea: {  	s23 =	simm.s32 $0x2  }
0x3eb: {  	[tilespmem:s19], [sflag:$0x1] =	stream.indirect_vreg.gather [hbm4b:s6+s28], $0x80, v3, vm0, $0xb8;
	[tilespmem:$0x1DF00] =	vst v63  }
0x3ec: {  	_ =	swait.ge [sflag:s23], $0x2800  }
0x3ed: {  	[sflag:s23] =	ssyncset.done $0x0  }
0x3ee: {  	[sflag:s23] =	ssyncadd.s32 $0xFFFFD800  }
0x3ef: {  	_ =	swait.ge [sflag:s23], $0x5000  }
0x3f0: {  	[sflag:s23] =	ssyncset.done $0x0  }
0x3f1: {  	[sflag:s23] =	ssyncadd.s32 $0xFFFFB000  }
0x3f2: {  	_ =	swait.ge [sflag:s23], $0x5000  }
0x3f3: {  	s24 =	sand.u32 $0x7800, s28;
	s26 =	sand.u32 $0x380, s28;
	[sflag:s23] =	ssyncset.done $0x0  }
0x3f4: {  	s26 =	sor.u32 s26, s24;
	[sflag:s23] =	ssyncadd.s32 $0xFFFFB000  }
0x3f5: {  	s29 =	simm.s32 $0x1B740;
	v3 =	vld [tilespmem:s26+$0x14300]  }
0x3f6: {  	v4 =	vld [tilespmem:s29+$0xFFFFFFC0]  }
0x3f7: {  	v5 =	vld [tilespmem:s26+$0xA300];
	_ =	sdelay $0x3  }
0x3f8: {  	v3 =	vadd.f32 v3, v4  }
0x3f9: {  	v4 =	vadd.f32 v5, v4;
	v5 =	vld [tilespmem:s26+$0x14310]  }
0x3fa: {  	[tilespmem:s26+$0x9F00] =	vst.add.f32.msk $0xffff, v3  }
0x3fb: {  	[tilespmem:s26+$0x13F00] =	vst.add.f32.msk $0xffff, v4  }
0x3fc: {  	v3 =	vld [tilespmem:s29+$0xFFFFFFD0]  }
0x3fd: {  	v6 =	vld [tilespmem:s26+$0xA310];
	_ =	sdelay $0x3  }
0x3fe: {  	v4 =	vadd.f32 v5, v3  }
0x3ff: {  	v3 =	vadd.f32 v6, v3;
	v6 =	vld [tilespmem:s26+$0x14320]  }
0x400: {  	[tilespmem:s26+$0x9F10] =	vst.add.f32.msk $0xffff, v4  }
0x401: {  	[tilespmem:s26+$0x13F10] =	vst.add.f32.msk $0xffff, v3  }
0x402: {  	v3 =	vld [tilespmem:s29+$0xFFFFFFE0]  }
0x403: {  	v5 =	vld [tilespmem:s26+$0xA320];
	_ =	sdelay $0x3  }
0x404: {  	v4 =	vadd.f32 v6, v3  }
0x405: {  	v3 =	vadd.f32 v5, v3;
	v5 =	vld [tilespmem:s26+$0x14330]  }
0x406: {  	[tilespmem:s26+$0x9F20] =	vst.add.f32.msk $0xffff, v4  }
0x407: {  	[tilespmem:s26+$0x13F20] =	vst.add.f32.msk $0xffff, v3  }
0x408: {  	v3 =	vld [tilespmem:s29+$0xFFFFFFF0]  }
0x409: {  	v6 =	vld [tilespmem:s26+$0xA330];
	_ =	sdelay $0x3  }
0x40a: {  	v4 =	vadd.f32 v5, v3  }
0x40b: {  	v3 =	vadd.f32 v6, v3;
	v6 =	vld [tilespmem:s26+$0x14340]  }
0x40c: {  	[tilespmem:s26+$0x9F30] =	vst.add.f32.msk $0xffff, v4  }
0x40d: {  	[tilespmem:s26+$0x13F30] =	vst.add.f32.msk $0xffff, v3  }
0x40e: {  	v3 =	vld [tilespmem:s29+$0x0]  }
0x40f: {  	v5 =	vld [tilespmem:s26+$0xA340];
	_ =	sdelay $0x3  }
0x410: {  	v4 =	vadd.f32 v6, v3  }
0x411: {  	v3 =	vadd.f32 v5, v3;
	v5 =	vld [tilespmem:s26+$0x14350]  }
0x412: {  	[tilespmem:s26+$0x9F40] =	vst.add.f32.msk $0xffff, v4  }
0x413: {  	[tilespmem:s26+$0x13F40] =	vst.add.f32.msk $0xffff, v3  }
0x414: {  	v4 =	vld [tilespmem:s29+$0x10]  }
0x415: {  	v6 =	vld [tilespmem:s26+$0xA350];
	_ =	sdelay $0x3  }
0x416: {  	v3 =	vld [tilespmem:s26+$0xA360];
	v5 =	vadd.f32 v5, v4  }
0x417: {  	v6 =	vadd.f32 v6, v4;
	v4 =	vld [tilespmem:s26+$0x14360]  }
0x418: {  	[tilespmem:s26+$0x9F50] =	vst.add.f32.msk $0xffff, v5  }
0x419: {  	[tilespmem:s26+$0x13F50] =	vst.add.f32.msk $0xffff, v6  }
0x41a: {  	s30 =	simm.s32 $0x1B740;
	s31 =	simm.s32 $0x80;
	v5 =	vld [tilespmem:s29+$0x20]  }
.LBB2_9:
0x41b: {  	_ = 	snop  }
0x41c: {  	p0 =	sne.s32 s31, $0x2780;
	s28 =	sadd.s32 $0x100, s28;
	s29 =	sadd.s32 $0x80, s29  }
0x41d: {  	s0 =	smov.u32 s31;
	s31 =	sadd.s32 $0x80, s31;
	_ =	sdelay $0x1  }
0x41e: {  	v4 =	vadd.f32 v4, v5;
	v3 =	vadd.f32 v3, v5;
	v5 =	vld [tilespmem:s26+$0xA370]  }
0x41f: {  	v6 =	vld [tilespmem:s26+$0x14370]  }
0x420: {  	[tilespmem:s26+$0x9F60] =	vst.add.f32.msk $0xffff, v4  }
0x421: {  	[tilespmem:s26+$0x13F60] =	vst.add.f32.msk $0xffff, v3  }
0x422: {  	s1 =	sand.u32 $0x7800, s28;
	s0 =	sand.u32 $0x380, s0;
	v3 =	vld [tilespmem:s30+$0x30];
	s30 =	smov.u32 s29  }
0x423: {  	s0 =	sor.u32 s0, s1;
	_ =	sdelay $0x2  }
0x424: {  	v4 =	vld [tilespmem:s0+$0x14300]  }
0x425: {  	v6 =	vadd.f32 v6, v3;
	v3 =	vadd.f32 v5, v3  }
0x426: {  	v5 =	vld [tilespmem:s0+$0xA300]  }
0x427: {  	[tilespmem:s26+$0x9F70] =	vst.add.f32.msk $0xffff, v6  }
0x428: {  	[tilespmem:s26+$0x13F70] =	vst.add.f32.msk $0xffff, v3;
	s26 =	smov.u32 s0  }
0x429: {  	v3 =	vld [tilespmem:s29+$0xFFFFFFC0];
	_ =	sdelay $0x4  }
0x42a: {  	v4 =	vadd.f32 v4, v3;
	v3 =	vadd.f32 v5, v3;
	v5 =	vld [tilespmem:s26+$0xA310]  }
0x42b: {  	v6 =	vld [tilespmem:s26+$0x14310]  }
0x42c: {  	[tilespmem:s26+$0x9F00] =	vst.add.f32.msk $0xffff, v4  }
0x42d: {  	[tilespmem:s26+$0x13F00] =	vst.add.f32.msk $0xffff, v3  }
0x42e: {  	v3 =	vld [tilespmem:s29+$0xFFFFFFD0];
	_ =	sdelay $0x4  }
0x42f: {  	v4 =	vadd.f32 v6, v3;
	v3 =	vadd.f32 v5, v3;
	v5 =	vld [tilespmem:s26+$0xA320]  }
0x430: {  	v6 =	vld [tilespmem:s26+$0x14320]  }
0x431: {  	[tilespmem:s26+$0x9F10] =	vst.add.f32.msk $0xffff, v4  }
0x432: {  	[tilespmem:s26+$0x13F10] =	vst.add.f32.msk $0xffff, v3  }
0x433: {  	v3 =	vld [tilespmem:s29+$0xFFFFFFE0];
	_ =	sdelay $0x4  }
0x434: {  	v4 =	vadd.f32 v6, v3;
	v3 =	vadd.f32 v5, v3;
	v5 =	vld [tilespmem:s26+$0xA330]  }
0x435: {  	v6 =	vld [tilespmem:s26+$0x14330]  }
0x436: {  	[tilespmem:s26+$0x9F20] =	vst.add.f32.msk $0xffff, v4  }
0x437: {  	[tilespmem:s26+$0x13F20] =	vst.add.f32.msk $0xffff, v3  }
0x438: {  	v3 =	vld [tilespmem:s29+$0xFFFFFFF0];
	_ =	sdelay $0x4  }
0x439: {  	v4 =	vadd.f32 v6, v3;
	v3 =	vadd.f32 v5, v3;
	v5 =	vld [tilespmem:s26+$0xA340]  }
0x43a: {  	v6 =	vld [tilespmem:s26+$0x14340]  }
0x43b: {  	[tilespmem:s26+$0x9F30] =	vst.add.f32.msk $0xffff, v4  }
0x43c: {  	[tilespmem:s26+$0x13F30] =	vst.add.f32.msk $0xffff, v3  }
0x43d: {  	v3 =	vld [tilespmem:s29+$0x0];
	_ =	sdelay $0x4  }
0x43e: {  	v4 =	vadd.f32 v6, v3;
	v3 =	vadd.f32 v5, v3;
	v5 =	vld [tilespmem:s26+$0xA350]  }
0x43f: {  	v6 =	vld [tilespmem:s26+$0x14350]  }
0x440: {  	[tilespmem:s26+$0x9F40] =	vst.add.f32.msk $0xffff, v4  }
0x441: {  	[tilespmem:s26+$0x13F40] =	vst.add.f32.msk $0xffff, v3  }
0x442: {  	v3 =	vld [tilespmem:s29+$0x10];
	_ =	sdelay $0x4  }
.Ltmp3:
0x443: {  	v6 =	vadd.f32 v6, v3;
	v5 =	vadd.f32 v5, v3;
	v3 =	vld [tilespmem:s26+$0xA360];
	(pc) =	sbr.rel @p0 .LBB2_9-.Ltmp3, $4  }
0x444: {  	v4 =	vld [tilespmem:s26+$0x14360]  }
0x445: {  	[tilespmem:s26+$0x9F50] =	vst.add.f32.msk $0xffff, v6  }
0x446: {  	[tilespmem:s26+$0x13F50] =	vst.add.f32.msk $0xffff, v5  }
0x447: {  	v5 =	vld [tilespmem:s29+$0x20]  }
0x448: {  	_ =	sdelay $0x3  }
0x449: {  	v4 =	vadd.f32 v4, v5  }
0x44a: {  	v62 =	vld [tilespmem:s26+$0x14370];
	v3 =	vadd.f32 v3, v5  }
0x44b: {  	[tilespmem:s26+$0x9F60] =	vst.add.f32.msk $0xffff, v4  }
0x44c: {  	[tilespmem:s26+$0x13F60] =	vst.add.f32.msk $0xffff, v3  }
0x44d: {  	v3 =	vld [tilespmem:s30+$0x30]  }
0x44e: {  	v6 =	vld [tilespmem:s26+$0xA370];
	_ =	sdelay $0x3  }
0x44f: {  	v63 =	vadd.f32 v62, v3  }
0x450: {  	v3 =	vadd.f32 v6, v3  }
0x451: {  	s0 =	rddreg [dreg:$0x1];
	[tilespmem:s26+$0x9F70] =	vst.add.f32.msk $0xffff, v63  }
0x452: {  	s19 =	simm.s32 $0x9F00;
	s0 =	sadd.s32 s0, s3;
	[tilespmem:s26+$0x13F70] =	vst.add.f32.msk $0xffff, v3  }
0x453: {  	[hbm4b:s0+s4] =	stream.linear.scatter [tilespmem:s19], [sflag:$0x4], $0x400, $0x38;
	[tilespmem:$0x1DF00] =	vst v63  }
0x454: {  	s29 =	simm.s32 $0xA700;
	s1 =	sadd.s32 $0x80, s0  }
0x455: {  	[hbm4b:s1+s4] =	stream.linear.scatter [tilespmem:s29], [sflag:$0x4], $0x400, $0x38;
	[tilespmem:$0x1DF00] =	vst v63  }
0x456: {  	s5 =	simm.s32 $0xAF00;
	s13 =	sadd.s32 $0x100, s0  }
0x457: {  	[hbm4b:s13+s4] =	stream.linear.scatter [tilespmem:s5], [sflag:$0x4], $0x400, $0x38;
	[tilespmem:$0x1DF00] =	vst v63  }
0x458: {  	s7 =	simm.s32 $0xB700;
	s14 =	sadd.s32 $0x180, s0  }
0x459: {  	[hbm4b:s14+s4] =	stream.linear.scatter [tilespmem:s7], [sflag:$0x4], $0x400, $0x38;
	[tilespmem:$0x1DF00] =	vst v63  }
0x45a: {  	s8 =	simm.s32 $0xBF00;
	s15 =	sadd.s32 $0x200, s0  }
0x45b: {  	[hbm4b:s15+s4] =	stream.linear.scatter [tilespmem:s8], [sflag:$0x4], $0x400, $0x38;
	[tilespmem:$0x1DF00] =	vst v63  }
0x45c: {  	s9 =	simm.s32 $0xC700;
	s16 =	sadd.s32 $0x280, s0  }
0x45d: {  	[hbm4b:s16+s4] =	stream.linear.scatter [tilespmem:s9], [sflag:$0x4], $0x400, $0x38;
	[tilespmem:$0x1DF00] =	vst v63  }
0x45e: {  	s10 =	simm.s32 $0xCF00;
	s18 =	sadd.s32 $0x300, s0  }
0x45f: {  	[hbm4b:s18+s4] =	stream.linear.scatter [tilespmem:s10], [sflag:$0x4], $0x400, $0x38;
	[tilespmem:$0x1DF00] =	vst v63  }
0x460: {  	s11 =	simm.s32 $0xD700;
	s20 =	sadd.s32 $0x380, s0  }
0x461: {  	[hbm4b:s20+s4] =	stream.linear.scatter [tilespmem:s11], [sflag:$0x4], $0x400, $0x38;
	[tilespmem:$0x1DF00] =	vst v63  }
0x462: {  	s12 =	simm.s32 $0xDF00;
	s21 =	sadd.s32 $0x400, s0  }
0x463: {  	[hbm4b:s21+s4] =	stream.linear.scatter [tilespmem:s12], [sflag:$0x4], $0x400, $0x38;
	[tilespmem:$0x1DF00] =	vst v63  }
0x464: {  	s0 =	sadd.s32 $0x480, s0;
	s13 =	simm.s32 $0xE700  }
0x465: {  	[hbm4b:s0+s4] =	stream.linear.scatter [tilespmem:s13], [sflag:$0x4], $0x400, $0x38;
	[tilespmem:$0x1DF00] =	vst v63  }
0x466: {  	s14 =	simm.s32 $0x13F00;
	s0 =	sadd.s32 s17, s3  }
0x467: {  	[hbm4b:s0+s4] =	stream.linear.scatter [tilespmem:s14], [sflag:$0x4], $0x400, $0x38;
	[tilespmem:$0x1DF00] =	vst v63  }
0x468: {  	s15 =	simm.s32 $0x14700;
	s22 =	sadd.s32 $0x80, s0  }
0x469: {  	[hbm4b:s22+s4] =	stream.linear.scatter [tilespmem:s15], [sflag:$0x4], $0x400, $0x38;
	[tilespmem:$0x1DF00] =	vst v63  }
0x46a: {  	s16 =	simm.s32 $0x14F00;
	s23 =	sadd.s32 $0x100, s0  }
0x46b: {  	[hbm4b:s23+s4] =	stream.linear.scatter [tilespmem:s16], [sflag:$0x4], $0x400, $0x38;
	[tilespmem:$0x1DF00] =	vst v63  }
0x46c: {  	s18 =	simm.s32 $0x15700;
	s24 =	sadd.s32 $0x180, s0  }
0x46d: {  	[hbm4b:s24+s4] =	stream.linear.scatter [tilespmem:s18], [sflag:$0x4], $0x400, $0x38;
	[tilespmem:$0x1DF00] =	vst v63  }
0x46e: {  	s20 =	simm.s32 $0x15F00;
	s26 =	sadd.s32 $0x200, s0  }
0x46f: {  	[hbm4b:s26+s4] =	stream.linear.scatter [tilespmem:s20], [sflag:$0x4], $0x400, $0x38;
	[tilespmem:$0x1DF00] =	vst v63  }
0x470: {  	s3 =	sadd.s32 $0x280, s0;
	s22 =	simm.s32 $0x16700  }
0x471: {  	[hbm4b:s3+s4] =	stream.linear.scatter [tilespmem:s22], [sflag:$0x4], $0x400, $0x38;
	[tilespmem:$0x1DF00] =	vst v63  }
0x472: {  	s2 =	sadd.s32 $0x1, s2;
	s21 =	sadd.s32 $0x300, s0;
	s23 =	simm.s32 $0x16F00  }
0x473: {  	[hbm4b:s21+s4] =	stream.linear.scatter [tilespmem:s23], [sflag:$0x4], $0x400, $0x38;
	[tilespmem:$0x1DF00] =	vst v63  }
0x474: {  	s28 =	simm.s32 $0x17700;
	p0 =	sne.s32 s2, $0x3D;
	s24 =	sadd.s32 $0x380, s0  }
0x475: {  	[hbm4b:s24+s4] =	stream.linear.scatter [tilespmem:s28], [sflag:$0x4], $0x400, $0x38;
	[tilespmem:$0x1DF00] =	vst v63  }
.Ltmp4:
0x476: {  	_ = 	snop;
	(pc) =	sbr.rel @p0 .LBB2_6-.Ltmp4, $4  }
0x477: {  	s30 =	simm.s32 $0x17F00;
	s26 =	sadd.s32 $0x400, s0  }
0x478: {  	[hbm4b:s26+s4] =	stream.linear.scatter [tilespmem:s30], [sflag:$0x4], $0x400, $0x38;
	[tilespmem:$0x1DF00] =	vst v63  }
0x479: {  	s31 =	simm.s32 $0x18700;
	s0 =	sadd.s32 $0x480, s0  }
0x47a: {  	[hbm4b:s0+s4] =	stream.linear.scatter [tilespmem:s31], [sflag:$0x4], $0x400, $0x38;
	[tilespmem:$0x1DF00] =	vst v63  }
0x47b: {  	s2 =	simm.s32 $0x1  }
0x47c: {  	_ =	swait.ge [sflag:s2], $0x2800  }
0x47d: {  	[sflag:s2] =	ssyncset.done $0x0  }
0x47e: {  	[sflag:s2] =	ssyncadd.s32 $0xFFFFD800  }
0x47f: {  	_ =	swait.ge [sflag:s2], $0x5000  }
0x480: {  	[sflag:s2] =	ssyncset.done $0x0  }
0x481: {  	[sflag:s2] =	ssyncadd.s32 $0xFFFFB000  }
0x482: {  	s3 =	simm.s32 $0x0;
	_ =	swait.ge [sflag:s2], $0x5000  }
0x483: {  	s0 =	sand.u32 $0x7800, s3;
	s1 =	sand.u32 $0x380, s3;
	[sflag:s2] =	ssyncset.done $0x0  }
0x484: {  	[sflag:s2] =	ssyncadd.s32 $0xFFFFB000;
	s2 =	sor.u32 s1, s0  }
0x485: {  	s25 =	simm.s32 $0x18F40;
	v3 =	vld [tilespmem:s2+$0xF300]  }
0x486: {  	v4 =	vld [tilespmem:s25+$0xFFFFFFC0]  }
0x487: {  	v5 =	vld [tilespmem:s2+$0x5300];
	_ =	sdelay $0x3  }
0x488: {  	v3 =	vadd.f32 v3, v4  }
0x489: {  	v4 =	vadd.f32 v5, v4;
	v5 =	vld [tilespmem:s2+$0xF310]  }
0x48a: {  	[tilespmem:s2+$0x4F00] =	vst.add.f32.msk $0xffff, v3  }
0x48b: {  	[tilespmem:s2+$0xEF00] =	vst.add.f32.msk $0xffff, v4  }
0x48c: {  	v3 =	vld [tilespmem:s25+$0xFFFFFFD0]  }
0x48d: {  	v6 =	vld [tilespmem:s2+$0x5310];
	_ =	sdelay $0x3  }
0x48e: {  	v4 =	vadd.f32 v5, v3  }
0x48f: {  	v3 =	vadd.f32 v6, v3;
	v6 =	vld [tilespmem:s2+$0xF320]  }
0x490: {  	[tilespmem:s2+$0x4F10] =	vst.add.f32.msk $0xffff, v4  }
0x491: {  	[tilespmem:s2+$0xEF10] =	vst.add.f32.msk $0xffff, v3  }
0x492: {  	v3 =	vld [tilespmem:s25+$0xFFFFFFE0]  }
0x493: {  	v5 =	vld [tilespmem:s2+$0x5320];
	_ =	sdelay $0x3  }
0x494: {  	v4 =	vadd.f32 v6, v3  }
0x495: {  	v3 =	vadd.f32 v5, v3;
	v5 =	vld [tilespmem:s2+$0xF330]  }
0x496: {  	[tilespmem:s2+$0x4F20] =	vst.add.f32.msk $0xffff, v4  }
0x497: {  	[tilespmem:s2+$0xEF20] =	vst.add.f32.msk $0xffff, v3  }
0x498: {  	v3 =	vld [tilespmem:s25+$0xFFFFFFF0]  }
0x499: {  	v6 =	vld [tilespmem:s2+$0x5330];
	_ =	sdelay $0x3  }
0x49a: {  	v4 =	vadd.f32 v5, v3  }
0x49b: {  	v3 =	vadd.f32 v6, v3;
	v6 =	vld [tilespmem:s2+$0xF340]  }
0x49c: {  	[tilespmem:s2+$0x4F30] =	vst.add.f32.msk $0xffff, v4  }
0x49d: {  	[tilespmem:s2+$0xEF30] =	vst.add.f32.msk $0xffff, v3  }
0x49e: {  	v3 =	vld [tilespmem:s25+$0x0]  }
0x49f: {  	v5 =	vld [tilespmem:s2+$0x5340];
	_ =	sdelay $0x3  }
0x4a0: {  	v4 =	vadd.f32 v6, v3  }
0x4a1: {  	v3 =	vadd.f32 v5, v3;
	v5 =	vld [tilespmem:s2+$0xF350]  }
0x4a2: {  	[tilespmem:s2+$0x4F40] =	vst.add.f32.msk $0xffff, v4  }
0x4a3: {  	[tilespmem:s2+$0xEF40] =	vst.add.f32.msk $0xffff, v3  }
0x4a4: {  	v4 =	vld [tilespmem:s25+$0x10]  }
0x4a5: {  	v6 =	vld [tilespmem:s2+$0x5350];
	_ =	sdelay $0x3  }
0x4a6: {  	v3 =	vld [tilespmem:s2+$0x5360];
	v5 =	vadd.f32 v5, v4  }
0x4a7: {  	s28 =	simm.s32 $0x80;
	v6 =	vadd.f32 v6, v4;
	v4 =	vld [tilespmem:s2+$0xF360]  }
0x4a8: {  	s26 =	simm.s32 $0x18F40;
	s23 =	simm.s32 $0xFF00;
	s12 =	simm.s32 $0x10700;
	[tilespmem:s2+$0x4F50] =	vst.add.f32.msk $0xffff, v5  }
0x4a9: {  	s13 =	simm.s32 $0x10F00;
	s15 =	simm.s32 $0x11700;
	s5 =	simm.s32 $0x11F00;
	[tilespmem:s2+$0xEF50] =	vst.add.f32.msk $0xffff, v6  }
0x4aa: {  	s9 =	simm.s32 $0x12700;
	s16 =	simm.s32 $0x12F00;
	s18 =	simm.s32 $0x13700;
	v5 =	vld [tilespmem:s25+$0x20]  }
.LBB2_12:
0x4ab: {  	_ = 	snop  }
0x4ac: {  	p0 =	sne.s32 s28, $0x2780;
	s3 =	sadd.s32 $0x100, s3;
	s25 =	sadd.s32 $0x80, s25  }
0x4ad: {  	s0 =	smov.u32 s28;
	s28 =	sadd.s32 $0x80, s28;
	_ =	sdelay $0x1  }
0x4ae: {  	v4 =	vadd.f32 v4, v5;
	v3 =	vadd.f32 v3, v5;
	v5 =	vld [tilespmem:s2+$0x5370]  }
0x4af: {  	v6 =	vld [tilespmem:s2+$0xF370]  }
0x4b0: {  	[tilespmem:s2+$0x4F60] =	vst.add.f32.msk $0xffff, v4  }
0x4b1: {  	[tilespmem:s2+$0xEF60] =	vst.add.f32.msk $0xffff, v3  }
0x4b2: {  	s1 =	sand.u32 $0x7800, s3;
	s0 =	sand.u32 $0x380, s0;
	v3 =	vld [tilespmem:s26+$0x30];
	s26 =	smov.u32 s25  }
0x4b3: {  	s0 =	sor.u32 s0, s1;
	_ =	sdelay $0x2  }
0x4b4: {  	v4 =	vld [tilespmem:s0+$0xF300]  }
0x4b5: {  	v6 =	vadd.f32 v6, v3;
	v3 =	vadd.f32 v5, v3  }
0x4b6: {  	v5 =	vld [tilespmem:s0+$0x5300]  }
0x4b7: {  	[tilespmem:s2+$0x4F70] =	vst.add.f32.msk $0xffff, v6  }
0x4b8: {  	[tilespmem:s2+$0xEF70] =	vst.add.f32.msk $0xffff, v3;
	s2 =	smov.u32 s0  }
0x4b9: {  	v3 =	vld [tilespmem:s25+$0xFFFFFFC0];
	_ =	sdelay $0x4  }
0x4ba: {  	v4 =	vadd.f32 v4, v3;
	v3 =	vadd.f32 v5, v3;
	v5 =	vld [tilespmem:s2+$0x5310]  }
0x4bb: {  	v6 =	vld [tilespmem:s2+$0xF310]  }
0x4bc: {  	[tilespmem:s2+$0x4F00] =	vst.add.f32.msk $0xffff, v4  }
0x4bd: {  	[tilespmem:s2+$0xEF00] =	vst.add.f32.msk $0xffff, v3  }
0x4be: {  	v3 =	vld [tilespmem:s25+$0xFFFFFFD0];
	_ =	sdelay $0x4  }
0x4bf: {  	v4 =	vadd.f32 v6, v3;
	v3 =	vadd.f32 v5, v3;
	v5 =	vld [tilespmem:s2+$0x5320]  }
0x4c0: {  	v6 =	vld [tilespmem:s2+$0xF320]  }
0x4c1: {  	[tilespmem:s2+$0x4F10] =	vst.add.f32.msk $0xffff, v4  }
0x4c2: {  	[tilespmem:s2+$0xEF10] =	vst.add.f32.msk $0xffff, v3  }
0x4c3: {  	v3 =	vld [tilespmem:s25+$0xFFFFFFE0];
	_ =	sdelay $0x4  }
0x4c4: {  	v4 =	vadd.f32 v6, v3;
	v3 =	vadd.f32 v5, v3;
	v5 =	vld [tilespmem:s2+$0x5330]  }
0x4c5: {  	v6 =	vld [tilespmem:s2+$0xF330]  }
0x4c6: {  	[tilespmem:s2+$0x4F20] =	vst.add.f32.msk $0xffff, v4  }
0x4c7: {  	[tilespmem:s2+$0xEF20] =	vst.add.f32.msk $0xffff, v3  }
0x4c8: {  	v3 =	vld [tilespmem:s25+$0xFFFFFFF0];
	_ =	sdelay $0x4  }
0x4c9: {  	v4 =	vadd.f32 v6, v3;
	v3 =	vadd.f32 v5, v3;
	v5 =	vld [tilespmem:s2+$0x5340]  }
0x4ca: {  	v6 =	vld [tilespmem:s2+$0xF340]  }
0x4cb: {  	[tilespmem:s2+$0x4F30] =	vst.add.f32.msk $0xffff, v4  }
0x4cc: {  	[tilespmem:s2+$0xEF30] =	vst.add.f32.msk $0xffff, v3  }
0x4cd: {  	v3 =	vld [tilespmem:s25+$0x0];
	_ =	sdelay $0x4  }
0x4ce: {  	v4 =	vadd.f32 v6, v3;
	v3 =	vadd.f32 v5, v3;
	v5 =	vld [tilespmem:s2+$0x5350]  }
0x4cf: {  	v6 =	vld [tilespmem:s2+$0xF350]  }
0x4d0: {  	[tilespmem:s2+$0x4F40] =	vst.add.f32.msk $0xffff, v4  }
0x4d1: {  	[tilespmem:s2+$0xEF40] =	vst.add.f32.msk $0xffff, v3  }
0x4d2: {  	v3 =	vld [tilespmem:s25+$0x10];
	_ =	sdelay $0x4  }
.Ltmp5:
0x4d3: {  	v6 =	vadd.f32 v6, v3;
	v5 =	vadd.f32 v5, v3;
	v3 =	vld [tilespmem:s2+$0x5360];
	(pc) =	sbr.rel @p0 .LBB2_12-.Ltmp5, $4  }
0x4d4: {  	v4 =	vld [tilespmem:s2+$0xF360]  }
0x4d5: {  	[tilespmem:s2+$0x4F50] =	vst.add.f32.msk $0xffff, v6  }
0x4d6: {  	[tilespmem:s2+$0xEF50] =	vst.add.f32.msk $0xffff, v5  }
0x4d7: {  	v5 =	vld [tilespmem:s25+$0x20]  }
0x4d8: {  	_ =	sdelay $0x3  }
0x4d9: {  	v4 =	vadd.f32 v4, v5  }
0x4da: {  	v62 =	vld [tilespmem:s2+$0xF370];
	v3 =	vadd.f32 v3, v5  }
0x4db: {  	[tilespmem:s2+$0x4F60] =	vst.add.f32.msk $0xffff, v4  }
0x4dc: {  	[tilespmem:s2+$0xEF60] =	vst.add.f32.msk $0xffff, v3  }
0x4dd: {  	v3 =	vld [tilespmem:s26+$0x30]  }
0x4de: {  	v6 =	vld [tilespmem:s2+$0x5370];
	_ =	sdelay $0x3  }
0x4df: {  	v63 =	vadd.f32 v62, v3  }
0x4e0: {  	v3 =	vadd.f32 v6, v3  }
0x4e1: {  	[tilespmem:s2+$0x4F70] =	vst.add.f32.msk $0xffff, v63  }
0x4e2: {  	s1 =	rddreg [dreg:$0xe];
	s30 =	simm.s32 $0x4F00;
	[tilespmem:s2+$0xEF70] =	vst.add.f32.msk $0xffff, v3  }
0x4e3: {  	[hbm4b:s1+s4] =	stream.linear.scatter [tilespmem:s30], [sflag:$0x3], $0x400, $0x38;
	[tilespmem:$0x1DF00] =	vst v63  }
0x4e4: {  	s31 =	simm.s32 $0x5700;
	s0 =	sadd.s32 $0x80, s1  }
0x4e5: {  	[hbm4b:s0+s4] =	stream.linear.scatter [tilespmem:s31], [sflag:$0x3], $0x400, $0x38;
	[tilespmem:$0x1DF00] =	vst v63  }
0x4e6: {  	s25 =	simm.s32 $0x5F00;
	s8 =	sadd.s32 $0x100, s1  }
0x4e7: {  	[hbm4b:s8+s4] =	stream.linear.scatter [tilespmem:s25], [sflag:$0x3], $0x400, $0x38;
	[tilespmem:$0x1DF00] =	vst v63  }
0x4e8: {  	s10 =	sadd.s32 $0x180, s1;
	s26 =	simm.s32 $0x6700  }
0x4e9: {  	[hbm4b:s10+s4] =	stream.linear.scatter [tilespmem:s26], [sflag:$0x3], $0x400, $0x38;
	[tilespmem:$0x1DF00] =	vst v63  }
0x4ea: {  	s22 =	simm.s32 $0x6F00;
	s11 =	sadd.s32 $0x200, s1  }
0x4eb: {  	[hbm4b:s11+s4] =	stream.linear.scatter [tilespmem:s22], [sflag:$0x3], $0x400, $0x38;
	[tilespmem:$0x1DF00] =	vst v63  }
0x4ec: {  	s7 =	simm.s32 $0x7700;
	s14 =	sadd.s32 $0x280, s1  }
0x4ed: {  	[hbm4b:s14+s4] =	stream.linear.scatter [tilespmem:s7], [sflag:$0x3], $0x400, $0x38;
	[tilespmem:$0x1DF00] =	vst v63  }
0x4ee: {  	s20 =	sadd.s32 $0x300, s1;
	s8 =	simm.s32 $0x7F00  }
0x4ef: {  	[hbm4b:s20+s4] =	stream.linear.scatter [tilespmem:s8], [sflag:$0x3], $0x400, $0x38;
	[tilespmem:$0x1DF00] =	vst v63  }
0x4f0: {  	s21 =	sadd.s32 $0x380, s1;
	s10 =	simm.s32 $0x8700  }
0x4f1: {  	[hbm4b:s21+s4] =	stream.linear.scatter [tilespmem:s10], [sflag:$0x3], $0x400, $0x38;
	[tilespmem:$0x1DF00] =	vst v63  }
0x4f2: {  	s24 =	sadd.s32 $0x400, s1;
	s11 =	simm.s32 $0x8F00  }
0x4f3: {  	[hbm4b:s24+s4] =	stream.linear.scatter [tilespmem:s11], [sflag:$0x3], $0x400, $0x38;
	[tilespmem:$0x1DF00] =	vst v63  }
0x4f4: {  	s1 =	sadd.s32 $0x480, s1;
	s14 =	simm.s32 $0x9700  }
0x4f5: {  	[hbm4b:s1+s4] =	stream.linear.scatter [tilespmem:s14], [sflag:$0x3], $0x400, $0x38;
	[tilespmem:$0x1DF00] =	vst v63  }
0x4f6: {  	s20 =	simm.s32 $0xEF00;
	s1 =	rddreg [dreg:$0xf]  }
0x4f7: {  	[hbm4b:s1+s4] =	stream.linear.scatter [tilespmem:s20], [sflag:$0x3], $0x400, $0x38;
	[tilespmem:$0x1DF00] =	vst v63  }
0x4f8: {  	s28 =	simm.s32 $0xF700;
	s2 =	sadd.s32 $0x80, s1  }
0x4f9: {  	[hbm4b:s2+s4] =	stream.linear.scatter [tilespmem:s28], [sflag:$0x3], $0x400, $0x38;
	[tilespmem:$0x1DF00] =	vst v63  }
0x4fa: {  	s3 =	sadd.s32 $0x100, s1  }
0x4fb: {  	[hbm4b:s3+s4] =	stream.linear.scatter [tilespmem:s23], [sflag:$0x3], $0x400, $0x38;
	[tilespmem:$0x1DF00] =	vst v63  }
0x4fc: {  	s21 =	sadd.s32 $0x180, s1  }
0x4fd: {  	[hbm4b:s21+s4] =	stream.linear.scatter [tilespmem:s12], [sflag:$0x3], $0x400, $0x38;
	[tilespmem:$0x1DF00] =	vst v63  }
0x4fe: {  	s24 =	sadd.s32 $0x200, s1  }
0x4ff: {  	[hbm4b:s24+s4] =	stream.linear.scatter [tilespmem:s13], [sflag:$0x3], $0x400, $0x38;
	[tilespmem:$0x1DF00] =	vst v63  }
0x500: {  	s2 =	sadd.s32 $0x280, s1  }
0x501: {  	[hbm4b:s2+s4] =	stream.linear.scatter [tilespmem:s15], [sflag:$0x3], $0x400, $0x38;
	[tilespmem:$0x1DF00] =	vst v63  }
0x502: {  	s3 =	sadd.s32 $0x300, s1  }
0x503: {  	[hbm4b:s3+s4] =	stream.linear.scatter [tilespmem:s5], [sflag:$0x3], $0x400, $0x38;
	[tilespmem:$0x1DF00] =	vst v63  }
0x504: {  	s21 =	sadd.s32 $0x380, s1  }
0x505: {  	[hbm4b:s21+s4] =	stream.linear.scatter [tilespmem:s9], [sflag:$0x3], $0x400, $0x38;
	[tilespmem:$0x1DF00] =	vst v63  }
0x506: {  	s24 =	sadd.s32 $0x400, s1  }
0x507: {  	[hbm4b:s24+s4] =	stream.linear.scatter [tilespmem:s16], [sflag:$0x3], $0x400, $0x38;
	[tilespmem:$0x1DF00] =	vst v63  }
0x508: {  	s1 =	sadd.s32 $0x480, s1;
	s2 =	simm.s32 $0x3  }
0x509: {  	[hbm4b:s1+s4] =	stream.linear.scatter [tilespmem:s18], [sflag:$0x3], $0x400, $0x38;
	[tilespmem:$0x1DF00] =	vst v63  }
0x50a: {  	_ =	swait.ge [sflag:s2], $0x2800  }
0x50b: {  	[sflag:s2] =	ssyncset.done $0x0  }
0x50c: {  	[sflag:s2] =	ssyncadd.s32 $0xFFFFD800  }
0x50d: {  	_ =	swait.ge [sflag:s2], $0x2800  }
0x50e: {  	[sflag:s2] =	ssyncset.done $0x0  }
0x50f: {  	s3 =	simm.s32 $0x4;
	[sflag:s2] =	ssyncadd.s32 $0xFFFFD800  }
0x510: {  	_ =	swait.ge [sflag:s3], $0x2800  }
0x511: {  	[sflag:s3] =	ssyncset.done $0x0  }
0x512: {  	[sflag:s3] =	ssyncadd.s32 $0xFFFFD800  }
0x513: {  	_ =	swait.ge [sflag:s3], $0x2800  }
0x514: {  	s21 =	rddreg [dreg:$0x13]  }
0x515: {  	s24 =	rddreg [dreg:$0x10];
	s2 =	sadd.s32 $0x1, s21  }
0x516: {  	p0 =	sne.s32 s2, s24  }
.Ltmp6:
0x517: {  	_ = 	snop;
	(pc) =	sbr.rel @p0 .LBB2_1-.Ltmp6, $3  }
0x518: {  	_ =	sdelay $0x1  }
0x519: {  	[sflag:s3] =	ssyncset.done $0x0  }
0x51a: {  	[sflag:s3] =	ssyncadd.s32 $0xFFFFD800  }
0x51b: {  	_ =	sfence.sel $0x180000  }
0x51c: {  	[bflag:$0x0] =	sbarrier.arrive $0xFFFF  }
0x51d: {  	_ =	strace $0x9000004A  }
0x51e: {  	s0 =	stileid.u32;
	[bflag:$0x2] =	sbarrier.arrive $0xFFFF  }
0x51f: {  	p0 =	sne.s32 s0, $0x0;
	s0 =	rddreg [dreg:$0x3]  }
0x520: {  	s0 =	sadd.s32 @!p0 $0x100000, s0  }
0x521: {  	[sflag:s0] =	ssyncadd.tile.s32 @!p0 $0x1;
	_ =	shalt  }
.Lfunc_end2:
_tile_overlayer_lowered:
.L_overlay_start_2:
0x522: {  	(tag) =	ssettag $0x2  }
0x523: {  	s0 =	rddreg [dreg:$0x0];
	s2 =	stileid.u32  }
0x524: {  	s1 =	rddreg [dreg:$0x1];
	p0 =	sne.s32 s2, $0x0  }
0x525: {  	s3 =	rddreg [dreg:$0x2];
	[bflag:$0x3] =	sbarrier.arrive $0xFFFF;
	s2 =	simm.s32 @!p0 $0x1C05  }
0x526: {  	[timem:s3], [sflag:s2] =	dma.local @!p0 [hbm:s0], s1  }
0x527: {  	s0 =	simm.s32 @!p0 $0x5  }
0x528: {  	_ =	swait.ge @!p0 [sflag:s0], s1  }
0x529: {  	s1 =	ssub.s32 @!p0 $0x0, s1;
	[sflag:s0] =	ssyncset.done @!p0 $0x0  }
0x52a: {  	[sflag:s0] =	ssyncadd.s32 @!p0 s1  }
0x52b: {  	[bflag:$0x3] =	sbarrier.arrive $0xFFFF  }
0x52c: {  	_ =	shalt  }

</sc_bundles>
